<compile_context>
chip_gen: v7x
topology: tpu7x:2x2x1
jax: 0.10.2.dev20260603
libtpu: 0.0.44.dev20260713+nightly
codegen_flags: <defaults>
</compile_context>

<pallas_src>
import functools

import jax
import jax.numpy as jnp
from jax import lax
from jax.experimental import pallas as pl
from jax.experimental.pallas import tpu as pltpu
from jax.experimental.pallas import tpu_sc as plsc

N = 10000
E = 320000
HEADS = 4
HID = 128
IN = 128
OUT = 64
G = 64

NC = 2
NS = 16
NW = NC * NS
EPT = E // NW
CH = 80
NITER = EPT // CH
NPAD = 10240
ROWS_PER_TILE = NPAD // NS
ZROWS = 128


def _scatter_add_sc(table, src, dst, width):
    mesh = plsc.VectorSubcoreMesh(core_axis_name="c", subcore_axis_name="s")

    @functools.partial(
        pl.kernel,
        out_type=jax.ShapeDtypeStruct((NC, NPAD, width), jnp.float32),
        mesh=mesh,
        scratch_types=[
            pltpu.VMEM((CH,), jnp.int32),
            pltpu.VMEM((CH,), jnp.int32),
            pltpu.VMEM((CH, width), jnp.float32),
            pltpu.VMEM((ZROWS, width), jnp.float32),
            pltpu.VMEM_SHARED((NPAD, width), jnp.float32),
            pltpu.SemaphoreType.DMA,
        ],
    )
    def k(table_hbm, src_hbm, dst_hbm, out_hbm, sidx, didx, rows, zbuf, acc, sem):
        c = lax.axis_index("c")
        s = lax.axis_index("s")
        wid = c * NS + s

        def zrow(i, carry):
            for j in range(width // 16):
                zbuf[i, pl.ds(j * 16, 16)] = jnp.zeros((16,), jnp.float32)
            return carry

        lax.fori_loop(0, ZROWS, zrow, 0)
        for t in range(ROWS_PER_TILE // ZROWS):
            pltpu.sync_copy(zbuf, acc.at[pl.ds(s * ROWS_PER_TILE + t * ZROWS, ZROWS)])
        plsc.subcore_barrier()

        def body(i, carry):
            base = wid * EPT + i * CH
            pltpu.sync_copy(src_hbm.at[pl.ds(base, CH)], sidx)
            pltpu.sync_copy(dst_hbm.at[pl.ds(base, CH)], didx)
            pltpu.async_copy(table_hbm.at[sidx], rows, sem).wait()
            pltpu.sync_copy(rows, acc.at[didx], add=True)
            return carry

        lax.fori_loop(0, NITER, body, 0)
        plsc.subcore_barrier()
        pltpu.sync_copy(acc.at[pl.ds(s * ROWS_PER_TILE, ROWS_PER_TILE)],
                        out_hbm.at[c, pl.ds(s * ROWS_PER_TILE, ROWS_PER_TILE)])

    return k(table, src, dst)


def _deg_sc(dst):
    mesh = plsc.VectorSubcoreMesh(core_axis_name="c", subcore_axis_name="s")

    @functools.partial(
        pl.kernel,
        out_type=jax.ShapeDtypeStruct((NC, NPAD, 16), jnp.float32),
        mesh=mesh,
        scratch_types=[
            pltpu.VMEM((CH,), jnp.int32),
            pltpu.VMEM((CH, 16), jnp.float32),
            pltpu.VMEM((ZROWS, 16), jnp.float32),
            pltpu.VMEM_SHARED((NPAD, 16), jnp.float32),
        ],
    )
    def k(dst_hbm, out_hbm, didx, ones, zbuf, acc):
        c = lax.axis_index("c")
        s = lax.axis_index("s")
        wid = c * NS + s

        def frow(i, carry):
            zbuf[i, pl.ds(0, 16)] = jnp.zeros((16,), jnp.float32)
            return carry

        lax.fori_loop(0, ZROWS, frow, 0)

        def orow(i, carry):
            ones[i, pl.ds(0, 16)] = jnp.ones((16,), jnp.float32)
            return carry

        lax.fori_loop(0, CH, orow, 0)
        for t in range(ROWS_PER_TILE // ZROWS):
            pltpu.sync_copy(zbuf, acc.at[pl.ds(s * ROWS_PER_TILE + t * ZROWS, ZROWS)])
        plsc.subcore_barrier()

        def body(i, carry):
            base = wid * EPT + i * CH
            pltpu.sync_copy(dst_hbm.at[pl.ds(base, CH)], didx)
            pltpu.sync_copy(ones, acc.at[didx], add=True)
            return carry

        lax.fori_loop(0, NITER, body, 0)
        plsc.subcore_barrier()
        pltpu.sync_copy(acc.at[pl.ds(s * ROWS_PER_TILE, ROWS_PER_TILE)],
                        out_hbm.at[c, pl.ds(s * ROWS_PER_TILE, ROWS_PER_TILE)])

    return k(dst)


def _gat_ex_sc(asd, src, dst):
    mesh = plsc.VectorSubcoreMesh(core_axis_name="c", subcore_axis_name="s")
    DW = 16 * HEADS

    @functools.partial(
        pl.kernel,
        out_type=(jax.ShapeDtypeStruct((E, DW), jnp.float32),
                  jax.ShapeDtypeStruct((NC, NPAD, DW), jnp.float32)),
        mesh=mesh,
        scratch_types=[
            pltpu.VMEM((CH,), jnp.int32),
            pltpu.VMEM((CH,), jnp.int32),
            pltpu.VMEM((CH, HID), jnp.float32),
            pltpu.VMEM((CH, HID), jnp.float32),
            pltpu.VMEM((CH, DW), jnp.float32),
            pltpu.VMEM((ZROWS, DW), jnp.float32),
            pltpu.VMEM_SHARED((NPAD, DW), jnp.float32),
            pltpu.SemaphoreType.DMA,
            pltpu.SemaphoreType.DMA,
        ],
    )
    def k(asd_hbm, src_hbm, dst_hbm, out_hbm, outd_hbm,
          sidx, didx, rs, rd, exall, zbuf, accd, sem, sem2):
        c = lax.axis_index("c")
        s = lax.axis_index("s")
        wid = c * NS + s

        def zrow(i, carry):
            for j in range(DW // 16):
                zbuf[i, pl.ds(j * 16, 16)] = jnp.zeros((16,), jnp.float32)
            return carry

        lax.fori_loop(0, ZROWS, zrow, 0)
        for t in range(ROWS_PER_TILE // ZROWS):
            pltpu.sync_copy(zbuf, accd.at[pl.ds(s * ROWS_PER_TILE + t * ZROWS, ZROWS)])
        plsc.subcore_barrier()

        def body(i, carry):
            base = wid * EPT + i * CH
            pltpu.sync_copy(src_hbm.at[pl.ds(base, CH)], sidx)
            pltpu.sync_copy(dst_hbm.at[pl.ds(base, CH)], didx)
            pltpu.async_copy(asd_hbm.at[sidx], rs, sem).wait()
            pltpu.async_copy(asd_hbm.at[didx], rd, sem2).wait()

            def row(r, carry2):
                for hd in range(HEADS):
                    e = rs[r, pl.ds(32 * hd, 16)] + rd[r, pl.ds(32 * hd + 16, 16)]
                    e = jnp.maximum(e, 0.0) + 0.2 * jnp.minimum(e, 0.0)
                    exall[r, pl.ds(16 * hd, 16)] = jnp.exp(e)
                return carry2

            lax.fori_loop(0, CH, row, 0)
            pltpu.sync_copy(exall, out_hbm.at[pl.ds(base, CH)])
            pltpu.sync_copy(exall, accd.at[didx], add=True)
            return carry

        lax.fori_loop(0, NITER, body, 0)
        plsc.subcore_barrier()
        pltpu.sync_copy(accd.at[pl.ds(s * ROWS_PER_TILE, ROWS_PER_TILE)],
                        outd_hbm.at[c, pl.ds(s * ROWS_PER_TILE, ROWS_PER_TILE)])

    return k(asd, src, dst)


def _gat_head_sc(hh_h, ex64, src, dst, hd):
    mesh = plsc.VectorSubcoreMesh(core_axis_name="c", subcore_axis_name="s")
    DW = 16 * HEADS

    @functools.partial(
        pl.kernel,
        out_type=jax.ShapeDtypeStruct((NC, NPAD, HID), jnp.float32),
        mesh=mesh,
        scratch_types=[
            pltpu.VMEM((CH,), jnp.int32),
            pltpu.VMEM((CH,), jnp.int32),
            pltpu.VMEM((CH, HID), jnp.float32),
            pltpu.VMEM((CH, HID), jnp.float32),
            pltpu.VMEM((CH, DW), jnp.float32),
            pltpu.VMEM((ZROWS, HID), jnp.float32),
            pltpu.VMEM_SHARED((NPAD, HID), jnp.float32),
            pltpu.SemaphoreType.DMA,
        ],
    )
    def k(hh_hbm, ex_hbm, src_hbm, dst_hbm, outn_hbm,
          sidx, didx, rows, rows2, exch, zbuf, acc, sem):
        c = lax.axis_index("c")
        s = lax.axis_index("s")
        wid = c * NS + s

        def zrow(i, carry):
            for j in range(HID // 16):
                zbuf[i, pl.ds(j * 16, 16)] = jnp.zeros((16,), jnp.float32)
            return carry

        lax.fori_loop(0, ZROWS, zrow, 0)
        for t in range(ROWS_PER_TILE // ZROWS):
            pltpu.sync_copy(zbuf, acc.at[pl.ds(s * ROWS_PER_TILE + t * ZROWS, ZROWS)])
        plsc.subcore_barrier()

        def body(i, carry):
            base = wid * EPT + i * CH
            pltpu.sync_copy(src_hbm.at[pl.ds(base, CH)], sidx)
            pltpu.sync_copy(dst_hbm.at[pl.ds(base, CH)], didx)
            pltpu.sync_copy(ex_hbm.at[pl.ds(base, CH)], exch)
            pltpu.async_copy(hh_hbm.at[sidx], rows, sem).wait()

            def row(r, carry2):
                spl = exch[r, pl.ds(16 * hd, 16)]
                for j in range(HID // 16):
                    sl = pl.ds(j * 16, 16)
                    rows2[r, sl] = rows[r, sl] * spl
                return carry2

            lax.fori_loop(0, CH, row, 0)
            pltpu.sync_copy(rows2, acc.at[didx], add=True)
            return carry

        lax.fori_loop(0, NITER, body, 0)
        plsc.subcore_barrier()
        pltpu.sync_copy(acc.at[pl.ds(s * ROWS_PER_TILE, ROWS_PER_TILE)],
                        outn_hbm.at[c, pl.ds(s * ROWS_PER_TILE, ROWS_PER_TILE)])

    return k(hh_h, ex64, src, dst)


def _gin_pool_tail_kernel(h3_ref, agg_ref, boh_ref, W_g1_ref, b_g1_ref,
                          W_g2_ref, b_g2_ref, W_a1_ref, b_a1_ref, W_a2_ref,
                          b_a2_ref, W_fc_ref, b_fc_ref, out_ref):
    h3 = h3_ref[...]
    agg = agg_ref[0] + agg_ref[1]
    h2 = h3 + agg
    h2 = jnp.maximum(h2 @ W_g1_ref[...] + b_g1_ref[...], 0.0)
    h2 = h2 @ W_g2_ref[...] + b_g2_ref[...]
    h2 = jnp.maximum(h2, 0.0)
    onehot = boh_ref[...]
    g1 = jnp.maximum(h2 @ W_a1_ref[...] + b_a1_ref[...], 0.0)
    gate = g1 @ W_a2_ref[...] + b_a2_ref[...]
    masked = jnp.where(onehot > 0.0, gate, -jnp.inf)
    m = jnp.max(masked, axis=0)
    m = jnp.where(jnp.isneginf(m), 0.0, m)
    m_per_node = jnp.sum(onehot * m[None, :], axis=1, keepdims=True)
    ex = jnp.exp(gate - m_per_node)
    s = onehot.T @ ex
    alpha = ex / (jnp.sum(onehot * s[:, 0][None, :], axis=1, keepdims=True) + 1e-16)
    pooled = onehot.T @ (alpha * h2)
    o = pooled @ W_fc_ref[...] + b_fc_ref[...]
    mx = jnp.max(o, axis=1, keepdims=True)
    lse = jnp.log(jnp.sum(jnp.exp(o - mx), axis=1, keepdims=True)) + mx
    out_ref[...] = o - lse


def _gin_pool_tail(h3, agg, batch, W_g1, b_g1, W_g2, b_g2, W_a1, b_a1,
                   W_a2, b_a2, W_fc, b_fc):
    onehot = (batch[:, None] == jnp.arange(G)[None, :]).astype(jnp.float32)
    return pl.pallas_call(
        _gin_pool_tail_kernel,
        out_shape=jax.ShapeDtypeStruct((G, OUT), jnp.float32),
    )(h3, agg, onehot, W_g1, b_g1.reshape(1, -1), W_g2, b_g2.reshape(1, -1),
      W_a1, b_a1.reshape(1, -1), W_a2, b_a2.reshape(1, -1),
      W_fc, b_fc.reshape(1, -1))


def kernel(x, edge_index, batch, W_gcn, b_gcn, W_gat, att_src, att_dst, b_gat,
           W_e1, b_e1, W_e2, b_e2, W_g1, b_g1, W_g2, b_g2, W_a1, b_a1,
           W_a2, b_a2, W_fc, b_fc):
    src, dst = edge_index[0], edge_index[1]
    loop = jnp.arange(N)
    src_sl = jnp.concatenate([src, loop])
    dst_sl = jnp.concatenate([dst, loop])
    degp = _deg_sc(dst)
    deg = degp[0, :N, 0] + degp[1, :N, 0] + 1.0
    dinv = deg ** -0.5
    t = (x @ W_gcn) * dinv[:, None]
    p = _scatter_add_sc(t, src, dst, HID)
    h = jax.nn.relu((p[0, :N] + p[1, :N] + t) * dinv[:, None] + b_gcn)
    hh = (h @ W_gat).reshape(N, HEADS, HID)
    a_s = (hh * att_src[None, :, :]).sum(-1)
    a_d = (hh * att_dst[None, :, :]).sum(-1)
    eself = jnp.exp(jax.nn.leaky_relu(a_s + a_d, 0.2))
    asd = jnp.concatenate(
        [jnp.broadcast_to(ab[:, hd:hd + 1], (N, 16))
         for hd in range(HEADS) for ab in (a_s, a_d)], axis=1)
    ex64, denp = _gat_ex_sc(asd, src, dst)
    heads = []
    for hd in range(HEADS):
        numh = _gat_head_sc(hh[:, hd, :], ex64, src, dst, hd)
        num = numh[0, :N] + numh[1, :N] + hh[:, hd, :] * eself[:, hd:hd + 1]
        den = denp[0, :N, 16 * hd] + denp[1, :N, 16 * hd] + eself[:, hd]
        heads.append(num / (den[:, None] + 1e-16))
    h = jnp.concatenate(heads, axis=1) + b_gat
    h = jax.nn.elu(h)
    D2 = HEADS * HID
    P = h @ (W_e1[:D2] - W_e1[D2:]) + b_e1
    Q = h @ W_e1[D2:]
    pre = jax.nn.relu(P[dst] + Q[src])
    mm = pre @ W_e2 + b_e2
    h = jax.ops.segment_max(mm, dst, num_segments=N)
    h = jnp.where(jnp.isneginf(h), 0.0, h)
    h3 = jax.nn.relu(h)
    agg = _scatter_add_sc(h3, src, dst, HID)[:, :N]
    return _gin_pool_tail(h3, agg, batch, W_g1, b_g1, W_g2, b_g2,
                          W_a1, b_a1, W_a2, b_a2, W_fc, b_fc)

# --- scband reference (transcript-rebuilt; emitter-appended) ---
"""Pipeline reference for scband-advanced-gcn-45801531244896 (READ-ONLY COPY).

The authoritative reference and input builder live on the scoring server;
editing this copy changes nothing except your own understanding.
"""

import jax, jax.numpy as jnp
import numpy as np

N = 10000
E = 320000
HEADS = 4
HID = 128
IN = 128
OUT = 64
G = 64


def _glorot(k, shape):
    return jax.random.normal(k, shape, dtype=jnp.float32) / np.sqrt(shape[0])


def setup_inputs(seed: int = 0):
    key = jax.random.key(seed)
    ks = jax.random.split(key, 20)
    inp = {}
    inp["x"] = jax.random.normal(ks[0], (N, IN), dtype=jnp.float32)
    inp["edge_index"] = jax.random.randint(ks[1], (2, E), 0, N)
    inp["batch"] = jnp.sort(jax.random.randint(ks[2], (N,), 0, G))
    inp["W_gcn"] = _glorot(ks[3], (IN, HID))
    inp["b_gcn"] = jnp.zeros((HID,), jnp.float32)
    inp["W_gat"] = _glorot(ks[4], (HID, HEADS * HID))
    inp["att_src"] = jax.random.normal(ks[5], (HEADS, HID), dtype=jnp.float32) * 0.1
    inp["att_dst"] = jax.random.normal(ks[6], (HEADS, HID), dtype=jnp.float32) * 0.1
    inp["b_gat"] = jnp.zeros((HEADS * HID,), jnp.float32)
    inp["W_e1"] = _glorot(ks[7], (2 * HEADS * HID, 128))
    inp["b_e1"] = jnp.zeros((128,), jnp.float32)
    inp["W_e2"] = _glorot(ks[8], (128, HID))
    inp["b_e2"] = jnp.zeros((HID,), jnp.float32)
    inp["W_g1"] = _glorot(ks[9], (HID, 128))
    inp["b_g1"] = jnp.zeros((128,), jnp.float32)
    inp["W_g2"] = _glorot(ks[10], (128, HID))
    inp["b_g2"] = jnp.zeros((HID,), jnp.float32)
    inp["W_a1"] = _glorot(ks[11], (HID, 128))
    inp["b_a1"] = jnp.zeros((128,), jnp.float32)
    inp["W_a2"] = _glorot(ks[12], (128, 1))
    inp["b_a2"] = jnp.zeros((1,), jnp.float32)
    inp["W_fc"] = _glorot(ks[13], (HID, OUT))
    inp["b_fc"] = jnp.zeros((OUT,), jnp.float32)
    return inp


def _seg_softmax(e, idx, num):
    m = jax.ops.segment_max(e, idx, num_segments=num)
    m = jnp.where(jnp.isneginf(m), 0.0, m)
    ex = jnp.exp(e - m[idx])
    s = jax.ops.segment_sum(ex, idx, num_segments=num)
    return ex / (s[idx] + 1e-16)


def _forward(x, W_gcn, b_gcn, W_gat, att_src, att_dst, b_gat, W_e1, b_e1, W_e2, b_e2, W_g1, b_g1, W_g2, b_g2, W_a1, b_a1, W_a2, b_a2, W_fc, b_fc, edge_index, batch):
    src, dst = edge_index[0], edge_index[1]
    loop = jnp.arange(N)
    src_sl = jnp.concatenate([src, loop])
    dst_sl = jnp.concatenate([dst, loop])
    # GCNConv (with self loops, symmetric normalization)
    h = x @ W_gcn
    deg = jax.ops.segment_sum(jnp.ones((src_sl.shape[0],), h.dtype), dst_sl, num_segments=N)
    dinv = jnp.where(deg > 0, deg ** -0.5, 0.0)
    norm = dinv[src_sl] * dinv[dst_sl]
    h = jax.ops.segment_sum(h[src_sl] * norm[:, None], dst_sl, num_segments=N) + b_gcn
    h = jax.nn.relu(h)
    # GATConv heads=4, concat=True (self loops, softmax over incoming edges per dst)
    hh = (h @ W_gat).reshape(N, HEADS, HID)
    a_s = (hh * att_src[None, :, :]).sum(-1)
    a_d = (hh * att_dst[None, :, :]).sum(-1)
    e = jax.nn.leaky_relu(a_s[src_sl] + a_d[dst_sl], 0.2)
    alpha = _seg_softmax(e, dst_sl, N)
    h = jax.ops.segment_sum(hh[src_sl] * alpha[:, :, None], dst_sl, num_segments=N).reshape(N, HEADS * HID) + b_gat
    h = jax.nn.elu(h)
    # EdgeConv: nn(cat([x_i, x_j - x_i])), max aggregation
    xi = h[dst]
    xj = h[src]
    m = jnp.concatenate([xi, xj - xi], axis=1)
    m = jax.nn.relu(m @ W_e1 + b_e1) @ W_e2 + b_e2
    h = jax.ops.segment_max(m, dst, num_segments=N)
    h = jnp.where(jnp.isneginf(h), 0.0, h)
    h = jax.nn.relu(h)
    # GINConv (eps=0): nn((1+eps)*x + sum_j x_j)
    agg = jax.ops.segment_sum(h[src], dst, num_segments=N)
    h2 = h + agg
    h2 = jax.nn.relu(h2 @ W_g1 + b_g1) @ W_g2 + b_g2
    h2 = jax.nn.relu(h2)
    # GlobalAttention pooling over graph segments
    gate = jax.nn.relu(h2 @ W_a1 + b_a1) @ W_a2 + b_a2
    alpha_g = _seg_softmax(gate, batch, G)
    pooled = jax.ops.segment_sum(alpha_g * h2, batch, num_segments=G)
    out = pooled @ W_fc + b_fc
    return jax.nn.log_softmax(out, axis=1)


def reference(x, edge_index, batch, W_gcn, b_gcn, W_gat, att_src, att_dst, b_gat, W_e1, b_e1, W_e2, b_e2, W_g1, b_g1, W_g2, b_g2, W_a1, b_a1, W_a2, b_a2, W_fc, b_fc):
    return _forward(x, W_gcn, b_gcn, W_gat, att_src, att_dst, b_gat, W_e1, b_e1, W_e2, b_e2, W_g1, b_g1, W_g2, b_g2, W_a1, b_a1, W_a2, b_a2, W_fc, b_fc, edge_index, batch)

if __name__ == "__main__":
    import jax
    _d = setup_inputs()
    print(jax.jit(kernel)(*tuple(_d.values())))

</pallas_src>

<mosaic_0001>
#map = affine_map<(d0, d1) -> (0)>
#map1 = affine_map<(d0, d1) -> (0, 0, 0)>
module attributes {stable_mosaic.version = 14 : i64} {
  func.func @k(%arg0: i32, %arg1: i32, %arg2: memref<320000xi32, #tpu.memory_space<hbm>>, %arg3: memref<2x10240x16xf32, #tpu.memory_space<hbm>>, %arg4: memref<80xi32, #tpu.memory_space<vmem>>, %arg5: memref<80x16xf32, #tpu.memory_space<vmem>>, %arg6: memref<128x16xf32, #tpu.memory_space<vmem>>, %arg7: memref<10240x16xf32, #tpu.memory_space<vmem_shared>>) attributes {dimension_semantics = [#tpu.dimension_semantics<core_parallel>, #tpu.dimension_semantics<subcore_parallel>], iteration_bounds = array<i64: 2, 16>, scalar_prefetch = 0 : i64, scratch_operands = 4 : i64, tpu.core_type = #tpu.core_type<sc_vector_subcore>, window_params = [{transform_indices = #map}, {transform_indices = #map1}]} {
    %mul3A = arith.constant 16 : i32
    %mul3A_0 = arith.muli %arg0, %mul3A : i32
    %add3A = arith.addi %mul3A_0, %arg1 : i32
    %scan3A = arith.constant 0 : i32
    %scan3A_1 = arith.constant 0 : i32
    %scan3A_2 = arith.constant 128 : i32
    %scan3A_3 = arith.addi %scan3A_1, %scan3A_2 : i32
    %scan3A_4 = arith.constant 1 : i32
    scf.for %scan3A_43 = %scan3A_1 to %scan3A_3 step %scan3A_4  : i32 {
      %broadcast_in_dim3A = arith.constant 0.000000e+00 : f32
      %broadcast_in_dim3A_44 = vector.broadcast %broadcast_in_dim3A : f32 to vector<16xf32>
      %swap3A = arith.index_cast %scan3A_43 : i32 to index
      %swap3A_45 = arith.constant 0 : index
      %swap3A_46 = tpu.vector_load %arg6[%swap3A, %swap3A_45] {strides = array<i32>} : memref<128x16xf32, #tpu.memory_space<vmem>>, vector<1x16xf32>,
      %swap3A_47 = vector.shape_cast %swap3A_46 : vector<1x16xf32> to vector<16xf32>
      %swap3A_48 = vector.shape_cast %broadcast_in_dim3A_44 : vector<16xf32> to vector<1x16xf32>
      tpu.vector_store %arg6[%swap3A, %swap3A_45], %swap3A_48 {strides = array<i32>} : memref<128x16xf32, #tpu.memory_space<vmem>>, vector<1x16xf32>,
    }
    %scan3A_5 = arith.constant 128 : i32
    %scan3A_6 = arith.constant 0 : i32
    %scan3A_7 = arith.constant 0 : i32
    %scan3A_8 = arith.constant 80 : i32
    %scan3A_9 = arith.addi %scan3A_7, %scan3A_8 : i32
    %scan3A_10 = arith.constant 1 : i32
    scf.for %scan3A_43 = %scan3A_7 to %scan3A_9 step %scan3A_10  : i32 {
      %broadcast_in_dim3A = arith.constant 1.000000e+00 : f32
      %broadcast_in_dim3A_44 = vector.broadcast %broadcast_in_dim3A : f32 to vector<16xf32>
      %swap3A = arith.index_cast %scan3A_43 : i32 to index
      %swap3A_45 = arith.constant 0 : index
      %swap3A_46 = tpu.vector_load %arg5[%swap3A, %swap3A_45] {strides = array<i32>} : memref<80x16xf32, #tpu.memory_space<vmem>>, vector<1x16xf32>,
      %swap3A_47 = vector.shape_cast %swap3A_46 : vector<1x16xf32> to vector<16xf32>
      %swap3A_48 = vector.shape_cast %broadcast_in_dim3A_44 : vector<16xf32> to vector<1x16xf32>
      tpu.vector_store %arg5[%swap3A, %swap3A_45], %swap3A_48 {strides = array<i32>} : memref<80x16xf32, #tpu.memory_space<vmem>>, vector<1x16xf32>,
    }
    %scan3A_11 = arith.constant 80 : i32
    %mul3A_12 = arith.constant 640 : i32
    %mul3A_13 = arith.muli %arg1, %mul3A_12 : i32
    %add3A_14 = arith.constant 0 : i32
    %add3A_15 = arith.addi %mul3A_13, %add3A_14 : i32
    "tpu.region"() ({
      %run_scoped3A = tpu.sem_alloc : memref<!tpu.dma_semaphore, #tpu.memory_space<semaphore_mem>>
      %dma_start3A = arith.constant 0 : i32
      %dma_start3A_43 = tpu.memref_slice %arg7[%add3A_15, %dma_start3A] : memref<10240x16xf32, #tpu.memory_space<vmem_shared>> -> memref<128x16xf32, #tpu.memory_space<vmem_shared>>
      %dma_start3A_44 = arith.constant 0 : i32
      %dma_start3A_45 = tpu.memref_slice %arg7[%add3A_15, %dma_start3A_44] : memref<10240x16xf32, #tpu.memory_space<vmem_shared>> -> memref<128x16xf32, #tpu.memory_space<vmem_shared>>
      tpu.enqueue_dma source(%arg6 : memref<128x16xf32, #tpu.memory_space<vmem>>) target(%dma_start3A_45 : memref<128x16xf32, #tpu.memory_space<vmem_shared>>) target_semaphore(%run_scoped3A : memref<!tpu.dma_semaphore, #tpu.memory_space<semaphore_mem>>)
      %dma_wait3A = arith.constant 0 : i32
      %dma_wait3A_46 = tpu.memref_slice %arg7[%add3A_15, %dma_wait3A] : memref<10240x16xf32, #tpu.memory_space<vmem_shared>> -> memref<128x16xf32, #tpu.memory_space<vmem_shared>>
      %dma_wait3A_47 = arith.constant 0 : i32
      %dma_wait3A_48 = tpu.memref_slice %arg7[%add3A_15, %dma_wait3A_47] : memref<10240x16xf32, #tpu.memory_space<vmem_shared>> -> memref<128x16xf32, #tpu.memory_space<vmem_shared>>
      tpu.wait_dma2 semaphore(%run_scoped3A : memref<!tpu.dma_semaphore, #tpu.memory_space<semaphore_mem>>) src(%arg6 : memref<128x16xf32, #tpu.memory_space<vmem>>) dst(%dma_wait3A_48 : memref<128x16xf32, #tpu.memory_space<vmem_shared>>)
      tpu.yield
    }) : () -> ()
    %mul3A_16 = arith.constant 640 : i32
    %mul3A_17 = arith.muli %arg1, %mul3A_16 : i32
    %add3A_18 = arith.constant 128 : i32
    %add3A_19 = arith.addi %mul3A_17, %add3A_18 : i32
    "tpu.region"() ({
      %run_scoped3A = tpu.sem_alloc : memref<!tpu.dma_semaphore, #tpu.memory_space<semaphore_mem>>
      %dma_start3A = arith.constant 0 : i32
      %dma_start3A_43 = tpu.memref_slice %arg7[%add3A_19, %dma_start3A] : memref<10240x16xf32, #tpu.memory_space<vmem_shared>> -> memref<128x16xf32, #tpu.memory_space<vmem_shared>>
      %dma_start3A_44 = arith.constant 0 : i32
      %dma_start3A_45 = tpu.memref_slice %arg7[%add3A_19, %dma_start3A_44] : memref<10240x16xf32, #tpu.memory_space<vmem_shared>> -> memref<128x16xf32, #tpu.memory_space<vmem_shared>>
      tpu.enqueue_dma source(%arg6 : memref<128x16xf32, #tpu.memory_space<vmem>>) target(%dma_start3A_45 : memref<128x16xf32, #tpu.memory_space<vmem_shared>>) target_semaphore(%run_scoped3A : memref<!tpu.dma_semaphore, #tpu.memory_space<semaphore_mem>>)
      %dma_wait3A = arith.constant 0 : i32
      %dma_wait3A_46 = tpu.memref_slice %arg7[%add3A_19, %dma_wait3A] : memref<10240x16xf32, #tpu.memory_space<vmem_shared>> -> memref<128x16xf32, #tpu.memory_space<vmem_shared>>
      %dma_wait3A_47 = arith.constant 0 : i32
      %dma_wait3A_48 = tpu.memref_slice %arg7[%add3A_19, %dma_wait3A_47] : memref<10240x16xf32, #tpu.memory_space<vmem_shared>> -> memref<128x16xf32, #tpu.memory_space<vmem_shared>>
      tpu.wait_dma2 semaphore(%run_scoped3A : memref<!tpu.dma_semaphore, #tpu.memory_space<semaphore_mem>>) src(%arg6 : memref<128x16xf32, #tpu.memory_space<vmem>>) dst(%dma_wait3A_48 : memref<128x16xf32, #tpu.memory_space<vmem_shared>>)
      tpu.yield
    }) : () -> ()
    %mul3A_20 = arith.constant 640 : i32
    %mul3A_21 = arith.muli %arg1, %mul3A_20 : i32
    %add3A_22 = arith.constant 256 : i32
    %add3A_23 = arith.addi %mul3A_21, %add3A_22 : i32
    "tpu.region"() ({
      %run_scoped3A = tpu.sem_alloc : memref<!tpu.dma_semaphore, #tpu.memory_space<semaphore_mem>>
      %dma_start3A = arith.constant 0 : i32
      %dma_start3A_43 = tpu.memref_slice %arg7[%add3A_23, %dma_start3A] : memref<10240x16xf32, #tpu.memory_space<vmem_shared>> -> memref<128x16xf32, #tpu.memory_space<vmem_shared>>
      %dma_start3A_44 = arith.constant 0 : i32
      %dma_start3A_45 = tpu.memref_slice %arg7[%add3A_23, %dma_start3A_44] : memref<10240x16xf32, #tpu.memory_space<vmem_shared>> -> memref<128x16xf32, #tpu.memory_space<vmem_shared>>
      tpu.enqueue_dma source(%arg6 : memref<128x16xf32, #tpu.memory_space<vmem>>) target(%dma_start3A_45 : memref<128x16xf32, #tpu.memory_space<vmem_shared>>) target_semaphore(%run_scoped3A : memref<!tpu.dma_semaphore, #tpu.memory_space<semaphore_mem>>)
      %dma_wait3A = arith.constant 0 : i32
      %dma_wait3A_46 = tpu.memref_slice %arg7[%add3A_23, %dma_wait3A] : memref<10240x16xf32, #tpu.memory_space<vmem_shared>> -> memref<128x16xf32, #tpu.memory_space<vmem_shared>>
      %dma_wait3A_47 = arith.constant 0 : i32
      %dma_wait3A_48 = tpu.memref_slice %arg7[%add3A_23, %dma_wait3A_47] : memref<10240x16xf32, #tpu.memory_space<vmem_shared>> -> memref<128x16xf32, #tpu.memory_space<vmem_shared>>
      tpu.wait_dma2 semaphore(%run_scoped3A : memref<!tpu.dma_semaphore, #tpu.memory_space<semaphore_mem>>) src(%arg6 : memref<128x16xf32, #tpu.memory_space<vmem>>) dst(%dma_wait3A_48 : memref<128x16xf32, #tpu.memory_space<vmem_shared>>)
      tpu.yield
    }) : () -> ()
    %mul3A_24 = arith.constant 640 : i32
    %mul3A_25 = arith.muli %arg1, %mul3A_24 : i32
    %add3A_26 = arith.constant 384 : i32
    %add3A_27 = arith.addi %mul3A_25, %add3A_26 : i32
    "tpu.region"() ({
      %run_scoped3A = tpu.sem_alloc : memref<!tpu.dma_semaphore, #tpu.memory_space<semaphore_mem>>
      %dma_start3A = arith.constant 0 : i32
      %dma_start3A_43 = tpu.memref_slice %arg7[%add3A_27, %dma_start3A] : memref<10240x16xf32, #tpu.memory_space<vmem_shared>> -> memref<128x16xf32, #tpu.memory_space<vmem_shared>>
      %dma_start3A_44 = arith.constant 0 : i32
      %dma_start3A_45 = tpu.memref_slice %arg7[%add3A_27, %dma_start3A_44] : memref<10240x16xf32, #tpu.memory_space<vmem_shared>> -> memref<128x16xf32, #tpu.memory_space<vmem_shared>>
      tpu.enqueue_dma source(%arg6 : memref<128x16xf32, #tpu.memory_space<vmem>>) target(%dma_start3A_45 : memref<128x16xf32, #tpu.memory_space<vmem_shared>>) target_semaphore(%run_scoped3A : memref<!tpu.dma_semaphore, #tpu.memory_space<semaphore_mem>>)
      %dma_wait3A = arith.constant 0 : i32
      %dma_wait3A_46 = tpu.memref_slice %arg7[%add3A_27, %dma_wait3A] : memref<10240x16xf32, #tpu.memory_space<vmem_shared>> -> memref<128x16xf32, #tpu.memory_space<vmem_shared>>
      %dma_wait3A_47 = arith.constant 0 : i32
      %dma_wait3A_48 = tpu.memref_slice %arg7[%add3A_27, %dma_wait3A_47] : memref<10240x16xf32, #tpu.memory_space<vmem_shared>> -> memref<128x16xf32, #tpu.memory_space<vmem_shared>>
      tpu.wait_dma2 semaphore(%run_scoped3A : memref<!tpu.dma_semaphore, #tpu.memory_space<semaphore_mem>>) src(%arg6 : memref<128x16xf32, #tpu.memory_space<vmem>>) dst(%dma_wait3A_48 : memref<128x16xf32, #tpu.memory_space<vmem_shared>>)
      tpu.yield
    }) : () -> ()
    %mul3A_28 = arith.constant 640 : i32
    %mul3A_29 = arith.muli %arg1, %mul3A_28 : i32
    %add3A_30 = arith.constant 512 : i32
    %add3A_31 = arith.addi %mul3A_29, %add3A_30 : i32
    "tpu.region"() ({
      %run_scoped3A = tpu.sem_alloc : memref<!tpu.dma_semaphore, #tpu.memory_space<semaphore_mem>>
      %dma_start3A = arith.constant 0 : i32
      %dma_start3A_43 = tpu.memref_slice %arg7[%add3A_31, %dma_start3A] : memref<10240x16xf32, #tpu.memory_space<vmem_shared>> -> memref<128x16xf32, #tpu.memory_space<vmem_shared>>
      %dma_start3A_44 = arith.constant 0 : i32
      %dma_start3A_45 = tpu.memref_slice %arg7[%add3A_31, %dma_start3A_44] : memref<10240x16xf32, #tpu.memory_space<vmem_shared>> -> memref<128x16xf32, #tpu.memory_space<vmem_shared>>
      tpu.enqueue_dma source(%arg6 : memref<128x16xf32, #tpu.memory_space<vmem>>) target(%dma_start3A_45 : memref<128x16xf32, #tpu.memory_space<vmem_shared>>) target_semaphore(%run_scoped3A : memref<!tpu.dma_semaphore, #tpu.memory_space<semaphore_mem>>)
      %dma_wait3A = arith.constant 0 : i32
      %dma_wait3A_46 = tpu.memref_slice %arg7[%add3A_31, %dma_wait3A] : memref<10240x16xf32, #tpu.memory_space<vmem_shared>> -> memref<128x16xf32, #tpu.memory_space<vmem_shared>>
      %dma_wait3A_47 = arith.constant 0 : i32
      %dma_wait3A_48 = tpu.memref_slice %arg7[%add3A_31, %dma_wait3A_47] : memref<10240x16xf32, #tpu.memory_space<vmem_shared>> -> memref<128x16xf32, #tpu.memory_space<vmem_shared>>
      tpu.wait_dma2 semaphore(%run_scoped3A : memref<!tpu.dma_semaphore, #tpu.memory_space<semaphore_mem>>) src(%arg6 : memref<128x16xf32, #tpu.memory_space<vmem>>) dst(%dma_wait3A_48 : memref<128x16xf32, #tpu.memory_space<vmem_shared>>)
      tpu.yield
    }) : () -> ()
    %barrier3A = arith.constant 0 : index
    tpu.barrier barrier_id(%barrier3A)
    %scan3A_32 = arith.constant 0 : i32
    %scan3A_33 = arith.constant 0 : i32
    %scan3A_34 = arith.constant 125 : i32
    %scan3A_35 = arith.addi %scan3A_33, %scan3A_34 : i32
    %scan3A_36 = arith.constant 1 : i32
    scf.for %scan3A_43 = %scan3A_33 to %scan3A_35 step %scan3A_36  : i32 {
      %mul3A_44 = arith.constant 10000 : i32
      %mul3A_45 = arith.muli %add3A, %mul3A_44 : i32
      %mul3A_46 = arith.constant 80 : i32
      %mul3A_47 = arith.muli %scan3A_43, %mul3A_46 : i32
      %add3A_48 = arith.addi %mul3A_45, %mul3A_47 : i32
      "tpu.region"() ({
        %run_scoped3A = tpu.sem_alloc : memref<!tpu.dma_semaphore, #tpu.memory_space<semaphore_mem>>
        %dma_start3A = tpu.memref_slice %arg2[%add3A_48] : memref<320000xi32, #tpu.memory_space<hbm>> -> memref<80xi32, #tpu.memory_space<hbm>>
        %dma_start3A_49 = tpu.memref_slice %arg2[%add3A_48] : memref<320000xi32, #tpu.memory_space<hbm>> -> memref<80xi32, #tpu.memory_space<hbm>>
        tpu.enqueue_dma source(%dma_start3A_49 : memref<80xi32, #tpu.memory_space<hbm>>) target(%arg4 : memref<80xi32, #tpu.memory_space<vmem>>) target_semaphore(%run_scoped3A : memref<!tpu.dma_semaphore, #tpu.memory_space<semaphore_mem>>)
        %dma_wait3A = tpu.memref_slice %arg2[%add3A_48] : memref<320000xi32, #tpu.memory_space<hbm>> -> memref<80xi32, #tpu.memory_space<hbm>>
        %dma_wait3A_50 = tpu.memref_slice %arg2[%add3A_48] : memref<320000xi32, #tpu.memory_space<hbm>> -> memref<80xi32, #tpu.memory_space<hbm>>
        tpu.wait_dma2 semaphore(%run_scoped3A : memref<!tpu.dma_semaphore, #tpu.memory_space<semaphore_mem>>) src(%dma_wait3A_50 : memref<80xi32, #tpu.memory_space<hbm>>) dst(%arg4 : memref<80xi32, #tpu.memory_space<vmem>>)
        tpu.yield
      }) : () -> ()
      "tpu.region"() ({
        %run_scoped3A = tpu.sem_alloc : memref<!tpu.dma_semaphore, #tpu.memory_space<semaphore_mem>>
        %dma_start3A = arith.constant 0 : i32
        %dma_start3A_49 = arith.constant 0 : i32
        %dma_start3A_50 = tpu.memref_slice %arg7[%dma_start3A, %dma_start3A_49] : memref<10240x16xf32, #tpu.memory_space<vmem_shared>> -> memref<10240x16xf32, #tpu.memory_space<vmem_shared>>
        tpu.enqueue_indirect_dma source(%arg5 : memref<80x16xf32, #tpu.memory_space<vmem>>) target(%dma_start3A_50 : memref<10240x16xf32, #tpu.memory_space<vmem_shared>>) offsets(%arg4 : memref<80xi32, #tpu.memory_space<vmem>>) semaphore(%run_scoped3A : memref<!tpu.dma_semaphore, #tpu.memory_space<semaphore_mem>>) {add = true}
        %dma_wait3A = arith.constant 0 : i32
        %dma_wait3A_51 = arith.constant 0 : i32
        %dma_wait3A_52 = tpu.memref_slice %arg7[%dma_wait3A, %dma_wait3A_51] : memref<10240x16xf32, #tpu.memory_space<vmem_shared>> -> memref<10240x16xf32, #tpu.memory_space<vmem_shared>>
        tpu.wait_indirect_dma semaphore(%run_scoped3A : memref<!tpu.dma_semaphore, #tpu.memory_space<semaphore_mem>>) src(%arg5 : memref<80x16xf32, #tpu.memory_space<vmem>>) dst(%dma_wait3A_52 : memref<10240x16xf32, #tpu.memory_space<vmem_shared>>)
        tpu.yield
      }) : () -> ()
    }
    %scan3A_37 = arith.constant 125 : i32
    %barrier3A_38 = arith.constant 0 : index
    tpu.barrier barrier_id(%barrier3A_38)
    %mul3A_39 = arith.constant 640 : i32
    %mul3A_40 = arith.muli %arg1, %mul3A_39 : i32
    %mul3A_41 = arith.constant 640 : i32
    %mul3A_42 = arith.muli %arg1, %mul3A_41 : i32
    "tpu.region"() ({
      %run_scoped3A = tpu.sem_alloc : memref<!tpu.dma_semaphore, #tpu.memory_space<semaphore_mem>>
      %dma_start3A = arith.constant 0 : i32
      %dma_start3A_43 = tpu.memref_slice %arg3[%arg0, %mul3A_42, %dma_start3A] : memref<2x10240x16xf32, #tpu.memory_space<hbm>> -> memref<1x640x16xf32, #tpu.memory_space<hbm>>
      %dma_start3A_44 = tpu.memref_squeeze %dma_start3A_43 : memref<1x640x16xf32, #tpu.memory_space<hbm>> -> memref<640x16xf32, #tpu.memory_space<hbm>>
      %dma_start3A_45 = arith.constant 0 : i32
      %dma_start3A_46 = tpu.memref_slice %arg7[%mul3A_40, %dma_start3A_45] : memref<10240x16xf32, #tpu.memory_space<vmem_shared>> -> memref<640x16xf32, #tpu.memory_space<vmem_shared>>
      tpu.enqueue_dma source(%dma_start3A_46 : memref<640x16xf32, #tpu.memory_space<vmem_shared>>) target(%dma_start3A_44 : memref<640x16xf32, #tpu.memory_space<hbm>>) target_semaphore(%run_scoped3A : memref<!tpu.dma_semaphore, #tpu.memory_space<semaphore_mem>>)
      %dma_wait3A = arith.constant 0 : i32
      %dma_wait3A_47 = tpu.memref_slice %arg3[%arg0, %mul3A_42, %dma_wait3A] : memref<2x10240x16xf32, #tpu.memory_space<hbm>> -> memref<1x640x16xf32, #tpu.memory_space<hbm>>
      %dma_wait3A_48 = tpu.memref_squeeze %dma_wait3A_47 : memref<1x640x16xf32, #tpu.memory_space<hbm>> -> memref<640x16xf32, #tpu.memory_space<hbm>>
      %dma_wait3A_49 = arith.constant 0 : i32
      %dma_wait3A_50 = tpu.memref_slice %arg7[%mul3A_40, %dma_wait3A_49] : memref<10240x16xf32, #tpu.memory_space<vmem_shared>> -> memref<640x16xf32, #tpu.memory_space<vmem_shared>>
      tpu.wait_dma2 semaphore(%run_scoped3A : memref<!tpu.dma_semaphore, #tpu.memory_space<semaphore_mem>>) src(%dma_wait3A_50 : memref<640x16xf32, #tpu.memory_space<vmem_shared>>) dst(%dma_wait3A_48 : memref<640x16xf32, #tpu.memory_space<hbm>>)
      tpu.yield
    }) : () -> ()
    return
  }
}

#map = affine_map<(d0, d1) -> (0, 0)>
#map1 = affine_map<(d0, d1) -> (0)>
#map2 = affine_map<(d0, d1) -> (0, 0, 0)>
module attributes {stable_mosaic.version = 14 : i64} {
  func.func @k(%arg0: i32, %arg1: i32, %arg2: memref<10000x128xf32, #tpu.memory_space<hbm>>, %arg3: memref<320000xi32, #tpu.memory_space<hbm>>, %arg4: memref<320000xi32, #tpu.memory_space<hbm>>, %arg5: memref<320000x64xf32, #tpu.memory_space<hbm>>, %arg6: memref<2x10240x64xf32, #tpu.memory_space<hbm>>, %arg7: memref<80xi32, #tpu.memory_space<vmem>>, %arg8: memref<80xi32, #tpu.memory_space<vmem>>, %arg9: memref<80x128xf32, #tpu.memory_space<vmem>>, %arg10: memref<80x128xf32, #tpu.memory_space<vmem>>, %arg11: memref<80x64xf32, #tpu.memory_space<vmem>>, %arg12: memref<128x64xf32, #tpu.memory_space<vmem>>, %arg13: memref<10240x64xf32, #tpu.memory_space<vmem_shared>>, %arg14: memref<!tpu.dma_semaphore, #tpu.memory_space<semaphore_mem>>, %arg15: memref<!tpu.dma_semaphore, #tpu.memory_space<semaphore_mem>>) attributes {dimension_semantics = [#tpu.dimension_semantics<core_parallel>, #tpu.dimension_semantics<subcore_parallel>], iteration_bounds = array<i64: 2, 16>, scalar_prefetch = 0 : i64, scratch_operands = 9 : i64, tpu.core_type = #tpu.core_type<sc_vector_subcore>, window_params = [{transform_indices = #map}, {transform_indices = #map1}, {transform_indices = #map1}, {transform_indices = #map}, {transform_indices = #map2}]} {
    %mul3A = arith.constant 16 : i32
    %mul3A_0 = arith.muli %arg0, %mul3A : i32
    %add3A = arith.addi %mul3A_0, %arg1 : i32
    %scan3A = arith.constant 0 : i32
    %scan3A_1 = arith.constant 0 : i32
    %scan3A_2 = arith.constant 128 : i32
    %scan3A_3 = arith.addi %scan3A_1, %scan3A_2 : i32
    %scan3A_4 = arith.constant 1 : i32
    scf.for %scan3A_37 = %scan3A_1 to %scan3A_3 step %scan3A_4  : i32 {
      %broadcast_in_dim3A = arith.constant 0.000000e+00 : f32
      %broadcast_in_dim3A_38 = vector.broadcast %broadcast_in_dim3A : f32 to vector<16xf32>
      %swap3A = arith.index_cast %scan3A_37 : i32 to index
      %swap3A_39 = arith.constant 0 : index
      %swap3A_40 = tpu.vector_load %arg12[%swap3A, %swap3A_39] {strides = array<i32>} : memref<128x64xf32, #tpu.memory_space<vmem>>, vector<1x16xf32>,
      %swap3A_41 = vector.shape_cast %swap3A_40 : vector<1x16xf32> to vector<16xf32>
      %swap3A_42 = vector.shape_cast %broadcast_in_dim3A_38 : vector<16xf32> to vector<1x16xf32>
      tpu.vector_store %arg12[%swap3A, %swap3A_39], %swap3A_42 {strides = array<i32>} : memref<128x64xf32, #tpu.memory_space<vmem>>, vector<1x16xf32>,
      %broadcast_in_dim3A_43 = arith.constant 0.000000e+00 : f32
      %broadcast_in_dim3A_44 = vector.broadcast %broadcast_in_dim3A_43 : f32 to vector<16xf32>
      %swap3A_45 = arith.index_cast %scan3A_37 : i32 to index
      %swap3A_46 = arith.constant 16 : index
      %swap3A_47 = tpu.vector_load %arg12[%swap3A_45, %swap3A_46] {strides = array<i32>} : memref<128x64xf32, #tpu.memory_space<vmem>>, vector<1x16xf32>,
      %swap3A_48 = vector.shape_cast %swap3A_47 : vector<1x16xf32> to vector<16xf32>
      %swap3A_49 = vector.shape_cast %broadcast_in_dim3A_44 : vector<16xf32> to vector<1x16xf32>
      tpu.vector_store %arg12[%swap3A_45, %swap3A_46], %swap3A_49 {strides = array<i32>} : memref<128x64xf32, #tpu.memory_space<vmem>>, vector<1x16xf32>,
      %broadcast_in_dim3A_50 = arith.constant 0.000000e+00 : f32
      %broadcast_in_dim3A_51 = vector.broadcast %broadcast_in_dim3A_50 : f32 to vector<16xf32>
      %swap3A_52 = arith.index_cast %scan3A_37 : i32 to index
      %swap3A_53 = arith.constant 32 : index
      %swap3A_54 = tpu.vector_load %arg12[%swap3A_52, %swap3A_53] {strides = array<i32>} : memref<128x64xf32, #tpu.memory_space<vmem>>, vector<1x16xf32>,
      %swap3A_55 = vector.shape_cast %swap3A_54 : vector<1x16xf32> to vector<16xf32>
      %swap3A_56 = vector.shape_cast %broadcast_in_dim3A_51 : vector<16xf32> to vector<1x16xf32>
      tpu.vector_store %arg12[%swap3A_52, %swap3A_53], %swap3A_56 {strides = array<i32>} : memref<128x64xf32, #tpu.memory_space<vmem>>, vector<1x16xf32>,
      %broadcast_in_dim3A_57 = arith.constant 0.000000e+00 : f32
      %broadcast_in_dim3A_58 = vector.broadcast %broadcast_in_dim3A_57 : f32 to vector<16xf32>
      %swap3A_59 = arith.index_cast %scan3A_37 : i32 to index
      %swap3A_60 = arith.constant 48 : index
      %swap3A_61 = tpu.vector_load %arg12[%swap3A_59, %swap3A_60] {strides = array<i32>} : memref<128x64xf32, #tpu.memory_space<vmem>>, vector<1x16xf32>,
      %swap3A_62 = vector.shape_cast %swap3A_61 : vector<1x16xf32> to vector<16xf32>
      %swap3A_63 = vector.shape_cast %broadcast_in_dim3A_58 : vector<16xf32> to vector<1x16xf32>
      tpu.vector_store %arg12[%swap3A_59, %swap3A_60], %swap3A_63 {strides = array<i32>} : memref<128x64xf32, #tpu.memory_space<vmem>>, vector<1x16xf32>,
    }
    %scan3A_5 = arith.constant 128 : i32
    %mul3A_6 = arith.constant 640 : i32
    %mul3A_7 = arith.muli %arg1, %mul3A_6 : i32
    %add3A_8 = arith.constant 0 : i32
    %add3A_9 = arith.addi %mul3A_7, %add3A_8 : i32
    "tpu.region"() ({
      %run_scoped3A = tpu.sem_alloc : memref<!tpu.dma_semaphore, #tpu.memory_space<semaphore_mem>>
      %dma_start3A = arith.constant 0 : i32
      %dma_start3A_37 = tpu.memref_slice %arg13[%add3A_9, %dma_start3A] : memref<10240x64xf32, #tpu.memory_space<vmem_shared>> -> memref<128x64xf32, #tpu.memory_space<vmem_shared>>
      %dma_start3A_38 = arith.constant 0 : i32
      %dma_start3A_39 = tpu.memref_slice %arg13[%add3A_9, %dma_start3A_38] : memref<10240x64xf32, #tpu.memory_space<vmem_shared>> -> memref<128x64xf32, #tpu.memory_space<vmem_shared>>
      tpu.enqueue_dma source(%arg12 : memref<128x64xf32, #tpu.memory_space<vmem>>) target(%dma_start3A_39 : memref<128x64xf32, #tpu.memory_space<vmem_shared>>) target_semaphore(%run_scoped3A : memref<!tpu.dma_semaphore, #tpu.memory_space<semaphore_mem>>)
      %dma_wait3A = arith.constant 0 : i32
      %dma_wait3A_40 = tpu.memref_slice %arg13[%add3A_9, %dma_wait3A] : memref<10240x64xf32, #tpu.memory_space<vmem_shared>> -> memref<128x64xf32, #tpu.memory_space<vmem_shared>>
      %dma_wait3A_41 = arith.constant 0 : i32
      %dma_wait3A_42 = tpu.memref_slice %arg13[%add3A_9, %dma_wait3A_41] : memref<10240x64xf32, #tpu.memory_space<vmem_shared>> -> memref<128x64xf32, #tpu.memory_space<vmem_shared>>
      tpu.wait_dma2 semaphore(%run_scoped3A : memref<!tpu.dma_semaphore, #tpu.memory_space<semaphore_mem>>) src(%arg12 : memref<128x64xf32, #tpu.memory_space<vmem>>) dst(%dma_wait3A_42 : memref<128x64xf32, #tpu.memory_space<vmem_shared>>)
      tpu.yield
    }) : () -> ()
    %mul3A_10 = arith.constant 640 : i32
    %mul3A_11 = arith.muli %arg1, %mul3A_10 : i32
    %add3A_12 = arith.constant 128 : i32
    %add3A_13 = arith.addi %mul3A_11, %add3A_12 : i32
    "tpu.region"() ({
      %run_scoped3A = tpu.sem_alloc : memref<!tpu.dma_semaphore, #tpu.memory_space<semaphore_mem>>
      %dma_start3A = arith.constant 0 : i32
      %dma_start3A_37 = tpu.memref_slice %arg13[%add3A_13, %dma_start3A] : memref<10240x64xf32, #tpu.memory_space<vmem_shared>> -> memref<128x64xf32, #tpu.memory_space<vmem_shared>>
      %dma_start3A_38 = arith.constant 0 : i32
      %dma_start3A_39 = tpu.memref_slice %arg13[%add3A_13, %dma_start3A_38] : memref<10240x64xf32, #tpu.memory_space<vmem_shared>> -> memref<128x64xf32, #tpu.memory_space<vmem_shared>>
      tpu.enqueue_dma source(%arg12 : memref<128x64xf32, #tpu.memory_space<vmem>>) target(%dma_start3A_39 : memref<128x64xf32, #tpu.memory_space<vmem_shared>>) target_semaphore(%run_scoped3A : memref<!tpu.dma_semaphore, #tpu.memory_space<semaphore_mem>>)
      %dma_wait3A = arith.constant 0 : i32
      %dma_wait3A_40 = tpu.memref_slice %arg13[%add3A_13, %dma_wait3A] : memref<10240x64xf32, #tpu.memory_space<vmem_shared>> -> memref<128x64xf32, #tpu.memory_space<vmem_shared>>
      %dma_wait3A_41 = arith.constant 0 : i32
      %dma_wait3A_42 = tpu.memref_slice %arg13[%add3A_13, %dma_wait3A_41] : memref<10240x64xf32, #tpu.memory_space<vmem_shared>> -> memref<128x64xf32, #tpu.memory_space<vmem_shared>>
      tpu.wait_dma2 semaphore(%run_scoped3A : memref<!tpu.dma_semaphore, #tpu.memory_space<semaphore_mem>>) src(%arg12 : memref<128x64xf32, #tpu.memory_space<vmem>>) dst(%dma_wait3A_42 : memref<128x64xf32, #tpu.memory_space<vmem_shared>>)
      tpu.yield
    }) : () -> ()
    %mul3A_14 = arith.constant 640 : i32
    %mul3A_15 = arith.muli %arg1, %mul3A_14 : i32
    %add3A_16 = arith.constant 256 : i32
    %add3A_17 = arith.addi %mul3A_15, %add3A_16 : i32
    "tpu.region"() ({
      %run_scoped3A = tpu.sem_alloc : memref<!tpu.dma_semaphore, #tpu.memory_space<semaphore_mem>>
      %dma_start3A = arith.constant 0 : i32
      %dma_start3A_37 = tpu.memref_slice %arg13[%add3A_17, %dma_start3A] : memref<10240x64xf32, #tpu.memory_space<vmem_shared>> -> memref<128x64xf32, #tpu.memory_space<vmem_shared>>
      %dma_start3A_38 = arith.constant 0 : i32
      %dma_start3A_39 = tpu.memref_slice %arg13[%add3A_17, %dma_start3A_38] : memref<10240x64xf32, #tpu.memory_space<vmem_shared>> -> memref<128x64xf32, #tpu.memory_space<vmem_shared>>
      tpu.enqueue_dma source(%arg12 : memref<128x64xf32, #tpu.memory_space<vmem>>) target(%dma_start3A_39 : memref<128x64xf32, #tpu.memory_space<vmem_shared>>) target_semaphore(%run_scoped3A : memref<!tpu.dma_semaphore, #tpu.memory_space<semaphore_mem>>)
      %dma_wait3A = arith.constant 0 : i32
      %dma_wait3A_40 = tpu.memref_slice %arg13[%add3A_17, %dma_wait3A] : memref<10240x64xf32, #tpu.memory_space<vmem_shared>> -> memref<128x64xf32, #tpu.memory_space<vmem_shared>>
      %dma_wait3A_41 = arith.constant 0 : i32
      %dma_wait3A_42 = tpu.memref_slice %arg13[%add3A_17, %dma_wait3A_41] : memref<10240x64xf32, #tpu.memory_space<vmem_shared>> -> memref<128x64xf32, #tpu.memory_space<vmem_shared>>
      tpu.wait_dma2 semaphore(%run_scoped3A : memref<!tpu.dma_semaphore, #tpu.memory_space<semaphore_mem>>) src(%arg12 : memref<128x64xf32, #tpu.memory_space<vmem>>) dst(%dma_wait3A_42 : memref<128x64xf32, #tpu.memory_space<vmem_shared>>)
      tpu.yield
    }) : () -> ()
    %mul3A_18 = arith.constant 640 : i32
    %mul3A_19 = arith.muli %arg1, %mul3A_18 : i32
    %add3A_20 = arith.constant 384 : i32
    %add3A_21 = arith.addi %mul3A_19, %add3A_20 : i32
    "tpu.region"() ({
      %run_scoped3A = tpu.sem_alloc : memref<!tpu.dma_semaphore, #tpu.memory_space<semaphore_mem>>
      %dma_start3A = arith.constant 0 : i32
      %dma_start3A_37 = tpu.memref_slice %arg13[%add3A_21, %dma_start3A] : memref<10240x64xf32, #tpu.memory_space<vmem_shared>> -> memref<128x64xf32, #tpu.memory_space<vmem_shared>>
      %dma_start3A_38 = arith.constant 0 : i32
      %dma_start3A_39 = tpu.memref_slice %arg13[%add3A_21, %dma_start3A_38] : memref<10240x64xf32, #tpu.memory_space<vmem_shared>> -> memref<128x64xf32, #tpu.memory_space<vmem_shared>>
      tpu.enqueue_dma source(%arg12 : memref<128x64xf32, #tpu.memory_space<vmem>>) target(%dma_start3A_39 : memref<128x64xf32, #tpu.memory_space<vmem_shared>>) target_semaphore(%run_scoped3A : memref<!tpu.dma_semaphore, #tpu.memory_space<semaphore_mem>>)
      %dma_wait3A = arith.constant 0 : i32
      %dma_wait3A_40 = tpu.memref_slice %arg13[%add3A_21, %dma_wait3A] : memref<10240x64xf32, #tpu.memory_space<vmem_shared>> -> memref<128x64xf32, #tpu.memory_space<vmem_shared>>
      %dma_wait3A_41 = arith.constant 0 : i32
      %dma_wait3A_42 = tpu.memref_slice %arg13[%add3A_21, %dma_wait3A_41] : memref<10240x64xf32, #tpu.memory_space<vmem_shared>> -> memref<128x64xf32, #tpu.memory_space<vmem_shared>>
      tpu.wait_dma2 semaphore(%run_scoped3A : memref<!tpu.dma_semaphore, #tpu.memory_space<semaphore_mem>>) src(%arg12 : memref<128x64xf32, #tpu.memory_space<vmem>>) dst(%dma_wait3A_42 : memref<128x64xf32, #tpu.memory_space<vmem_shared>>)
      tpu.yield
    }) : () -> ()
    %mul3A_22 = arith.constant 640 : i32
    %mul3A_23 = arith.muli %arg1, %mul3A_22 : i32
    %add3A_24 = arith.constant 512 : i32
    %add3A_25 = arith.addi %mul3A_23, %add3A_24 : i32
    "tpu.region"() ({
      %run_scoped3A = tpu.sem_alloc : memref<!tpu.dma_semaphore, #tpu.memory_space<semaphore_mem>>
      %dma_start3A = arith.constant 0 : i32
      %dma_start3A_37 = tpu.memref_slice %arg13[%add3A_25, %dma_start3A] : memref<10240x64xf32, #tpu.memory_space<vmem_shared>> -> memref<128x64xf32, #tpu.memory_space<vmem_shared>>
      %dma_start3A_38 = arith.constant 0 : i32
      %dma_start3A_39 = tpu.memref_slice %arg13[%add3A_25, %dma_start3A_38] : memref<10240x64xf32, #tpu.memory_space<vmem_shared>> -> memref<128x64xf32, #tpu.memory_space<vmem_shared>>
      tpu.enqueue_dma source(%arg12 : memref<128x64xf32, #tpu.memory_space<vmem>>) target(%dma_start3A_39 : memref<128x64xf32, #tpu.memory_space<vmem_shared>>) target_semaphore(%run_scoped3A : memref<!tpu.dma_semaphore, #tpu.memory_space<semaphore_mem>>)
      %dma_wait3A = arith.constant 0 : i32
      %dma_wait3A_40 = tpu.memref_slice %arg13[%add3A_25, %dma_wait3A] : memref<10240x64xf32, #tpu.memory_space<vmem_shared>> -> memref<128x64xf32, #tpu.memory_space<vmem_shared>>
      %dma_wait3A_41 = arith.constant 0 : i32
      %dma_wait3A_42 = tpu.memref_slice %arg13[%add3A_25, %dma_wait3A_41] : memref<10240x64xf32, #tpu.memory_space<vmem_shared>> -> memref<128x64xf32, #tpu.memory_space<vmem_shared>>
      tpu.wait_dma2 semaphore(%run_scoped3A : memref<!tpu.dma_semaphore, #tpu.memory_space<semaphore_mem>>) src(%arg12 : memref<128x64xf32, #tpu.memory_space<vmem>>) dst(%dma_wait3A_42 : memref<128x64xf32, #tpu.memory_space<vmem_shared>>)
      tpu.yield
    }) : () -> ()
    %barrier3A = arith.constant 0 : index
    tpu.barrier barrier_id(%barrier3A)
    %scan3A_26 = arith.constant 0 : i32
    %scan3A_27 = arith.constant 0 : i32
    %scan3A_28 = arith.constant 125 : i32
    %scan3A_29 = arith.addi %scan3A_27, %scan3A_28 : i32
    %scan3A_30 = arith.constant 1 : i32
    scf.for %scan3A_37 = %scan3A_27 to %scan3A_29 step %scan3A_30  : i32 {
      %mul3A_38 = arith.constant 10000 : i32
      %mul3A_39 = arith.muli %add3A, %mul3A_38 : i32
      %mul3A_40 = arith.constant 80 : i32
      %mul3A_41 = arith.muli %scan3A_37, %mul3A_40 : i32
      %add3A_42 = arith.addi %mul3A_39, %mul3A_41 : i32
      "tpu.region"() ({
        %run_scoped3A = tpu.sem_alloc : memref<!tpu.dma_semaphore, #tpu.memory_space<semaphore_mem>>
        %dma_start3A_59 = tpu.memref_slice %arg3[%add3A_42] : memref<320000xi32, #tpu.memory_space<hbm>> -> memref<80xi32, #tpu.memory_space<hbm>>
        %dma_start3A_60 = tpu.memref_slice %arg3[%add3A_42] : memref<320000xi32, #tpu.memory_space<hbm>> -> memref<80xi32, #tpu.memory_space<hbm>>
        tpu.enqueue_dma source(%dma_start3A_60 : memref<80xi32, #tpu.memory_space<hbm>>) target(%arg7 : memref<80xi32, #tpu.memory_space<vmem>>) target_semaphore(%run_scoped3A : memref<!tpu.dma_semaphore, #tpu.memory_space<semaphore_mem>>)
        %dma_wait3A_61 = tpu.memref_slice %arg3[%add3A_42] : memref<320000xi32, #tpu.memory_space<hbm>> -> memref<80xi32, #tpu.memory_space<hbm>>
        %dma_wait3A_62 = tpu.memref_slice %arg3[%add3A_42] : memref<320000xi32, #tpu.memory_space<hbm>> -> memref<80xi32, #tpu.memory_space<hbm>>
        tpu.wait_dma2 semaphore(%run_scoped3A : memref<!tpu.dma_semaphore, #tpu.memory_space<semaphore_mem>>) src(%dma_wait3A_62 : memref<80xi32, #tpu.memory_space<hbm>>) dst(%arg7 : memref<80xi32, #tpu.memory_space<vmem>>)
        tpu.yield
      }) : () -> ()
      "tpu.region"() ({
        %run_scoped3A = tpu.sem_alloc : memref<!tpu.dma_semaphore, #tpu.memory_space<semaphore_mem>>
        %dma_start3A_59 = tpu.memref_slice %arg4[%add3A_42] : memref<320000xi32, #tpu.memory_space<hbm>> -> memref<80xi32, #tpu.memory_space<hbm>>
        %dma_start3A_60 = tpu.memref_slice %arg4[%add3A_42] : memref<320000xi32, #tpu.memory_space<hbm>> -> memref<80xi32, #tpu.memory_space<hbm>>
        tpu.enqueue_dma source(%dma_start3A_60 : memref<80xi32, #tpu.memory_space<hbm>>) target(%arg8 : memref<80xi32, #tpu.memory_space<vmem>>) target_semaphore(%run_scoped3A : memref<!tpu.dma_semaphore, #tpu.memory_space<semaphore_mem>>)
        %dma_wait3A_61 = tpu.memref_slice %arg4[%add3A_42] : memref<320000xi32, #tpu.memory_space<hbm>> -> memref<80xi32, #tpu.memory_space<hbm>>
        %dma_wait3A_62 = tpu.memref_slice %arg4[%add3A_42] : memref<320000xi32, #tpu.memory_space<hbm>> -> memref<80xi32, #tpu.memory_space<hbm>>
        tpu.wait_dma2 semaphore(%run_scoped3A : memref<!tpu.dma_semaphore, #tpu.memory_space<semaphore_mem>>) src(%dma_wait3A_62 : memref<80xi32, #tpu.memory_space<hbm>>) dst(%arg8 : memref<80xi32, #tpu.memory_space<vmem>>)
        tpu.yield
      }) : () -> ()
      %dma_start3A = arith.constant 0 : i32
      %dma_start3A_43 = arith.constant 0 : i32
      %dma_start3A_44 = tpu.memref_slice %arg2[%dma_start3A, %dma_start3A_43] : memref<10000x128xf32, #tpu.memory_space<hbm>> -> memref<10000x128xf32, #tpu.memory_space<hbm>>
      tpu.enqueue_indirect_dma source(%dma_start3A_44 : memref<10000x128xf32, #tpu.memory_space<hbm>>) target(%arg9 : memref<80x128xf32, #tpu.memory_space<vmem>>) offsets(%arg7 : memref<80xi32, #tpu.memory_space<vmem>>) semaphore(%arg14 : memref<!tpu.dma_semaphore, #tpu.memory_space<semaphore_mem>>)
      %dma_wait3A = arith.constant 0 : i32
      %dma_wait3A_45 = arith.constant 0 : i32
      %dma_wait3A_46 = tpu.memref_slice %arg2[%dma_wait3A, %dma_wait3A_45] : memref<10000x128xf32, #tpu.memory_space<hbm>> -> memref<10000x128xf32, #tpu.memory_space<hbm>>
      tpu.wait_indirect_dma semaphore(%arg14 : memref<!tpu.dma_semaphore, #tpu.memory_space<semaphore_mem>>) src(%dma_wait3A_46 : memref<10000x128xf32, #tpu.memory_space<hbm>>) dst(%arg9 : memref<80x128xf32, #tpu.memory_space<vmem>>)
      %dma_start3A_47 = arith.constant 0 : i32
      %dma_start3A_48 = arith.constant 0 : i32
      %dma_start3A_49 = tpu.memref_slice %arg2[%dma_start3A_47, %dma_start3A_48] : memref<10000x128xf32, #tpu.memory_space<hbm>> -> memref<10000x128xf32, #tpu.memory_space<hbm>>
      tpu.enqueue_indirect_dma source(%dma_start3A_49 : memref<10000x128xf32, #tpu.memory_space<hbm>>) target(%arg10 : memref<80x128xf32, #tpu.memory_space<vmem>>) offsets(%arg8 : memref<80xi32, #tpu.memory_space<vmem>>) semaphore(%arg15 : memref<!tpu.dma_semaphore, #tpu.memory_space<semaphore_mem>>)
      %dma_wait3A_50 = arith.constant 0 : i32
      %dma_wait3A_51 = arith.constant 0 : i32
      %dma_wait3A_52 = tpu.memref_slice %arg2[%dma_wait3A_50, %dma_wait3A_51] : memref<10000x128xf32, #tpu.memory_space<hbm>> -> memref<10000x128xf32, #tpu.memory_space<hbm>>
      tpu.wait_indirect_dma semaphore(%arg15 : memref<!tpu.dma_semaphore, #tpu.memory_space<semaphore_mem>>) src(%dma_wait3A_52 : memref<10000x128xf32, #tpu.memory_space<hbm>>) dst(%arg10 : memref<80x128xf32, #tpu.memory_space<vmem>>)
      %scan3A_53 = arith.constant 0 : i32
      %scan3A_54 = arith.constant 0 : i32
      %scan3A_55 = arith.constant 80 : i32
      %scan3A_56 = arith.addi %scan3A_54, %scan3A_55 : i32
      %scan3A_57 = arith.constant 1 : i32
      scf.for %scan3A_59 = %scan3A_54 to %scan3A_56 step %scan3A_57  : i32 {
        %get3A = arith.index_cast %scan3A_59 : i32 to index
        %get3A_60 = arith.constant 0 : index
        %get3A_61 = tpu.vector_load %arg9[%get3A, %get3A_60] {strides = array<i32>} : memref<80x128xf32, #tpu.memory_space<vmem>>, vector<1x16xf32>,
        %get3A_62 = vector.shape_cast %get3A_61 : vector<1x16xf32> to vector<16xf32>
        %get3A_63 = arith.index_cast %scan3A_59 : i32 to index
        %get3A_64 = arith.constant 16 : index
        %get3A_65 = tpu.vector_load %arg10[%get3A_63, %get3A_64] {strides = array<i32>} : memref<80x128xf32, #tpu.memory_space<vmem>>, vector<1x16xf32>,
        %get3A_66 = vector.shape_cast %get3A_65 : vector<1x16xf32> to vector<16xf32>
        %add3A_67 = arith.addf %get3A_62, %get3A_66 : vector<16xf32>
        %max3A = arith.constant 0.000000e+00 : f32
        %max3A_68 = vector.broadcast %max3A : f32 to vector<16xf32>
        %max3A_69 = arith.maximumf %add3A_67, %max3A_68 : vector<16xf32>
        %min3A = arith.constant 0.000000e+00 : f32
        %min3A_70 = vector.broadcast %min3A : f32 to vector<16xf32>
        %min3A_71 = arith.minimumf %add3A_67, %min3A_70 : vector<16xf32>
        %mul3A_72 = arith.constant 2.000000e-01 : f32
        %mul3A_73 = vector.broadcast %mul3A_72 : f32 to vector<16xf32>
        %mul3A_74 = arith.mulf %mul3A_73, %min3A_71 : vector<16xf32>
        %add3A_75 = arith.addf %max3A_69, %mul3A_74 : vector<16xf32>
        %exp3A = math.exp %add3A_75 : vector<16xf32>
        %swap3A = arith.index_cast %scan3A_59 : i32 to index
        %swap3A_76 = arith.constant 0 : index
        %swap3A_77 = tpu.vector_load %arg11[%swap3A, %swap3A_76] {strides = array<i32>} : memref<80x64xf32, #tpu.memory_space<vmem>>, vector<1x16xf32>,
        %swap3A_78 = vector.shape_cast %swap3A_77 : vector<1x16xf32> to vector<16xf32>
        %swap3A_79 = vector.shape_cast %exp3A : vector<16xf32> to vector<1x16xf32>
        tpu.vector_store %arg11[%swap3A, %swap3A_76], %swap3A_79 {strides = array<i32>} : memref<80x64xf32, #tpu.memory_space<vmem>>, vector<1x16xf32>,
        %get3A_80 = arith.index_cast %scan3A_59 : i32 to index
        %get3A_81 = arith.constant 32 : index
        %get3A_82 = tpu.vector_load %arg9[%get3A_80, %get3A_81] {strides = array<i32>} : memref<80x128xf32, #tpu.memory_space<vmem>>, vector<1x16xf32>,
        %get3A_83 = vector.shape_cast %get3A_82 : vector<1x16xf32> to vector<16xf32>
        %get3A_84 = arith.index_cast %scan3A_59 : i32 to index
        %get3A_85 = arith.constant 48 : index
        %get3A_86 = tpu.vector_load %arg10[%get3A_84, %get3A_85] {strides = array<i32>} : memref<80x128xf32, #tpu.memory_space<vmem>>, vector<1x16xf32>,
        %get3A_87 = vector.shape_cast %get3A_86 : vector<1x16xf32> to vector<16xf32>
        %add3A_88 = arith.addf %get3A_83, %get3A_87 : vector<16xf32>
        %max3A_89 = arith.constant 0.000000e+00 : f32
        %max3A_90 = vector.broadcast %max3A_89 : f32 to vector<16xf32>
        %max3A_91 = arith.maximumf %add3A_88, %max3A_90 : vector<16xf32>
        %min3A_92 = arith.constant 0.000000e+00 : f32
        %min3A_93 = vector.broadcast %min3A_92 : f32 to vector<16xf32>
        %min3A_94 = arith.minimumf %add3A_88, %min3A_93 : vector<16xf32>
        %mul3A_95 = arith.constant 2.000000e-01 : f32
        %mul3A_96 = vector.broadcast %mul3A_95 : f32 to vector<16xf32>
        %mul3A_97 = arith.mulf %mul3A_96, %min3A_94 : vector<16xf32>
        %add3A_98 = arith.addf %max3A_91, %mul3A_97 : vector<16xf32>
        %exp3A_99 = math.exp %add3A_98 : vector<16xf32>
        %swap3A_100 = arith.index_cast %scan3A_59 : i32 to index
        %swap3A_101 = arith.constant 16 : index
        %swap3A_102 = tpu.vector_load %arg11[%swap3A_100, %swap3A_101] {strides = array<i32>} : memref<80x64xf32, #tpu.memory_space<vmem>>, vector<1x16xf32>,
        %swap3A_103 = vector.shape_cast %swap3A_102 : vector<1x16xf32> to vector<16xf32>
        %swap3A_104 = vector.shape_cast %exp3A_99 : vector<16xf32> to vector<1x16xf32>
        tpu.vector_store %arg11[%swap3A_100, %swap3A_101], %swap3A_104 {strides = array<i32>} : memref<80x64xf32, #tpu.memory_space<vmem>>, vector<1x16xf32>,
        %get3A_105 = arith.index_cast %scan3A_59 : i32 to index
        %get3A_106 = arith.constant 64 : index
        %get3A_107 = tpu.vector_load %arg9[%get3A_105, %get3A_106] {strides = array<i32>} : memref<80x128xf32, #tpu.memory_space<vmem>>, vector<1x16xf32>,
        %get3A_108 = vector.shape_cast %get3A_107 : vector<1x16xf32> to vector<16xf32>
        %get3A_109 = arith.index_cast %scan3A_59 : i32 to index
        %get3A_110 = arith.constant 80 : index
        %get3A_111 = tpu.vector_load %arg10[%get3A_109, %get3A_110] {strides = array<i32>} : memref<80x128xf32, #tpu.memory_space<vmem>>, vector<1x16xf32>,
        %get3A_112 = vector.shape_cast %get3A_111 : vector<1x16xf32> to vector<16xf32>
        %add3A_113 = arith.addf %get3A_108, %get3A_112 : vector<16xf32>
        %max3A_114 = arith.constant 0.000000e+00 : f32
        %max3A_115 = vector.broadcast %max3A_114 : f32 to vector<16xf32>
        %max3A_116 = arith.maximumf %add3A_113, %max3A_115 : vector<16xf32>
        %min3A_117 = arith.constant 0.000000e+00 : f32
        %min3A_118 = vector.broadcast %min3A_117 : f32 to vector<16xf32>
        %min3A_119 = arith.minimumf %add3A_113, %min3A_118 : vector<16xf32>
        %mul3A_120 = arith.constant 2.000000e-01 : f32
        %mul3A_121 = vector.broadcast %mul3A_120 : f32 to vector<16xf32>
        %mul3A_122 = arith.mulf %mul3A_121, %min3A_119 : vector<16xf32>
        %add3A_123 = arith.addf %max3A_116, %mul3A_122 : vector<16xf32>
        %exp3A_124 = math.exp %add3A_123 : vector<16xf32>
        %swap3A_125 = arith.index_cast %scan3A_59 : i32 to index
        %swap3A_126 = arith.constant 32 : index
        %swap3A_127 = tpu.vector_load %arg11[%swap3A_125, %swap3A_126] {strides = array<i32>} : memref<80x64xf32, #tpu.memory_space<vmem>>, vector<1x16xf32>,
        %swap3A_128 = vector.shape_cast %swap3A_127 : vector<1x16xf32> to vector<16xf32>
        %swap3A_129 = vector.shape_cast %exp3A_124 : vector<16xf32> to vector<1x16xf32>
        tpu.vector_store %arg11[%swap3A_125, %swap3A_126], %swap3A_129 {strides = array<i32>} : memref<80x64xf32, #tpu.memory_space<vmem>>, vector<1x16xf32>,
        %get3A_130 = arith.index_cast %scan3A_59 : i32 to index
        %get3A_131 = arith.constant 96 : index
        %get3A_132 = tpu.vector_load %arg9[%get3A_130, %get3A_131] {strides = array<i32>} : memref<80x128xf32, #tpu.memory_space<vmem>>, vector<1x16xf32>,
        %get3A_133 = vector.shape_cast %get3A_132 : vector<1x16xf32> to vector<16xf32>
        %get3A_134 = arith.index_cast %scan3A_59 : i32 to index
        %get3A_135 = arith.constant 112 : index
        %get3A_136 = tpu.vector_load %arg10[%get3A_134, %get3A_135] {strides = array<i32>} : memref<80x128xf32, #tpu.memory_space<vmem>>, vector<1x16xf32>,
        %get3A_137 = vector.shape_cast %get3A_136 : vector<1x16xf32> to vector<16xf32>
        %add3A_138 = arith.addf %get3A_133, %get3A_137 : vector<16xf32>
        %max3A_139 = arith.constant 0.000000e+00 : f32
        %max3A_140 = vector.broadcast %max3A_139 : f32 to vector<16xf32>
        %max3A_141 = arith.maximumf %add3A_138, %max3A_140 : vector<16xf32>
        %min3A_142 = arith.constant 0.000000e+00 : f32
        %min3A_143 = vector.broadcast %min3A_142 : f32 to vector<16xf32>
        %min3A_144 = arith.minimumf %add3A_138, %min3A_143 : vector<16xf32>
        %mul3A_145 = arith.constant 2.000000e-01 : f32
        %mul3A_146 = vector.broadcast %mul3A_145 : f32 to vector<16xf32>
        %mul3A_147 = arith.mulf %mul3A_146, %min3A_144 : vector<16xf32>
        %add3A_148 = arith.addf %max3A_141, %mul3A_147 : vector<16xf32>
        %exp3A_149 = math.exp %add3A_148 : vector<16xf32>
        %swap3A_150 = arith.index_cast %scan3A_59 : i32 to index
        %swap3A_151 = arith.constant 48 : index
        %swap3A_152 = tpu.vector_load %arg11[%swap3A_150, %swap3A_151] {strides = array<i32>} : memref<80x64xf32, #tpu.memory_space<vmem>>, vector<1x16xf32>,
        %swap3A_153 = vector.shape_cast %swap3A_152 : vector<1x16xf32> to vector<16xf32>
        %swap3A_154 = vector.shape_cast %exp3A_149 : vector<16xf32> to vector<1x16xf32>
        tpu.vector_store %arg11[%swap3A_150, %swap3A_151], %swap3A_154 {strides = array<i32>} : memref<80x64xf32, #tpu.memory_space<vmem>>, vector<1x16xf32>,
      }
      %scan3A_58 = arith.constant 80 : i32
      "tpu.region"() ({
        %run_scoped3A = tpu.sem_alloc : memref<!tpu.dma_semaphore, #tpu.memory_space<semaphore_mem>>
        %dma_start3A_59 = arith.constant 0 : i32
        %dma_start3A_60 = tpu.memref_slice %arg5[%add3A_42, %dma_start3A_59] : memref<320000x64xf32, #tpu.memory_space<hbm>> -> memref<80x64xf32, #tpu.memory_space<hbm>>
        %dma_start3A_61 = arith.constant 0 : i32
        %dma_start3A_62 = tpu.memref_slice %arg5[%add3A_42, %dma_start3A_61] : memref<320000x64xf32, #tpu.memory_space<hbm>> -> memref<80x64xf32, #tpu.memory_space<hbm>>
        tpu.enqueue_dma source(%arg11 : memref<80x64xf32, #tpu.memory_space<vmem>>) target(%dma_start3A_62 : memref<80x64xf32, #tpu.memory_space<hbm>>) target_semaphore(%run_scoped3A : memref<!tpu.dma_semaphore, #tpu.memory_space<semaphore_mem>>)
        %dma_wait3A_63 = arith.constant 0 : i32
        %dma_wait3A_64 = tpu.memref_slice %arg5[%add3A_42, %dma_wait3A_63] : memref<320000x64xf32, #tpu.memory_space<hbm>> -> memref<80x64xf32, #tpu.memory_space<hbm>>
        %dma_wait3A_65 = arith.constant 0 : i32
        %dma_wait3A_66 = tpu.memref_slice %arg5[%add3A_42, %dma_wait3A_65] : memref<320000x64xf32, #tpu.memory_space<hbm>> -> memref<80x64xf32, #tpu.memory_space<hbm>>
        tpu.wait_dma2 semaphore(%run_scoped3A : memref<!tpu.dma_semaphore, #tpu.memory_space<semaphore_mem>>) src(%arg11 : memref<80x64xf32, #tpu.memory_space<vmem>>) dst(%dma_wait3A_66 : memref<80x64xf32, #tpu.memory_space<hbm>>)
        tpu.yield
      }) : () -> ()
      "tpu.region"() ({
        %run_scoped3A = tpu.sem_alloc : memref<!tpu.dma_semaphore, #tpu.memory_space<semaphore_mem>>
        %dma_start3A_59 = arith.constant 0 : i32
        %dma_start3A_60 = arith.constant 0 : i32
        %dma_start3A_61 = tpu.memref_slice %arg13[%dma_start3A_59, %dma_start3A_60] : memref<10240x64xf32, #tpu.memory_space<vmem_shared>> -> memref<10240x64xf32, #tpu.memory_space<vmem_shared>>
        tpu.enqueue_indirect_dma source(%arg11 : memref<80x64xf32, #tpu.memory_space<vmem>>) target(%dma_start3A_61 : memref<10240x64xf32, #tpu.memory_space<vmem_shared>>) offsets(%arg8 : memref<80xi32, #tpu.memory_space<vmem>>) semaphore(%run_scoped3A : memref<!tpu.dma_semaphore, #tpu.memory_space<semaphore_mem>>) {add = true}
        %dma_wait3A_62 = arith.constant 0 : i32
        %dma_wait3A_63 = arith.constant 0 : i32
        %dma_wait3A_64 = tpu.memref_slice %arg13[%dma_wait3A_62, %dma_wait3A_63] : memref<10240x64xf32, #tpu.memory_space<vmem_shared>> -> memref<10240x64xf32, #tpu.memory_space<vmem_shared>>
        tpu.wait_indirect_dma semaphore(%run_scoped3A : memref<!tpu.dma_semaphore, #tpu.memory_space<semaphore_mem>>) src(%arg11 : memref<80x64xf32, #tpu.memory_space<vmem>>) dst(%dma_wait3A_64 : memref<10240x64xf32, #tpu.memory_space<vmem_shared>>)
        tpu.yield
      }) : () -> ()
    }
    %scan3A_31 = arith.constant 125 : i32
    %barrier3A_32 = arith.constant 0 : index
    tpu.barrier barrier_id(%barrier3A_32)
    %mul3A_33 = arith.constant 640 : i32
    %mul3A_34 = arith.muli %arg1, %mul3A_33 : i32
    %mul3A_35 = arith.constant 640 : i32
    %mul3A_36 = arith.muli %arg1, %mul3A_35 : i32
    "tpu.region"() ({
      %run_scoped3A = tpu.sem_alloc : memref<!tpu.dma_semaphore, #tpu.memory_space<semaphore_mem>>
      %dma_start3A = arith.constant 0 : i32
      %dma_start3A_37 = tpu.memref_slice %arg6[%arg0, %mul3A_36, %dma_start3A] : memref<2x10240x64xf32, #tpu.memory_space<hbm>> -> memref<1x640x64xf32, #tpu.memory_space<hbm>>
      %dma_start3A_38 = tpu.memref_squeeze %dma_start3A_37 : memref<1x640x64xf32, #tpu.memory_space<hbm>> -> memref<640x64xf32, #tpu.memory_space<hbm>>
      %dma_start3A_39 = arith.constant 0 : i32
      %dma_start3A_40 = tpu.memref_slice %arg13[%mul3A_34, %dma_start3A_39] : memref<10240x64xf32, #tpu.memory_space<vmem_shared>> -> memref<640x64xf32, #tpu.memory_space<vmem_shared>>
      tpu.enqueue_dma source(%dma_start3A_40 : memref<640x64xf32, #tpu.memory_space<vmem_shared>>) target(%dma_start3A_38 : memref<640x64xf32, #tpu.memory_space<hbm>>) target_semaphore(%run_scoped3A : memref<!tpu.dma_semaphore, #tpu.memory_space<semaphore_mem>>)
      %dma_wait3A = arith.constant 0 : i32
      %dma_wait3A_41 = tpu.memref_slice %arg6[%arg0, %mul3A_36, %dma_wait3A] : memref<2x10240x64xf32, #tpu.memory_space<hbm>> -> memref<1x640x64xf32, #tpu.memory_space<hbm>>
      %dma_wait3A_42 = tpu.memref_squeeze %dma_wait3A_41 : memref<1x640x64xf32, #tpu.memory_space<hbm>> -> memref<640x64xf32, #tpu.memory_space<hbm>>
      %dma_wait3A_43 = arith.constant 0 : i32
      %dma_wait3A_44 = tpu.memref_slice %arg13[%mul3A_34, %dma_wait3A_43] : memref<10240x64xf32, #tpu.memory_space<vmem_shared>> -> memref<640x64xf32, #tpu.memory_space<vmem_shared>>
      tpu.wait_dma2 semaphore(%run_scoped3A : memref<!tpu.dma_semaphore, #tpu.memory_space<semaphore_mem>>) src(%dma_wait3A_44 : memref<640x64xf32, #tpu.memory_space<vmem_shared>>) dst(%dma_wait3A_42 : memref<640x64xf32, #tpu.memory_space<hbm>>)
      tpu.yield
    }) : () -> ()
    return
  }
}

#map = affine_map<(d0, d1) -> (0, 0)>
#map1 = affine_map<(d0, d1) -> (0)>
#map2 = affine_map<(d0, d1) -> (0, 0, 0)>
module attributes {stable_mosaic.version = 14 : i64} {
  func.func @k(%arg0: i32, %arg1: i32, %arg2: memref<10000x128xf32, #tpu.memory_space<hbm>>, %arg3: memref<320000x64xf32, #tpu.memory_space<hbm>>, %arg4: memref<320000xi32, #tpu.memory_space<hbm>>, %arg5: memref<320000xi32, #tpu.memory_space<hbm>>, %arg6: memref<2x10240x128xf32, #tpu.memory_space<hbm>>, %arg7: memref<80xi32, #tpu.memory_space<vmem>>, %arg8: memref<80xi32, #tpu.memory_space<vmem>>, %arg9: memref<80x128xf32, #tpu.memory_space<vmem>>, %arg10: memref<80x128xf32, #tpu.memory_space<vmem>>, %arg11: memref<80x64xf32, #tpu.memory_space<vmem>>, %arg12: memref<128x128xf32, #tpu.memory_space<vmem>>, %arg13: memref<10240x128xf32, #tpu.memory_space<vmem_shared>>, %arg14: memref<!tpu.dma_semaphore, #tpu.memory_space<semaphore_mem>>) attributes {dimension_semantics = [#tpu.dimension_semantics<core_parallel>, #tpu.dimension_semantics<subcore_parallel>], iteration_bounds = array<i64: 2, 16>, scalar_prefetch = 0 : i64, scratch_operands = 8 : i64, tpu.core_type = #tpu.core_type<sc_vector_subcore>, window_params = [{transform_indices = #map}, {transform_indices = #map}, {transform_indices = #map1}, {transform_indices = #map1}, {transform_indices = #map2}]} {
    %mul3A = arith.constant 16 : i32
    %mul3A_0 = arith.muli %arg0, %mul3A : i32
    %add3A = arith.addi %mul3A_0, %arg1 : i32
    %scan3A = arith.constant 0 : i32
    %scan3A_1 = arith.constant 0 : i32
    %scan3A_2 = arith.constant 128 : i32
    %scan3A_3 = arith.addi %scan3A_1, %scan3A_2 : i32
    %scan3A_4 = arith.constant 1 : i32
    scf.for %scan3A_37 = %scan3A_1 to %scan3A_3 step %scan3A_4  : i32 {
      %broadcast_in_dim3A = arith.constant 0.000000e+00 : f32
      %broadcast_in_dim3A_38 = vector.broadcast %broadcast_in_dim3A : f32 to vector<16xf32>
      %swap3A = arith.index_cast %scan3A_37 : i32 to index
      %swap3A_39 = arith.constant 0 : index
      %swap3A_40 = tpu.vector_load %arg12[%swap3A, %swap3A_39] {strides = array<i32>} : memref<128x128xf32, #tpu.memory_space<vmem>>, vector<1x16xf32>,
      %swap3A_41 = vector.shape_cast %swap3A_40 : vector<1x16xf32> to vector<16xf32>
      %swap3A_42 = vector.shape_cast %broadcast_in_dim3A_38 : vector<16xf32> to vector<1x16xf32>
      tpu.vector_store %arg12[%swap3A, %swap3A_39], %swap3A_42 {strides = array<i32>} : memref<128x128xf32, #tpu.memory_space<vmem>>, vector<1x16xf32>,
      %broadcast_in_dim3A_43 = arith.constant 0.000000e+00 : f32
      %broadcast_in_dim3A_44 = vector.broadcast %broadcast_in_dim3A_43 : f32 to vector<16xf32>
      %swap3A_45 = arith.index_cast %scan3A_37 : i32 to index
      %swap3A_46 = arith.constant 16 : index
      %swap3A_47 = tpu.vector_load %arg12[%swap3A_45, %swap3A_46] {strides = array<i32>} : memref<128x128xf32, #tpu.memory_space<vmem>>, vector<1x16xf32>,
      %swap3A_48 = vector.shape_cast %swap3A_47 : vector<1x16xf32> to vector<16xf32>
      %swap3A_49 = vector.shape_cast %broadcast_in_dim3A_44 : vector<16xf32> to vector<1x16xf32>
      tpu.vector_store %arg12[%swap3A_45, %swap3A_46], %swap3A_49 {strides = array<i32>} : memref<128x128xf32, #tpu.memory_space<vmem>>, vector<1x16xf32>,
      %broadcast_in_dim3A_50 = arith.constant 0.000000e+00 : f32
      %broadcast_in_dim3A_51 = vector.broadcast %broadcast_in_dim3A_50 : f32 to vector<16xf32>
      %swap3A_52 = arith.index_cast %scan3A_37 : i32 to index
      %swap3A_53 = arith.constant 32 : index
      %swap3A_54 = tpu.vector_load %arg12[%swap3A_52, %swap3A_53] {strides = array<i32>} : memref<128x128xf32, #tpu.memory_space<vmem>>, vector<1x16xf32>,
      %swap3A_55 = vector.shape_cast %swap3A_54 : vector<1x16xf32> to vector<16xf32>
      %swap3A_56 = vector.shape_cast %broadcast_in_dim3A_51 : vector<16xf32> to vector<1x16xf32>
      tpu.vector_store %arg12[%swap3A_52, %swap3A_53], %swap3A_56 {strides = array<i32>} : memref<128x128xf32, #tpu.memory_space<vmem>>, vector<1x16xf32>,
      %broadcast_in_dim3A_57 = arith.constant 0.000000e+00 : f32
      %broadcast_in_dim3A_58 = vector.broadcast %broadcast_in_dim3A_57 : f32 to vector<16xf32>
      %swap3A_59 = arith.index_cast %scan3A_37 : i32 to index
      %swap3A_60 = arith.constant 48 : index
      %swap3A_61 = tpu.vector_load %arg12[%swap3A_59, %swap3A_60] {strides = array<i32>} : memref<128x128xf32, #tpu.memory_space<vmem>>, vector<1x16xf32>,
      %swap3A_62 = vector.shape_cast %swap3A_61 : vector<1x16xf32> to vector<16xf32>
      %swap3A_63 = vector.shape_cast %broadcast_in_dim3A_58 : vector<16xf32> to vector<1x16xf32>
      tpu.vector_store %arg12[%swap3A_59, %swap3A_60], %swap3A_63 {strides = array<i32>} : memref<128x128xf32, #tpu.memory_space<vmem>>, vector<1x16xf32>,
      %broadcast_in_dim3A_64 = arith.constant 0.000000e+00 : f32
      %broadcast_in_dim3A_65 = vector.broadcast %broadcast_in_dim3A_64 : f32 to vector<16xf32>
      %swap3A_66 = arith.index_cast %scan3A_37 : i32 to index
      %swap3A_67 = arith.constant 64 : index
      %swap3A_68 = tpu.vector_load %arg12[%swap3A_66, %swap3A_67] {strides = array<i32>} : memref<128x128xf32, #tpu.memory_space<vmem>>, vector<1x16xf32>,
      %swap3A_69 = vector.shape_cast %swap3A_68 : vector<1x16xf32> to vector<16xf32>
      %swap3A_70 = vector.shape_cast %broadcast_in_dim3A_65 : vector<16xf32> to vector<1x16xf32>
      tpu.vector_store %arg12[%swap3A_66, %swap3A_67], %swap3A_70 {strides = array<i32>} : memref<128x128xf32, #tpu.memory_space<vmem>>, vector<1x16xf32>,
      %broadcast_in_dim3A_71 = arith.constant 0.000000e+00 : f32
      %broadcast_in_dim3A_72 = vector.broadcast %broadcast_in_dim3A_71 : f32 to vector<16xf32>
      %swap3A_73 = arith.index_cast %scan3A_37 : i32 to index
      %swap3A_74 = arith.constant 80 : index
      %swap3A_75 = tpu.vector_load %arg12[%swap3A_73, %swap3A_74] {strides = array<i32>} : memref<128x128xf32, #tpu.memory_space<vmem>>, vector<1x16xf32>,
      %swap3A_76 = vector.shape_cast %swap3A_75 : vector<1x16xf32> to vector<16xf32>
      %swap3A_77 = vector.shape_cast %broadcast_in_dim3A_72 : vector<16xf32> to vector<1x16xf32>
      tpu.vector_store %arg12[%swap3A_73, %swap3A_74], %swap3A_77 {strides = array<i32>} : memref<128x128xf32, #tpu.memory_space<vmem>>, vector<1x16xf32>,
      %broadcast_in_dim3A_78 = arith.constant 0.000000e+00 : f32
      %broadcast_in_dim3A_79 = vector.broadcast %broadcast_in_dim3A_78 : f32 to vector<16xf32>
      %swap3A_80 = arith.index_cast %scan3A_37 : i32 to index
      %swap3A_81 = arith.constant 96 : index
      %swap3A_82 = tpu.vector_load %arg12[%swap3A_80, %swap3A_81] {strides = array<i32>} : memref<128x128xf32, #tpu.memory_space<vmem>>, vector<1x16xf32>,
      %swap3A_83 = vector.shape_cast %swap3A_82 : vector<1x16xf32> to vector<16xf32>
      %swap3A_84 = vector.shape_cast %broadcast_in_dim3A_79 : vector<16xf32> to vector<1x16xf32>
      tpu.vector_store %arg12[%swap3A_80, %swap3A_81], %swap3A_84 {strides = array<i32>} : memref<128x128xf32, #tpu.memory_space<vmem>>, vector<1x16xf32>,
      %broadcast_in_dim3A_85 = arith.constant 0.000000e+00 : f32
      %broadcast_in_dim3A_86 = vector.broadcast %broadcast_in_dim3A_85 : f32 to vector<16xf32>
      %swap3A_87 = arith.index_cast %scan3A_37 : i32 to index
      %swap3A_88 = arith.constant 112 : index
      %swap3A_89 = tpu.vector_load %arg12[%swap3A_87, %swap3A_88] {strides = array<i32>} : memref<128x128xf32, #tpu.memory_space<vmem>>, vector<1x16xf32>,
      %swap3A_90 = vector.shape_cast %swap3A_89 : vector<1x16xf32> to vector<16xf32>
      %swap3A_91 = vector.shape_cast %broadcast_in_dim3A_86 : vector<16xf32> to vector<1x16xf32>
      tpu.vector_store %arg12[%swap3A_87, %swap3A_88], %swap3A_91 {strides = array<i32>} : memref<128x128xf32, #tpu.memory_space<vmem>>, vector<1x16xf32>,
    }
    %scan3A_5 = arith.constant 128 : i32
    %mul3A_6 = arith.constant 640 : i32
    %mul3A_7 = arith.muli %arg1, %mul3A_6 : i32
    %add3A_8 = arith.constant 0 : i32
    %add3A_9 = arith.addi %mul3A_7, %add3A_8 : i32
    "tpu.region"() ({
      %run_scoped3A = tpu.sem_alloc : memref<!tpu.dma_semaphore, #tpu.memory_space<semaphore_mem>>
      %dma_start3A = arith.constant 0 : i32
      %dma_start3A_37 = tpu.memref_slice %arg13[%add3A_9, %dma_start3A] : memref<10240x128xf32, #tpu.memory_space<vmem_shared>> -> memref<128x128xf32, #tpu.memory_space<vmem_shared>>
      %dma_start3A_38 = arith.constant 0 : i32
      %dma_start3A_39 = tpu.memref_slice %arg13[%add3A_9, %dma_start3A_38] : memref<10240x128xf32, #tpu.memory_space<vmem_shared>> -> memref<128x128xf32, #tpu.memory_space<vmem_shared>>
      tpu.enqueue_dma source(%arg12 : memref<128x128xf32, #tpu.memory_space<vmem>>) target(%dma_start3A_39 : memref<128x128xf32, #tpu.memory_space<vmem_shared>>) target_semaphore(%run_scoped3A : memref<!tpu.dma_semaphore, #tpu.memory_space<semaphore_mem>>)
      %dma_wait3A = arith.constant 0 : i32
      %dma_wait3A_40 = tpu.memref_slice %arg13[%add3A_9, %dma_wait3A] : memref<10240x128xf32, #tpu.memory_space<vmem_shared>> -> memref<128x128xf32, #tpu.memory_space<vmem_shared>>
      %dma_wait3A_41 = arith.constant 0 : i32
      %dma_wait3A_42 = tpu.memref_slice %arg13[%add3A_9, %dma_wait3A_41] : memref<10240x128xf32, #tpu.memory_space<vmem_shared>> -> memref<128x128xf32, #tpu.memory_space<vmem_shared>>
      tpu.wait_dma2 semaphore(%run_scoped3A : memref<!tpu.dma_semaphore, #tpu.memory_space<semaphore_mem>>) src(%arg12 : memref<128x128xf32, #tpu.memory_space<vmem>>) dst(%dma_wait3A_42 : memref<128x128xf32, #tpu.memory_space<vmem_shared>>)
      tpu.yield
    }) : () -> ()
    %mul3A_10 = arith.constant 640 : i32
    %mul3A_11 = arith.muli %arg1, %mul3A_10 : i32
    %add3A_12 = arith.constant 128 : i32
    %add3A_13 = arith.addi %mul3A_11, %add3A_12 : i32
    "tpu.region"() ({
      %run_scoped3A = tpu.sem_alloc : memref<!tpu.dma_semaphore, #tpu.memory_space<semaphore_mem>>
      %dma_start3A = arith.constant 0 : i32
      %dma_start3A_37 = tpu.memref_slice %arg13[%add3A_13, %dma_start3A] : memref<10240x128xf32, #tpu.memory_space<vmem_shared>> -> memref<128x128xf32, #tpu.memory_space<vmem_shared>>
      %dma_start3A_38 = arith.constant 0 : i32
      %dma_start3A_39 = tpu.memref_slice %arg13[%add3A_13, %dma_start3A_38] : memref<10240x128xf32, #tpu.memory_space<vmem_shared>> -> memref<128x128xf32, #tpu.memory_space<vmem_shared>>
      tpu.enqueue_dma source(%arg12 : memref<128x128xf32, #tpu.memory_space<vmem>>) target(%dma_start3A_39 : memref<128x128xf32, #tpu.memory_space<vmem_shared>>) target_semaphore(%run_scoped3A : memref<!tpu.dma_semaphore, #tpu.memory_space<semaphore_mem>>)
      %dma_wait3A = arith.constant 0 : i32
      %dma_wait3A_40 = tpu.memref_slice %arg13[%add3A_13, %dma_wait3A] : memref<10240x128xf32, #tpu.memory_space<vmem_shared>> -> memref<128x128xf32, #tpu.memory_space<vmem_shared>>
      %dma_wait3A_41 = arith.constant 0 : i32
      %dma_wait3A_42 = tpu.memref_slice %arg13[%add3A_13, %dma_wait3A_41] : memref<10240x128xf32, #tpu.memory_space<vmem_shared>> -> memref<128x128xf32, #tpu.memory_space<vmem_shared>>
      tpu.wait_dma2 semaphore(%run_scoped3A : memref<!tpu.dma_semaphore, #tpu.memory_space<semaphore_mem>>) src(%arg12 : memref<128x128xf32, #tpu.memory_space<vmem>>) dst(%dma_wait3A_42 : memref<128x128xf32, #tpu.memory_space<vmem_shared>>)
      tpu.yield
    }) : () -> ()
    %mul3A_14 = arith.constant 640 : i32
    %mul3A_15 = arith.muli %arg1, %mul3A_14 : i32
    %add3A_16 = arith.constant 256 : i32
    %add3A_17 = arith.addi %mul3A_15, %add3A_16 : i32
    "tpu.region"() ({
      %run_scoped3A = tpu.sem_alloc : memref<!tpu.dma_semaphore, #tpu.memory_space<semaphore_mem>>
      %dma_start3A = arith.constant 0 : i32
      %dma_start3A_37 = tpu.memref_slice %arg13[%add3A_17, %dma_start3A] : memref<10240x128xf32, #tpu.memory_space<vmem_shared>> -> memref<128x128xf32, #tpu.memory_space<vmem_shared>>
      %dma_start3A_38 = arith.constant 0 : i32
      %dma_start3A_39 = tpu.memref_slice %arg13[%add3A_17, %dma_start3A_38] : memref<10240x128xf32, #tpu.memory_space<vmem_shared>> -> memref<128x128xf32, #tpu.memory_space<vmem_shared>>
      tpu.enqueue_dma source(%arg12 : memref<128x128xf32, #tpu.memory_space<vmem>>) target(%dma_start3A_39 : memref<128x128xf32, #tpu.memory_space<vmem_shared>>) target_semaphore(%run_scoped3A : memref<!tpu.dma_semaphore, #tpu.memory_space<semaphore_mem>>)
      %dma_wait3A = arith.constant 0 : i32
      %dma_wait3A_40 = tpu.memref_slice %arg13[%add3A_17, %dma_wait3A] : memref<10240x128xf32, #tpu.memory_space<vmem_shared>> -> memref<128x128xf32, #tpu.memory_space<vmem_shared>>
      %dma_wait3A_41 = arith.constant 0 : i32
      %dma_wait3A_42 = tpu.memref_slice %arg13[%add3A_17, %dma_wait3A_41] : memref<10240x128xf32, #tpu.memory_space<vmem_shared>> -> memref<128x128xf32, #tpu.memory_space<vmem_shared>>
      tpu.wait_dma2 semaphore(%run_scoped3A : memref<!tpu.dma_semaphore, #tpu.memory_space<semaphore_mem>>) src(%arg12 : memref<128x128xf32, #tpu.memory_space<vmem>>) dst(%dma_wait3A_42 : memref<128x128xf32, #tpu.memory_space<vmem_shared>>)
      tpu.yield
    }) : () -> ()
    %mul3A_18 = arith.constant 640 : i32
    %mul3A_19 = arith.muli %arg1, %mul3A_18 : i32
    %add3A_20 = arith.constant 384 : i32
    %add3A_21 = arith.addi %mul3A_19, %add3A_20 : i32
    "tpu.region"() ({
      %run_scoped3A = tpu.sem_alloc : memref<!tpu.dma_semaphore, #tpu.memory_space<semaphore_mem>>
      %dma_start3A = arith.constant 0 : i32
      %dma_start3A_37 = tpu.memref_slice %arg13[%add3A_21, %dma_start3A] : memref<10240x128xf32, #tpu.memory_space<vmem_shared>> -> memref<128x128xf32, #tpu.memory_space<vmem_shared>>
      %dma_start3A_38 = arith.constant 0 : i32
      %dma_start3A_39 = tpu.memref_slice %arg13[%add3A_21, %dma_start3A_38] : memref<10240x128xf32, #tpu.memory_space<vmem_shared>> -> memref<128x128xf32, #tpu.memory_space<vmem_shared>>
      tpu.enqueue_dma source(%arg12 : memref<128x128xf32, #tpu.memory_space<vmem>>) target(%dma_start3A_39 : memref<128x128xf32, #tpu.memory_space<vmem_shared>>) target_semaphore(%run_scoped3A : memref<!tpu.dma_semaphore, #tpu.memory_space<semaphore_mem>>)
      %dma_wait3A = arith.constant 0 : i32
      %dma_wait3A_40 = tpu.memref_slice %arg13[%add3A_21, %dma_wait3A] : memref<10240x128xf32, #tpu.memory_space<vmem_shared>> -> memref<128x128xf32, #tpu.memory_space<vmem_shared>>
      %dma_wait3A_41 = arith.constant 0 : i32
      %dma_wait3A_42 = tpu.memref_slice %arg13[%add3A_21, %dma_wait3A_41] : memref<10240x128xf32, #tpu.memory_space<vmem_shared>> -> memref<128x128xf32, #tpu.memory_space<vmem_shared>>
      tpu.wait_dma2 semaphore(%run_scoped3A : memref<!tpu.dma_semaphore, #tpu.memory_space<semaphore_mem>>) src(%arg12 : memref<128x128xf32, #tpu.memory_space<vmem>>) dst(%dma_wait3A_42 : memref<128x128xf32, #tpu.memory_space<vmem_shared>>)
      tpu.yield
    }) : () -> ()
    %mul3A_22 = arith.constant 640 : i32
    %mul3A_23 = arith.muli %arg1, %mul3A_22 : i32
    %add3A_24 = arith.constant 512 : i32
    %add3A_25 = arith.addi %mul3A_23, %add3A_24 : i32
    "tpu.region"() ({
      %run_scoped3A = tpu.sem_alloc : memref<!tpu.dma_semaphore, #tpu.memory_space<semaphore_mem>>
      %dma_start3A = arith.constant 0 : i32
      %dma_start3A_37 = tpu.memref_slice %arg13[%add3A_25, %dma_start3A] : memref<10240x128xf32, #tpu.memory_space<vmem_shared>> -> memref<128x128xf32, #tpu.memory_space<vmem_shared>>
      %dma_start3A_38 = arith.constant 0 : i32
      %dma_start3A_39 = tpu.memref_slice %arg13[%add3A_25, %dma_start3A_38] : memref<10240x128xf32, #tpu.memory_space<vmem_shared>> -> memref<128x128xf32, #tpu.memory_space<vmem_shared>>
      tpu.enqueue_dma source(%arg12 : memref<128x128xf32, #tpu.memory_space<vmem>>) target(%dma_start3A_39 : memref<128x128xf32, #tpu.memory_space<vmem_shared>>) target_semaphore(%run_scoped3A : memref<!tpu.dma_semaphore, #tpu.memory_space<semaphore_mem>>)
      %dma_wait3A = arith.constant 0 : i32
      %dma_wait3A_40 = tpu.memref_slice %arg13[%add3A_25, %dma_wait3A] : memref<10240x128xf32, #tpu.memory_space<vmem_shared>> -> memref<128x128xf32, #tpu.memory_space<vmem_shared>>
      %dma_wait3A_41 = arith.constant 0 : i32
      %dma_wait3A_42 = tpu.memref_slice %arg13[%add3A_25, %dma_wait3A_41] : memref<10240x128xf32, #tpu.memory_space<vmem_shared>> -> memref<128x128xf32, #tpu.memory_space<vmem_shared>>
      tpu.wait_dma2 semaphore(%run_scoped3A : memref<!tpu.dma_semaphore, #tpu.memory_space<semaphore_mem>>) src(%arg12 : memref<128x128xf32, #tpu.memory_space<vmem>>) dst(%dma_wait3A_42 : memref<128x128xf32, #tpu.memory_space<vmem_shared>>)
      tpu.yield
    }) : () -> ()
    %barrier3A = arith.constant 0 : index
    tpu.barrier barrier_id(%barrier3A)
    %scan3A_26 = arith.constant 0 : i32
    %scan3A_27 = arith.constant 0 : i32
    %scan3A_28 = arith.constant 125 : i32
    %scan3A_29 = arith.addi %scan3A_27, %scan3A_28 : i32
    %scan3A_30 = arith.constant 1 : i32
    scf.for %scan3A_37 = %scan3A_27 to %scan3A_29 step %scan3A_30  : i32 {
      %mul3A_38 = arith.constant 10000 : i32
      %mul3A_39 = arith.muli %add3A, %mul3A_38 : i32
      %mul3A_40 = arith.constant 80 : i32
      %mul3A_41 = arith.muli %scan3A_37, %mul3A_40 : i32
      %add3A_42 = arith.addi %mul3A_39, %mul3A_41 : i32
      "tpu.region"() ({
        %run_scoped3A = tpu.sem_alloc : memref<!tpu.dma_semaphore, #tpu.memory_space<semaphore_mem>>
        %dma_start3A_53 = tpu.memref_slice %arg4[%add3A_42] : memref<320000xi32, #tpu.memory_space<hbm>> -> memref<80xi32, #tpu.memory_space<hbm>>
        %dma_start3A_54 = tpu.memref_slice %arg4[%add3A_42] : memref<320000xi32, #tpu.memory_space<hbm>> -> memref<80xi32, #tpu.memory_space<hbm>>
        tpu.enqueue_dma source(%dma_start3A_54 : memref<80xi32, #tpu.memory_space<hbm>>) target(%arg7 : memref<80xi32, #tpu.memory_space<vmem>>) target_semaphore(%run_scoped3A : memref<!tpu.dma_semaphore, #tpu.memory_space<semaphore_mem>>)
        %dma_wait3A_55 = tpu.memref_slice %arg4[%add3A_42] : memref<320000xi32, #tpu.memory_space<hbm>> -> memref<80xi32, #tpu.memory_space<hbm>>
        %dma_wait3A_56 = tpu.memref_slice %arg4[%add3A_42] : memref<320000xi32, #tpu.memory_space<hbm>> -> memref<80xi32, #tpu.memory_space<hbm>>
        tpu.wait_dma2 semaphore(%run_scoped3A : memref<!tpu.dma_semaphore, #tpu.memory_space<semaphore_mem>>) src(%dma_wait3A_56 : memref<80xi32, #tpu.memory_space<hbm>>) dst(%arg7 : memref<80xi32, #tpu.memory_space<vmem>>)
        tpu.yield
      }) : () -> ()
      "tpu.region"() ({
        %run_scoped3A = tpu.sem_alloc : memref<!tpu.dma_semaphore, #tpu.memory_space<semaphore_mem>>
        %dma_start3A_53 = tpu.memref_slice %arg5[%add3A_42] : memref<320000xi32, #tpu.memory_space<hbm>> -> memref<80xi32, #tpu.memory_space<hbm>>
        %dma_start3A_54 = tpu.memref_slice %arg5[%add3A_42] : memref<320000xi32, #tpu.memory_space<hbm>> -> memref<80xi32, #tpu.memory_space<hbm>>
        tpu.enqueue_dma source(%dma_start3A_54 : memref<80xi32, #tpu.memory_space<hbm>>) target(%arg8 : memref<80xi32, #tpu.memory_space<vmem>>) target_semaphore(%run_scoped3A : memref<!tpu.dma_semaphore, #tpu.memory_space<semaphore_mem>>)
        %dma_wait3A_55 = tpu.memref_slice %arg5[%add3A_42] : memref<320000xi32, #tpu.memory_space<hbm>> -> memref<80xi32, #tpu.memory_space<hbm>>
        %dma_wait3A_56 = tpu.memref_slice %arg5[%add3A_42] : memref<320000xi32, #tpu.memory_space<hbm>> -> memref<80xi32, #tpu.memory_space<hbm>>
        tpu.wait_dma2 semaphore(%run_scoped3A : memref<!tpu.dma_semaphore, #tpu.memory_space<semaphore_mem>>) src(%dma_wait3A_56 : memref<80xi32, #tpu.memory_space<hbm>>) dst(%arg8 : memref<80xi32, #tpu.memory_space<vmem>>)
        tpu.yield
      }) : () -> ()
      "tpu.region"() ({
        %run_scoped3A = tpu.sem_alloc : memref<!tpu.dma_semaphore, #tpu.memory_space<semaphore_mem>>
        %dma_start3A_53 = arith.constant 0 : i32
        %dma_start3A_54 = tpu.memref_slice %arg3[%add3A_42, %dma_start3A_53] : memref<320000x64xf32, #tpu.memory_space<hbm>> -> memref<80x64xf32, #tpu.memory_space<hbm>>
        %dma_start3A_55 = arith.constant 0 : i32
        %dma_start3A_56 = tpu.memref_slice %arg3[%add3A_42, %dma_start3A_55] : memref<320000x64xf32, #tpu.memory_space<hbm>> -> memref<80x64xf32, #tpu.memory_space<hbm>>
        tpu.enqueue_dma source(%dma_start3A_56 : memref<80x64xf32, #tpu.memory_space<hbm>>) target(%arg11 : memref<80x64xf32, #tpu.memory_space<vmem>>) target_semaphore(%run_scoped3A : memref<!tpu.dma_semaphore, #tpu.memory_space<semaphore_mem>>)
        %dma_wait3A_57 = arith.constant 0 : i32
        %dma_wait3A_58 = tpu.memref_slice %arg3[%add3A_42, %dma_wait3A_57] : memref<320000x64xf32, #tpu.memory_space<hbm>> -> memref<80x64xf32, #tpu.memory_space<hbm>>
        %dma_wait3A_59 = arith.constant 0 : i32
        %dma_wait3A_60 = tpu.memref_slice %arg3[%add3A_42, %dma_wait3A_59] : memref<320000x64xf32, #tpu.memory_space<hbm>> -> memref<80x64xf32, #tpu.memory_space<hbm>>
        tpu.wait_dma2 semaphore(%run_scoped3A : memref<!tpu.dma_semaphore, #tpu.memory_space<semaphore_mem>>) src(%dma_wait3A_60 : memref<80x64xf32, #tpu.memory_space<hbm>>) dst(%arg11 : memref<80x64xf32, #tpu.memory_space<vmem>>)
        tpu.yield
      }) : () -> ()
      %dma_start3A = arith.constant 0 : i32
      %dma_start3A_43 = arith.constant 0 : i32
      %dma_start3A_44 = tpu.memref_slice %arg2[%dma_start3A, %dma_start3A_43] : memref<10000x128xf32, #tpu.memory_space<hbm>> -> memref<10000x128xf32, #tpu.memory_space<hbm>>
      tpu.enqueue_indirect_dma source(%dma_start3A_44 : memref<10000x128xf32, #tpu.memory_space<hbm>>) target(%arg9 : memref<80x128xf32, #tpu.memory_space<vmem>>) offsets(%arg7 : memref<80xi32, #tpu.memory_space<vmem>>) semaphore(%arg14 : memref<!tpu.dma_semaphore, #tpu.memory_space<semaphore_mem>>)
      %dma_wait3A = arith.constant 0 : i32
      %dma_wait3A_45 = arith.constant 0 : i32
      %dma_wait3A_46 = tpu.memref_slice %arg2[%dma_wait3A, %dma_wait3A_45] : memref<10000x128xf32, #tpu.memory_space<hbm>> -> memref<10000x128xf32, #tpu.memory_space<hbm>>
      tpu.wait_indirect_dma semaphore(%arg14 : memref<!tpu.dma_semaphore, #tpu.memory_space<semaphore_mem>>) src(%dma_wait3A_46 : memref<10000x128xf32, #tpu.memory_space<hbm>>) dst(%arg9 : memref<80x128xf32, #tpu.memory_space<vmem>>)
      %scan3A_47 = arith.constant 0 : i32
      %scan3A_48 = arith.constant 0 : i32
      %scan3A_49 = arith.constant 80 : i32
      %scan3A_50 = arith.addi %scan3A_48, %scan3A_49 : i32
      %scan3A_51 = arith.constant 1 : i32
      scf.for %scan3A_53 = %scan3A_48 to %scan3A_50 step %scan3A_51  : i32 {
        %get3A = arith.index_cast %scan3A_53 : i32 to index
        %get3A_54 = arith.constant 0 : index
        %get3A_55 = tpu.vector_load %arg11[%get3A, %get3A_54] {strides = array<i32>} : memref<80x64xf32, #tpu.memory_space<vmem>>, vector<1x16xf32>,
        %get3A_56 = vector.shape_cast %get3A_55 : vector<1x16xf32> to vector<16xf32>
        %get3A_57 = arith.index_cast %scan3A_53 : i32 to index
        %get3A_58 = arith.constant 0 : index
        %get3A_59 = tpu.vector_load %arg9[%get3A_57, %get3A_58] {strides = array<i32>} : memref<80x128xf32, #tpu.memory_space<vmem>>, vector<1x16xf32>,
        %get3A_60 = vector.shape_cast %get3A_59 : vector<1x16xf32> to vector<16xf32>
        %mul3A_61 = arith.mulf %get3A_60, %get3A_56 : vector<16xf32>
        %swap3A = arith.index_cast %scan3A_53 : i32 to index
        %swap3A_62 = arith.constant 0 : index
        %swap3A_63 = tpu.vector_load %arg10[%swap3A, %swap3A_62] {strides = array<i32>} : memref<80x128xf32, #tpu.memory_space<vmem>>, vector<1x16xf32>,
        %swap3A_64 = vector.shape_cast %swap3A_63 : vector<1x16xf32> to vector<16xf32>
        %swap3A_65 = vector.shape_cast %mul3A_61 : vector<16xf32> to vector<1x16xf32>
        tpu.vector_store %arg10[%swap3A, %swap3A_62], %swap3A_65 {strides = array<i32>} : memref<80x128xf32, #tpu.memory_space<vmem>>, vector<1x16xf32>,
        %get3A_66 = arith.index_cast %scan3A_53 : i32 to index
        %get3A_67 = arith.constant 16 : index
        %get3A_68 = tpu.vector_load %arg9[%get3A_66, %get3A_67] {strides = array<i32>} : memref<80x128xf32, #tpu.memory_space<vmem>>, vector<1x16xf32>,
        %get3A_69 = vector.shape_cast %get3A_68 : vector<1x16xf32> to vector<16xf32>
        %mul3A_70 = arith.mulf %get3A_69, %get3A_56 : vector<16xf32>
        %swap3A_71 = arith.index_cast %scan3A_53 : i32 to index
        %swap3A_72 = arith.constant 16 : index
        %swap3A_73 = tpu.vector_load %arg10[%swap3A_71, %swap3A_72] {strides = array<i32>} : memref<80x128xf32, #tpu.memory_space<vmem>>, vector<1x16xf32>,
        %swap3A_74 = vector.shape_cast %swap3A_73 : vector<1x16xf32> to vector<16xf32>
        %swap3A_75 = vector.shape_cast %mul3A_70 : vector<16xf32> to vector<1x16xf32>
        tpu.vector_store %arg10[%swap3A_71, %swap3A_72], %swap3A_75 {strides = array<i32>} : memref<80x128xf32, #tpu.memory_space<vmem>>, vector<1x16xf32>,
        %get3A_76 = arith.index_cast %scan3A_53 : i32 to index
        %get3A_77 = arith.constant 32 : index
        %get3A_78 = tpu.vector_load %arg9[%get3A_76, %get3A_77] {strides = array<i32>} : memref<80x128xf32, #tpu.memory_space<vmem>>, vector<1x16xf32>,
        %get3A_79 = vector.shape_cast %get3A_78 : vector<1x16xf32> to vector<16xf32>
        %mul3A_80 = arith.mulf %get3A_79, %get3A_56 : vector<16xf32>
        %swap3A_81 = arith.index_cast %scan3A_53 : i32 to index
        %swap3A_82 = arith.constant 32 : index
        %swap3A_83 = tpu.vector_load %arg10[%swap3A_81, %swap3A_82] {strides = array<i32>} : memref<80x128xf32, #tpu.memory_space<vmem>>, vector<1x16xf32>,
        %swap3A_84 = vector.shape_cast %swap3A_83 : vector<1x16xf32> to vector<16xf32>
        %swap3A_85 = vector.shape_cast %mul3A_80 : vector<16xf32> to vector<1x16xf32>
        tpu.vector_store %arg10[%swap3A_81, %swap3A_82], %swap3A_85 {strides = array<i32>} : memref<80x128xf32, #tpu.memory_space<vmem>>, vector<1x16xf32>,
        %get3A_86 = arith.index_cast %scan3A_53 : i32 to index
        %get3A_87 = arith.constant 48 : index
        %get3A_88 = tpu.vector_load %arg9[%get3A_86, %get3A_87] {strides = array<i32>} : memref<80x128xf32, #tpu.memory_space<vmem>>, vector<1x16xf32>,
        %get3A_89 = vector.shape_cast %get3A_88 : vector<1x16xf32> to vector<16xf32>
        %mul3A_90 = arith.mulf %get3A_89, %get3A_56 : vector<16xf32>
        %swap3A_91 = arith.index_cast %scan3A_53 : i32 to index
        %swap3A_92 = arith.constant 48 : index
        %swap3A_93 = tpu.vector_load %arg10[%swap3A_91, %swap3A_92] {strides = array<i32>} : memref<80x128xf32, #tpu.memory_space<vmem>>, vector<1x16xf32>,
        %swap3A_94 = vector.shape_cast %swap3A_93 : vector<1x16xf32> to vector<16xf32>
        %swap3A_95 = vector.shape_cast %mul3A_90 : vector<16xf32> to vector<1x16xf32>
        tpu.vector_store %arg10[%swap3A_91, %swap3A_92], %swap3A_95 {strides = array<i32>} : memref<80x128xf32, #tpu.memory_space<vmem>>, vector<1x16xf32>,
        %get3A_96 = arith.index_cast %scan3A_53 : i32 to index
        %get3A_97 = arith.constant 64 : index
        %get3A_98 = tpu.vector_load %arg9[%get3A_96, %get3A_97] {strides = array<i32>} : memref<80x128xf32, #tpu.memory_space<vmem>>, vector<1x16xf32>,
        %get3A_99 = vector.shape_cast %get3A_98 : vector<1x16xf32> to vector<16xf32>
        %mul3A_100 = arith.mulf %get3A_99, %get3A_56 : vector<16xf32>
        %swap3A_101 = arith.index_cast %scan3A_53 : i32 to index
        %swap3A_102 = arith.constant 64 : index
        %swap3A_103 = tpu.vector_load %arg10[%swap3A_101, %swap3A_102] {strides = array<i32>} : memref<80x128xf32, #tpu.memory_space<vmem>>, vector<1x16xf32>,
        %swap3A_104 = vector.shape_cast %swap3A_103 : vector<1x16xf32> to vector<16xf32>
        %swap3A_105 = vector.shape_cast %mul3A_100 : vector<16xf32> to vector<1x16xf32>
        tpu.vector_store %arg10[%swap3A_101, %swap3A_102], %swap3A_105 {strides = array<i32>} : memref<80x128xf32, #tpu.memory_space<vmem>>, vector<1x16xf32>,
        %get3A_106 = arith.index_cast %scan3A_53 : i32 to index
        %get3A_107 = arith.constant 80 : index
        %get3A_108 = tpu.vector_load %arg9[%get3A_106, %get3A_107] {strides = array<i32>} : memref<80x128xf32, #tpu.memory_space<vmem>>, vector<1x16xf32>,
        %get3A_109 = vector.shape_cast %get3A_108 : vector<1x16xf32> to vector<16xf32>
        %mul3A_110 = arith.mulf %get3A_109, %get3A_56 : vector<16xf32>
        %swap3A_111 = arith.index_cast %scan3A_53 : i32 to index
        %swap3A_112 = arith.constant 80 : index
        %swap3A_113 = tpu.vector_load %arg10[%swap3A_111, %swap3A_112] {strides = array<i32>} : memref<80x128xf32, #tpu.memory_space<vmem>>, vector<1x16xf32>,
        %swap3A_114 = vector.shape_cast %swap3A_113 : vector<1x16xf32> to vector<16xf32>
        %swap3A_115 = vector.shape_cast %mul3A_110 : vector<16xf32> to vector<1x16xf32>
        tpu.vector_store %arg10[%swap3A_111, %swap3A_112], %swap3A_115 {strides = array<i32>} : memref<80x128xf32, #tpu.memory_space<vmem>>, vector<1x16xf32>,
        %get3A_116 = arith.index_cast %scan3A_53 : i32 to index
        %get3A_117 = arith.constant 96 : index
        %get3A_118 = tpu.vector_load %arg9[%get3A_116, %get3A_117] {strides = array<i32>} : memref<80x128xf32, #tpu.memory_space<vmem>>, vector<1x16xf32>,
        %get3A_119 = vector.shape_cast %get3A_118 : vector<1x16xf32> to vector<16xf32>
        %mul3A_120 = arith.mulf %get3A_119, %get3A_56 : vector<16xf32>
        %swap3A_121 = arith.index_cast %scan3A_53 : i32 to index
        %swap3A_122 = arith.constant 96 : index
        %swap3A_123 = tpu.vector_load %arg10[%swap3A_121, %swap3A_122] {strides = array<i32>} : memref<80x128xf32, #tpu.memory_space<vmem>>, vector<1x16xf32>,
        %swap3A_124 = vector.shape_cast %swap3A_123 : vector<1x16xf32> to vector<16xf32>
        %swap3A_125 = vector.shape_cast %mul3A_120 : vector<16xf32> to vector<1x16xf32>
        tpu.vector_store %arg10[%swap3A_121, %swap3A_122], %swap3A_125 {strides = array<i32>} : memref<80x128xf32, #tpu.memory_space<vmem>>, vector<1x16xf32>,
        %get3A_126 = arith.index_cast %scan3A_53 : i32 to index
        %get3A_127 = arith.constant 112 : index
        %get3A_128 = tpu.vector_load %arg9[%get3A_126, %get3A_127] {strides = array<i32>} : memref<80x128xf32, #tpu.memory_space<vmem>>, vector<1x16xf32>,
        %get3A_129 = vector.shape_cast %get3A_128 : vector<1x16xf32> to vector<16xf32>
        %mul3A_130 = arith.mulf %get3A_129, %get3A_56 : vector<16xf32>
        %swap3A_131 = arith.index_cast %scan3A_53 : i32 to index
        %swap3A_132 = arith.constant 112 : index
        %swap3A_133 = tpu.vector_load %arg10[%swap3A_131, %swap3A_132] {strides = array<i32>} : memref<80x128xf32, #tpu.memory_space<vmem>>, vector<1x16xf32>,
        %swap3A_134 = vector.shape_cast %swap3A_133 : vector<1x16xf32> to vector<16xf32>
        %swap3A_135 = vector.shape_cast %mul3A_130 : vector<16xf32> to vector<1x16xf32>
        tpu.vector_store %arg10[%swap3A_131, %swap3A_132], %swap3A_135 {strides = array<i32>} : memref<80x128xf32, #tpu.memory_space<vmem>>, vector<1x16xf32>,
      }
      %scan3A_52 = arith.constant 80 : i32
      "tpu.region"() ({
        %run_scoped3A = tpu.sem_alloc : memref<!tpu.dma_semaphore, #tpu.memory_space<semaphore_mem>>
        %dma_start3A_53 = arith.constant 0 : i32
        %dma_start3A_54 = arith.constant 0 : i32
        %dma_start3A_55 = tpu.memref_slice %arg13[%dma_start3A_53, %dma_start3A_54] : memref<10240x128xf32, #tpu.memory_space<vmem_shared>> -> memref<10240x128xf32, #tpu.memory_space<vmem_shared>>
        tpu.enqueue_indirect_dma source(%arg10 : memref<80x128xf32, #tpu.memory_space<vmem>>) target(%dma_start3A_55 : memref<10240x128xf32, #tpu.memory_space<vmem_shared>>) offsets(%arg8 : memref<80xi32, #tpu.memory_space<vmem>>) semaphore(%run_scoped3A : memref<!tpu.dma_semaphore, #tpu.memory_space<semaphore_mem>>) {add = true}
        %dma_wait3A_56 = arith.constant 0 : i32
        %dma_wait3A_57 = arith.constant 0 : i32
        %dma_wait3A_58 = tpu.memref_slice %arg13[%dma_wait3A_56, %dma_wait3A_57] : memref<10240x128xf32, #tpu.memory_space<vmem_shared>> -> memref<10240x128xf32, #tpu.memory_space<vmem_shared>>
        tpu.wait_indirect_dma semaphore(%run_scoped3A : memref<!tpu.dma_semaphore, #tpu.memory_space<semaphore_mem>>) src(%arg10 : memref<80x128xf32, #tpu.memory_space<vmem>>) dst(%dma_wait3A_58 : memref<10240x128xf32, #tpu.memory_space<vmem_shared>>)
        tpu.yield
      }) : () -> ()
    }
    %scan3A_31 = arith.constant 125 : i32
    %barrier3A_32 = arith.constant 0 : index
    tpu.barrier barrier_id(%barrier3A_32)
    %mul3A_33 = arith.constant 640 : i32
    %mul3A_34 = arith.muli %arg1, %mul3A_33 : i32
    %mul3A_35 = arith.constant 640 : i32
    %mul3A_36 = arith.muli %arg1, %mul3A_35 : i32
    "tpu.region"() ({
      %run_scoped3A = tpu.sem_alloc : memref<!tpu.dma_semaphore, #tpu.memory_space<semaphore_mem>>
      %dma_start3A = arith.constant 0 : i32
      %dma_start3A_37 = tpu.memref_slice %arg6[%arg0, %mul3A_36, %dma_start3A] : memref<2x10240x128xf32, #tpu.memory_space<hbm>> -> memref<1x640x128xf32, #tpu.memory_space<hbm>>
      %dma_start3A_38 = tpu.memref_squeeze %dma_start3A_37 : memref<1x640x128xf32, #tpu.memory_space<hbm>> -> memref<640x128xf32, #tpu.memory_space<hbm>>
      %dma_start3A_39 = arith.constant 0 : i32
      %dma_start3A_40 = tpu.memref_slice %arg13[%mul3A_34, %dma_start3A_39] : memref<10240x128xf32, #tpu.memory_space<vmem_shared>> -> memref<640x128xf32, #tpu.memory_space<vmem_shared>>
      tpu.enqueue_dma source(%dma_start3A_40 : memref<640x128xf32, #tpu.memory_space<vmem_shared>>) target(%dma_start3A_38 : memref<640x128xf32, #tpu.memory_space<hbm>>) target_semaphore(%run_scoped3A : memref<!tpu.dma_semaphore, #tpu.memory_space<semaphore_mem>>)
      %dma_wait3A = arith.constant 0 : i32
      %dma_wait3A_41 = tpu.memref_slice %arg6[%arg0, %mul3A_36, %dma_wait3A] : memref<2x10240x128xf32, #tpu.memory_space<hbm>> -> memref<1x640x128xf32, #tpu.memory_space<hbm>>
      %dma_wait3A_42 = tpu.memref_squeeze %dma_wait3A_41 : memref<1x640x128xf32, #tpu.memory_space<hbm>> -> memref<640x128xf32, #tpu.memory_space<hbm>>
      %dma_wait3A_43 = arith.constant 0 : i32
      %dma_wait3A_44 = tpu.memref_slice %arg13[%mul3A_34, %dma_wait3A_43] : memref<10240x128xf32, #tpu.memory_space<vmem_shared>> -> memref<640x128xf32, #tpu.memory_space<vmem_shared>>
      tpu.wait_dma2 semaphore(%run_scoped3A : memref<!tpu.dma_semaphore, #tpu.memory_space<semaphore_mem>>) src(%dma_wait3A_44 : memref<640x128xf32, #tpu.memory_space<vmem_shared>>) dst(%dma_wait3A_42 : memref<640x128xf32, #tpu.memory_space<hbm>>)
      tpu.yield
    }) : () -> ()
    return
  }
}

#map = affine_map<(d0, d1) -> (0, 0)>
#map1 = affine_map<(d0, d1) -> (0)>
#map2 = affine_map<(d0, d1) -> (0, 0, 0)>
module attributes {stable_mosaic.version = 14 : i64} {
  func.func @k(%arg0: i32, %arg1: i32, %arg2: memref<10000x128xf32, #tpu.memory_space<hbm>>, %arg3: memref<320000xi32, #tpu.memory_space<hbm>>, %arg4: memref<320000xi32, #tpu.memory_space<hbm>>, %arg5: memref<2x10240x128xf32, #tpu.memory_space<hbm>>, %arg6: memref<80xi32, #tpu.memory_space<vmem>>, %arg7: memref<80xi32, #tpu.memory_space<vmem>>, %arg8: memref<80x128xf32, #tpu.memory_space<vmem>>, %arg9: memref<128x128xf32, #tpu.memory_space<vmem>>, %arg10: memref<10240x128xf32, #tpu.memory_space<vmem_shared>>, %arg11: memref<!tpu.dma_semaphore, #tpu.memory_space<semaphore_mem>>) attributes {dimension_semantics = [#tpu.dimension_semantics<core_parallel>, #tpu.dimension_semantics<subcore_parallel>], iteration_bounds = array<i64: 2, 16>, scalar_prefetch = 0 : i64, scratch_operands = 6 : i64, tpu.core_type = #tpu.core_type<sc_vector_subcore>, window_params = [{transform_indices = #map}, {transform_indices = #map1}, {transform_indices = #map1}, {transform_indices = #map2}]} {
    %mul3A = arith.constant 16 : i32
    %mul3A_0 = arith.muli %arg0, %mul3A : i32
    %add3A = arith.addi %mul3A_0, %arg1 : i32
    %scan3A = arith.constant 0 : i32
    %scan3A_1 = arith.constant 0 : i32
    %scan3A_2 = arith.constant 128 : i32
    %scan3A_3 = arith.addi %scan3A_1, %scan3A_2 : i32
    %scan3A_4 = arith.constant 1 : i32
    scf.for %scan3A_37 = %scan3A_1 to %scan3A_3 step %scan3A_4  : i32 {
      %broadcast_in_dim3A = arith.constant 0.000000e+00 : f32
      %broadcast_in_dim3A_38 = vector.broadcast %broadcast_in_dim3A : f32 to vector<16xf32>
      %swap3A = arith.index_cast %scan3A_37 : i32 to index
      %swap3A_39 = arith.constant 0 : index
      %swap3A_40 = tpu.vector_load %arg9[%swap3A, %swap3A_39] {strides = array<i32>} : memref<128x128xf32, #tpu.memory_space<vmem>>, vector<1x16xf32>,
      %swap3A_41 = vector.shape_cast %swap3A_40 : vector<1x16xf32> to vector<16xf32>
      %swap3A_42 = vector.shape_cast %broadcast_in_dim3A_38 : vector<16xf32> to vector<1x16xf32>
      tpu.vector_store %arg9[%swap3A, %swap3A_39], %swap3A_42 {strides = array<i32>} : memref<128x128xf32, #tpu.memory_space<vmem>>, vector<1x16xf32>,
      %broadcast_in_dim3A_43 = arith.constant 0.000000e+00 : f32
      %broadcast_in_dim3A_44 = vector.broadcast %broadcast_in_dim3A_43 : f32 to vector<16xf32>
      %swap3A_45 = arith.index_cast %scan3A_37 : i32 to index
      %swap3A_46 = arith.constant 16 : index
      %swap3A_47 = tpu.vector_load %arg9[%swap3A_45, %swap3A_46] {strides = array<i32>} : memref<128x128xf32, #tpu.memory_space<vmem>>, vector<1x16xf32>,
      %swap3A_48 = vector.shape_cast %swap3A_47 : vector<1x16xf32> to vector<16xf32>
      %swap3A_49 = vector.shape_cast %broadcast_in_dim3A_44 : vector<16xf32> to vector<1x16xf32>
      tpu.vector_store %arg9[%swap3A_45, %swap3A_46], %swap3A_49 {strides = array<i32>} : memref<128x128xf32, #tpu.memory_space<vmem>>, vector<1x16xf32>,
      %broadcast_in_dim3A_50 = arith.constant 0.000000e+00 : f32
      %broadcast_in_dim3A_51 = vector.broadcast %broadcast_in_dim3A_50 : f32 to vector<16xf32>
      %swap3A_52 = arith.index_cast %scan3A_37 : i32 to index
      %swap3A_53 = arith.constant 32 : index
      %swap3A_54 = tpu.vector_load %arg9[%swap3A_52, %swap3A_53] {strides = array<i32>} : memref<128x128xf32, #tpu.memory_space<vmem>>, vector<1x16xf32>,
      %swap3A_55 = vector.shape_cast %swap3A_54 : vector<1x16xf32> to vector<16xf32>
      %swap3A_56 = vector.shape_cast %broadcast_in_dim3A_51 : vector<16xf32> to vector<1x16xf32>
      tpu.vector_store %arg9[%swap3A_52, %swap3A_53], %swap3A_56 {strides = array<i32>} : memref<128x128xf32, #tpu.memory_space<vmem>>, vector<1x16xf32>,
      %broadcast_in_dim3A_57 = arith.constant 0.000000e+00 : f32
      %broadcast_in_dim3A_58 = vector.broadcast %broadcast_in_dim3A_57 : f32 to vector<16xf32>
      %swap3A_59 = arith.index_cast %scan3A_37 : i32 to index
      %swap3A_60 = arith.constant 48 : index
      %swap3A_61 = tpu.vector_load %arg9[%swap3A_59, %swap3A_60] {strides = array<i32>} : memref<128x128xf32, #tpu.memory_space<vmem>>, vector<1x16xf32>,
      %swap3A_62 = vector.shape_cast %swap3A_61 : vector<1x16xf32> to vector<16xf32>
      %swap3A_63 = vector.shape_cast %broadcast_in_dim3A_58 : vector<16xf32> to vector<1x16xf32>
      tpu.vector_store %arg9[%swap3A_59, %swap3A_60], %swap3A_63 {strides = array<i32>} : memref<128x128xf32, #tpu.memory_space<vmem>>, vector<1x16xf32>,
      %broadcast_in_dim3A_64 = arith.constant 0.000000e+00 : f32
      %broadcast_in_dim3A_65 = vector.broadcast %broadcast_in_dim3A_64 : f32 to vector<16xf32>
      %swap3A_66 = arith.index_cast %scan3A_37 : i32 to index
      %swap3A_67 = arith.constant 64 : index
      %swap3A_68 = tpu.vector_load %arg9[%swap3A_66, %swap3A_67] {strides = array<i32>} : memref<128x128xf32, #tpu.memory_space<vmem>>, vector<1x16xf32>,
      %swap3A_69 = vector.shape_cast %swap3A_68 : vector<1x16xf32> to vector<16xf32>
      %swap3A_70 = vector.shape_cast %broadcast_in_dim3A_65 : vector<16xf32> to vector<1x16xf32>
      tpu.vector_store %arg9[%swap3A_66, %swap3A_67], %swap3A_70 {strides = array<i32>} : memref<128x128xf32, #tpu.memory_space<vmem>>, vector<1x16xf32>,
      %broadcast_in_dim3A_71 = arith.constant 0.000000e+00 : f32
      %broadcast_in_dim3A_72 = vector.broadcast %broadcast_in_dim3A_71 : f32 to vector<16xf32>
      %swap3A_73 = arith.index_cast %scan3A_37 : i32 to index
      %swap3A_74 = arith.constant 80 : index
      %swap3A_75 = tpu.vector_load %arg9[%swap3A_73, %swap3A_74] {strides = array<i32>} : memref<128x128xf32, #tpu.memory_space<vmem>>, vector<1x16xf32>,
      %swap3A_76 = vector.shape_cast %swap3A_75 : vector<1x16xf32> to vector<16xf32>
      %swap3A_77 = vector.shape_cast %broadcast_in_dim3A_72 : vector<16xf32> to vector<1x16xf32>
      tpu.vector_store %arg9[%swap3A_73, %swap3A_74], %swap3A_77 {strides = array<i32>} : memref<128x128xf32, #tpu.memory_space<vmem>>, vector<1x16xf32>,
      %broadcast_in_dim3A_78 = arith.constant 0.000000e+00 : f32
      %broadcast_in_dim3A_79 = vector.broadcast %broadcast_in_dim3A_78 : f32 to vector<16xf32>
      %swap3A_80 = arith.index_cast %scan3A_37 : i32 to index
      %swap3A_81 = arith.constant 96 : index
      %swap3A_82 = tpu.vector_load %arg9[%swap3A_80, %swap3A_81] {strides = array<i32>} : memref<128x128xf32, #tpu.memory_space<vmem>>, vector<1x16xf32>,
      %swap3A_83 = vector.shape_cast %swap3A_82 : vector<1x16xf32> to vector<16xf32>
      %swap3A_84 = vector.shape_cast %broadcast_in_dim3A_79 : vector<16xf32> to vector<1x16xf32>
      tpu.vector_store %arg9[%swap3A_80, %swap3A_81], %swap3A_84 {strides = array<i32>} : memref<128x128xf32, #tpu.memory_space<vmem>>, vector<1x16xf32>,
      %broadcast_in_dim3A_85 = arith.constant 0.000000e+00 : f32
      %broadcast_in_dim3A_86 = vector.broadcast %broadcast_in_dim3A_85 : f32 to vector<16xf32>
      %swap3A_87 = arith.index_cast %scan3A_37 : i32 to index
      %swap3A_88 = arith.constant 112 : index
      %swap3A_89 = tpu.vector_load %arg9[%swap3A_87, %swap3A_88] {strides = array<i32>} : memref<128x128xf32, #tpu.memory_space<vmem>>, vector<1x16xf32>,
      %swap3A_90 = vector.shape_cast %swap3A_89 : vector<1x16xf32> to vector<16xf32>
      %swap3A_91 = vector.shape_cast %broadcast_in_dim3A_86 : vector<16xf32> to vector<1x16xf32>
      tpu.vector_store %arg9[%swap3A_87, %swap3A_88], %swap3A_91 {strides = array<i32>} : memref<128x128xf32, #tpu.memory_space<vmem>>, vector<1x16xf32>,
    }
    %scan3A_5 = arith.constant 128 : i32
    %mul3A_6 = arith.constant 640 : i32
    %mul3A_7 = arith.muli %arg1, %mul3A_6 : i32
    %add3A_8 = arith.constant 0 : i32
    %add3A_9 = arith.addi %mul3A_7, %add3A_8 : i32
    "tpu.region"() ({
      %run_scoped3A = tpu.sem_alloc : memref<!tpu.dma_semaphore, #tpu.memory_space<semaphore_mem>>
      %dma_start3A = arith.constant 0 : i32
      %dma_start3A_37 = tpu.memref_slice %arg10[%add3A_9, %dma_start3A] : memref<10240x128xf32, #tpu.memory_space<vmem_shared>> -> memref<128x128xf32, #tpu.memory_space<vmem_shared>>
      %dma_start3A_38 = arith.constant 0 : i32
      %dma_start3A_39 = tpu.memref_slice %arg10[%add3A_9, %dma_start3A_38] : memref<10240x128xf32, #tpu.memory_space<vmem_shared>> -> memref<128x128xf32, #tpu.memory_space<vmem_shared>>
      tpu.enqueue_dma source(%arg9 : memref<128x128xf32, #tpu.memory_space<vmem>>) target(%dma_start3A_39 : memref<128x128xf32, #tpu.memory_space<vmem_shared>>) target_semaphore(%run_scoped3A : memref<!tpu.dma_semaphore, #tpu.memory_space<semaphore_mem>>)
      %dma_wait3A = arith.constant 0 : i32
      %dma_wait3A_40 = tpu.memref_slice %arg10[%add3A_9, %dma_wait3A] : memref<10240x128xf32, #tpu.memory_space<vmem_shared>> -> memref<128x128xf32, #tpu.memory_space<vmem_shared>>
      %dma_wait3A_41 = arith.constant 0 : i32
      %dma_wait3A_42 = tpu.memref_slice %arg10[%add3A_9, %dma_wait3A_41] : memref<10240x128xf32, #tpu.memory_space<vmem_shared>> -> memref<128x128xf32, #tpu.memory_space<vmem_shared>>
      tpu.wait_dma2 semaphore(%run_scoped3A : memref<!tpu.dma_semaphore, #tpu.memory_space<semaphore_mem>>) src(%arg9 : memref<128x128xf32, #tpu.memory_space<vmem>>) dst(%dma_wait3A_42 : memref<128x128xf32, #tpu.memory_space<vmem_shared>>)
      tpu.yield
    }) : () -> ()
    %mul3A_10 = arith.constant 640 : i32
    %mul3A_11 = arith.muli %arg1, %mul3A_10 : i32
    %add3A_12 = arith.constant 128 : i32
    %add3A_13 = arith.addi %mul3A_11, %add3A_12 : i32
    "tpu.region"() ({
      %run_scoped3A = tpu.sem_alloc : memref<!tpu.dma_semaphore, #tpu.memory_space<semaphore_mem>>
      %dma_start3A = arith.constant 0 : i32
      %dma_start3A_37 = tpu.memref_slice %arg10[%add3A_13, %dma_start3A] : memref<10240x128xf32, #tpu.memory_space<vmem_shared>> -> memref<128x128xf32, #tpu.memory_space<vmem_shared>>
      %dma_start3A_38 = arith.constant 0 : i32
      %dma_start3A_39 = tpu.memref_slice %arg10[%add3A_13, %dma_start3A_38] : memref<10240x128xf32, #tpu.memory_space<vmem_shared>> -> memref<128x128xf32, #tpu.memory_space<vmem_shared>>
      tpu.enqueue_dma source(%arg9 : memref<128x128xf32, #tpu.memory_space<vmem>>) target(%dma_start3A_39 : memref<128x128xf32, #tpu.memory_space<vmem_shared>>) target_semaphore(%run_scoped3A : memref<!tpu.dma_semaphore, #tpu.memory_space<semaphore_mem>>)
      %dma_wait3A = arith.constant 0 : i32
      %dma_wait3A_40 = tpu.memref_slice %arg10[%add3A_13, %dma_wait3A] : memref<10240x128xf32, #tpu.memory_space<vmem_shared>> -> memref<128x128xf32, #tpu.memory_space<vmem_shared>>
      %dma_wait3A_41 = arith.constant 0 : i32
      %dma_wait3A_42 = tpu.memref_slice %arg10[%add3A_13, %dma_wait3A_41] : memref<10240x128xf32, #tpu.memory_space<vmem_shared>> -> memref<128x128xf32, #tpu.memory_space<vmem_shared>>
      tpu.wait_dma2 semaphore(%run_scoped3A : memref<!tpu.dma_semaphore, #tpu.memory_space<semaphore_mem>>) src(%arg9 : memref<128x128xf32, #tpu.memory_space<vmem>>) dst(%dma_wait3A_42 : memref<128x128xf32, #tpu.memory_space<vmem_shared>>)
      tpu.yield
    }) : () -> ()
    %mul3A_14 = arith.constant 640 : i32
    %mul3A_15 = arith.muli %arg1, %mul3A_14 : i32
    %add3A_16 = arith.constant 256 : i32
    %add3A_17 = arith.addi %mul3A_15, %add3A_16 : i32
    "tpu.region"() ({
      %run_scoped3A = tpu.sem_alloc : memref<!tpu.dma_semaphore, #tpu.memory_space<semaphore_mem>>
      %dma_start3A = arith.constant 0 : i32
      %dma_start3A_37 = tpu.memref_slice %arg10[%add3A_17, %dma_start3A] : memref<10240x128xf32, #tpu.memory_space<vmem_shared>> -> memref<128x128xf32, #tpu.memory_space<vmem_shared>>
      %dma_start3A_38 = arith.constant 0 : i32
      %dma_start3A_39 = tpu.memref_slice %arg10[%add3A_17, %dma_start3A_38] : memref<10240x128xf32, #tpu.memory_space<vmem_shared>> -> memref<128x128xf32, #tpu.memory_space<vmem_shared>>
      tpu.enqueue_dma source(%arg9 : memref<128x128xf32, #tpu.memory_space<vmem>>) target(%dma_start3A_39 : memref<128x128xf32, #tpu.memory_space<vmem_shared>>) target_semaphore(%run_scoped3A : memref<!tpu.dma_semaphore, #tpu.memory_space<semaphore_mem>>)
      %dma_wait3A = arith.constant 0 : i32
      %dma_wait3A_40 = tpu.memref_slice %arg10[%add3A_17, %dma_wait3A] : memref<10240x128xf32, #tpu.memory_space<vmem_shared>> -> memref<128x128xf32, #tpu.memory_space<vmem_shared>>
      %dma_wait3A_41 = arith.constant 0 : i32
      %dma_wait3A_42 = tpu.memref_slice %arg10[%add3A_17, %dma_wait3A_41] : memref<10240x128xf32, #tpu.memory_space<vmem_shared>> -> memref<128x128xf32, #tpu.memory_space<vmem_shared>>
      tpu.wait_dma2 semaphore(%run_scoped3A : memref<!tpu.dma_semaphore, #tpu.memory_space<semaphore_mem>>) src(%arg9 : memref<128x128xf32, #tpu.memory_space<vmem>>) dst(%dma_wait3A_42 : memref<128x128xf32, #tpu.memory_space<vmem_shared>>)
      tpu.yield
    }) : () -> ()
    %mul3A_18 = arith.constant 640 : i32
    %mul3A_19 = arith.muli %arg1, %mul3A_18 : i32
    %add3A_20 = arith.constant 384 : i32
    %add3A_21 = arith.addi %mul3A_19, %add3A_20 : i32
    "tpu.region"() ({
      %run_scoped3A = tpu.sem_alloc : memref<!tpu.dma_semaphore, #tpu.memory_space<semaphore_mem>>
      %dma_start3A = arith.constant 0 : i32
      %dma_start3A_37 = tpu.memref_slice %arg10[%add3A_21, %dma_start3A] : memref<10240x128xf32, #tpu.memory_space<vmem_shared>> -> memref<128x128xf32, #tpu.memory_space<vmem_shared>>
      %dma_start3A_38 = arith.constant 0 : i32
      %dma_start3A_39 = tpu.memref_slice %arg10[%add3A_21, %dma_start3A_38] : memref<10240x128xf32, #tpu.memory_space<vmem_shared>> -> memref<128x128xf32, #tpu.memory_space<vmem_shared>>
      tpu.enqueue_dma source(%arg9 : memref<128x128xf32, #tpu.memory_space<vmem>>) target(%dma_start3A_39 : memref<128x128xf32, #tpu.memory_space<vmem_shared>>) target_semaphore(%run_scoped3A : memref<!tpu.dma_semaphore, #tpu.memory_space<semaphore_mem>>)
      %dma_wait3A = arith.constant 0 : i32
      %dma_wait3A_40 = tpu.memref_slice %arg10[%add3A_21, %dma_wait3A] : memref<10240x128xf32, #tpu.memory_space<vmem_shared>> -> memref<128x128xf32, #tpu.memory_space<vmem_shared>>
      %dma_wait3A_41 = arith.constant 0 : i32
      %dma_wait3A_42 = tpu.memref_slice %arg10[%add3A_21, %dma_wait3A_41] : memref<10240x128xf32, #tpu.memory_space<vmem_shared>> -> memref<128x128xf32, #tpu.memory_space<vmem_shared>>
      tpu.wait_dma2 semaphore(%run_scoped3A : memref<!tpu.dma_semaphore, #tpu.memory_space<semaphore_mem>>) src(%arg9 : memref<128x128xf32, #tpu.memory_space<vmem>>) dst(%dma_wait3A_42 : memref<128x128xf32, #tpu.memory_space<vmem_shared>>)
      tpu.yield
    }) : () -> ()
    %mul3A_22 = arith.constant 640 : i32
    %mul3A_23 = arith.muli %arg1, %mul3A_22 : i32
    %add3A_24 = arith.constant 512 : i32
    %add3A_25 = arith.addi %mul3A_23, %add3A_24 : i32
    "tpu.region"() ({
      %run_scoped3A = tpu.sem_alloc : memref<!tpu.dma_semaphore, #tpu.memory_space<semaphore_mem>>
      %dma_start3A = arith.constant 0 : i32
      %dma_start3A_37 = tpu.memref_slice %arg10[%add3A_25, %dma_start3A] : memref<10240x128xf32, #tpu.memory_space<vmem_shared>> -> memref<128x128xf32, #tpu.memory_space<vmem_shared>>
      %dma_start3A_38 = arith.constant 0 : i32
      %dma_start3A_39 = tpu.memref_slice %arg10[%add3A_25, %dma_start3A_38] : memref<10240x128xf32, #tpu.memory_space<vmem_shared>> -> memref<128x128xf32, #tpu.memory_space<vmem_shared>>
      tpu.enqueue_dma source(%arg9 : memref<128x128xf32, #tpu.memory_space<vmem>>) target(%dma_start3A_39 : memref<128x128xf32, #tpu.memory_space<vmem_shared>>) target_semaphore(%run_scoped3A : memref<!tpu.dma_semaphore, #tpu.memory_space<semaphore_mem>>)
      %dma_wait3A = arith.constant 0 : i32
      %dma_wait3A_40 = tpu.memref_slice %arg10[%add3A_25, %dma_wait3A] : memref<10240x128xf32, #tpu.memory_space<vmem_shared>> -> memref<128x128xf32, #tpu.memory_space<vmem_shared>>
      %dma_wait3A_41 = arith.constant 0 : i32
      %dma_wait3A_42 = tpu.memref_slice %arg10[%add3A_25, %dma_wait3A_41] : memref<10240x128xf32, #tpu.memory_space<vmem_shared>> -> memref<128x128xf32, #tpu.memory_space<vmem_shared>>
      tpu.wait_dma2 semaphore(%run_scoped3A : memref<!tpu.dma_semaphore, #tpu.memory_space<semaphore_mem>>) src(%arg9 : memref<128x128xf32, #tpu.memory_space<vmem>>) dst(%dma_wait3A_42 : memref<128x128xf32, #tpu.memory_space<vmem_shared>>)
      tpu.yield
    }) : () -> ()
    %barrier3A = arith.constant 0 : index
    tpu.barrier barrier_id(%barrier3A)
    %scan3A_26 = arith.constant 0 : i32
    %scan3A_27 = arith.constant 0 : i32
    %scan3A_28 = arith.constant 125 : i32
    %scan3A_29 = arith.addi %scan3A_27, %scan3A_28 : i32
    %scan3A_30 = arith.constant 1 : i32
    scf.for %scan3A_37 = %scan3A_27 to %scan3A_29 step %scan3A_30  : i32 {
      %mul3A_38 = arith.constant 10000 : i32
      %mul3A_39 = arith.muli %add3A, %mul3A_38 : i32
      %mul3A_40 = arith.constant 80 : i32
      %mul3A_41 = arith.muli %scan3A_37, %mul3A_40 : i32
      %add3A_42 = arith.addi %mul3A_39, %mul3A_41 : i32
      "tpu.region"() ({
        %run_scoped3A = tpu.sem_alloc : memref<!tpu.dma_semaphore, #tpu.memory_space<semaphore_mem>>
        %dma_start3A_47 = tpu.memref_slice %arg3[%add3A_42] : memref<320000xi32, #tpu.memory_space<hbm>> -> memref<80xi32, #tpu.memory_space<hbm>>
        %dma_start3A_48 = tpu.memref_slice %arg3[%add3A_42] : memref<320000xi32, #tpu.memory_space<hbm>> -> memref<80xi32, #tpu.memory_space<hbm>>
        tpu.enqueue_dma source(%dma_start3A_48 : memref<80xi32, #tpu.memory_space<hbm>>) target(%arg6 : memref<80xi32, #tpu.memory_space<vmem>>) target_semaphore(%run_scoped3A : memref<!tpu.dma_semaphore, #tpu.memory_space<semaphore_mem>>)
        %dma_wait3A_49 = tpu.memref_slice %arg3[%add3A_42] : memref<320000xi32, #tpu.memory_space<hbm>> -> memref<80xi32, #tpu.memory_space<hbm>>
        %dma_wait3A_50 = tpu.memref_slice %arg3[%add3A_42] : memref<320000xi32, #tpu.memory_space<hbm>> -> memref<80xi32, #tpu.memory_space<hbm>>
        tpu.wait_dma2 semaphore(%run_scoped3A : memref<!tpu.dma_semaphore, #tpu.memory_space<semaphore_mem>>) src(%dma_wait3A_50 : memref<80xi32, #tpu.memory_space<hbm>>) dst(%arg6 : memref<80xi32, #tpu.memory_space<vmem>>)
        tpu.yield
      }) : () -> ()
      "tpu.region"() ({
        %run_scoped3A = tpu.sem_alloc : memref<!tpu.dma_semaphore, #tpu.memory_space<semaphore_mem>>
        %dma_start3A_47 = tpu.memref_slice %arg4[%add3A_42] : memref<320000xi32, #tpu.memory_space<hbm>> -> memref<80xi32, #tpu.memory_space<hbm>>
        %dma_start3A_48 = tpu.memref_slice %arg4[%add3A_42] : memref<320000xi32, #tpu.memory_space<hbm>> -> memref<80xi32, #tpu.memory_space<hbm>>
        tpu.enqueue_dma source(%dma_start3A_48 : memref<80xi32, #tpu.memory_space<hbm>>) target(%arg7 : memref<80xi32, #tpu.memory_space<vmem>>) target_semaphore(%run_scoped3A : memref<!tpu.dma_semaphore, #tpu.memory_space<semaphore_mem>>)
        %dma_wait3A_49 = tpu.memref_slice %arg4[%add3A_42] : memref<320000xi32, #tpu.memory_space<hbm>> -> memref<80xi32, #tpu.memory_space<hbm>>
        %dma_wait3A_50 = tpu.memref_slice %arg4[%add3A_42] : memref<320000xi32, #tpu.memory_space<hbm>> -> memref<80xi32, #tpu.memory_space<hbm>>
        tpu.wait_dma2 semaphore(%run_scoped3A : memref<!tpu.dma_semaphore, #tpu.memory_space<semaphore_mem>>) src(%dma_wait3A_50 : memref<80xi32, #tpu.memory_space<hbm>>) dst(%arg7 : memref<80xi32, #tpu.memory_space<vmem>>)
        tpu.yield
      }) : () -> ()
      %dma_start3A = arith.constant 0 : i32
      %dma_start3A_43 = arith.constant 0 : i32
      %dma_start3A_44 = tpu.memref_slice %arg2[%dma_start3A, %dma_start3A_43] : memref<10000x128xf32, #tpu.memory_space<hbm>> -> memref<10000x128xf32, #tpu.memory_space<hbm>>
      tpu.enqueue_indirect_dma source(%dma_start3A_44 : memref<10000x128xf32, #tpu.memory_space<hbm>>) target(%arg8 : memref<80x128xf32, #tpu.memory_space<vmem>>) offsets(%arg6 : memref<80xi32, #tpu.memory_space<vmem>>) semaphore(%arg11 : memref<!tpu.dma_semaphore, #tpu.memory_space<semaphore_mem>>)
      %dma_wait3A = arith.constant 0 : i32
      %dma_wait3A_45 = arith.constant 0 : i32
      %dma_wait3A_46 = tpu.memref_slice %arg2[%dma_wait3A, %dma_wait3A_45] : memref<10000x128xf32, #tpu.memory_space<hbm>> -> memref<10000x128xf32, #tpu.memory_space<hbm>>
      tpu.wait_indirect_dma semaphore(%arg11 : memref<!tpu.dma_semaphore, #tpu.memory_space<semaphore_mem>>) src(%dma_wait3A_46 : memref<10000x128xf32, #tpu.memory_space<hbm>>) dst(%arg8 : memref<80x128xf32, #tpu.memory_space<vmem>>)
      "tpu.region"() ({
        %run_scoped3A = tpu.sem_alloc : memref<!tpu.dma_semaphore, #tpu.memory_space<semaphore_mem>>
        %dma_start3A_47 = arith.constant 0 : i32
        %dma_start3A_48 = arith.constant 0 : i32
        %dma_start3A_49 = tpu.memref_slice %arg10[%dma_start3A_47, %dma_start3A_48] : memref<10240x128xf32, #tpu.memory_space<vmem_shared>> -> memref<10240x128xf32, #tpu.memory_space<vmem_shared>>
        tpu.enqueue_indirect_dma source(%arg8 : memref<80x128xf32, #tpu.memory_space<vmem>>) target(%dma_start3A_49 : memref<10240x128xf32, #tpu.memory_space<vmem_shared>>) offsets(%arg7 : memref<80xi32, #tpu.memory_space<vmem>>) semaphore(%run_scoped3A : memref<!tpu.dma_semaphore, #tpu.memory_space<semaphore_mem>>) {add = true}
        %dma_wait3A_50 = arith.constant 0 : i32
        %dma_wait3A_51 = arith.constant 0 : i32
        %dma_wait3A_52 = tpu.memref_slice %arg10[%dma_wait3A_50, %dma_wait3A_51] : memref<10240x128xf32, #tpu.memory_space<vmem_shared>> -> memref<10240x128xf32, #tpu.memory_space<vmem_shared>>
        tpu.wait_indirect_dma semaphore(%run_scoped3A : memref<!tpu.dma_semaphore, #tpu.memory_space<semaphore_mem>>) src(%arg8 : memref<80x128xf32, #tpu.memory_space<vmem>>) dst(%dma_wait3A_52 : memref<10240x128xf32, #tpu.memory_space<vmem_shared>>)
        tpu.yield
      }) : () -> ()
    }
    %scan3A_31 = arith.constant 125 : i32
    %barrier3A_32 = arith.constant 0 : index
    tpu.barrier barrier_id(%barrier3A_32)
    %mul3A_33 = arith.constant 640 : i32
    %mul3A_34 = arith.muli %arg1, %mul3A_33 : i32
    %mul3A_35 = arith.constant 640 : i32
    %mul3A_36 = arith.muli %arg1, %mul3A_35 : i32
    "tpu.region"() ({
      %run_scoped3A = tpu.sem_alloc : memref<!tpu.dma_semaphore, #tpu.memory_space<semaphore_mem>>
      %dma_start3A = arith.constant 0 : i32
      %dma_start3A_37 = tpu.memref_slice %arg5[%arg0, %mul3A_36, %dma_start3A] : memref<2x10240x128xf32, #tpu.memory_space<hbm>> -> memref<1x640x128xf32, #tpu.memory_space<hbm>>
      %dma_start3A_38 = tpu.memref_squeeze %dma_start3A_37 : memref<1x640x128xf32, #tpu.memory_space<hbm>> -> memref<640x128xf32, #tpu.memory_space<hbm>>
      %dma_start3A_39 = arith.constant 0 : i32
      %dma_start3A_40 = tpu.memref_slice %arg10[%mul3A_34, %dma_start3A_39] : memref<10240x128xf32, #tpu.memory_space<vmem_shared>> -> memref<640x128xf32, #tpu.memory_space<vmem_shared>>
      tpu.enqueue_dma source(%dma_start3A_40 : memref<640x128xf32, #tpu.memory_space<vmem_shared>>) target(%dma_start3A_38 : memref<640x128xf32, #tpu.memory_space<hbm>>) target_semaphore(%run_scoped3A : memref<!tpu.dma_semaphore, #tpu.memory_space<semaphore_mem>>)
      %dma_wait3A = arith.constant 0 : i32
      %dma_wait3A_41 = tpu.memref_slice %arg5[%arg0, %mul3A_36, %dma_wait3A] : memref<2x10240x128xf32, #tpu.memory_space<hbm>> -> memref<1x640x128xf32, #tpu.memory_space<hbm>>
      %dma_wait3A_42 = tpu.memref_squeeze %dma_wait3A_41 : memref<1x640x128xf32, #tpu.memory_space<hbm>> -> memref<640x128xf32, #tpu.memory_space<hbm>>
      %dma_wait3A_43 = arith.constant 0 : i32
      %dma_wait3A_44 = tpu.memref_slice %arg10[%mul3A_34, %dma_wait3A_43] : memref<10240x128xf32, #tpu.memory_space<vmem_shared>> -> memref<640x128xf32, #tpu.memory_space<vmem_shared>>
      tpu.wait_dma2 semaphore(%run_scoped3A : memref<!tpu.dma_semaphore, #tpu.memory_space<semaphore_mem>>) src(%dma_wait3A_44 : memref<640x128xf32, #tpu.memory_space<vmem_shared>>) dst(%dma_wait3A_42 : memref<640x128xf32, #tpu.memory_space<hbm>>)
      tpu.yield
    }) : () -> ()
    return
  }
}

#map = affine_map<(d0, d1) -> (0, 0)>
#map1 = affine_map<(d0, d1) -> (0)>
#map2 = affine_map<(d0, d1) -> (0, 0, 0)>
module attributes {stable_mosaic.version = 14 : i64} {
  func.func @k(%arg0: i32, %arg1: i32, %arg2: memref<10000x128xf32, #tpu.memory_space<hbm>>, %arg3: memref<320000x64xf32, #tpu.memory_space<hbm>>, %arg4: memref<320000xi32, #tpu.memory_space<hbm>>, %arg5: memref<320000xi32, #tpu.memory_space<hbm>>, %arg6: memref<2x10240x128xf32, #tpu.memory_space<hbm>>, %arg7: memref<80xi32, #tpu.memory_space<vmem>>, %arg8: memref<80xi32, #tpu.memory_space<vmem>>, %arg9: memref<80x128xf32, #tpu.memory_space<vmem>>, %arg10: memref<80x128xf32, #tpu.memory_space<vmem>>, %arg11: memref<80x64xf32, #tpu.memory_space<vmem>>, %arg12: memref<128x128xf32, #tpu.memory_space<vmem>>, %arg13: memref<10240x128xf32, #tpu.memory_space<vmem_shared>>, %arg14: memref<!tpu.dma_semaphore, #tpu.memory_space<semaphore_mem>>) attributes {dimension_semantics = [#tpu.dimension_semantics<core_parallel>, #tpu.dimension_semantics<subcore_parallel>], iteration_bounds = array<i64: 2, 16>, scalar_prefetch = 0 : i64, scratch_operands = 8 : i64, tpu.core_type = #tpu.core_type<sc_vector_subcore>, window_params = [{transform_indices = #map}, {transform_indices = #map}, {transform_indices = #map1}, {transform_indices = #map1}, {transform_indices = #map2}]} {
    %mul3A = arith.constant 16 : i32
    %mul3A_0 = arith.muli %arg0, %mul3A : i32
    %add3A = arith.addi %mul3A_0, %arg1 : i32
    %scan3A = arith.constant 0 : i32
    %scan3A_1 = arith.constant 0 : i32
    %scan3A_2 = arith.constant 128 : i32
    %scan3A_3 = arith.addi %scan3A_1, %scan3A_2 : i32
    %scan3A_4 = arith.constant 1 : i32
    scf.for %scan3A_37 = %scan3A_1 to %scan3A_3 step %scan3A_4  : i32 {
      %broadcast_in_dim3A = arith.constant 0.000000e+00 : f32
      %broadcast_in_dim3A_38 = vector.broadcast %broadcast_in_dim3A : f32 to vector<16xf32>
      %swap3A = arith.index_cast %scan3A_37 : i32 to index
      %swap3A_39 = arith.constant 0 : index
      %swap3A_40 = tpu.vector_load %arg12[%swap3A, %swap3A_39] {strides = array<i32>} : memref<128x128xf32, #tpu.memory_space<vmem>>, vector<1x16xf32>,
      %swap3A_41 = vector.shape_cast %swap3A_40 : vector<1x16xf32> to vector<16xf32>
      %swap3A_42 = vector.shape_cast %broadcast_in_dim3A_38 : vector<16xf32> to vector<1x16xf32>
      tpu.vector_store %arg12[%swap3A, %swap3A_39], %swap3A_42 {strides = array<i32>} : memref<128x128xf32, #tpu.memory_space<vmem>>, vector<1x16xf32>,
      %broadcast_in_dim3A_43 = arith.constant 0.000000e+00 : f32
      %broadcast_in_dim3A_44 = vector.broadcast %broadcast_in_dim3A_43 : f32 to vector<16xf32>
      %swap3A_45 = arith.index_cast %scan3A_37 : i32 to index
      %swap3A_46 = arith.constant 16 : index
      %swap3A_47 = tpu.vector_load %arg12[%swap3A_45, %swap3A_46] {strides = array<i32>} : memref<128x128xf32, #tpu.memory_space<vmem>>, vector<1x16xf32>,
      %swap3A_48 = vector.shape_cast %swap3A_47 : vector<1x16xf32> to vector<16xf32>
      %swap3A_49 = vector.shape_cast %broadcast_in_dim3A_44 : vector<16xf32> to vector<1x16xf32>
      tpu.vector_store %arg12[%swap3A_45, %swap3A_46], %swap3A_49 {strides = array<i32>} : memref<128x128xf32, #tpu.memory_space<vmem>>, vector<1x16xf32>,
      %broadcast_in_dim3A_50 = arith.constant 0.000000e+00 : f32
      %broadcast_in_dim3A_51 = vector.broadcast %broadcast_in_dim3A_50 : f32 to vector<16xf32>
      %swap3A_52 = arith.index_cast %scan3A_37 : i32 to index
      %swap3A_53 = arith.constant 32 : index
      %swap3A_54 = tpu.vector_load %arg12[%swap3A_52, %swap3A_53] {strides = array<i32>} : memref<128x128xf32, #tpu.memory_space<vmem>>, vector<1x16xf32>,
      %swap3A_55 = vector.shape_cast %swap3A_54 : vector<1x16xf32> to vector<16xf32>
      %swap3A_56 = vector.shape_cast %broadcast_in_dim3A_51 : vector<16xf32> to vector<1x16xf32>
      tpu.vector_store %arg12[%swap3A_52, %swap3A_53], %swap3A_56 {strides = array<i32>} : memref<128x128xf32, #tpu.memory_space<vmem>>, vector<1x16xf32>,
      %broadcast_in_dim3A_57 = arith.constant 0.000000e+00 : f32
      %broadcast_in_dim3A_58 = vector.broadcast %broadcast_in_dim3A_57 : f32 to vector<16xf32>
      %swap3A_59 = arith.index_cast %scan3A_37 : i32 to index
      %swap3A_60 = arith.constant 48 : index
      %swap3A_61 = tpu.vector_load %arg12[%swap3A_59, %swap3A_60] {strides = array<i32>} : memref<128x128xf32, #tpu.memory_space<vmem>>, vector<1x16xf32>,
      %swap3A_62 = vector.shape_cast %swap3A_61 : vector<1x16xf32> to vector<16xf32>
      %swap3A_63 = vector.shape_cast %broadcast_in_dim3A_58 : vector<16xf32> to vector<1x16xf32>
      tpu.vector_store %arg12[%swap3A_59, %swap3A_60], %swap3A_63 {strides = array<i32>} : memref<128x128xf32, #tpu.memory_space<vmem>>, vector<1x16xf32>,
      %broadcast_in_dim3A_64 = arith.constant 0.000000e+00 : f32
      %broadcast_in_dim3A_65 = vector.broadcast %broadcast_in_dim3A_64 : f32 to vector<16xf32>
      %swap3A_66 = arith.index_cast %scan3A_37 : i32 to index
      %swap3A_67 = arith.constant 64 : index
      %swap3A_68 = tpu.vector_load %arg12[%swap3A_66, %swap3A_67] {strides = array<i32>} : memref<128x128xf32, #tpu.memory_space<vmem>>, vector<1x16xf32>,
      %swap3A_69 = vector.shape_cast %swap3A_68 : vector<1x16xf32> to vector<16xf32>
      %swap3A_70 = vector.shape_cast %broadcast_in_dim3A_65 : vector<16xf32> to vector<1x16xf32>
      tpu.vector_store %arg12[%swap3A_66, %swap3A_67], %swap3A_70 {strides = array<i32>} : memref<128x128xf32, #tpu.memory_space<vmem>>, vector<1x16xf32>,
      %broadcast_in_dim3A_71 = arith.constant 0.000000e+00 : f32
      %broadcast_in_dim3A_72 = vector.broadcast %broadcast_in_dim3A_71 : f32 to vector<16xf32>
      %swap3A_73 = arith.index_cast %scan3A_37 : i32 to index
      %swap3A_74 = arith.constant 80 : index
      %swap3A_75 = tpu.vector_load %arg12[%swap3A_73, %swap3A_74] {strides = array<i32>} : memref<128x128xf32, #tpu.memory_space<vmem>>, vector<1x16xf32>,
      %swap3A_76 = vector.shape_cast %swap3A_75 : vector<1x16xf32> to vector<16xf32>
      %swap3A_77 = vector.shape_cast %broadcast_in_dim3A_72 : vector<16xf32> to vector<1x16xf32>
      tpu.vector_store %arg12[%swap3A_73, %swap3A_74], %swap3A_77 {strides = array<i32>} : memref<128x128xf32, #tpu.memory_space<vmem>>, vector<1x16xf32>,
      %broadcast_in_dim3A_78 = arith.constant 0.000000e+00 : f32
      %broadcast_in_dim3A_79 = vector.broadcast %broadcast_in_dim3A_78 : f32 to vector<16xf32>
      %swap3A_80 = arith.index_cast %scan3A_37 : i32 to index
      %swap3A_81 = arith.constant 96 : index
      %swap3A_82 = tpu.vector_load %arg12[%swap3A_80, %swap3A_81] {strides = array<i32>} : memref<128x128xf32, #tpu.memory_space<vmem>>, vector<1x16xf32>,
      %swap3A_83 = vector.shape_cast %swap3A_82 : vector<1x16xf32> to vector<16xf32>
      %swap3A_84 = vector.shape_cast %broadcast_in_dim3A_79 : vector<16xf32> to vector<1x16xf32>
      tpu.vector_store %arg12[%swap3A_80, %swap3A_81], %swap3A_84 {strides = array<i32>} : memref<128x128xf32, #tpu.memory_space<vmem>>, vector<1x16xf32>,
      %broadcast_in_dim3A_85 = arith.constant 0.000000e+00 : f32
      %broadcast_in_dim3A_86 = vector.broadcast %broadcast_in_dim3A_85 : f32 to vector<16xf32>
      %swap3A_87 = arith.index_cast %scan3A_37 : i32 to index
      %swap3A_88 = arith.constant 112 : index
      %swap3A_89 = tpu.vector_load %arg12[%swap3A_87, %swap3A_88] {strides = array<i32>} : memref<128x128xf32, #tpu.memory_space<vmem>>, vector<1x16xf32>,
      %swap3A_90 = vector.shape_cast %swap3A_89 : vector<1x16xf32> to vector<16xf32>
      %swap3A_91 = vector.shape_cast %broadcast_in_dim3A_86 : vector<16xf32> to vector<1x16xf32>
      tpu.vector_store %arg12[%swap3A_87, %swap3A_88], %swap3A_91 {strides = array<i32>} : memref<128x128xf32, #tpu.memory_space<vmem>>, vector<1x16xf32>,
    }
    %scan3A_5 = arith.constant 128 : i32
    %mul3A_6 = arith.constant 640 : i32
    %mul3A_7 = arith.muli %arg1, %mul3A_6 : i32
    %add3A_8 = arith.constant 0 : i32
    %add3A_9 = arith.addi %mul3A_7, %add3A_8 : i32
    "tpu.region"() ({
      %run_scoped3A = tpu.sem_alloc : memref<!tpu.dma_semaphore, #tpu.memory_space<semaphore_mem>>
      %dma_start3A = arith.constant 0 : i32
      %dma_start3A_37 = tpu.memref_slice %arg13[%add3A_9, %dma_start3A] : memref<10240x128xf32, #tpu.memory_space<vmem_shared>> -> memref<128x128xf32, #tpu.memory_space<vmem_shared>>
      %dma_start3A_38 = arith.constant 0 : i32
      %dma_start3A_39 = tpu.memref_slice %arg13[%add3A_9, %dma_start3A_38] : memref<10240x128xf32, #tpu.memory_space<vmem_shared>> -> memref<128x128xf32, #tpu.memory_space<vmem_shared>>
      tpu.enqueue_dma source(%arg12 : memref<128x128xf32, #tpu.memory_space<vmem>>) target(%dma_start3A_39 : memref<128x128xf32, #tpu.memory_space<vmem_shared>>) target_semaphore(%run_scoped3A : memref<!tpu.dma_semaphore, #tpu.memory_space<semaphore_mem>>)
      %dma_wait3A = arith.constant 0 : i32
      %dma_wait3A_40 = tpu.memref_slice %arg13[%add3A_9, %dma_wait3A] : memref<10240x128xf32, #tpu.memory_space<vmem_shared>> -> memref<128x128xf32, #tpu.memory_space<vmem_shared>>
      %dma_wait3A_41 = arith.constant 0 : i32
      %dma_wait3A_42 = tpu.memref_slice %arg13[%add3A_9, %dma_wait3A_41] : memref<10240x128xf32, #tpu.memory_space<vmem_shared>> -> memref<128x128xf32, #tpu.memory_space<vmem_shared>>
      tpu.wait_dma2 semaphore(%run_scoped3A : memref<!tpu.dma_semaphore, #tpu.memory_space<semaphore_mem>>) src(%arg12 : memref<128x128xf32, #tpu.memory_space<vmem>>) dst(%dma_wait3A_42 : memref<128x128xf32, #tpu.memory_space<vmem_shared>>)
      tpu.yield
    }) : () -> ()
    %mul3A_10 = arith.constant 640 : i32
    %mul3A_11 = arith.muli %arg1, %mul3A_10 : i32
    %add3A_12 = arith.constant 128 : i32
    %add3A_13 = arith.addi %mul3A_11, %add3A_12 : i32
    "tpu.region"() ({
      %run_scoped3A = tpu.sem_alloc : memref<!tpu.dma_semaphore, #tpu.memory_space<semaphore_mem>>
      %dma_start3A = arith.constant 0 : i32
      %dma_start3A_37 = tpu.memref_slice %arg13[%add3A_13, %dma_start3A] : memref<10240x128xf32, #tpu.memory_space<vmem_shared>> -> memref<128x128xf32, #tpu.memory_space<vmem_shared>>
      %dma_start3A_38 = arith.constant 0 : i32
      %dma_start3A_39 = tpu.memref_slice %arg13[%add3A_13, %dma_start3A_38] : memref<10240x128xf32, #tpu.memory_space<vmem_shared>> -> memref<128x128xf32, #tpu.memory_space<vmem_shared>>
      tpu.enqueue_dma source(%arg12 : memref<128x128xf32, #tpu.memory_space<vmem>>) target(%dma_start3A_39 : memref<128x128xf32, #tpu.memory_space<vmem_shared>>) target_semaphore(%run_scoped3A : memref<!tpu.dma_semaphore, #tpu.memory_space<semaphore_mem>>)
      %dma_wait3A = arith.constant 0 : i32
      %dma_wait3A_40 = tpu.memref_slice %arg13[%add3A_13, %dma_wait3A] : memref<10240x128xf32, #tpu.memory_space<vmem_shared>> -> memref<128x128xf32, #tpu.memory_space<vmem_shared>>
      %dma_wait3A_41 = arith.constant 0 : i32
      %dma_wait3A_42 = tpu.memref_slice %arg13[%add3A_13, %dma_wait3A_41] : memref<10240x128xf32, #tpu.memory_space<vmem_shared>> -> memref<128x128xf32, #tpu.memory_space<vmem_shared>>
      tpu.wait_dma2 semaphore(%run_scoped3A : memref<!tpu.dma_semaphore, #tpu.memory_space<semaphore_mem>>) src(%arg12 : memref<128x128xf32, #tpu.memory_space<vmem>>) dst(%dma_wait3A_42 : memref<128x128xf32, #tpu.memory_space<vmem_shared>>)
      tpu.yield
    }) : () -> ()
    %mul3A_14 = arith.constant 640 : i32
    %mul3A_15 = arith.muli %arg1, %mul3A_14 : i32
    %add3A_16 = arith.constant 256 : i32
    %add3A_17 = arith.addi %mul3A_15, %add3A_16 : i32
    "tpu.region"() ({
      %run_scoped3A = tpu.sem_alloc : memref<!tpu.dma_semaphore, #tpu.memory_space<semaphore_mem>>
      %dma_start3A = arith.constant 0 : i32
      %dma_start3A_37 = tpu.memref_slice %arg13[%add3A_17, %dma_start3A] : memref<10240x128xf32, #tpu.memory_space<vmem_shared>> -> memref<128x128xf32, #tpu.memory_space<vmem_shared>>
      %dma_start3A_38 = arith.constant 0 : i32
      %dma_start3A_39 = tpu.memref_slice %arg13[%add3A_17, %dma_start3A_38] : memref<10240x128xf32, #tpu.memory_space<vmem_shared>> -> memref<128x128xf32, #tpu.memory_space<vmem_shared>>
      tpu.enqueue_dma source(%arg12 : memref<128x128xf32, #tpu.memory_space<vmem>>) target(%dma_start3A_39 : memref<128x128xf32, #tpu.memory_space<vmem_shared>>) target_semaphore(%run_scoped3A : memref<!tpu.dma_semaphore, #tpu.memory_space<semaphore_mem>>)
      %dma_wait3A = arith.constant 0 : i32
      %dma_wait3A_40 = tpu.memref_slice %arg13[%add3A_17, %dma_wait3A] : memref<10240x128xf32, #tpu.memory_space<vmem_shared>> -> memref<128x128xf32, #tpu.memory_space<vmem_shared>>
      %dma_wait3A_41 = arith.constant 0 : i32
      %dma_wait3A_42 = tpu.memref_slice %arg13[%add3A_17, %dma_wait3A_41] : memref<10240x128xf32, #tpu.memory_space<vmem_shared>> -> memref<128x128xf32, #tpu.memory_space<vmem_shared>>
      tpu.wait_dma2 semaphore(%run_scoped3A : memref<!tpu.dma_semaphore, #tpu.memory_space<semaphore_mem>>) src(%arg12 : memref<128x128xf32, #tpu.memory_space<vmem>>) dst(%dma_wait3A_42 : memref<128x128xf32, #tpu.memory_space<vmem_shared>>)
      tpu.yield
    }) : () -> ()
    %mul3A_18 = arith.constant 640 : i32
    %mul3A_19 = arith.muli %arg1, %mul3A_18 : i32
    %add3A_20 = arith.constant 384 : i32
    %add3A_21 = arith.addi %mul3A_19, %add3A_20 : i32
    "tpu.region"() ({
      %run_scoped3A = tpu.sem_alloc : memref<!tpu.dma_semaphore, #tpu.memory_space<semaphore_mem>>
      %dma_start3A = arith.constant 0 : i32
      %dma_start3A_37 = tpu.memref_slice %arg13[%add3A_21, %dma_start3A] : memref<10240x128xf32, #tpu.memory_space<vmem_shared>> -> memref<128x128xf32, #tpu.memory_space<vmem_shared>>
      %dma_start3A_38 = arith.constant 0 : i32
      %dma_start3A_39 = tpu.memref_slice %arg13[%add3A_21, %dma_start3A_38] : memref<10240x128xf32, #tpu.memory_space<vmem_shared>> -> memref<128x128xf32, #tpu.memory_space<vmem_shared>>
      tpu.enqueue_dma source(%arg12 : memref<128x128xf32, #tpu.memory_space<vmem>>) target(%dma_start3A_39 : memref<128x128xf32, #tpu.memory_space<vmem_shared>>) target_semaphore(%run_scoped3A : memref<!tpu.dma_semaphore, #tpu.memory_space<semaphore_mem>>)
      %dma_wait3A = arith.constant 0 : i32
      %dma_wait3A_40 = tpu.memref_slice %arg13[%add3A_21, %dma_wait3A] : memref<10240x128xf32, #tpu.memory_space<vmem_shared>> -> memref<128x128xf32, #tpu.memory_space<vmem_shared>>
      %dma_wait3A_41 = arith.constant 0 : i32
      %dma_wait3A_42 = tpu.memref_slice %arg13[%add3A_21, %dma_wait3A_41] : memref<10240x128xf32, #tpu.memory_space<vmem_shared>> -> memref<128x128xf32, #tpu.memory_space<vmem_shared>>
      tpu.wait_dma2 semaphore(%run_scoped3A : memref<!tpu.dma_semaphore, #tpu.memory_space<semaphore_mem>>) src(%arg12 : memref<128x128xf32, #tpu.memory_space<vmem>>) dst(%dma_wait3A_42 : memref<128x128xf32, #tpu.memory_space<vmem_shared>>)
      tpu.yield
    }) : () -> ()
    %mul3A_22 = arith.constant 640 : i32
    %mul3A_23 = arith.muli %arg1, %mul3A_22 : i32
    %add3A_24 = arith.constant 512 : i32
    %add3A_25 = arith.addi %mul3A_23, %add3A_24 : i32
    "tpu.region"() ({
      %run_scoped3A = tpu.sem_alloc : memref<!tpu.dma_semaphore, #tpu.memory_space<semaphore_mem>>
      %dma_start3A = arith.constant 0 : i32
      %dma_start3A_37 = tpu.memref_slice %arg13[%add3A_25, %dma_start3A] : memref<10240x128xf32, #tpu.memory_space<vmem_shared>> -> memref<128x128xf32, #tpu.memory_space<vmem_shared>>
      %dma_start3A_38 = arith.constant 0 : i32
      %dma_start3A_39 = tpu.memref_slice %arg13[%add3A_25, %dma_start3A_38] : memref<10240x128xf32, #tpu.memory_space<vmem_shared>> -> memref<128x128xf32, #tpu.memory_space<vmem_shared>>
      tpu.enqueue_dma source(%arg12 : memref<128x128xf32, #tpu.memory_space<vmem>>) target(%dma_start3A_39 : memref<128x128xf32, #tpu.memory_space<vmem_shared>>) target_semaphore(%run_scoped3A : memref<!tpu.dma_semaphore, #tpu.memory_space<semaphore_mem>>)
      %dma_wait3A = arith.constant 0 : i32
      %dma_wait3A_40 = tpu.memref_slice %arg13[%add3A_25, %dma_wait3A] : memref<10240x128xf32, #tpu.memory_space<vmem_shared>> -> memref<128x128xf32, #tpu.memory_space<vmem_shared>>
      %dma_wait3A_41 = arith.constant 0 : i32
      %dma_wait3A_42 = tpu.memref_slice %arg13[%add3A_25, %dma_wait3A_41] : memref<10240x128xf32, #tpu.memory_space<vmem_shared>> -> memref<128x128xf32, #tpu.memory_space<vmem_shared>>
      tpu.wait_dma2 semaphore(%run_scoped3A : memref<!tpu.dma_semaphore, #tpu.memory_space<semaphore_mem>>) src(%arg12 : memref<128x128xf32, #tpu.memory_space<vmem>>) dst(%dma_wait3A_42 : memref<128x128xf32, #tpu.memory_space<vmem_shared>>)
      tpu.yield
    }) : () -> ()
    %barrier3A = arith.constant 0 : index
    tpu.barrier barrier_id(%barrier3A)
    %scan3A_26 = arith.constant 0 : i32
    %scan3A_27 = arith.constant 0 : i32
    %scan3A_28 = arith.constant 125 : i32
    %scan3A_29 = arith.addi %scan3A_27, %scan3A_28 : i32
    %scan3A_30 = arith.constant 1 : i32
    scf.for %scan3A_37 = %scan3A_27 to %scan3A_29 step %scan3A_30  : i32 {
      %mul3A_38 = arith.constant 10000 : i32
      %mul3A_39 = arith.muli %add3A, %mul3A_38 : i32
      %mul3A_40 = arith.constant 80 : i32
      %mul3A_41 = arith.muli %scan3A_37, %mul3A_40 : i32
      %add3A_42 = arith.addi %mul3A_39, %mul3A_41 : i32
      "tpu.region"() ({
        %run_scoped3A = tpu.sem_alloc : memref<!tpu.dma_semaphore, #tpu.memory_space<semaphore_mem>>
        %dma_start3A_53 = tpu.memref_slice %arg4[%add3A_42] : memref<320000xi32, #tpu.memory_space<hbm>> -> memref<80xi32, #tpu.memory_space<hbm>>
        %dma_start3A_54 = tpu.memref_slice %arg4[%add3A_42] : memref<320000xi32, #tpu.memory_space<hbm>> -> memref<80xi32, #tpu.memory_space<hbm>>
        tpu.enqueue_dma source(%dma_start3A_54 : memref<80xi32, #tpu.memory_space<hbm>>) target(%arg7 : memref<80xi32, #tpu.memory_space<vmem>>) target_semaphore(%run_scoped3A : memref<!tpu.dma_semaphore, #tpu.memory_space<semaphore_mem>>)
        %dma_wait3A_55 = tpu.memref_slice %arg4[%add3A_42] : memref<320000xi32, #tpu.memory_space<hbm>> -> memref<80xi32, #tpu.memory_space<hbm>>
        %dma_wait3A_56 = tpu.memref_slice %arg4[%add3A_42] : memref<320000xi32, #tpu.memory_space<hbm>> -> memref<80xi32, #tpu.memory_space<hbm>>
        tpu.wait_dma2 semaphore(%run_scoped3A : memref<!tpu.dma_semaphore, #tpu.memory_space<semaphore_mem>>) src(%dma_wait3A_56 : memref<80xi32, #tpu.memory_space<hbm>>) dst(%arg7 : memref<80xi32, #tpu.memory_space<vmem>>)
        tpu.yield
      }) : () -> ()
      "tpu.region"() ({
        %run_scoped3A = tpu.sem_alloc : memref<!tpu.dma_semaphore, #tpu.memory_space<semaphore_mem>>
        %dma_start3A_53 = tpu.memref_slice %arg5[%add3A_42] : memref<320000xi32, #tpu.memory_space<hbm>> -> memref<80xi32, #tpu.memory_space<hbm>>
        %dma_start3A_54 = tpu.memref_slice %arg5[%add3A_42] : memref<320000xi32, #tpu.memory_space<hbm>> -> memref<80xi32, #tpu.memory_space<hbm>>
        tpu.enqueue_dma source(%dma_start3A_54 : memref<80xi32, #tpu.memory_space<hbm>>) target(%arg8 : memref<80xi32, #tpu.memory_space<vmem>>) target_semaphore(%run_scoped3A : memref<!tpu.dma_semaphore, #tpu.memory_space<semaphore_mem>>)
        %dma_wait3A_55 = tpu.memref_slice %arg5[%add3A_42] : memref<320000xi32, #tpu.memory_space<hbm>> -> memref<80xi32, #tpu.memory_space<hbm>>
        %dma_wait3A_56 = tpu.memref_slice %arg5[%add3A_42] : memref<320000xi32, #tpu.memory_space<hbm>> -> memref<80xi32, #tpu.memory_space<hbm>>
        tpu.wait_dma2 semaphore(%run_scoped3A : memref<!tpu.dma_semaphore, #tpu.memory_space<semaphore_mem>>) src(%dma_wait3A_56 : memref<80xi32, #tpu.memory_space<hbm>>) dst(%arg8 : memref<80xi32, #tpu.memory_space<vmem>>)
        tpu.yield
      }) : () -> ()
      "tpu.region"() ({
        %run_scoped3A = tpu.sem_alloc : memref<!tpu.dma_semaphore, #tpu.memory_space<semaphore_mem>>
        %dma_start3A_53 = arith.constant 0 : i32
        %dma_start3A_54 = tpu.memref_slice %arg3[%add3A_42, %dma_start3A_53] : memref<320000x64xf32, #tpu.memory_space<hbm>> -> memref<80x64xf32, #tpu.memory_space<hbm>>
        %dma_start3A_55 = arith.constant 0 : i32
        %dma_start3A_56 = tpu.memref_slice %arg3[%add3A_42, %dma_start3A_55] : memref<320000x64xf32, #tpu.memory_space<hbm>> -> memref<80x64xf32, #tpu.memory_space<hbm>>
        tpu.enqueue_dma source(%dma_start3A_56 : memref<80x64xf32, #tpu.memory_space<hbm>>) target(%arg11 : memref<80x64xf32, #tpu.memory_space<vmem>>) target_semaphore(%run_scoped3A : memref<!tpu.dma_semaphore, #tpu.memory_space<semaphore_mem>>)
        %dma_wait3A_57 = arith.constant 0 : i32
        %dma_wait3A_58 = tpu.memref_slice %arg3[%add3A_42, %dma_wait3A_57] : memref<320000x64xf32, #tpu.memory_space<hbm>> -> memref<80x64xf32, #tpu.memory_space<hbm>>
        %dma_wait3A_59 = arith.constant 0 : i32
        %dma_wait3A_60 = tpu.memref_slice %arg3[%add3A_42, %dma_wait3A_59] : memref<320000x64xf32, #tpu.memory_space<hbm>> -> memref<80x64xf32, #tpu.memory_space<hbm>>
        tpu.wait_dma2 semaphore(%run_scoped3A : memref<!tpu.dma_semaphore, #tpu.memory_space<semaphore_mem>>) src(%dma_wait3A_60 : memref<80x64xf32, #tpu.memory_space<hbm>>) dst(%arg11 : memref<80x64xf32, #tpu.memory_space<vmem>>)
        tpu.yield
      }) : () -> ()
      %dma_start3A = arith.constant 0 : i32
      %dma_start3A_43 = arith.constant 0 : i32
      %dma_start3A_44 = tpu.memref_slice %arg2[%dma_start3A, %dma_start3A_43] : memref<10000x128xf32, #tpu.memory_space<hbm>> -> memref<10000x128xf32, #tpu.memory_space<hbm>>
      tpu.enqueue_indirect_dma source(%dma_start3A_44 : memref<10000x128xf32, #tpu.memory_space<hbm>>) target(%arg9 : memref<80x128xf32, #tpu.memory_space<vmem>>) offsets(%arg7 : memref<80xi32, #tpu.memory_space<vmem>>) semaphore(%arg14 : memref<!tpu.dma_semaphore, #tpu.memory_space<semaphore_mem>>)
      %dma_wait3A = arith.constant 0 : i32
      %dma_wait3A_45 = arith.constant 0 : i32
      %dma_wait3A_46 = tpu.memref_slice %arg2[%dma_wait3A, %dma_wait3A_45] : memref<10000x128xf32, #tpu.memory_space<hbm>> -> memref<10000x128xf32, #tpu.memory_space<hbm>>
      tpu.wait_indirect_dma semaphore(%arg14 : memref<!tpu.dma_semaphore, #tpu.memory_space<semaphore_mem>>) src(%dma_wait3A_46 : memref<10000x128xf32, #tpu.memory_space<hbm>>) dst(%arg9 : memref<80x128xf32, #tpu.memory_space<vmem>>)
      %scan3A_47 = arith.constant 0 : i32
      %scan3A_48 = arith.constant 0 : i32
      %scan3A_49 = arith.constant 80 : i32
      %scan3A_50 = arith.addi %scan3A_48, %scan3A_49 : i32
      %scan3A_51 = arith.constant 1 : i32
      scf.for %scan3A_53 = %scan3A_48 to %scan3A_50 step %scan3A_51  : i32 {
        %get3A = arith.index_cast %scan3A_53 : i32 to index
        %get3A_54 = arith.constant 16 : index
        %get3A_55 = tpu.vector_load %arg11[%get3A, %get3A_54] {strides = array<i32>} : memref<80x64xf32, #tpu.memory_space<vmem>>, vector<1x16xf32>,
        %get3A_56 = vector.shape_cast %get3A_55 : vector<1x16xf32> to vector<16xf32>
        %get3A_57 = arith.index_cast %scan3A_53 : i32 to index
        %get3A_58 = arith.constant 0 : index
        %get3A_59 = tpu.vector_load %arg9[%get3A_57, %get3A_58] {strides = array<i32>} : memref<80x128xf32, #tpu.memory_space<vmem>>, vector<1x16xf32>,
        %get3A_60 = vector.shape_cast %get3A_59 : vector<1x16xf32> to vector<16xf32>
        %mul3A_61 = arith.mulf %get3A_60, %get3A_56 : vector<16xf32>
        %swap3A = arith.index_cast %scan3A_53 : i32 to index
        %swap3A_62 = arith.constant 0 : index
        %swap3A_63 = tpu.vector_load %arg10[%swap3A, %swap3A_62] {strides = array<i32>} : memref<80x128xf32, #tpu.memory_space<vmem>>, vector<1x16xf32>,
        %swap3A_64 = vector.shape_cast %swap3A_63 : vector<1x16xf32> to vector<16xf32>
        %swap3A_65 = vector.shape_cast %mul3A_61 : vector<16xf32> to vector<1x16xf32>
        tpu.vector_store %arg10[%swap3A, %swap3A_62], %swap3A_65 {strides = array<i32>} : memref<80x128xf32, #tpu.memory_space<vmem>>, vector<1x16xf32>,
        %get3A_66 = arith.index_cast %scan3A_53 : i32 to index
        %get3A_67 = arith.constant 16 : index
        %get3A_68 = tpu.vector_load %arg9[%get3A_66, %get3A_67] {strides = array<i32>} : memref<80x128xf32, #tpu.memory_space<vmem>>, vector<1x16xf32>,
        %get3A_69 = vector.shape_cast %get3A_68 : vector<1x16xf32> to vector<16xf32>
        %mul3A_70 = arith.mulf %get3A_69, %get3A_56 : vector<16xf32>
        %swap3A_71 = arith.index_cast %scan3A_53 : i32 to index
        %swap3A_72 = arith.constant 16 : index
        %swap3A_73 = tpu.vector_load %arg10[%swap3A_71, %swap3A_72] {strides = array<i32>} : memref<80x128xf32, #tpu.memory_space<vmem>>, vector<1x16xf32>,
        %swap3A_74 = vector.shape_cast %swap3A_73 : vector<1x16xf32> to vector<16xf32>
        %swap3A_75 = vector.shape_cast %mul3A_70 : vector<16xf32> to vector<1x16xf32>
        tpu.vector_store %arg10[%swap3A_71, %swap3A_72], %swap3A_75 {strides = array<i32>} : memref<80x128xf32, #tpu.memory_space<vmem>>, vector<1x16xf32>,
        %get3A_76 = arith.index_cast %scan3A_53 : i32 to index
        %get3A_77 = arith.constant 32 : index
        %get3A_78 = tpu.vector_load %arg9[%get3A_76, %get3A_77] {strides = array<i32>} : memref<80x128xf32, #tpu.memory_space<vmem>>, vector<1x16xf32>,
        %get3A_79 = vector.shape_cast %get3A_78 : vector<1x16xf32> to vector<16xf32>
        %mul3A_80 = arith.mulf %get3A_79, %get3A_56 : vector<16xf32>
        %swap3A_81 = arith.index_cast %scan3A_53 : i32 to index
        %swap3A_82 = arith.constant 32 : index
        %swap3A_83 = tpu.vector_load %arg10[%swap3A_81, %swap3A_82] {strides = array<i32>} : memref<80x128xf32, #tpu.memory_space<vmem>>, vector<1x16xf32>,
        %swap3A_84 = vector.shape_cast %swap3A_83 : vector<1x16xf32> to vector<16xf32>
        %swap3A_85 = vector.shape_cast %mul3A_80 : vector<16xf32> to vector<1x16xf32>
        tpu.vector_store %arg10[%swap3A_81, %swap3A_82], %swap3A_85 {strides = array<i32>} : memref<80x128xf32, #tpu.memory_space<vmem>>, vector<1x16xf32>,
        %get3A_86 = arith.index_cast %scan3A_53 : i32 to index
        %get3A_87 = arith.constant 48 : index
        %get3A_88 = tpu.vector_load %arg9[%get3A_86, %get3A_87] {strides = array<i32>} : memref<80x128xf32, #tpu.memory_space<vmem>>, vector<1x16xf32>,
        %get3A_89 = vector.shape_cast %get3A_88 : vector<1x16xf32> to vector<16xf32>
        %mul3A_90 = arith.mulf %get3A_89, %get3A_56 : vector<16xf32>
        %swap3A_91 = arith.index_cast %scan3A_53 : i32 to index
        %swap3A_92 = arith.constant 48 : index
        %swap3A_93 = tpu.vector_load %arg10[%swap3A_91, %swap3A_92] {strides = array<i32>} : memref<80x128xf32, #tpu.memory_space<vmem>>, vector<1x16xf32>,
        %swap3A_94 = vector.shape_cast %swap3A_93 : vector<1x16xf32> to vector<16xf32>
        %swap3A_95 = vector.shape_cast %mul3A_90 : vector<16xf32> to vector<1x16xf32>
        tpu.vector_store %arg10[%swap3A_91, %swap3A_92], %swap3A_95 {strides = array<i32>} : memref<80x128xf32, #tpu.memory_space<vmem>>, vector<1x16xf32>,
        %get3A_96 = arith.index_cast %scan3A_53 : i32 to index
        %get3A_97 = arith.constant 64 : index
        %get3A_98 = tpu.vector_load %arg9[%get3A_96, %get3A_97] {strides = array<i32>} : memref<80x128xf32, #tpu.memory_space<vmem>>, vector<1x16xf32>,
        %get3A_99 = vector.shape_cast %get3A_98 : vector<1x16xf32> to vector<16xf32>
        %mul3A_100 = arith.mulf %get3A_99, %get3A_56 : vector<16xf32>
        %swap3A_101 = arith.index_cast %scan3A_53 : i32 to index
        %swap3A_102 = arith.constant 64 : index
        %swap3A_103 = tpu.vector_load %arg10[%swap3A_101, %swap3A_102] {strides = array<i32>} : memref<80x128xf32, #tpu.memory_space<vmem>>, vector<1x16xf32>,
        %swap3A_104 = vector.shape_cast %swap3A_103 : vector<1x16xf32> to vector<16xf32>
        %swap3A_105 = vector.shape_cast %mul3A_100 : vector<16xf32> to vector<1x16xf32>
        tpu.vector_store %arg10[%swap3A_101, %swap3A_102], %swap3A_105 {strides = array<i32>} : memref<80x128xf32, #tpu.memory_space<vmem>>, vector<1x16xf32>,
        %get3A_106 = arith.index_cast %scan3A_53 : i32 to index
        %get3A_107 = arith.constant 80 : index
        %get3A_108 = tpu.vector_load %arg9[%get3A_106, %get3A_107] {strides = array<i32>} : memref<80x128xf32, #tpu.memory_space<vmem>>, vector<1x16xf32>,
        %get3A_109 = vector.shape_cast %get3A_108 : vector<1x16xf32> to vector<16xf32>
        %mul3A_110 = arith.mulf %get3A_109, %get3A_56 : vector<16xf32>
        %swap3A_111 = arith.index_cast %scan3A_53 : i32 to index
        %swap3A_112 = arith.constant 80 : index
        %swap3A_113 = tpu.vector_load %arg10[%swap3A_111, %swap3A_112] {strides = array<i32>} : memref<80x128xf32, #tpu.memory_space<vmem>>, vector<1x16xf32>,
        %swap3A_114 = vector.shape_cast %swap3A_113 : vector<1x16xf32> to vector<16xf32>
        %swap3A_115 = vector.shape_cast %mul3A_110 : vector<16xf32> to vector<1x16xf32>
        tpu.vector_store %arg10[%swap3A_111, %swap3A_112], %swap3A_115 {strides = array<i32>} : memref<80x128xf32, #tpu.memory_space<vmem>>, vector<1x16xf32>,
        %get3A_116 = arith.index_cast %scan3A_53 : i32 to index
        %get3A_117 = arith.constant 96 : index
        %get3A_118 = tpu.vector_load %arg9[%get3A_116, %get3A_117] {strides = array<i32>} : memref<80x128xf32, #tpu.memory_space<vmem>>, vector<1x16xf32>,
        %get3A_119 = vector.shape_cast %get3A_118 : vector<1x16xf32> to vector<16xf32>
        %mul3A_120 = arith.mulf %get3A_119, %get3A_56 : vector<16xf32>
        %swap3A_121 = arith.index_cast %scan3A_53 : i32 to index
        %swap3A_122 = arith.constant 96 : index
        %swap3A_123 = tpu.vector_load %arg10[%swap3A_121, %swap3A_122] {strides = array<i32>} : memref<80x128xf32, #tpu.memory_space<vmem>>, vector<1x16xf32>,
        %swap3A_124 = vector.shape_cast %swap3A_123 : vector<1x16xf32> to vector<16xf32>
        %swap3A_125 = vector.shape_cast %mul3A_120 : vector<16xf32> to vector<1x16xf32>
        tpu.vector_store %arg10[%swap3A_121, %swap3A_122], %swap3A_125 {strides = array<i32>} : memref<80x128xf32, #tpu.memory_space<vmem>>, vector<1x16xf32>,
        %get3A_126 = arith.index_cast %scan3A_53 : i32 to index
        %get3A_127 = arith.constant 112 : index
        %get3A_128 = tpu.vector_load %arg9[%get3A_126, %get3A_127] {strides = array<i32>} : memref<80x128xf32, #tpu.memory_space<vmem>>, vector<1x16xf32>,
        %get3A_129 = vector.shape_cast %get3A_128 : vector<1x16xf32> to vector<16xf32>
        %mul3A_130 = arith.mulf %get3A_129, %get3A_56 : vector<16xf32>
        %swap3A_131 = arith.index_cast %scan3A_53 : i32 to index
        %swap3A_132 = arith.constant 112 : index
        %swap3A_133 = tpu.vector_load %arg10[%swap3A_131, %swap3A_132] {strides = array<i32>} : memref<80x128xf32, #tpu.memory_space<vmem>>, vector<1x16xf32>,
        %swap3A_134 = vector.shape_cast %swap3A_133 : vector<1x16xf32> to vector<16xf32>
        %swap3A_135 = vector.shape_cast %mul3A_130 : vector<16xf32> to vector<1x16xf32>
        tpu.vector_store %arg10[%swap3A_131, %swap3A_132], %swap3A_135 {strides = array<i32>} : memref<80x128xf32, #tpu.memory_space<vmem>>, vector<1x16xf32>,
      }
      %scan3A_52 = arith.constant 80 : i32
      "tpu.region"() ({
        %run_scoped3A = tpu.sem_alloc : memref<!tpu.dma_semaphore, #tpu.memory_space<semaphore_mem>>
        %dma_start3A_53 = arith.constant 0 : i32
        %dma_start3A_54 = arith.constant 0 : i32
        %dma_start3A_55 = tpu.memref_slice %arg13[%dma_start3A_53, %dma_start3A_54] : memref<10240x128xf32, #tpu.memory_space<vmem_shared>> -> memref<10240x128xf32, #tpu.memory_space<vmem_shared>>
        tpu.enqueue_indirect_dma source(%arg10 : memref<80x128xf32, #tpu.memory_space<vmem>>) target(%dma_start3A_55 : memref<10240x128xf32, #tpu.memory_space<vmem_shared>>) offsets(%arg8 : memref<80xi32, #tpu.memory_space<vmem>>) semaphore(%run_scoped3A : memref<!tpu.dma_semaphore, #tpu.memory_space<semaphore_mem>>) {add = true}
        %dma_wait3A_56 = arith.constant 0 : i32
        %dma_wait3A_57 = arith.constant 0 : i32
        %dma_wait3A_58 = tpu.memref_slice %arg13[%dma_wait3A_56, %dma_wait3A_57] : memref<10240x128xf32, #tpu.memory_space<vmem_shared>> -> memref<10240x128xf32, #tpu.memory_space<vmem_shared>>
        tpu.wait_indirect_dma semaphore(%run_scoped3A : memref<!tpu.dma_semaphore, #tpu.memory_space<semaphore_mem>>) src(%arg10 : memref<80x128xf32, #tpu.memory_space<vmem>>) dst(%dma_wait3A_58 : memref<10240x128xf32, #tpu.memory_space<vmem_shared>>)
        tpu.yield
      }) : () -> ()
    }
    %scan3A_31 = arith.constant 125 : i32
    %barrier3A_32 = arith.constant 0 : index
    tpu.barrier barrier_id(%barrier3A_32)
    %mul3A_33 = arith.constant 640 : i32
    %mul3A_34 = arith.muli %arg1, %mul3A_33 : i32
    %mul3A_35 = arith.constant 640 : i32
    %mul3A_36 = arith.muli %arg1, %mul3A_35 : i32
    "tpu.region"() ({
      %run_scoped3A = tpu.sem_alloc : memref<!tpu.dma_semaphore, #tpu.memory_space<semaphore_mem>>
      %dma_start3A = arith.constant 0 : i32
      %dma_start3A_37 = tpu.memref_slice %arg6[%arg0, %mul3A_36, %dma_start3A] : memref<2x10240x128xf32, #tpu.memory_space<hbm>> -> memref<1x640x128xf32, #tpu.memory_space<hbm>>
      %dma_start3A_38 = tpu.memref_squeeze %dma_start3A_37 : memref<1x640x128xf32, #tpu.memory_space<hbm>> -> memref<640x128xf32, #tpu.memory_space<hbm>>
      %dma_start3A_39 = arith.constant 0 : i32
      %dma_start3A_40 = tpu.memref_slice %arg13[%mul3A_34, %dma_start3A_39] : memref<10240x128xf32, #tpu.memory_space<vmem_shared>> -> memref<640x128xf32, #tpu.memory_space<vmem_shared>>
      tpu.enqueue_dma source(%dma_start3A_40 : memref<640x128xf32, #tpu.memory_space<vmem_shared>>) target(%dma_start3A_38 : memref<640x128xf32, #tpu.memory_space<hbm>>) target_semaphore(%run_scoped3A : memref<!tpu.dma_semaphore, #tpu.memory_space<semaphore_mem>>)
      %dma_wait3A = arith.constant 0 : i32
      %dma_wait3A_41 = tpu.memref_slice %arg6[%arg0, %mul3A_36, %dma_wait3A] : memref<2x10240x128xf32, #tpu.memory_space<hbm>> -> memref<1x640x128xf32, #tpu.memory_space<hbm>>
      %dma_wait3A_42 = tpu.memref_squeeze %dma_wait3A_41 : memref<1x640x128xf32, #tpu.memory_space<hbm>> -> memref<640x128xf32, #tpu.memory_space<hbm>>
      %dma_wait3A_43 = arith.constant 0 : i32
      %dma_wait3A_44 = tpu.memref_slice %arg13[%mul3A_34, %dma_wait3A_43] : memref<10240x128xf32, #tpu.memory_space<vmem_shared>> -> memref<640x128xf32, #tpu.memory_space<vmem_shared>>
      tpu.wait_dma2 semaphore(%run_scoped3A : memref<!tpu.dma_semaphore, #tpu.memory_space<semaphore_mem>>) src(%dma_wait3A_44 : memref<640x128xf32, #tpu.memory_space<vmem_shared>>) dst(%dma_wait3A_42 : memref<640x128xf32, #tpu.memory_space<hbm>>)
      tpu.yield
    }) : () -> ()
    return
  }
}

#map = affine_map<(d0, d1) -> (0, 0)>
#map1 = affine_map<(d0, d1) -> (0)>
#map2 = affine_map<(d0, d1) -> (0, 0, 0)>
module attributes {stable_mosaic.version = 14 : i64} {
  func.func @k(%arg0: i32, %arg1: i32, %arg2: memref<10000x128xf32, #tpu.memory_space<hbm>>, %arg3: memref<320000x64xf32, #tpu.memory_space<hbm>>, %arg4: memref<320000xi32, #tpu.memory_space<hbm>>, %arg5: memref<320000xi32, #tpu.memory_space<hbm>>, %arg6: memref<2x10240x128xf32, #tpu.memory_space<hbm>>, %arg7: memref<80xi32, #tpu.memory_space<vmem>>, %arg8: memref<80xi32, #tpu.memory_space<vmem>>, %arg9: memref<80x128xf32, #tpu.memory_space<vmem>>, %arg10: memref<80x128xf32, #tpu.memory_space<vmem>>, %arg11: memref<80x64xf32, #tpu.memory_space<vmem>>, %arg12: memref<128x128xf32, #tpu.memory_space<vmem>>, %arg13: memref<10240x128xf32, #tpu.memory_space<vmem_shared>>, %arg14: memref<!tpu.dma_semaphore, #tpu.memory_space<semaphore_mem>>) attributes {dimension_semantics = [#tpu.dimension_semantics<core_parallel>, #tpu.dimension_semantics<subcore_parallel>], iteration_bounds = array<i64: 2, 16>, scalar_prefetch = 0 : i64, scratch_operands = 8 : i64, tpu.core_type = #tpu.core_type<sc_vector_subcore>, window_params = [{transform_indices = #map}, {transform_indices = #map}, {transform_indices = #map1}, {transform_indices = #map1}, {transform_indices = #map2}]} {
    %mul3A = arith.constant 16 : i32
    %mul3A_0 = arith.muli %arg0, %mul3A : i32
    %add3A = arith.addi %mul3A_0, %arg1 : i32
    %scan3A = arith.constant 0 : i32
    %scan3A_1 = arith.constant 0 : i32
    %scan3A_2 = arith.constant 128 : i32
    %scan3A_3 = arith.addi %scan3A_1, %scan3A_2 : i32
    %scan3A_4 = arith.constant 1 : i32
    scf.for %scan3A_37 = %scan3A_1 to %scan3A_3 step %scan3A_4  : i32 {
      %broadcast_in_dim3A = arith.constant 0.000000e+00 : f32
      %broadcast_in_dim3A_38 = vector.broadcast %broadcast_in_dim3A : f32 to vector<16xf32>
      %swap3A = arith.index_cast %scan3A_37 : i32 to index
      %swap3A_39 = arith.constant 0 : index
      %swap3A_40 = tpu.vector_load %arg12[%swap3A, %swap3A_39] {strides = array<i32>} : memref<128x128xf32, #tpu.memory_space<vmem>>, vector<1x16xf32>,
      %swap3A_41 = vector.shape_cast %swap3A_40 : vector<1x16xf32> to vector<16xf32>
      %swap3A_42 = vector.shape_cast %broadcast_in_dim3A_38 : vector<16xf32> to vector<1x16xf32>
      tpu.vector_store %arg12[%swap3A, %swap3A_39], %swap3A_42 {strides = array<i32>} : memref<128x128xf32, #tpu.memory_space<vmem>>, vector<1x16xf32>,
      %broadcast_in_dim3A_43 = arith.constant 0.000000e+00 : f32
      %broadcast_in_dim3A_44 = vector.broadcast %broadcast_in_dim3A_43 : f32 to vector<16xf32>
      %swap3A_45 = arith.index_cast %scan3A_37 : i32 to index
      %swap3A_46 = arith.constant 16 : index
      %swap3A_47 = tpu.vector_load %arg12[%swap3A_45, %swap3A_46] {strides = array<i32>} : memref<128x128xf32, #tpu.memory_space<vmem>>, vector<1x16xf32>,
      %swap3A_48 = vector.shape_cast %swap3A_47 : vector<1x16xf32> to vector<16xf32>
      %swap3A_49 = vector.shape_cast %broadcast_in_dim3A_44 : vector<16xf32> to vector<1x16xf32>
      tpu.vector_store %arg12[%swap3A_45, %swap3A_46], %swap3A_49 {strides = array<i32>} : memref<128x128xf32, #tpu.memory_space<vmem>>, vector<1x16xf32>,
      %broadcast_in_dim3A_50 = arith.constant 0.000000e+00 : f32
      %broadcast_in_dim3A_51 = vector.broadcast %broadcast_in_dim3A_50 : f32 to vector<16xf32>
      %swap3A_52 = arith.index_cast %scan3A_37 : i32 to index
      %swap3A_53 = arith.constant 32 : index
      %swap3A_54 = tpu.vector_load %arg12[%swap3A_52, %swap3A_53] {strides = array<i32>} : memref<128x128xf32, #tpu.memory_space<vmem>>, vector<1x16xf32>,
      %swap3A_55 = vector.shape_cast %swap3A_54 : vector<1x16xf32> to vector<16xf32>
      %swap3A_56 = vector.shape_cast %broadcast_in_dim3A_51 : vector<16xf32> to vector<1x16xf32>
      tpu.vector_store %arg12[%swap3A_52, %swap3A_53], %swap3A_56 {strides = array<i32>} : memref<128x128xf32, #tpu.memory_space<vmem>>, vector<1x16xf32>,
      %broadcast_in_dim3A_57 = arith.constant 0.000000e+00 : f32
      %broadcast_in_dim3A_58 = vector.broadcast %broadcast_in_dim3A_57 : f32 to vector<16xf32>
      %swap3A_59 = arith.index_cast %scan3A_37 : i32 to index
      %swap3A_60 = arith.constant 48 : index
      %swap3A_61 = tpu.vector_load %arg12[%swap3A_59, %swap3A_60] {strides = array<i32>} : memref<128x128xf32, #tpu.memory_space<vmem>>, vector<1x16xf32>,
      %swap3A_62 = vector.shape_cast %swap3A_61 : vector<1x16xf32> to vector<16xf32>
      %swap3A_63 = vector.shape_cast %broadcast_in_dim3A_58 : vector<16xf32> to vector<1x16xf32>
      tpu.vector_store %arg12[%swap3A_59, %swap3A_60], %swap3A_63 {strides = array<i32>} : memref<128x128xf32, #tpu.memory_space<vmem>>, vector<1x16xf32>,
      %broadcast_in_dim3A_64 = arith.constant 0.000000e+00 : f32
      %broadcast_in_dim3A_65 = vector.broadcast %broadcast_in_dim3A_64 : f32 to vector<16xf32>
      %swap3A_66 = arith.index_cast %scan3A_37 : i32 to index
      %swap3A_67 = arith.constant 64 : index
      %swap3A_68 = tpu.vector_load %arg12[%swap3A_66, %swap3A_67] {strides = array<i32>} : memref<128x128xf32, #tpu.memory_space<vmem>>, vector<1x16xf32>,
      %swap3A_69 = vector.shape_cast %swap3A_68 : vector<1x16xf32> to vector<16xf32>
      %swap3A_70 = vector.shape_cast %broadcast_in_dim3A_65 : vector<16xf32> to vector<1x16xf32>
      tpu.vector_store %arg12[%swap3A_66, %swap3A_67], %swap3A_70 {strides = array<i32>} : memref<128x128xf32, #tpu.memory_space<vmem>>, vector<1x16xf32>,
      %broadcast_in_dim3A_71 = arith.constant 0.000000e+00 : f32
      %broadcast_in_dim3A_72 = vector.broadcast %broadcast_in_dim3A_71 : f32 to vector<16xf32>
      %swap3A_73 = arith.index_cast %scan3A_37 : i32 to index
      %swap3A_74 = arith.constant 80 : index
      %swap3A_75 = tpu.vector_load %arg12[%swap3A_73, %swap3A_74] {strides = array<i32>} : memref<128x128xf32, #tpu.memory_space<vmem>>, vector<1x16xf32>,
      %swap3A_76 = vector.shape_cast %swap3A_75 : vector<1x16xf32> to vector<16xf32>
      %swap3A_77 = vector.shape_cast %broadcast_in_dim3A_72 : vector<16xf32> to vector<1x16xf32>
      tpu.vector_store %arg12[%swap3A_73, %swap3A_74], %swap3A_77 {strides = array<i32>} : memref<128x128xf32, #tpu.memory_space<vmem>>, vector<1x16xf32>,
      %broadcast_in_dim3A_78 = arith.constant 0.000000e+00 : f32
      %broadcast_in_dim3A_79 = vector.broadcast %broadcast_in_dim3A_78 : f32 to vector<16xf32>
      %swap3A_80 = arith.index_cast %scan3A_37 : i32 to index
      %swap3A_81 = arith.constant 96 : index
      %swap3A_82 = tpu.vector_load %arg12[%swap3A_80, %swap3A_81] {strides = array<i32>} : memref<128x128xf32, #tpu.memory_space<vmem>>, vector<1x16xf32>,
      %swap3A_83 = vector.shape_cast %swap3A_82 : vector<1x16xf32> to vector<16xf32>
      %swap3A_84 = vector.shape_cast %broadcast_in_dim3A_79 : vector<16xf32> to vector<1x16xf32>
      tpu.vector_store %arg12[%swap3A_80, %swap3A_81], %swap3A_84 {strides = array<i32>} : memref<128x128xf32, #tpu.memory_space<vmem>>, vector<1x16xf32>,
      %broadcast_in_dim3A_85 = arith.constant 0.000000e+00 : f32
      %broadcast_in_dim3A_86 = vector.broadcast %broadcast_in_dim3A_85 : f32 to vector<16xf32>
      %swap3A_87 = arith.index_cast %scan3A_37 : i32 to index
      %swap3A_88 = arith.constant 112 : index
      %swap3A_89 = tpu.vector_load %arg12[%swap3A_87, %swap3A_88] {strides = array<i32>} : memref<128x128xf32, #tpu.memory_space<vmem>>, vector<1x16xf32>,
      %swap3A_90 = vector.shape_cast %swap3A_89 : vector<1x16xf32> to vector<16xf32>
      %swap3A_91 = vector.shape_cast %broadcast_in_dim3A_86 : vector<16xf32> to vector<1x16xf32>
      tpu.vector_store %arg12[%swap3A_87, %swap3A_88], %swap3A_91 {strides = array<i32>} : memref<128x128xf32, #tpu.memory_space<vmem>>, vector<1x16xf32>,
    }
    %scan3A_5 = arith.constant 128 : i32
    %mul3A_6 = arith.constant 640 : i32
    %mul3A_7 = arith.muli %arg1, %mul3A_6 : i32
    %add3A_8 = arith.constant 0 : i32
    %add3A_9 = arith.addi %mul3A_7, %add3A_8 : i32
    "tpu.region"() ({
      %run_scoped3A = tpu.sem_alloc : memref<!tpu.dma_semaphore, #tpu.memory_space<semaphore_mem>>
      %dma_start3A = arith.constant 0 : i32
      %dma_start3A_37 = tpu.memref_slice %arg13[%add3A_9, %dma_start3A] : memref<10240x128xf32, #tpu.memory_space<vmem_shared>> -> memref<128x128xf32, #tpu.memory_space<vmem_shared>>
      %dma_start3A_38 = arith.constant 0 : i32
      %dma_start3A_39 = tpu.memref_slice %arg13[%add3A_9, %dma_start3A_38] : memref<10240x128xf32, #tpu.memory_space<vmem_shared>> -> memref<128x128xf32, #tpu.memory_space<vmem_shared>>
      tpu.enqueue_dma source(%arg12 : memref<128x128xf32, #tpu.memory_space<vmem>>) target(%dma_start3A_39 : memref<128x128xf32, #tpu.memory_space<vmem_shared>>) target_semaphore(%run_scoped3A : memref<!tpu.dma_semaphore, #tpu.memory_space<semaphore_mem>>)
      %dma_wait3A = arith.constant 0 : i32
      %dma_wait3A_40 = tpu.memref_slice %arg13[%add3A_9, %dma_wait3A] : memref<10240x128xf32, #tpu.memory_space<vmem_shared>> -> memref<128x128xf32, #tpu.memory_space<vmem_shared>>
      %dma_wait3A_41 = arith.constant 0 : i32
      %dma_wait3A_42 = tpu.memref_slice %arg13[%add3A_9, %dma_wait3A_41] : memref<10240x128xf32, #tpu.memory_space<vmem_shared>> -> memref<128x128xf32, #tpu.memory_space<vmem_shared>>
      tpu.wait_dma2 semaphore(%run_scoped3A : memref<!tpu.dma_semaphore, #tpu.memory_space<semaphore_mem>>) src(%arg12 : memref<128x128xf32, #tpu.memory_space<vmem>>) dst(%dma_wait3A_42 : memref<128x128xf32, #tpu.memory_space<vmem_shared>>)
      tpu.yield
    }) : () -> ()
    %mul3A_10 = arith.constant 640 : i32
    %mul3A_11 = arith.muli %arg1, %mul3A_10 : i32
    %add3A_12 = arith.constant 128 : i32
    %add3A_13 = arith.addi %mul3A_11, %add3A_12 : i32
    "tpu.region"() ({
      %run_scoped3A = tpu.sem_alloc : memref<!tpu.dma_semaphore, #tpu.memory_space<semaphore_mem>>
      %dma_start3A = arith.constant 0 : i32
      %dma_start3A_37 = tpu.memref_slice %arg13[%add3A_13, %dma_start3A] : memref<10240x128xf32, #tpu.memory_space<vmem_shared>> -> memref<128x128xf32, #tpu.memory_space<vmem_shared>>
      %dma_start3A_38 = arith.constant 0 : i32
      %dma_start3A_39 = tpu.memref_slice %arg13[%add3A_13, %dma_start3A_38] : memref<10240x128xf32, #tpu.memory_space<vmem_shared>> -> memref<128x128xf32, #tpu.memory_space<vmem_shared>>
      tpu.enqueue_dma source(%arg12 : memref<128x128xf32, #tpu.memory_space<vmem>>) target(%dma_start3A_39 : memref<128x128xf32, #tpu.memory_space<vmem_shared>>) target_semaphore(%run_scoped3A : memref<!tpu.dma_semaphore, #tpu.memory_space<semaphore_mem>>)
      %dma_wait3A = arith.constant 0 : i32
      %dma_wait3A_40 = tpu.memref_slice %arg13[%add3A_13, %dma_wait3A] : memref<10240x128xf32, #tpu.memory_space<vmem_shared>> -> memref<128x128xf32, #tpu.memory_space<vmem_shared>>
      %dma_wait3A_41 = arith.constant 0 : i32
      %dma_wait3A_42 = tpu.memref_slice %arg13[%add3A_13, %dma_wait3A_41] : memref<10240x128xf32, #tpu.memory_space<vmem_shared>> -> memref<128x128xf32, #tpu.memory_space<vmem_shared>>
      tpu.wait_dma2 semaphore(%run_scoped3A : memref<!tpu.dma_semaphore, #tpu.memory_space<semaphore_mem>>) src(%arg12 : memref<128x128xf32, #tpu.memory_space<vmem>>) dst(%dma_wait3A_42 : memref<128x128xf32, #tpu.memory_space<vmem_shared>>)
      tpu.yield
    }) : () -> ()
    %mul3A_14 = arith.constant 640 : i32
    %mul3A_15 = arith.muli %arg1, %mul3A_14 : i32
    %add3A_16 = arith.constant 256 : i32
    %add3A_17 = arith.addi %mul3A_15, %add3A_16 : i32
    "tpu.region"() ({
      %run_scoped3A = tpu.sem_alloc : memref<!tpu.dma_semaphore, #tpu.memory_space<semaphore_mem>>
      %dma_start3A = arith.constant 0 : i32
      %dma_start3A_37 = tpu.memref_slice %arg13[%add3A_17, %dma_start3A] : memref<10240x128xf32, #tpu.memory_space<vmem_shared>> -> memref<128x128xf32, #tpu.memory_space<vmem_shared>>
      %dma_start3A_38 = arith.constant 0 : i32
      %dma_start3A_39 = tpu.memref_slice %arg13[%add3A_17, %dma_start3A_38] : memref<10240x128xf32, #tpu.memory_space<vmem_shared>> -> memref<128x128xf32, #tpu.memory_space<vmem_shared>>
      tpu.enqueue_dma source(%arg12 : memref<128x128xf32, #tpu.memory_space<vmem>>) target(%dma_start3A_39 : memref<128x128xf32, #tpu.memory_space<vmem_shared>>) target_semaphore(%run_scoped3A : memref<!tpu.dma_semaphore, #tpu.memory_space<semaphore_mem>>)
      %dma_wait3A = arith.constant 0 : i32
      %dma_wait3A_40 = tpu.memref_slice %arg13[%add3A_17, %dma_wait3A] : memref<10240x128xf32, #tpu.memory_space<vmem_shared>> -> memref<128x128xf32, #tpu.memory_space<vmem_shared>>
      %dma_wait3A_41 = arith.constant 0 : i32
      %dma_wait3A_42 = tpu.memref_slice %arg13[%add3A_17, %dma_wait3A_41] : memref<10240x128xf32, #tpu.memory_space<vmem_shared>> -> memref<128x128xf32, #tpu.memory_space<vmem_shared>>
      tpu.wait_dma2 semaphore(%run_scoped3A : memref<!tpu.dma_semaphore, #tpu.memory_space<semaphore_mem>>) src(%arg12 : memref<128x128xf32, #tpu.memory_space<vmem>>) dst(%dma_wait3A_42 : memref<128x128xf32, #tpu.memory_space<vmem_shared>>)
      tpu.yield
    }) : () -> ()
    %mul3A_18 = arith.constant 640 : i32
    %mul3A_19 = arith.muli %arg1, %mul3A_18 : i32
    %add3A_20 = arith.constant 384 : i32
    %add3A_21 = arith.addi %mul3A_19, %add3A_20 : i32
    "tpu.region"() ({
      %run_scoped3A = tpu.sem_alloc : memref<!tpu.dma_semaphore, #tpu.memory_space<semaphore_mem>>
      %dma_start3A = arith.constant 0 : i32
      %dma_start3A_37 = tpu.memref_slice %arg13[%add3A_21, %dma_start3A] : memref<10240x128xf32, #tpu.memory_space<vmem_shared>> -> memref<128x128xf32, #tpu.memory_space<vmem_shared>>
      %dma_start3A_38 = arith.constant 0 : i32
      %dma_start3A_39 = tpu.memref_slice %arg13[%add3A_21, %dma_start3A_38] : memref<10240x128xf32, #tpu.memory_space<vmem_shared>> -> memref<128x128xf32, #tpu.memory_space<vmem_shared>>
      tpu.enqueue_dma source(%arg12 : memref<128x128xf32, #tpu.memory_space<vmem>>) target(%dma_start3A_39 : memref<128x128xf32, #tpu.memory_space<vmem_shared>>) target_semaphore(%run_scoped3A : memref<!tpu.dma_semaphore, #tpu.memory_space<semaphore_mem>>)
      %dma_wait3A = arith.constant 0 : i32
      %dma_wait3A_40 = tpu.memref_slice %arg13[%add3A_21, %dma_wait3A] : memref<10240x128xf32, #tpu.memory_space<vmem_shared>> -> memref<128x128xf32, #tpu.memory_space<vmem_shared>>
      %dma_wait3A_41 = arith.constant 0 : i32
      %dma_wait3A_42 = tpu.memref_slice %arg13[%add3A_21, %dma_wait3A_41] : memref<10240x128xf32, #tpu.memory_space<vmem_shared>> -> memref<128x128xf32, #tpu.memory_space<vmem_shared>>
      tpu.wait_dma2 semaphore(%run_scoped3A : memref<!tpu.dma_semaphore, #tpu.memory_space<semaphore_mem>>) src(%arg12 : memref<128x128xf32, #tpu.memory_space<vmem>>) dst(%dma_wait3A_42 : memref<128x128xf32, #tpu.memory_space<vmem_shared>>)
      tpu.yield
    }) : () -> ()
    %mul3A_22 = arith.constant 640 : i32
    %mul3A_23 = arith.muli %arg1, %mul3A_22 : i32
    %add3A_24 = arith.constant 512 : i32
    %add3A_25 = arith.addi %mul3A_23, %add3A_24 : i32
    "tpu.region"() ({
      %run_scoped3A = tpu.sem_alloc : memref<!tpu.dma_semaphore, #tpu.memory_space<semaphore_mem>>
      %dma_start3A = arith.constant 0 : i32
      %dma_start3A_37 = tpu.memref_slice %arg13[%add3A_25, %dma_start3A] : memref<10240x128xf32, #tpu.memory_space<vmem_shared>> -> memref<128x128xf32, #tpu.memory_space<vmem_shared>>
      %dma_start3A_38 = arith.constant 0 : i32
      %dma_start3A_39 = tpu.memref_slice %arg13[%add3A_25, %dma_start3A_38] : memref<10240x128xf32, #tpu.memory_space<vmem_shared>> -> memref<128x128xf32, #tpu.memory_space<vmem_shared>>
      tpu.enqueue_dma source(%arg12 : memref<128x128xf32, #tpu.memory_space<vmem>>) target(%dma_start3A_39 : memref<128x128xf32, #tpu.memory_space<vmem_shared>>) target_semaphore(%run_scoped3A : memref<!tpu.dma_semaphore, #tpu.memory_space<semaphore_mem>>)
      %dma_wait3A = arith.constant 0 : i32
      %dma_wait3A_40 = tpu.memref_slice %arg13[%add3A_25, %dma_wait3A] : memref<10240x128xf32, #tpu.memory_space<vmem_shared>> -> memref<128x128xf32, #tpu.memory_space<vmem_shared>>
      %dma_wait3A_41 = arith.constant 0 : i32
      %dma_wait3A_42 = tpu.memref_slice %arg13[%add3A_25, %dma_wait3A_41] : memref<10240x128xf32, #tpu.memory_space<vmem_shared>> -> memref<128x128xf32, #tpu.memory_space<vmem_shared>>
      tpu.wait_dma2 semaphore(%run_scoped3A : memref<!tpu.dma_semaphore, #tpu.memory_space<semaphore_mem>>) src(%arg12 : memref<128x128xf32, #tpu.memory_space<vmem>>) dst(%dma_wait3A_42 : memref<128x128xf32, #tpu.memory_space<vmem_shared>>)
      tpu.yield
    }) : () -> ()
    %barrier3A = arith.constant 0 : index
    tpu.barrier barrier_id(%barrier3A)
    %scan3A_26 = arith.constant 0 : i32
    %scan3A_27 = arith.constant 0 : i32
    %scan3A_28 = arith.constant 125 : i32
    %scan3A_29 = arith.addi %scan3A_27, %scan3A_28 : i32
    %scan3A_30 = arith.constant 1 : i32
    scf.for %scan3A_37 = %scan3A_27 to %scan3A_29 step %scan3A_30  : i32 {
      %mul3A_38 = arith.constant 10000 : i32
      %mul3A_39 = arith.muli %add3A, %mul3A_38 : i32
      %mul3A_40 = arith.constant 80 : i32
      %mul3A_41 = arith.muli %scan3A_37, %mul3A_40 : i32
      %add3A_42 = arith.addi %mul3A_39, %mul3A_41 : i32
      "tpu.region"() ({
        %run_scoped3A = tpu.sem_alloc : memref<!tpu.dma_semaphore, #tpu.memory_space<semaphore_mem>>
        %dma_start3A_53 = tpu.memref_slice %arg4[%add3A_42] : memref<320000xi32, #tpu.memory_space<hbm>> -> memref<80xi32, #tpu.memory_space<hbm>>
        %dma_start3A_54 = tpu.memref_slice %arg4[%add3A_42] : memref<320000xi32, #tpu.memory_space<hbm>> -> memref<80xi32, #tpu.memory_space<hbm>>
        tpu.enqueue_dma source(%dma_start3A_54 : memref<80xi32, #tpu.memory_space<hbm>>) target(%arg7 : memref<80xi32, #tpu.memory_space<vmem>>) target_semaphore(%run_scoped3A : memref<!tpu.dma_semaphore, #tpu.memory_space<semaphore_mem>>)
        %dma_wait3A_55 = tpu.memref_slice %arg4[%add3A_42] : memref<320000xi32, #tpu.memory_space<hbm>> -> memref<80xi32, #tpu.memory_space<hbm>>
        %dma_wait3A_56 = tpu.memref_slice %arg4[%add3A_42] : memref<320000xi32, #tpu.memory_space<hbm>> -> memref<80xi32, #tpu.memory_space<hbm>>
        tpu.wait_dma2 semaphore(%run_scoped3A : memref<!tpu.dma_semaphore, #tpu.memory_space<semaphore_mem>>) src(%dma_wait3A_56 : memref<80xi32, #tpu.memory_space<hbm>>) dst(%arg7 : memref<80xi32, #tpu.memory_space<vmem>>)
        tpu.yield
      }) : () -> ()
      "tpu.region"() ({
        %run_scoped3A = tpu.sem_alloc : memref<!tpu.dma_semaphore, #tpu.memory_space<semaphore_mem>>
        %dma_start3A_53 = tpu.memref_slice %arg5[%add3A_42] : memref<320000xi32, #tpu.memory_space<hbm>> -> memref<80xi32, #tpu.memory_space<hbm>>
        %dma_start3A_54 = tpu.memref_slice %arg5[%add3A_42] : memref<320000xi32, #tpu.memory_space<hbm>> -> memref<80xi32, #tpu.memory_space<hbm>>
        tpu.enqueue_dma source(%dma_start3A_54 : memref<80xi32, #tpu.memory_space<hbm>>) target(%arg8 : memref<80xi32, #tpu.memory_space<vmem>>) target_semaphore(%run_scoped3A : memref<!tpu.dma_semaphore, #tpu.memory_space<semaphore_mem>>)
        %dma_wait3A_55 = tpu.memref_slice %arg5[%add3A_42] : memref<320000xi32, #tpu.memory_space<hbm>> -> memref<80xi32, #tpu.memory_space<hbm>>
        %dma_wait3A_56 = tpu.memref_slice %arg5[%add3A_42] : memref<320000xi32, #tpu.memory_space<hbm>> -> memref<80xi32, #tpu.memory_space<hbm>>
        tpu.wait_dma2 semaphore(%run_scoped3A : memref<!tpu.dma_semaphore, #tpu.memory_space<semaphore_mem>>) src(%dma_wait3A_56 : memref<80xi32, #tpu.memory_space<hbm>>) dst(%arg8 : memref<80xi32, #tpu.memory_space<vmem>>)
        tpu.yield
      }) : () -> ()
      "tpu.region"() ({
        %run_scoped3A = tpu.sem_alloc : memref<!tpu.dma_semaphore, #tpu.memory_space<semaphore_mem>>
        %dma_start3A_53 = arith.constant 0 : i32
        %dma_start3A_54 = tpu.memref_slice %arg3[%add3A_42, %dma_start3A_53] : memref<320000x64xf32, #tpu.memory_space<hbm>> -> memref<80x64xf32, #tpu.memory_space<hbm>>
        %dma_start3A_55 = arith.constant 0 : i32
        %dma_start3A_56 = tpu.memref_slice %arg3[%add3A_42, %dma_start3A_55] : memref<320000x64xf32, #tpu.memory_space<hbm>> -> memref<80x64xf32, #tpu.memory_space<hbm>>
        tpu.enqueue_dma source(%dma_start3A_56 : memref<80x64xf32, #tpu.memory_space<hbm>>) target(%arg11 : memref<80x64xf32, #tpu.memory_space<vmem>>) target_semaphore(%run_scoped3A : memref<!tpu.dma_semaphore, #tpu.memory_space<semaphore_mem>>)
        %dma_wait3A_57 = arith.constant 0 : i32
        %dma_wait3A_58 = tpu.memref_slice %arg3[%add3A_42, %dma_wait3A_57] : memref<320000x64xf32, #tpu.memory_space<hbm>> -> memref<80x64xf32, #tpu.memory_space<hbm>>
        %dma_wait3A_59 = arith.constant 0 : i32
        %dma_wait3A_60 = tpu.memref_slice %arg3[%add3A_42, %dma_wait3A_59] : memref<320000x64xf32, #tpu.memory_space<hbm>> -> memref<80x64xf32, #tpu.memory_space<hbm>>
        tpu.wait_dma2 semaphore(%run_scoped3A : memref<!tpu.dma_semaphore, #tpu.memory_space<semaphore_mem>>) src(%dma_wait3A_60 : memref<80x64xf32, #tpu.memory_space<hbm>>) dst(%arg11 : memref<80x64xf32, #tpu.memory_space<vmem>>)
        tpu.yield
      }) : () -> ()
      %dma_start3A = arith.constant 0 : i32
      %dma_start3A_43 = arith.constant 0 : i32
      %dma_start3A_44 = tpu.memref_slice %arg2[%dma_start3A, %dma_start3A_43] : memref<10000x128xf32, #tpu.memory_space<hbm>> -> memref<10000x128xf32, #tpu.memory_space<hbm>>
      tpu.enqueue_indirect_dma source(%dma_start3A_44 : memref<10000x128xf32, #tpu.memory_space<hbm>>) target(%arg9 : memref<80x128xf32, #tpu.memory_space<vmem>>) offsets(%arg7 : memref<80xi32, #tpu.memory_space<vmem>>) semaphore(%arg14 : memref<!tpu.dma_semaphore, #tpu.memory_space<semaphore_mem>>)
      %dma_wait3A = arith.constant 0 : i32
      %dma_wait3A_45 = arith.constant 0 : i32
      %dma_wait3A_46 = tpu.memref_slice %arg2[%dma_wait3A, %dma_wait3A_45] : memref<10000x128xf32, #tpu.memory_space<hbm>> -> memref<10000x128xf32, #tpu.memory_space<hbm>>
      tpu.wait_indirect_dma semaphore(%arg14 : memref<!tpu.dma_semaphore, #tpu.memory_space<semaphore_mem>>) src(%dma_wait3A_46 : memref<10000x128xf32, #tpu.memory_space<hbm>>) dst(%arg9 : memref<80x128xf32, #tpu.memory_space<vmem>>)
      %scan3A_47 = arith.constant 0 : i32
      %scan3A_48 = arith.constant 0 : i32
      %scan3A_49 = arith.constant 80 : i32
      %scan3A_50 = arith.addi %scan3A_48, %scan3A_49 : i32
      %scan3A_51 = arith.constant 1 : i32
      scf.for %scan3A_53 = %scan3A_48 to %scan3A_50 step %scan3A_51  : i32 {
        %get3A = arith.index_cast %scan3A_53 : i32 to index
        %get3A_54 = arith.constant 32 : index
        %get3A_55 = tpu.vector_load %arg11[%get3A, %get3A_54] {strides = array<i32>} : memref<80x64xf32, #tpu.memory_space<vmem>>, vector<1x16xf32>,
        %get3A_56 = vector.shape_cast %get3A_55 : vector<1x16xf32> to vector<16xf32>
        %get3A_57 = arith.index_cast %scan3A_53 : i32 to index
        %get3A_58 = arith.constant 0 : index
        %get3A_59 = tpu.vector_load %arg9[%get3A_57, %get3A_58] {strides = array<i32>} : memref<80x128xf32, #tpu.memory_space<vmem>>, vector<1x16xf32>,
        %get3A_60 = vector.shape_cast %get3A_59 : vector<1x16xf32> to vector<16xf32>
        %mul3A_61 = arith.mulf %get3A_60, %get3A_56 : vector<16xf32>
        %swap3A = arith.index_cast %scan3A_53 : i32 to index
        %swap3A_62 = arith.constant 0 : index
        %swap3A_63 = tpu.vector_load %arg10[%swap3A, %swap3A_62] {strides = array<i32>} : memref<80x128xf32, #tpu.memory_space<vmem>>, vector<1x16xf32>,
        %swap3A_64 = vector.shape_cast %swap3A_63 : vector<1x16xf32> to vector<16xf32>
        %swap3A_65 = vector.shape_cast %mul3A_61 : vector<16xf32> to vector<1x16xf32>
        tpu.vector_store %arg10[%swap3A, %swap3A_62], %swap3A_65 {strides = array<i32>} : memref<80x128xf32, #tpu.memory_space<vmem>>, vector<1x16xf32>,
        %get3A_66 = arith.index_cast %scan3A_53 : i32 to index
        %get3A_67 = arith.constant 16 : index
        %get3A_68 = tpu.vector_load %arg9[%get3A_66, %get3A_67] {strides = array<i32>} : memref<80x128xf32, #tpu.memory_space<vmem>>, vector<1x16xf32>,
        %get3A_69 = vector.shape_cast %get3A_68 : vector<1x16xf32> to vector<16xf32>
        %mul3A_70 = arith.mulf %get3A_69, %get3A_56 : vector<16xf32>
        %swap3A_71 = arith.index_cast %scan3A_53 : i32 to index
        %swap3A_72 = arith.constant 16 : index
        %swap3A_73 = tpu.vector_load %arg10[%swap3A_71, %swap3A_72] {strides = array<i32>} : memref<80x128xf32, #tpu.memory_space<vmem>>, vector<1x16xf32>,
        %swap3A_74 = vector.shape_cast %swap3A_73 : vector<1x16xf32> to vector<16xf32>
        %swap3A_75 = vector.shape_cast %mul3A_70 : vector<16xf32> to vector<1x16xf32>
        tpu.vector_store %arg10[%swap3A_71, %swap3A_72], %swap3A_75 {strides = array<i32>} : memref<80x128xf32, #tpu.memory_space<vmem>>, vector<1x16xf32>,
        %get3A_76 = arith.index_cast %scan3A_53 : i32 to index
        %get3A_77 = arith.constant 32 : index
        %get3A_78 = tpu.vector_load %arg9[%get3A_76, %get3A_77] {strides = array<i32>} : memref<80x128xf32, #tpu.memory_space<vmem>>, vector<1x16xf32>,
        %get3A_79 = vector.shape_cast %get3A_78 : vector<1x16xf32> to vector<16xf32>
        %mul3A_80 = arith.mulf %get3A_79, %get3A_56 : vector<16xf32>
        %swap3A_81 = arith.index_cast %scan3A_53 : i32 to index
        %swap3A_82 = arith.constant 32 : index
        %swap3A_83 = tpu.vector_load %arg10[%swap3A_81, %swap3A_82] {strides = array<i32>} : memref<80x128xf32, #tpu.memory_space<vmem>>, vector<1x16xf32>,
        %swap3A_84 = vector.shape_cast %swap3A_83 : vector<1x16xf32> to vector<16xf32>
        %swap3A_85 = vector.shape_cast %mul3A_80 : vector<16xf32> to vector<1x16xf32>
        tpu.vector_store %arg10[%swap3A_81, %swap3A_82], %swap3A_85 {strides = array<i32>} : memref<80x128xf32, #tpu.memory_space<vmem>>, vector<1x16xf32>,
        %get3A_86 = arith.index_cast %scan3A_53 : i32 to index
        %get3A_87 = arith.constant 48 : index
        %get3A_88 = tpu.vector_load %arg9[%get3A_86, %get3A_87] {strides = array<i32>} : memref<80x128xf32, #tpu.memory_space<vmem>>, vector<1x16xf32>,
        %get3A_89 = vector.shape_cast %get3A_88 : vector<1x16xf32> to vector<16xf32>
        %mul3A_90 = arith.mulf %get3A_89, %get3A_56 : vector<16xf32>
        %swap3A_91 = arith.index_cast %scan3A_53 : i32 to index
        %swap3A_92 = arith.constant 48 : index
        %swap3A_93 = tpu.vector_load %arg10[%swap3A_91, %swap3A_92] {strides = array<i32>} : memref<80x128xf32, #tpu.memory_space<vmem>>, vector<1x16xf32>,
        %swap3A_94 = vector.shape_cast %swap3A_93 : vector<1x16xf32> to vector<16xf32>
        %swap3A_95 = vector.shape_cast %mul3A_90 : vector<16xf32> to vector<1x16xf32>
        tpu.vector_store %arg10[%swap3A_91, %swap3A_92], %swap3A_95 {strides = array<i32>} : memref<80x128xf32, #tpu.memory_space<vmem>>, vector<1x16xf32>,
        %get3A_96 = arith.index_cast %scan3A_53 : i32 to index
        %get3A_97 = arith.constant 64 : index
        %get3A_98 = tpu.vector_load %arg9[%get3A_96, %get3A_97] {strides = array<i32>} : memref<80x128xf32, #tpu.memory_space<vmem>>, vector<1x16xf32>,
        %get3A_99 = vector.shape_cast %get3A_98 : vector<1x16xf32> to vector<16xf32>
        %mul3A_100 = arith.mulf %get3A_99, %get3A_56 : vector<16xf32>
        %swap3A_101 = arith.index_cast %scan3A_53 : i32 to index
        %swap3A_102 = arith.constant 64 : index
        %swap3A_103 = tpu.vector_load %arg10[%swap3A_101, %swap3A_102] {strides = array<i32>} : memref<80x128xf32, #tpu.memory_space<vmem>>, vector<1x16xf32>,
        %swap3A_104 = vector.shape_cast %swap3A_103 : vector<1x16xf32> to vector<16xf32>
        %swap3A_105 = vector.shape_cast %mul3A_100 : vector<16xf32> to vector<1x16xf32>
        tpu.vector_store %arg10[%swap3A_101, %swap3A_102], %swap3A_105 {strides = array<i32>} : memref<80x128xf32, #tpu.memory_space<vmem>>, vector<1x16xf32>,
        %get3A_106 = arith.index_cast %scan3A_53 : i32 to index
        %get3A_107 = arith.constant 80 : index
        %get3A_108 = tpu.vector_load %arg9[%get3A_106, %get3A_107] {strides = array<i32>} : memref<80x128xf32, #tpu.memory_space<vmem>>, vector<1x16xf32>,
        %get3A_109 = vector.shape_cast %get3A_108 : vector<1x16xf32> to vector<16xf32>
        %mul3A_110 = arith.mulf %get3A_109, %get3A_56 : vector<16xf32>
        %swap3A_111 = arith.index_cast %scan3A_53 : i32 to index
        %swap3A_112 = arith.constant 80 : index
        %swap3A_113 = tpu.vector_load %arg10[%swap3A_111, %swap3A_112] {strides = array<i32>} : memref<80x128xf32, #tpu.memory_space<vmem>>, vector<1x16xf32>,
        %swap3A_114 = vector.shape_cast %swap3A_113 : vector<1x16xf32> to vector<16xf32>
        %swap3A_115 = vector.shape_cast %mul3A_110 : vector<16xf32> to vector<1x16xf32>
        tpu.vector_store %arg10[%swap3A_111, %swap3A_112], %swap3A_115 {strides = array<i32>} : memref<80x128xf32, #tpu.memory_space<vmem>>, vector<1x16xf32>,
        %get3A_116 = arith.index_cast %scan3A_53 : i32 to index
        %get3A_117 = arith.constant 96 : index
        %get3A_118 = tpu.vector_load %arg9[%get3A_116, %get3A_117] {strides = array<i32>} : memref<80x128xf32, #tpu.memory_space<vmem>>, vector<1x16xf32>,
        %get3A_119 = vector.shape_cast %get3A_118 : vector<1x16xf32> to vector<16xf32>
        %mul3A_120 = arith.mulf %get3A_119, %get3A_56 : vector<16xf32>
        %swap3A_121 = arith.index_cast %scan3A_53 : i32 to index
        %swap3A_122 = arith.constant 96 : index
        %swap3A_123 = tpu.vector_load %arg10[%swap3A_121, %swap3A_122] {strides = array<i32>} : memref<80x128xf32, #tpu.memory_space<vmem>>, vector<1x16xf32>,
        %swap3A_124 = vector.shape_cast %swap3A_123 : vector<1x16xf32> to vector<16xf32>
        %swap3A_125 = vector.shape_cast %mul3A_120 : vector<16xf32> to vector<1x16xf32>
        tpu.vector_store %arg10[%swap3A_121, %swap3A_122], %swap3A_125 {strides = array<i32>} : memref<80x128xf32, #tpu.memory_space<vmem>>, vector<1x16xf32>,
        %get3A_126 = arith.index_cast %scan3A_53 : i32 to index
        %get3A_127 = arith.constant 112 : index
        %get3A_128 = tpu.vector_load %arg9[%get3A_126, %get3A_127] {strides = array<i32>} : memref<80x128xf32, #tpu.memory_space<vmem>>, vector<1x16xf32>,
        %get3A_129 = vector.shape_cast %get3A_128 : vector<1x16xf32> to vector<16xf32>
        %mul3A_130 = arith.mulf %get3A_129, %get3A_56 : vector<16xf32>
        %swap3A_131 = arith.index_cast %scan3A_53 : i32 to index
        %swap3A_132 = arith.constant 112 : index
        %swap3A_133 = tpu.vector_load %arg10[%swap3A_131, %swap3A_132] {strides = array<i32>} : memref<80x128xf32, #tpu.memory_space<vmem>>, vector<1x16xf32>,
        %swap3A_134 = vector.shape_cast %swap3A_133 : vector<1x16xf32> to vector<16xf32>
        %swap3A_135 = vector.shape_cast %mul3A_130 : vector<16xf32> to vector<1x16xf32>
        tpu.vector_store %arg10[%swap3A_131, %swap3A_132], %swap3A_135 {strides = array<i32>} : memref<80x128xf32, #tpu.memory_space<vmem>>, vector<1x16xf32>,
      }
      %scan3A_52 = arith.constant 80 : i32
      "tpu.region"() ({
        %run_scoped3A = tpu.sem_alloc : memref<!tpu.dma_semaphore, #tpu.memory_space<semaphore_mem>>
        %dma_start3A_53 = arith.constant 0 : i32
        %dma_start3A_54 = arith.constant 0 : i32
        %dma_start3A_55 = tpu.memref_slice %arg13[%dma_start3A_53, %dma_start3A_54] : memref<10240x128xf32, #tpu.memory_space<vmem_shared>> -> memref<10240x128xf32, #tpu.memory_space<vmem_shared>>
        tpu.enqueue_indirect_dma source(%arg10 : memref<80x128xf32, #tpu.memory_space<vmem>>) target(%dma_start3A_55 : memref<10240x128xf32, #tpu.memory_space<vmem_shared>>) offsets(%arg8 : memref<80xi32, #tpu.memory_space<vmem>>) semaphore(%run_scoped3A : memref<!tpu.dma_semaphore, #tpu.memory_space<semaphore_mem>>) {add = true}
        %dma_wait3A_56 = arith.constant 0 : i32
        %dma_wait3A_57 = arith.constant 0 : i32
        %dma_wait3A_58 = tpu.memref_slice %arg13[%dma_wait3A_56, %dma_wait3A_57] : memref<10240x128xf32, #tpu.memory_space<vmem_shared>> -> memref<10240x128xf32, #tpu.memory_space<vmem_shared>>
        tpu.wait_indirect_dma semaphore(%run_scoped3A : memref<!tpu.dma_semaphore, #tpu.memory_space<semaphore_mem>>) src(%arg10 : memref<80x128xf32, #tpu.memory_space<vmem>>) dst(%dma_wait3A_58 : memref<10240x128xf32, #tpu.memory_space<vmem_shared>>)
        tpu.yield
      }) : () -> ()
    }
    %scan3A_31 = arith.constant 125 : i32
    %barrier3A_32 = arith.constant 0 : index
    tpu.barrier barrier_id(%barrier3A_32)
    %mul3A_33 = arith.constant 640 : i32
    %mul3A_34 = arith.muli %arg1, %mul3A_33 : i32
    %mul3A_35 = arith.constant 640 : i32
    %mul3A_36 = arith.muli %arg1, %mul3A_35 : i32
    "tpu.region"() ({
      %run_scoped3A = tpu.sem_alloc : memref<!tpu.dma_semaphore, #tpu.memory_space<semaphore_mem>>
      %dma_start3A = arith.constant 0 : i32
      %dma_start3A_37 = tpu.memref_slice %arg6[%arg0, %mul3A_36, %dma_start3A] : memref<2x10240x128xf32, #tpu.memory_space<hbm>> -> memref<1x640x128xf32, #tpu.memory_space<hbm>>
      %dma_start3A_38 = tpu.memref_squeeze %dma_start3A_37 : memref<1x640x128xf32, #tpu.memory_space<hbm>> -> memref<640x128xf32, #tpu.memory_space<hbm>>
      %dma_start3A_39 = arith.constant 0 : i32
      %dma_start3A_40 = tpu.memref_slice %arg13[%mul3A_34, %dma_start3A_39] : memref<10240x128xf32, #tpu.memory_space<vmem_shared>> -> memref<640x128xf32, #tpu.memory_space<vmem_shared>>
      tpu.enqueue_dma source(%dma_start3A_40 : memref<640x128xf32, #tpu.memory_space<vmem_shared>>) target(%dma_start3A_38 : memref<640x128xf32, #tpu.memory_space<hbm>>) target_semaphore(%run_scoped3A : memref<!tpu.dma_semaphore, #tpu.memory_space<semaphore_mem>>)
      %dma_wait3A = arith.constant 0 : i32
      %dma_wait3A_41 = tpu.memref_slice %arg6[%arg0, %mul3A_36, %dma_wait3A] : memref<2x10240x128xf32, #tpu.memory_space<hbm>> -> memref<1x640x128xf32, #tpu.memory_space<hbm>>
      %dma_wait3A_42 = tpu.memref_squeeze %dma_wait3A_41 : memref<1x640x128xf32, #tpu.memory_space<hbm>> -> memref<640x128xf32, #tpu.memory_space<hbm>>
      %dma_wait3A_43 = arith.constant 0 : i32
      %dma_wait3A_44 = tpu.memref_slice %arg13[%mul3A_34, %dma_wait3A_43] : memref<10240x128xf32, #tpu.memory_space<vmem_shared>> -> memref<640x128xf32, #tpu.memory_space<vmem_shared>>
      tpu.wait_dma2 semaphore(%run_scoped3A : memref<!tpu.dma_semaphore, #tpu.memory_space<semaphore_mem>>) src(%dma_wait3A_44 : memref<640x128xf32, #tpu.memory_space<vmem_shared>>) dst(%dma_wait3A_42 : memref<640x128xf32, #tpu.memory_space<hbm>>)
      tpu.yield
    }) : () -> ()
    return
  }
}

#map = affine_map<(d0, d1) -> (0, 0)>
#map1 = affine_map<(d0, d1) -> (0)>
#map2 = affine_map<(d0, d1) -> (0, 0, 0)>
module attributes {stable_mosaic.version = 14 : i64} {
  func.func @k(%arg0: i32, %arg1: i32, %arg2: memref<10000x128xf32, #tpu.memory_space<hbm>>, %arg3: memref<320000x64xf32, #tpu.memory_space<hbm>>, %arg4: memref<320000xi32, #tpu.memory_space<hbm>>, %arg5: memref<320000xi32, #tpu.memory_space<hbm>>, %arg6: memref<2x10240x128xf32, #tpu.memory_space<hbm>>, %arg7: memref<80xi32, #tpu.memory_space<vmem>>, %arg8: memref<80xi32, #tpu.memory_space<vmem>>, %arg9: memref<80x128xf32, #tpu.memory_space<vmem>>, %arg10: memref<80x128xf32, #tpu.memory_space<vmem>>, %arg11: memref<80x64xf32, #tpu.memory_space<vmem>>, %arg12: memref<128x128xf32, #tpu.memory_space<vmem>>, %arg13: memref<10240x128xf32, #tpu.memory_space<vmem_shared>>, %arg14: memref<!tpu.dma_semaphore, #tpu.memory_space<semaphore_mem>>) attributes {dimension_semantics = [#tpu.dimension_semantics<core_parallel>, #tpu.dimension_semantics<subcore_parallel>], iteration_bounds = array<i64: 2, 16>, scalar_prefetch = 0 : i64, scratch_operands = 8 : i64, tpu.core_type = #tpu.core_type<sc_vector_subcore>, window_params = [{transform_indices = #map}, {transform_indices = #map}, {transform_indices = #map1}, {transform_indices = #map1}, {transform_indices = #map2}]} {
    %mul3A = arith.constant 16 : i32
    %mul3A_0 = arith.muli %arg0, %mul3A : i32
    %add3A = arith.addi %mul3A_0, %arg1 : i32
    %scan3A = arith.constant 0 : i32
    %scan3A_1 = arith.constant 0 : i32
    %scan3A_2 = arith.constant 128 : i32
    %scan3A_3 = arith.addi %scan3A_1, %scan3A_2 : i32
    %scan3A_4 = arith.constant 1 : i32
    scf.for %scan3A_37 = %scan3A_1 to %scan3A_3 step %scan3A_4  : i32 {
      %broadcast_in_dim3A = arith.constant 0.000000e+00 : f32
      %broadcast_in_dim3A_38 = vector.broadcast %broadcast_in_dim3A : f32 to vector<16xf32>
      %swap3A = arith.index_cast %scan3A_37 : i32 to index
      %swap3A_39 = arith.constant 0 : index
      %swap3A_40 = tpu.vector_load %arg12[%swap3A, %swap3A_39] {strides = array<i32>} : memref<128x128xf32, #tpu.memory_space<vmem>>, vector<1x16xf32>,
      %swap3A_41 = vector.shape_cast %swap3A_40 : vector<1x16xf32> to vector<16xf32>
      %swap3A_42 = vector.shape_cast %broadcast_in_dim3A_38 : vector<16xf32> to vector<1x16xf32>
      tpu.vector_store %arg12[%swap3A, %swap3A_39], %swap3A_42 {strides = array<i32>} : memref<128x128xf32, #tpu.memory_space<vmem>>, vector<1x16xf32>,
      %broadcast_in_dim3A_43 = arith.constant 0.000000e+00 : f32
      %broadcast_in_dim3A_44 = vector.broadcast %broadcast_in_dim3A_43 : f32 to vector<16xf32>
      %swap3A_45 = arith.index_cast %scan3A_37 : i32 to index
      %swap3A_46 = arith.constant 16 : index
      %swap3A_47 = tpu.vector_load %arg12[%swap3A_45, %swap3A_46] {strides = array<i32>} : memref<128x128xf32, #tpu.memory_space<vmem>>, vector<1x16xf32>,
      %swap3A_48 = vector.shape_cast %swap3A_47 : vector<1x16xf32> to vector<16xf32>
      %swap3A_49 = vector.shape_cast %broadcast_in_dim3A_44 : vector<16xf32> to vector<1x16xf32>
      tpu.vector_store %arg12[%swap3A_45, %swap3A_46], %swap3A_49 {strides = array<i32>} : memref<128x128xf32, #tpu.memory_space<vmem>>, vector<1x16xf32>,
      %broadcast_in_dim3A_50 = arith.constant 0.000000e+00 : f32
      %broadcast_in_dim3A_51 = vector.broadcast %broadcast_in_dim3A_50 : f32 to vector<16xf32>
      %swap3A_52 = arith.index_cast %scan3A_37 : i32 to index
      %swap3A_53 = arith.constant 32 : index
      %swap3A_54 = tpu.vector_load %arg12[%swap3A_52, %swap3A_53] {strides = array<i32>} : memref<128x128xf32, #tpu.memory_space<vmem>>, vector<1x16xf32>,
      %swap3A_55 = vector.shape_cast %swap3A_54 : vector<1x16xf32> to vector<16xf32>
      %swap3A_56 = vector.shape_cast %broadcast_in_dim3A_51 : vector<16xf32> to vector<1x16xf32>
      tpu.vector_store %arg12[%swap3A_52, %swap3A_53], %swap3A_56 {strides = array<i32>} : memref<128x128xf32, #tpu.memory_space<vmem>>, vector<1x16xf32>,
      %broadcast_in_dim3A_57 = arith.constant 0.000000e+00 : f32
      %broadcast_in_dim3A_58 = vector.broadcast %broadcast_in_dim3A_57 : f32 to vector<16xf32>
      %swap3A_59 = arith.index_cast %scan3A_37 : i32 to index
      %swap3A_60 = arith.constant 48 : index
      %swap3A_61 = tpu.vector_load %arg12[%swap3A_59, %swap3A_60] {strides = array<i32>} : memref<128x128xf32, #tpu.memory_space<vmem>>, vector<1x16xf32>,
      %swap3A_62 = vector.shape_cast %swap3A_61 : vector<1x16xf32> to vector<16xf32>
      %swap3A_63 = vector.shape_cast %broadcast_in_dim3A_58 : vector<16xf32> to vector<1x16xf32>
      tpu.vector_store %arg12[%swap3A_59, %swap3A_60], %swap3A_63 {strides = array<i32>} : memref<128x128xf32, #tpu.memory_space<vmem>>, vector<1x16xf32>,
      %broadcast_in_dim3A_64 = arith.constant 0.000000e+00 : f32
      %broadcast_in_dim3A_65 = vector.broadcast %broadcast_in_dim3A_64 : f32 to vector<16xf32>
      %swap3A_66 = arith.index_cast %scan3A_37 : i32 to index
      %swap3A_67 = arith.constant 64 : index
      %swap3A_68 = tpu.vector_load %arg12[%swap3A_66, %swap3A_67] {strides = array<i32>} : memref<128x128xf32, #tpu.memory_space<vmem>>, vector<1x16xf32>,
      %swap3A_69 = vector.shape_cast %swap3A_68 : vector<1x16xf32> to vector<16xf32>
      %swap3A_70 = vector.shape_cast %broadcast_in_dim3A_65 : vector<16xf32> to vector<1x16xf32>
      tpu.vector_store %arg12[%swap3A_66, %swap3A_67], %swap3A_70 {strides = array<i32>} : memref<128x128xf32, #tpu.memory_space<vmem>>, vector<1x16xf32>,
      %broadcast_in_dim3A_71 = arith.constant 0.000000e+00 : f32
      %broadcast_in_dim3A_72 = vector.broadcast %broadcast_in_dim3A_71 : f32 to vector<16xf32>
      %swap3A_73 = arith.index_cast %scan3A_37 : i32 to index
      %swap3A_74 = arith.constant 80 : index
      %swap3A_75 = tpu.vector_load %arg12[%swap3A_73, %swap3A_74] {strides = array<i32>} : memref<128x128xf32, #tpu.memory_space<vmem>>, vector<1x16xf32>,
      %swap3A_76 = vector.shape_cast %swap3A_75 : vector<1x16xf32> to vector<16xf32>
      %swap3A_77 = vector.shape_cast %broadcast_in_dim3A_72 : vector<16xf32> to vector<1x16xf32>
      tpu.vector_store %arg12[%swap3A_73, %swap3A_74], %swap3A_77 {strides = array<i32>} : memref<128x128xf32, #tpu.memory_space<vmem>>, vector<1x16xf32>,
      %broadcast_in_dim3A_78 = arith.constant 0.000000e+00 : f32
      %broadcast_in_dim3A_79 = vector.broadcast %broadcast_in_dim3A_78 : f32 to vector<16xf32>
      %swap3A_80 = arith.index_cast %scan3A_37 : i32 to index
      %swap3A_81 = arith.constant 96 : index
      %swap3A_82 = tpu.vector_load %arg12[%swap3A_80, %swap3A_81] {strides = array<i32>} : memref<128x128xf32, #tpu.memory_space<vmem>>, vector<1x16xf32>,
      %swap3A_83 = vector.shape_cast %swap3A_82 : vector<1x16xf32> to vector<16xf32>
      %swap3A_84 = vector.shape_cast %broadcast_in_dim3A_79 : vector<16xf32> to vector<1x16xf32>
      tpu.vector_store %arg12[%swap3A_80, %swap3A_81], %swap3A_84 {strides = array<i32>} : memref<128x128xf32, #tpu.memory_space<vmem>>, vector<1x16xf32>,
      %broadcast_in_dim3A_85 = arith.constant 0.000000e+00 : f32
      %broadcast_in_dim3A_86 = vector.broadcast %broadcast_in_dim3A_85 : f32 to vector<16xf32>
      %swap3A_87 = arith.index_cast %scan3A_37 : i32 to index
      %swap3A_88 = arith.constant 112 : index
      %swap3A_89 = tpu.vector_load %arg12[%swap3A_87, %swap3A_88] {strides = array<i32>} : memref<128x128xf32, #tpu.memory_space<vmem>>, vector<1x16xf32>,
      %swap3A_90 = vector.shape_cast %swap3A_89 : vector<1x16xf32> to vector<16xf32>
      %swap3A_91 = vector.shape_cast %broadcast_in_dim3A_86 : vector<16xf32> to vector<1x16xf32>
      tpu.vector_store %arg12[%swap3A_87, %swap3A_88], %swap3A_91 {strides = array<i32>} : memref<128x128xf32, #tpu.memory_space<vmem>>, vector<1x16xf32>,
    }
    %scan3A_5 = arith.constant 128 : i32
    %mul3A_6 = arith.constant 640 : i32
    %mul3A_7 = arith.muli %arg1, %mul3A_6 : i32
    %add3A_8 = arith.constant 0 : i32
    %add3A_9 = arith.addi %mul3A_7, %add3A_8 : i32
    "tpu.region"() ({
      %run_scoped3A = tpu.sem_alloc : memref<!tpu.dma_semaphore, #tpu.memory_space<semaphore_mem>>
      %dma_start3A = arith.constant 0 : i32
      %dma_start3A_37 = tpu.memref_slice %arg13[%add3A_9, %dma_start3A] : memref<10240x128xf32, #tpu.memory_space<vmem_shared>> -> memref<128x128xf32, #tpu.memory_space<vmem_shared>>
      %dma_start3A_38 = arith.constant 0 : i32
      %dma_start3A_39 = tpu.memref_slice %arg13[%add3A_9, %dma_start3A_38] : memref<10240x128xf32, #tpu.memory_space<vmem_shared>> -> memref<128x128xf32, #tpu.memory_space<vmem_shared>>
      tpu.enqueue_dma source(%arg12 : memref<128x128xf32, #tpu.memory_space<vmem>>) target(%dma_start3A_39 : memref<128x128xf32, #tpu.memory_space<vmem_shared>>) target_semaphore(%run_scoped3A : memref<!tpu.dma_semaphore, #tpu.memory_space<semaphore_mem>>)
      %dma_wait3A = arith.constant 0 : i32
      %dma_wait3A_40 = tpu.memref_slice %arg13[%add3A_9, %dma_wait3A] : memref<10240x128xf32, #tpu.memory_space<vmem_shared>> -> memref<128x128xf32, #tpu.memory_space<vmem_shared>>
      %dma_wait3A_41 = arith.constant 0 : i32
      %dma_wait3A_42 = tpu.memref_slice %arg13[%add3A_9, %dma_wait3A_41] : memref<10240x128xf32, #tpu.memory_space<vmem_shared>> -> memref<128x128xf32, #tpu.memory_space<vmem_shared>>
      tpu.wait_dma2 semaphore(%run_scoped3A : memref<!tpu.dma_semaphore, #tpu.memory_space<semaphore_mem>>) src(%arg12 : memref<128x128xf32, #tpu.memory_space<vmem>>) dst(%dma_wait3A_42 : memref<128x128xf32, #tpu.memory_space<vmem_shared>>)
      tpu.yield
    }) : () -> ()
    %mul3A_10 = arith.constant 640 : i32
    %mul3A_11 = arith.muli %arg1, %mul3A_10 : i32
    %add3A_12 = arith.constant 128 : i32
    %add3A_13 = arith.addi %mul3A_11, %add3A_12 : i32
    "tpu.region"() ({
      %run_scoped3A = tpu.sem_alloc : memref<!tpu.dma_semaphore, #tpu.memory_space<semaphore_mem>>
      %dma_start3A = arith.constant 0 : i32
      %dma_start3A_37 = tpu.memref_slice %arg13[%add3A_13, %dma_start3A] : memref<10240x128xf32, #tpu.memory_space<vmem_shared>> -> memref<128x128xf32, #tpu.memory_space<vmem_shared>>
      %dma_start3A_38 = arith.constant 0 : i32
      %dma_start3A_39 = tpu.memref_slice %arg13[%add3A_13, %dma_start3A_38] : memref<10240x128xf32, #tpu.memory_space<vmem_shared>> -> memref<128x128xf32, #tpu.memory_space<vmem_shared>>
      tpu.enqueue_dma source(%arg12 : memref<128x128xf32, #tpu.memory_space<vmem>>) target(%dma_start3A_39 : memref<128x128xf32, #tpu.memory_space<vmem_shared>>) target_semaphore(%run_scoped3A : memref<!tpu.dma_semaphore, #tpu.memory_space<semaphore_mem>>)
      %dma_wait3A = arith.constant 0 : i32
      %dma_wait3A_40 = tpu.memref_slice %arg13[%add3A_13, %dma_wait3A] : memref<10240x128xf32, #tpu.memory_space<vmem_shared>> -> memref<128x128xf32, #tpu.memory_space<vmem_shared>>
      %dma_wait3A_41 = arith.constant 0 : i32
      %dma_wait3A_42 = tpu.memref_slice %arg13[%add3A_13, %dma_wait3A_41] : memref<10240x128xf32, #tpu.memory_space<vmem_shared>> -> memref<128x128xf32, #tpu.memory_space<vmem_shared>>
      tpu.wait_dma2 semaphore(%run_scoped3A : memref<!tpu.dma_semaphore, #tpu.memory_space<semaphore_mem>>) src(%arg12 : memref<128x128xf32, #tpu.memory_space<vmem>>) dst(%dma_wait3A_42 : memref<128x128xf32, #tpu.memory_space<vmem_shared>>)
      tpu.yield
    }) : () -> ()
    %mul3A_14 = arith.constant 640 : i32
    %mul3A_15 = arith.muli %arg1, %mul3A_14 : i32
    %add3A_16 = arith.constant 256 : i32
    %add3A_17 = arith.addi %mul3A_15, %add3A_16 : i32
    "tpu.region"() ({
      %run_scoped3A = tpu.sem_alloc : memref<!tpu.dma_semaphore, #tpu.memory_space<semaphore_mem>>
      %dma_start3A = arith.constant 0 : i32
      %dma_start3A_37 = tpu.memref_slice %arg13[%add3A_17, %dma_start3A] : memref<10240x128xf32, #tpu.memory_space<vmem_shared>> -> memref<128x128xf32, #tpu.memory_space<vmem_shared>>
      %dma_start3A_38 = arith.constant 0 : i32
      %dma_start3A_39 = tpu.memref_slice %arg13[%add3A_17, %dma_start3A_38] : memref<10240x128xf32, #tpu.memory_space<vmem_shared>> -> memref<128x128xf32, #tpu.memory_space<vmem_shared>>
      tpu.enqueue_dma source(%arg12 : memref<128x128xf32, #tpu.memory_space<vmem>>) target(%dma_start3A_39 : memref<128x128xf32, #tpu.memory_space<vmem_shared>>) target_semaphore(%run_scoped3A : memref<!tpu.dma_semaphore, #tpu.memory_space<semaphore_mem>>)
      %dma_wait3A = arith.constant 0 : i32
      %dma_wait3A_40 = tpu.memref_slice %arg13[%add3A_17, %dma_wait3A] : memref<10240x128xf32, #tpu.memory_space<vmem_shared>> -> memref<128x128xf32, #tpu.memory_space<vmem_shared>>
      %dma_wait3A_41 = arith.constant 0 : i32
      %dma_wait3A_42 = tpu.memref_slice %arg13[%add3A_17, %dma_wait3A_41] : memref<10240x128xf32, #tpu.memory_space<vmem_shared>> -> memref<128x128xf32, #tpu.memory_space<vmem_shared>>
      tpu.wait_dma2 semaphore(%run_scoped3A : memref<!tpu.dma_semaphore, #tpu.memory_space<semaphore_mem>>) src(%arg12 : memref<128x128xf32, #tpu.memory_space<vmem>>) dst(%dma_wait3A_42 : memref<128x128xf32, #tpu.memory_space<vmem_shared>>)
      tpu.yield
    }) : () -> ()
    %mul3A_18 = arith.constant 640 : i32
    %mul3A_19 = arith.muli %arg1, %mul3A_18 : i32
    %add3A_20 = arith.constant 384 : i32
    %add3A_21 = arith.addi %mul3A_19, %add3A_20 : i32
    "tpu.region"() ({
      %run_scoped3A = tpu.sem_alloc : memref<!tpu.dma_semaphore, #tpu.memory_space<semaphore_mem>>
      %dma_start3A = arith.constant 0 : i32
      %dma_start3A_37 = tpu.memref_slice %arg13[%add3A_21, %dma_start3A] : memref<10240x128xf32, #tpu.memory_space<vmem_shared>> -> memref<128x128xf32, #tpu.memory_space<vmem_shared>>
      %dma_start3A_38 = arith.constant 0 : i32
      %dma_start3A_39 = tpu.memref_slice %arg13[%add3A_21, %dma_start3A_38] : memref<10240x128xf32, #tpu.memory_space<vmem_shared>> -> memref<128x128xf32, #tpu.memory_space<vmem_shared>>
      tpu.enqueue_dma source(%arg12 : memref<128x128xf32, #tpu.memory_space<vmem>>) target(%dma_start3A_39 : memref<128x128xf32, #tpu.memory_space<vmem_shared>>) target_semaphore(%run_scoped3A : memref<!tpu.dma_semaphore, #tpu.memory_space<semaphore_mem>>)
      %dma_wait3A = arith.constant 0 : i32
      %dma_wait3A_40 = tpu.memref_slice %arg13[%add3A_21, %dma_wait3A] : memref<10240x128xf32, #tpu.memory_space<vmem_shared>> -> memref<128x128xf32, #tpu.memory_space<vmem_shared>>
      %dma_wait3A_41 = arith.constant 0 : i32
      %dma_wait3A_42 = tpu.memref_slice %arg13[%add3A_21, %dma_wait3A_41] : memref<10240x128xf32, #tpu.memory_space<vmem_shared>> -> memref<128x128xf32, #tpu.memory_space<vmem_shared>>
      tpu.wait_dma2 semaphore(%run_scoped3A : memref<!tpu.dma_semaphore, #tpu.memory_space<semaphore_mem>>) src(%arg12 : memref<128x128xf32, #tpu.memory_space<vmem>>) dst(%dma_wait3A_42 : memref<128x128xf32, #tpu.memory_space<vmem_shared>>)
      tpu.yield
    }) : () -> ()
    %mul3A_22 = arith.constant 640 : i32
    %mul3A_23 = arith.muli %arg1, %mul3A_22 : i32
    %add3A_24 = arith.constant 512 : i32
    %add3A_25 = arith.addi %mul3A_23, %add3A_24 : i32
    "tpu.region"() ({
      %run_scoped3A = tpu.sem_alloc : memref<!tpu.dma_semaphore, #tpu.memory_space<semaphore_mem>>
      %dma_start3A = arith.constant 0 : i32
      %dma_start3A_37 = tpu.memref_slice %arg13[%add3A_25, %dma_start3A] : memref<10240x128xf32, #tpu.memory_space<vmem_shared>> -> memref<128x128xf32, #tpu.memory_space<vmem_shared>>
      %dma_start3A_38 = arith.constant 0 : i32
      %dma_start3A_39 = tpu.memref_slice %arg13[%add3A_25, %dma_start3A_38] : memref<10240x128xf32, #tpu.memory_space<vmem_shared>> -> memref<128x128xf32, #tpu.memory_space<vmem_shared>>
      tpu.enqueue_dma source(%arg12 : memref<128x128xf32, #tpu.memory_space<vmem>>) target(%dma_start3A_39 : memref<128x128xf32, #tpu.memory_space<vmem_shared>>) target_semaphore(%run_scoped3A : memref<!tpu.dma_semaphore, #tpu.memory_space<semaphore_mem>>)
      %dma_wait3A = arith.constant 0 : i32
      %dma_wait3A_40 = tpu.memref_slice %arg13[%add3A_25, %dma_wait3A] : memref<10240x128xf32, #tpu.memory_space<vmem_shared>> -> memref<128x128xf32, #tpu.memory_space<vmem_shared>>
      %dma_wait3A_41 = arith.constant 0 : i32
      %dma_wait3A_42 = tpu.memref_slice %arg13[%add3A_25, %dma_wait3A_41] : memref<10240x128xf32, #tpu.memory_space<vmem_shared>> -> memref<128x128xf32, #tpu.memory_space<vmem_shared>>
      tpu.wait_dma2 semaphore(%run_scoped3A : memref<!tpu.dma_semaphore, #tpu.memory_space<semaphore_mem>>) src(%arg12 : memref<128x128xf32, #tpu.memory_space<vmem>>) dst(%dma_wait3A_42 : memref<128x128xf32, #tpu.memory_space<vmem_shared>>)
      tpu.yield
    }) : () -> ()
    %barrier3A = arith.constant 0 : index
    tpu.barrier barrier_id(%barrier3A)
    %scan3A_26 = arith.constant 0 : i32
    %scan3A_27 = arith.constant 0 : i32
    %scan3A_28 = arith.constant 125 : i32
    %scan3A_29 = arith.addi %scan3A_27, %scan3A_28 : i32
    %scan3A_30 = arith.constant 1 : i32
    scf.for %scan3A_37 = %scan3A_27 to %scan3A_29 step %scan3A_30  : i32 {
      %mul3A_38 = arith.constant 10000 : i32
      %mul3A_39 = arith.muli %add3A, %mul3A_38 : i32
      %mul3A_40 = arith.constant 80 : i32
      %mul3A_41 = arith.muli %scan3A_37, %mul3A_40 : i32
      %add3A_42 = arith.addi %mul3A_39, %mul3A_41 : i32
      "tpu.region"() ({
        %run_scoped3A = tpu.sem_alloc : memref<!tpu.dma_semaphore, #tpu.memory_space<semaphore_mem>>
        %dma_start3A_53 = tpu.memref_slice %arg4[%add3A_42] : memref<320000xi32, #tpu.memory_space<hbm>> -> memref<80xi32, #tpu.memory_space<hbm>>
        %dma_start3A_54 = tpu.memref_slice %arg4[%add3A_42] : memref<320000xi32, #tpu.memory_space<hbm>> -> memref<80xi32, #tpu.memory_space<hbm>>
        tpu.enqueue_dma source(%dma_start3A_54 : memref<80xi32, #tpu.memory_space<hbm>>) target(%arg7 : memref<80xi32, #tpu.memory_space<vmem>>) target_semaphore(%run_scoped3A : memref<!tpu.dma_semaphore, #tpu.memory_space<semaphore_mem>>)
        %dma_wait3A_55 = tpu.memref_slice %arg4[%add3A_42] : memref<320000xi32, #tpu.memory_space<hbm>> -> memref<80xi32, #tpu.memory_space<hbm>>
        %dma_wait3A_56 = tpu.memref_slice %arg4[%add3A_42] : memref<320000xi32, #tpu.memory_space<hbm>> -> memref<80xi32, #tpu.memory_space<hbm>>
        tpu.wait_dma2 semaphore(%run_scoped3A : memref<!tpu.dma_semaphore, #tpu.memory_space<semaphore_mem>>) src(%dma_wait3A_56 : memref<80xi32, #tpu.memory_space<hbm>>) dst(%arg7 : memref<80xi32, #tpu.memory_space<vmem>>)
        tpu.yield
      }) : () -> ()
      "tpu.region"() ({
        %run_scoped3A = tpu.sem_alloc : memref<!tpu.dma_semaphore, #tpu.memory_space<semaphore_mem>>
        %dma_start3A_53 = tpu.memref_slice %arg5[%add3A_42] : memref<320000xi32, #tpu.memory_space<hbm>> -> memref<80xi32, #tpu.memory_space<hbm>>
        %dma_start3A_54 = tpu.memref_slice %arg5[%add3A_42] : memref<320000xi32, #tpu.memory_space<hbm>> -> memref<80xi32, #tpu.memory_space<hbm>>
        tpu.enqueue_dma source(%dma_start3A_54 : memref<80xi32, #tpu.memory_space<hbm>>) target(%arg8 : memref<80xi32, #tpu.memory_space<vmem>>) target_semaphore(%run_scoped3A : memref<!tpu.dma_semaphore, #tpu.memory_space<semaphore_mem>>)
        %dma_wait3A_55 = tpu.memref_slice %arg5[%add3A_42] : memref<320000xi32, #tpu.memory_space<hbm>> -> memref<80xi32, #tpu.memory_space<hbm>>
        %dma_wait3A_56 = tpu.memref_slice %arg5[%add3A_42] : memref<320000xi32, #tpu.memory_space<hbm>> -> memref<80xi32, #tpu.memory_space<hbm>>
        tpu.wait_dma2 semaphore(%run_scoped3A : memref<!tpu.dma_semaphore, #tpu.memory_space<semaphore_mem>>) src(%dma_wait3A_56 : memref<80xi32, #tpu.memory_space<hbm>>) dst(%arg8 : memref<80xi32, #tpu.memory_space<vmem>>)
        tpu.yield
      }) : () -> ()
      "tpu.region"() ({
        %run_scoped3A = tpu.sem_alloc : memref<!tpu.dma_semaphore, #tpu.memory_space<semaphore_mem>>
        %dma_start3A_53 = arith.constant 0 : i32
        %dma_start3A_54 = tpu.memref_slice %arg3[%add3A_42, %dma_start3A_53] : memref<320000x64xf32, #tpu.memory_space<hbm>> -> memref<80x64xf32, #tpu.memory_space<hbm>>
        %dma_start3A_55 = arith.constant 0 : i32
        %dma_start3A_56 = tpu.memref_slice %arg3[%add3A_42, %dma_start3A_55] : memref<320000x64xf32, #tpu.memory_space<hbm>> -> memref<80x64xf32, #tpu.memory_space<hbm>>
        tpu.enqueue_dma source(%dma_start3A_56 : memref<80x64xf32, #tpu.memory_space<hbm>>) target(%arg11 : memref<80x64xf32, #tpu.memory_space<vmem>>) target_semaphore(%run_scoped3A : memref<!tpu.dma_semaphore, #tpu.memory_space<semaphore_mem>>)
        %dma_wait3A_57 = arith.constant 0 : i32
        %dma_wait3A_58 = tpu.memref_slice %arg3[%add3A_42, %dma_wait3A_57] : memref<320000x64xf32, #tpu.memory_space<hbm>> -> memref<80x64xf32, #tpu.memory_space<hbm>>
        %dma_wait3A_59 = arith.constant 0 : i32
        %dma_wait3A_60 = tpu.memref_slice %arg3[%add3A_42, %dma_wait3A_59] : memref<320000x64xf32, #tpu.memory_space<hbm>> -> memref<80x64xf32, #tpu.memory_space<hbm>>
        tpu.wait_dma2 semaphore(%run_scoped3A : memref<!tpu.dma_semaphore, #tpu.memory_space<semaphore_mem>>) src(%dma_wait3A_60 : memref<80x64xf32, #tpu.memory_space<hbm>>) dst(%arg11 : memref<80x64xf32, #tpu.memory_space<vmem>>)
        tpu.yield
      }) : () -> ()
      %dma_start3A = arith.constant 0 : i32
      %dma_start3A_43 = arith.constant 0 : i32
      %dma_start3A_44 = tpu.memref_slice %arg2[%dma_start3A, %dma_start3A_43] : memref<10000x128xf32, #tpu.memory_space<hbm>> -> memref<10000x128xf32, #tpu.memory_space<hbm>>
      tpu.enqueue_indirect_dma source(%dma_start3A_44 : memref<10000x128xf32, #tpu.memory_space<hbm>>) target(%arg9 : memref<80x128xf32, #tpu.memory_space<vmem>>) offsets(%arg7 : memref<80xi32, #tpu.memory_space<vmem>>) semaphore(%arg14 : memref<!tpu.dma_semaphore, #tpu.memory_space<semaphore_mem>>)
      %dma_wait3A = arith.constant 0 : i32
      %dma_wait3A_45 = arith.constant 0 : i32
      %dma_wait3A_46 = tpu.memref_slice %arg2[%dma_wait3A, %dma_wait3A_45] : memref<10000x128xf32, #tpu.memory_space<hbm>> -> memref<10000x128xf32, #tpu.memory_space<hbm>>
      tpu.wait_indirect_dma semaphore(%arg14 : memref<!tpu.dma_semaphore, #tpu.memory_space<semaphore_mem>>) src(%dma_wait3A_46 : memref<10000x128xf32, #tpu.memory_space<hbm>>) dst(%arg9 : memref<80x128xf32, #tpu.memory_space<vmem>>)
      %scan3A_47 = arith.constant 0 : i32
      %scan3A_48 = arith.constant 0 : i32
      %scan3A_49 = arith.constant 80 : i32
      %scan3A_50 = arith.addi %scan3A_48, %scan3A_49 : i32
      %scan3A_51 = arith.constant 1 : i32
      scf.for %scan3A_53 = %scan3A_48 to %scan3A_50 step %scan3A_51  : i32 {
        %get3A = arith.index_cast %scan3A_53 : i32 to index
        %get3A_54 = arith.constant 48 : index
        %get3A_55 = tpu.vector_load %arg11[%get3A, %get3A_54] {strides = array<i32>} : memref<80x64xf32, #tpu.memory_space<vmem>>, vector<1x16xf32>,
        %get3A_56 = vector.shape_cast %get3A_55 : vector<1x16xf32> to vector<16xf32>
        %get3A_57 = arith.index_cast %scan3A_53 : i32 to index
        %get3A_58 = arith.constant 0 : index
        %get3A_59 = tpu.vector_load %arg9[%get3A_57, %get3A_58] {strides = array<i32>} : memref<80x128xf32, #tpu.memory_space<vmem>>, vector<1x16xf32>,
        %get3A_60 = vector.shape_cast %get3A_59 : vector<1x16xf32> to vector<16xf32>
        %mul3A_61 = arith.mulf %get3A_60, %get3A_56 : vector<16xf32>
        %swap3A = arith.index_cast %scan3A_53 : i32 to index
        %swap3A_62 = arith.constant 0 : index
        %swap3A_63 = tpu.vector_load %arg10[%swap3A, %swap3A_62] {strides = array<i32>} : memref<80x128xf32, #tpu.memory_space<vmem>>, vector<1x16xf32>,
        %swap3A_64 = vector.shape_cast %swap3A_63 : vector<1x16xf32> to vector<16xf32>
        %swap3A_65 = vector.shape_cast %mul3A_61 : vector<16xf32> to vector<1x16xf32>
        tpu.vector_store %arg10[%swap3A, %swap3A_62], %swap3A_65 {strides = array<i32>} : memref<80x128xf32, #tpu.memory_space<vmem>>, vector<1x16xf32>,
        %get3A_66 = arith.index_cast %scan3A_53 : i32 to index
        %get3A_67 = arith.constant 16 : index
        %get3A_68 = tpu.vector_load %arg9[%get3A_66, %get3A_67] {strides = array<i32>} : memref<80x128xf32, #tpu.memory_space<vmem>>, vector<1x16xf32>,
        %get3A_69 = vector.shape_cast %get3A_68 : vector<1x16xf32> to vector<16xf32>
        %mul3A_70 = arith.mulf %get3A_69, %get3A_56 : vector<16xf32>
        %swap3A_71 = arith.index_cast %scan3A_53 : i32 to index
        %swap3A_72 = arith.constant 16 : index
        %swap3A_73 = tpu.vector_load %arg10[%swap3A_71, %swap3A_72] {strides = array<i32>} : memref<80x128xf32, #tpu.memory_space<vmem>>, vector<1x16xf32>,
        %swap3A_74 = vector.shape_cast %swap3A_73 : vector<1x16xf32> to vector<16xf32>
        %swap3A_75 = vector.shape_cast %mul3A_70 : vector<16xf32> to vector<1x16xf32>
        tpu.vector_store %arg10[%swap3A_71, %swap3A_72], %swap3A_75 {strides = array<i32>} : memref<80x128xf32, #tpu.memory_space<vmem>>, vector<1x16xf32>,
        %get3A_76 = arith.index_cast %scan3A_53 : i32 to index
        %get3A_77 = arith.constant 32 : index
        %get3A_78 = tpu.vector_load %arg9[%get3A_76, %get3A_77] {strides = array<i32>} : memref<80x128xf32, #tpu.memory_space<vmem>>, vector<1x16xf32>,
        %get3A_79 = vector.shape_cast %get3A_78 : vector<1x16xf32> to vector<16xf32>
        %mul3A_80 = arith.mulf %get3A_79, %get3A_56 : vector<16xf32>
        %swap3A_81 = arith.index_cast %scan3A_53 : i32 to index
        %swap3A_82 = arith.constant 32 : index
        %swap3A_83 = tpu.vector_load %arg10[%swap3A_81, %swap3A_82] {strides = array<i32>} : memref<80x128xf32, #tpu.memory_space<vmem>>, vector<1x16xf32>,
        %swap3A_84 = vector.shape_cast %swap3A_83 : vector<1x16xf32> to vector<16xf32>
        %swap3A_85 = vector.shape_cast %mul3A_80 : vector<16xf32> to vector<1x16xf32>
        tpu.vector_store %arg10[%swap3A_81, %swap3A_82], %swap3A_85 {strides = array<i32>} : memref<80x128xf32, #tpu.memory_space<vmem>>, vector<1x16xf32>,
        %get3A_86 = arith.index_cast %scan3A_53 : i32 to index
        %get3A_87 = arith.constant 48 : index
        %get3A_88 = tpu.vector_load %arg9[%get3A_86, %get3A_87] {strides = array<i32>} : memref<80x128xf32, #tpu.memory_space<vmem>>, vector<1x16xf32>,
        %get3A_89 = vector.shape_cast %get3A_88 : vector<1x16xf32> to vector<16xf32>
        %mul3A_90 = arith.mulf %get3A_89, %get3A_56 : vector<16xf32>
        %swap3A_91 = arith.index_cast %scan3A_53 : i32 to index
        %swap3A_92 = arith.constant 48 : index
        %swap3A_93 = tpu.vector_load %arg10[%swap3A_91, %swap3A_92] {strides = array<i32>} : memref<80x128xf32, #tpu.memory_space<vmem>>, vector<1x16xf32>,
        %swap3A_94 = vector.shape_cast %swap3A_93 : vector<1x16xf32> to vector<16xf32>
        %swap3A_95 = vector.shape_cast %mul3A_90 : vector<16xf32> to vector<1x16xf32>
        tpu.vector_store %arg10[%swap3A_91, %swap3A_92], %swap3A_95 {strides = array<i32>} : memref<80x128xf32, #tpu.memory_space<vmem>>, vector<1x16xf32>,
        %get3A_96 = arith.index_cast %scan3A_53 : i32 to index
        %get3A_97 = arith.constant 64 : index
        %get3A_98 = tpu.vector_load %arg9[%get3A_96, %get3A_97] {strides = array<i32>} : memref<80x128xf32, #tpu.memory_space<vmem>>, vector<1x16xf32>,
        %get3A_99 = vector.shape_cast %get3A_98 : vector<1x16xf32> to vector<16xf32>
        %mul3A_100 = arith.mulf %get3A_99, %get3A_56 : vector<16xf32>
        %swap3A_101 = arith.index_cast %scan3A_53 : i32 to index
        %swap3A_102 = arith.constant 64 : index
        %swap3A_103 = tpu.vector_load %arg10[%swap3A_101, %swap3A_102] {strides = array<i32>} : memref<80x128xf32, #tpu.memory_space<vmem>>, vector<1x16xf32>,
        %swap3A_104 = vector.shape_cast %swap3A_103 : vector<1x16xf32> to vector<16xf32>
        %swap3A_105 = vector.shape_cast %mul3A_100 : vector<16xf32> to vector<1x16xf32>
        tpu.vector_store %arg10[%swap3A_101, %swap3A_102], %swap3A_105 {strides = array<i32>} : memref<80x128xf32, #tpu.memory_space<vmem>>, vector<1x16xf32>,
        %get3A_106 = arith.index_cast %scan3A_53 : i32 to index
        %get3A_107 = arith.constant 80 : index
        %get3A_108 = tpu.vector_load %arg9[%get3A_106, %get3A_107] {strides = array<i32>} : memref<80x128xf32, #tpu.memory_space<vmem>>, vector<1x16xf32>,
        %get3A_109 = vector.shape_cast %get3A_108 : vector<1x16xf32> to vector<16xf32>
        %mul3A_110 = arith.mulf %get3A_109, %get3A_56 : vector<16xf32>
        %swap3A_111 = arith.index_cast %scan3A_53 : i32 to index
        %swap3A_112 = arith.constant 80 : index
        %swap3A_113 = tpu.vector_load %arg10[%swap3A_111, %swap3A_112] {strides = array<i32>} : memref<80x128xf32, #tpu.memory_space<vmem>>, vector<1x16xf32>,
        %swap3A_114 = vector.shape_cast %swap3A_113 : vector<1x16xf32> to vector<16xf32>
        %swap3A_115 = vector.shape_cast %mul3A_110 : vector<16xf32> to vector<1x16xf32>
        tpu.vector_store %arg10[%swap3A_111, %swap3A_112], %swap3A_115 {strides = array<i32>} : memref<80x128xf32, #tpu.memory_space<vmem>>, vector<1x16xf32>,
        %get3A_116 = arith.index_cast %scan3A_53 : i32 to index
        %get3A_117 = arith.constant 96 : index
        %get3A_118 = tpu.vector_load %arg9[%get3A_116, %get3A_117] {strides = array<i32>} : memref<80x128xf32, #tpu.memory_space<vmem>>, vector<1x16xf32>,
        %get3A_119 = vector.shape_cast %get3A_118 : vector<1x16xf32> to vector<16xf32>
        %mul3A_120 = arith.mulf %get3A_119, %get3A_56 : vector<16xf32>
        %swap3A_121 = arith.index_cast %scan3A_53 : i32 to index
        %swap3A_122 = arith.constant 96 : index
        %swap3A_123 = tpu.vector_load %arg10[%swap3A_121, %swap3A_122] {strides = array<i32>} : memref<80x128xf32, #tpu.memory_space<vmem>>, vector<1x16xf32>,
        %swap3A_124 = vector.shape_cast %swap3A_123 : vector<1x16xf32> to vector<16xf32>
        %swap3A_125 = vector.shape_cast %mul3A_120 : vector<16xf32> to vector<1x16xf32>
        tpu.vector_store %arg10[%swap3A_121, %swap3A_122], %swap3A_125 {strides = array<i32>} : memref<80x128xf32, #tpu.memory_space<vmem>>, vector<1x16xf32>,
        %get3A_126 = arith.index_cast %scan3A_53 : i32 to index
        %get3A_127 = arith.constant 112 : index
        %get3A_128 = tpu.vector_load %arg9[%get3A_126, %get3A_127] {strides = array<i32>} : memref<80x128xf32, #tpu.memory_space<vmem>>, vector<1x16xf32>,
        %get3A_129 = vector.shape_cast %get3A_128 : vector<1x16xf32> to vector<16xf32>
        %mul3A_130 = arith.mulf %get3A_129, %get3A_56 : vector<16xf32>
        %swap3A_131 = arith.index_cast %scan3A_53 : i32 to index
        %swap3A_132 = arith.constant 112 : index
        %swap3A_133 = tpu.vector_load %arg10[%swap3A_131, %swap3A_132] {strides = array<i32>} : memref<80x128xf32, #tpu.memory_space<vmem>>, vector<1x16xf32>,
        %swap3A_134 = vector.shape_cast %swap3A_133 : vector<1x16xf32> to vector<16xf32>
        %swap3A_135 = vector.shape_cast %mul3A_130 : vector<16xf32> to vector<1x16xf32>
        tpu.vector_store %arg10[%swap3A_131, %swap3A_132], %swap3A_135 {strides = array<i32>} : memref<80x128xf32, #tpu.memory_space<vmem>>, vector<1x16xf32>,
      }
      %scan3A_52 = arith.constant 80 : i32
      "tpu.region"() ({
        %run_scoped3A = tpu.sem_alloc : memref<!tpu.dma_semaphore, #tpu.memory_space<semaphore_mem>>
        %dma_start3A_53 = arith.constant 0 : i32
        %dma_start3A_54 = arith.constant 0 : i32
        %dma_start3A_55 = tpu.memref_slice %arg13[%dma_start3A_53, %dma_start3A_54] : memref<10240x128xf32, #tpu.memory_space<vmem_shared>> -> memref<10240x128xf32, #tpu.memory_space<vmem_shared>>
        tpu.enqueue_indirect_dma source(%arg10 : memref<80x128xf32, #tpu.memory_space<vmem>>) target(%dma_start3A_55 : memref<10240x128xf32, #tpu.memory_space<vmem_shared>>) offsets(%arg8 : memref<80xi32, #tpu.memory_space<vmem>>) semaphore(%run_scoped3A : memref<!tpu.dma_semaphore, #tpu.memory_space<semaphore_mem>>) {add = true}
        %dma_wait3A_56 = arith.constant 0 : i32
        %dma_wait3A_57 = arith.constant 0 : i32
        %dma_wait3A_58 = tpu.memref_slice %arg13[%dma_wait3A_56, %dma_wait3A_57] : memref<10240x128xf32, #tpu.memory_space<vmem_shared>> -> memref<10240x128xf32, #tpu.memory_space<vmem_shared>>
        tpu.wait_indirect_dma semaphore(%run_scoped3A : memref<!tpu.dma_semaphore, #tpu.memory_space<semaphore_mem>>) src(%arg10 : memref<80x128xf32, #tpu.memory_space<vmem>>) dst(%dma_wait3A_58 : memref<10240x128xf32, #tpu.memory_space<vmem_shared>>)
        tpu.yield
      }) : () -> ()
    }
    %scan3A_31 = arith.constant 125 : i32
    %barrier3A_32 = arith.constant 0 : index
    tpu.barrier barrier_id(%barrier3A_32)
    %mul3A_33 = arith.constant 640 : i32
    %mul3A_34 = arith.muli %arg1, %mul3A_33 : i32
    %mul3A_35 = arith.constant 640 : i32
    %mul3A_36 = arith.muli %arg1, %mul3A_35 : i32
    "tpu.region"() ({
      %run_scoped3A = tpu.sem_alloc : memref<!tpu.dma_semaphore, #tpu.memory_space<semaphore_mem>>
      %dma_start3A = arith.constant 0 : i32
      %dma_start3A_37 = tpu.memref_slice %arg6[%arg0, %mul3A_36, %dma_start3A] : memref<2x10240x128xf32, #tpu.memory_space<hbm>> -> memref<1x640x128xf32, #tpu.memory_space<hbm>>
      %dma_start3A_38 = tpu.memref_squeeze %dma_start3A_37 : memref<1x640x128xf32, #tpu.memory_space<hbm>> -> memref<640x128xf32, #tpu.memory_space<hbm>>
      %dma_start3A_39 = arith.constant 0 : i32
      %dma_start3A_40 = tpu.memref_slice %arg13[%mul3A_34, %dma_start3A_39] : memref<10240x128xf32, #tpu.memory_space<vmem_shared>> -> memref<640x128xf32, #tpu.memory_space<vmem_shared>>
      tpu.enqueue_dma source(%dma_start3A_40 : memref<640x128xf32, #tpu.memory_space<vmem_shared>>) target(%dma_start3A_38 : memref<640x128xf32, #tpu.memory_space<hbm>>) target_semaphore(%run_scoped3A : memref<!tpu.dma_semaphore, #tpu.memory_space<semaphore_mem>>)
      %dma_wait3A = arith.constant 0 : i32
      %dma_wait3A_41 = tpu.memref_slice %arg6[%arg0, %mul3A_36, %dma_wait3A] : memref<2x10240x128xf32, #tpu.memory_space<hbm>> -> memref<1x640x128xf32, #tpu.memory_space<hbm>>
      %dma_wait3A_42 = tpu.memref_squeeze %dma_wait3A_41 : memref<1x640x128xf32, #tpu.memory_space<hbm>> -> memref<640x128xf32, #tpu.memory_space<hbm>>
      %dma_wait3A_43 = arith.constant 0 : i32
      %dma_wait3A_44 = tpu.memref_slice %arg13[%mul3A_34, %dma_wait3A_43] : memref<10240x128xf32, #tpu.memory_space<vmem_shared>> -> memref<640x128xf32, #tpu.memory_space<vmem_shared>>
      tpu.wait_dma2 semaphore(%run_scoped3A : memref<!tpu.dma_semaphore, #tpu.memory_space<semaphore_mem>>) src(%dma_wait3A_44 : memref<640x128xf32, #tpu.memory_space<vmem_shared>>) dst(%dma_wait3A_42 : memref<640x128xf32, #tpu.memory_space<hbm>>)
      tpu.yield
    }) : () -> ()
    return
  }
}

#map = affine_map<(d0, d1) -> (0, 0)>
#map1 = affine_map<(d0, d1) -> (0)>
#map2 = affine_map<(d0, d1) -> (0, 0, 0)>
module attributes {stable_mosaic.version = 14 : i64} {
  func.func @k(%arg0: i32, %arg1: i32, %arg2: memref<10000x128xf32, #tpu.memory_space<hbm>>, %arg3: memref<320000xi32, #tpu.memory_space<hbm>>, %arg4: memref<320000xi32, #tpu.memory_space<hbm>>, %arg5: memref<2x10240x128xf32, #tpu.memory_space<hbm>>, %arg6: memref<80xi32, #tpu.memory_space<vmem>>, %arg7: memref<80xi32, #tpu.memory_space<vmem>>, %arg8: memref<80x128xf32, #tpu.memory_space<vmem>>, %arg9: memref<128x128xf32, #tpu.memory_space<vmem>>, %arg10: memref<10240x128xf32, #tpu.memory_space<vmem_shared>>, %arg11: memref<!tpu.dma_semaphore, #tpu.memory_space<semaphore_mem>>) attributes {dimension_semantics = [#tpu.dimension_semantics<core_parallel>, #tpu.dimension_semantics<subcore_parallel>], iteration_bounds = array<i64: 2, 16>, scalar_prefetch = 0 : i64, scratch_operands = 6 : i64, tpu.core_type = #tpu.core_type<sc_vector_subcore>, window_params = [{transform_indices = #map}, {transform_indices = #map1}, {transform_indices = #map1}, {transform_indices = #map2}]} {
    %mul3A = arith.constant 16 : i32
    %mul3A_0 = arith.muli %arg0, %mul3A : i32
    %add3A = arith.addi %mul3A_0, %arg1 : i32
    %scan3A = arith.constant 0 : i32
    %scan3A_1 = arith.constant 0 : i32
    %scan3A_2 = arith.constant 128 : i32
    %scan3A_3 = arith.addi %scan3A_1, %scan3A_2 : i32
    %scan3A_4 = arith.constant 1 : i32
    scf.for %scan3A_37 = %scan3A_1 to %scan3A_3 step %scan3A_4  : i32 {
      %broadcast_in_dim3A = arith.constant 0.000000e+00 : f32
      %broadcast_in_dim3A_38 = vector.broadcast %broadcast_in_dim3A : f32 to vector<16xf32>
      %swap3A = arith.index_cast %scan3A_37 : i32 to index
      %swap3A_39 = arith.constant 0 : index
      %swap3A_40 = tpu.vector_load %arg9[%swap3A, %swap3A_39] {strides = array<i32>} : memref<128x128xf32, #tpu.memory_space<vmem>>, vector<1x16xf32>,
      %swap3A_41 = vector.shape_cast %swap3A_40 : vector<1x16xf32> to vector<16xf32>
      %swap3A_42 = vector.shape_cast %broadcast_in_dim3A_38 : vector<16xf32> to vector<1x16xf32>
      tpu.vector_store %arg9[%swap3A, %swap3A_39], %swap3A_42 {strides = array<i32>} : memref<128x128xf32, #tpu.memory_space<vmem>>, vector<1x16xf32>,
      %broadcast_in_dim3A_43 = arith.constant 0.000000e+00 : f32
      %broadcast_in_dim3A_44 = vector.broadcast %broadcast_in_dim3A_43 : f32 to vector<16xf32>
      %swap3A_45 = arith.index_cast %scan3A_37 : i32 to index
      %swap3A_46 = arith.constant 16 : index
      %swap3A_47 = tpu.vector_load %arg9[%swap3A_45, %swap3A_46] {strides = array<i32>} : memref<128x128xf32, #tpu.memory_space<vmem>>, vector<1x16xf32>,
      %swap3A_48 = vector.shape_cast %swap3A_47 : vector<1x16xf32> to vector<16xf32>
      %swap3A_49 = vector.shape_cast %broadcast_in_dim3A_44 : vector<16xf32> to vector<1x16xf32>
      tpu.vector_store %arg9[%swap3A_45, %swap3A_46], %swap3A_49 {strides = array<i32>} : memref<128x128xf32, #tpu.memory_space<vmem>>, vector<1x16xf32>,
      %broadcast_in_dim3A_50 = arith.constant 0.000000e+00 : f32
      %broadcast_in_dim3A_51 = vector.broadcast %broadcast_in_dim3A_50 : f32 to vector<16xf32>
      %swap3A_52 = arith.index_cast %scan3A_37 : i32 to index
      %swap3A_53 = arith.constant 32 : index
      %swap3A_54 = tpu.vector_load %arg9[%swap3A_52, %swap3A_53] {strides = array<i32>} : memref<128x128xf32, #tpu.memory_space<vmem>>, vector<1x16xf32>,
      %swap3A_55 = vector.shape_cast %swap3A_54 : vector<1x16xf32> to vector<16xf32>
      %swap3A_56 = vector.shape_cast %broadcast_in_dim3A_51 : vector<16xf32> to vector<1x16xf32>
      tpu.vector_store %arg9[%swap3A_52, %swap3A_53], %swap3A_56 {strides = array<i32>} : memref<128x128xf32, #tpu.memory_space<vmem>>, vector<1x16xf32>,
      %broadcast_in_dim3A_57 = arith.constant 0.000000e+00 : f32
      %broadcast_in_dim3A_58 = vector.broadcast %broadcast_in_dim3A_57 : f32 to vector<16xf32>
      %swap3A_59 = arith.index_cast %scan3A_37 : i32 to index
      %swap3A_60 = arith.constant 48 : index
      %swap3A_61 = tpu.vector_load %arg9[%swap3A_59, %swap3A_60] {strides = array<i32>} : memref<128x128xf32, #tpu.memory_space<vmem>>, vector<1x16xf32>,
      %swap3A_62 = vector.shape_cast %swap3A_61 : vector<1x16xf32> to vector<16xf32>
      %swap3A_63 = vector.shape_cast %broadcast_in_dim3A_58 : vector<16xf32> to vector<1x16xf32>
      tpu.vector_store %arg9[%swap3A_59, %swap3A_60], %swap3A_63 {strides = array<i32>} : memref<128x128xf32, #tpu.memory_space<vmem>>, vector<1x16xf32>,
      %broadcast_in_dim3A_64 = arith.constant 0.000000e+00 : f32
      %broadcast_in_dim3A_65 = vector.broadcast %broadcast_in_dim3A_64 : f32 to vector<16xf32>
      %swap3A_66 = arith.index_cast %scan3A_37 : i32 to index
      %swap3A_67 = arith.constant 64 : index
      %swap3A_68 = tpu.vector_load %arg9[%swap3A_66, %swap3A_67] {strides = array<i32>} : memref<128x128xf32, #tpu.memory_space<vmem>>, vector<1x16xf32>,
      %swap3A_69 = vector.shape_cast %swap3A_68 : vector<1x16xf32> to vector<16xf32>
      %swap3A_70 = vector.shape_cast %broadcast_in_dim3A_65 : vector<16xf32> to vector<1x16xf32>
      tpu.vector_store %arg9[%swap3A_66, %swap3A_67], %swap3A_70 {strides = array<i32>} : memref<128x128xf32, #tpu.memory_space<vmem>>, vector<1x16xf32>,
      %broadcast_in_dim3A_71 = arith.constant 0.000000e+00 : f32
      %broadcast_in_dim3A_72 = vector.broadcast %broadcast_in_dim3A_71 : f32 to vector<16xf32>
      %swap3A_73 = arith.index_cast %scan3A_37 : i32 to index
      %swap3A_74 = arith.constant 80 : index
      %swap3A_75 = tpu.vector_load %arg9[%swap3A_73, %swap3A_74] {strides = array<i32>} : memref<128x128xf32, #tpu.memory_space<vmem>>, vector<1x16xf32>,
      %swap3A_76 = vector.shape_cast %swap3A_75 : vector<1x16xf32> to vector<16xf32>
      %swap3A_77 = vector.shape_cast %broadcast_in_dim3A_72 : vector<16xf32> to vector<1x16xf32>
      tpu.vector_store %arg9[%swap3A_73, %swap3A_74], %swap3A_77 {strides = array<i32>} : memref<128x128xf32, #tpu.memory_space<vmem>>, vector<1x16xf32>,
      %broadcast_in_dim3A_78 = arith.constant 0.000000e+00 : f32
      %broadcast_in_dim3A_79 = vector.broadcast %broadcast_in_dim3A_78 : f32 to vector<16xf32>
      %swap3A_80 = arith.index_cast %scan3A_37 : i32 to index
      %swap3A_81 = arith.constant 96 : index
      %swap3A_82 = tpu.vector_load %arg9[%swap3A_80, %swap3A_81] {strides = array<i32>} : memref<128x128xf32, #tpu.memory_space<vmem>>, vector<1x16xf32>,
      %swap3A_83 = vector.shape_cast %swap3A_82 : vector<1x16xf32> to vector<16xf32>
      %swap3A_84 = vector.shape_cast %broadcast_in_dim3A_79 : vector<16xf32> to vector<1x16xf32>
      tpu.vector_store %arg9[%swap3A_80, %swap3A_81], %swap3A_84 {strides = array<i32>} : memref<128x128xf32, #tpu.memory_space<vmem>>, vector<1x16xf32>,
      %broadcast_in_dim3A_85 = arith.constant 0.000000e+00 : f32
      %broadcast_in_dim3A_86 = vector.broadcast %broadcast_in_dim3A_85 : f32 to vector<16xf32>
      %swap3A_87 = arith.index_cast %scan3A_37 : i32 to index
      %swap3A_88 = arith.constant 112 : index
      %swap3A_89 = tpu.vector_load %arg9[%swap3A_87, %swap3A_88] {strides = array<i32>} : memref<128x128xf32, #tpu.memory_space<vmem>>, vector<1x16xf32>,
      %swap3A_90 = vector.shape_cast %swap3A_89 : vector<1x16xf32> to vector<16xf32>
      %swap3A_91 = vector.shape_cast %broadcast_in_dim3A_86 : vector<16xf32> to vector<1x16xf32>
      tpu.vector_store %arg9[%swap3A_87, %swap3A_88], %swap3A_91 {strides = array<i32>} : memref<128x128xf32, #tpu.memory_space<vmem>>, vector<1x16xf32>,
    }
    %scan3A_5 = arith.constant 128 : i32
    %mul3A_6 = arith.constant 640 : i32
    %mul3A_7 = arith.muli %arg1, %mul3A_6 : i32
    %add3A_8 = arith.constant 0 : i32
    %add3A_9 = arith.addi %mul3A_7, %add3A_8 : i32
    "tpu.region"() ({
      %run_scoped3A = tpu.sem_alloc : memref<!tpu.dma_semaphore, #tpu.memory_space<semaphore_mem>>
      %dma_start3A = arith.constant 0 : i32
      %dma_start3A_37 = tpu.memref_slice %arg10[%add3A_9, %dma_start3A] : memref<10240x128xf32, #tpu.memory_space<vmem_shared>> -> memref<128x128xf32, #tpu.memory_space<vmem_shared>>
      %dma_start3A_38 = arith.constant 0 : i32
      %dma_start3A_39 = tpu.memref_slice %arg10[%add3A_9, %dma_start3A_38] : memref<10240x128xf32, #tpu.memory_space<vmem_shared>> -> memref<128x128xf32, #tpu.memory_space<vmem_shared>>
      tpu.enqueue_dma source(%arg9 : memref<128x128xf32, #tpu.memory_space<vmem>>) target(%dma_start3A_39 : memref<128x128xf32, #tpu.memory_space<vmem_shared>>) target_semaphore(%run_scoped3A : memref<!tpu.dma_semaphore, #tpu.memory_space<semaphore_mem>>)
      %dma_wait3A = arith.constant 0 : i32
      %dma_wait3A_40 = tpu.memref_slice %arg10[%add3A_9, %dma_wait3A] : memref<10240x128xf32, #tpu.memory_space<vmem_shared>> -> memref<128x128xf32, #tpu.memory_space<vmem_shared>>
      %dma_wait3A_41 = arith.constant 0 : i32
      %dma_wait3A_42 = tpu.memref_slice %arg10[%add3A_9, %dma_wait3A_41] : memref<10240x128xf32, #tpu.memory_space<vmem_shared>> -> memref<128x128xf32, #tpu.memory_space<vmem_shared>>
      tpu.wait_dma2 semaphore(%run_scoped3A : memref<!tpu.dma_semaphore, #tpu.memory_space<semaphore_mem>>) src(%arg9 : memref<128x128xf32, #tpu.memory_space<vmem>>) dst(%dma_wait3A_42 : memref<128x128xf32, #tpu.memory_space<vmem_shared>>)
      tpu.yield
    }) : () -> ()
    %mul3A_10 = arith.constant 640 : i32
    %mul3A_11 = arith.muli %arg1, %mul3A_10 : i32
    %add3A_12 = arith.constant 128 : i32
    %add3A_13 = arith.addi %mul3A_11, %add3A_12 : i32
    "tpu.region"() ({
      %run_scoped3A = tpu.sem_alloc : memref<!tpu.dma_semaphore, #tpu.memory_space<semaphore_mem>>
      %dma_start3A = arith.constant 0 : i32
      %dma_start3A_37 = tpu.memref_slice %arg10[%add3A_13, %dma_start3A] : memref<10240x128xf32, #tpu.memory_space<vmem_shared>> -> memref<128x128xf32, #tpu.memory_space<vmem_shared>>
      %dma_start3A_38 = arith.constant 0 : i32
      %dma_start3A_39 = tpu.memref_slice %arg10[%add3A_13, %dma_start3A_38] : memref<10240x128xf32, #tpu.memory_space<vmem_shared>> -> memref<128x128xf32, #tpu.memory_space<vmem_shared>>
      tpu.enqueue_dma source(%arg9 : memref<128x128xf32, #tpu.memory_space<vmem>>) target(%dma_start3A_39 : memref<128x128xf32, #tpu.memory_space<vmem_shared>>) target_semaphore(%run_scoped3A : memref<!tpu.dma_semaphore, #tpu.memory_space<semaphore_mem>>)
      %dma_wait3A = arith.constant 0 : i32
      %dma_wait3A_40 = tpu.memref_slice %arg10[%add3A_13, %dma_wait3A] : memref<10240x128xf32, #tpu.memory_space<vmem_shared>> -> memref<128x128xf32, #tpu.memory_space<vmem_shared>>
      %dma_wait3A_41 = arith.constant 0 : i32
      %dma_wait3A_42 = tpu.memref_slice %arg10[%add3A_13, %dma_wait3A_41] : memref<10240x128xf32, #tpu.memory_space<vmem_shared>> -> memref<128x128xf32, #tpu.memory_space<vmem_shared>>
      tpu.wait_dma2 semaphore(%run_scoped3A : memref<!tpu.dma_semaphore, #tpu.memory_space<semaphore_mem>>) src(%arg9 : memref<128x128xf32, #tpu.memory_space<vmem>>) dst(%dma_wait3A_42 : memref<128x128xf32, #tpu.memory_space<vmem_shared>>)
      tpu.yield
    }) : () -> ()
    %mul3A_14 = arith.constant 640 : i32
    %mul3A_15 = arith.muli %arg1, %mul3A_14 : i32
    %add3A_16 = arith.constant 256 : i32
    %add3A_17 = arith.addi %mul3A_15, %add3A_16 : i32
    "tpu.region"() ({
      %run_scoped3A = tpu.sem_alloc : memref<!tpu.dma_semaphore, #tpu.memory_space<semaphore_mem>>
      %dma_start3A = arith.constant 0 : i32
      %dma_start3A_37 = tpu.memref_slice %arg10[%add3A_17, %dma_start3A] : memref<10240x128xf32, #tpu.memory_space<vmem_shared>> -> memref<128x128xf32, #tpu.memory_space<vmem_shared>>
      %dma_start3A_38 = arith.constant 0 : i32
      %dma_start3A_39 = tpu.memref_slice %arg10[%add3A_17, %dma_start3A_38] : memref<10240x128xf32, #tpu.memory_space<vmem_shared>> -> memref<128x128xf32, #tpu.memory_space<vmem_shared>>
      tpu.enqueue_dma source(%arg9 : memref<128x128xf32, #tpu.memory_space<vmem>>) target(%dma_start3A_39 : memref<128x128xf32, #tpu.memory_space<vmem_shared>>) target_semaphore(%run_scoped3A : memref<!tpu.dma_semaphore, #tpu.memory_space<semaphore_mem>>)
      %dma_wait3A = arith.constant 0 : i32
      %dma_wait3A_40 = tpu.memref_slice %arg10[%add3A_17, %dma_wait3A] : memref<10240x128xf32, #tpu.memory_space<vmem_shared>> -> memref<128x128xf32, #tpu.memory_space<vmem_shared>>
      %dma_wait3A_41 = arith.constant 0 : i32
      %dma_wait3A_42 = tpu.memref_slice %arg10[%add3A_17, %dma_wait3A_41] : memref<10240x128xf32, #tpu.memory_space<vmem_shared>> -> memref<128x128xf32, #tpu.memory_space<vmem_shared>>
      tpu.wait_dma2 semaphore(%run_scoped3A : memref<!tpu.dma_semaphore, #tpu.memory_space<semaphore_mem>>) src(%arg9 : memref<128x128xf32, #tpu.memory_space<vmem>>) dst(%dma_wait3A_42 : memref<128x128xf32, #tpu.memory_space<vmem_shared>>)
      tpu.yield
    }) : () -> ()
    %mul3A_18 = arith.constant 640 : i32
    %mul3A_19 = arith.muli %arg1, %mul3A_18 : i32
    %add3A_20 = arith.constant 384 : i32
    %add3A_21 = arith.addi %mul3A_19, %add3A_20 : i32
    "tpu.region"() ({
      %run_scoped3A = tpu.sem_alloc : memref<!tpu.dma_semaphore, #tpu.memory_space<semaphore_mem>>
      %dma_start3A = arith.constant 0 : i32
      %dma_start3A_37 = tpu.memref_slice %arg10[%add3A_21, %dma_start3A] : memref<10240x128xf32, #tpu.memory_space<vmem_shared>> -> memref<128x128xf32, #tpu.memory_space<vmem_shared>>
      %dma_start3A_38 = arith.constant 0 : i32
      %dma_start3A_39 = tpu.memref_slice %arg10[%add3A_21, %dma_start3A_38] : memref<10240x128xf32, #tpu.memory_space<vmem_shared>> -> memref<128x128xf32, #tpu.memory_space<vmem_shared>>
      tpu.enqueue_dma source(%arg9 : memref<128x128xf32, #tpu.memory_space<vmem>>) target(%dma_start3A_39 : memref<128x128xf32, #tpu.memory_space<vmem_shared>>) target_semaphore(%run_scoped3A : memref<!tpu.dma_semaphore, #tpu.memory_space<semaphore_mem>>)
      %dma_wait3A = arith.constant 0 : i32
      %dma_wait3A_40 = tpu.memref_slice %arg10[%add3A_21, %dma_wait3A] : memref<10240x128xf32, #tpu.memory_space<vmem_shared>> -> memref<128x128xf32, #tpu.memory_space<vmem_shared>>
      %dma_wait3A_41 = arith.constant 0 : i32
      %dma_wait3A_42 = tpu.memref_slice %arg10[%add3A_21, %dma_wait3A_41] : memref<10240x128xf32, #tpu.memory_space<vmem_shared>> -> memref<128x128xf32, #tpu.memory_space<vmem_shared>>
      tpu.wait_dma2 semaphore(%run_scoped3A : memref<!tpu.dma_semaphore, #tpu.memory_space<semaphore_mem>>) src(%arg9 : memref<128x128xf32, #tpu.memory_space<vmem>>) dst(%dma_wait3A_42 : memref<128x128xf32, #tpu.memory_space<vmem_shared>>)
      tpu.yield
    }) : () -> ()
    %mul3A_22 = arith.constant 640 : i32
    %mul3A_23 = arith.muli %arg1, %mul3A_22 : i32
    %add3A_24 = arith.constant 512 : i32
    %add3A_25 = arith.addi %mul3A_23, %add3A_24 : i32
    "tpu.region"() ({
      %run_scoped3A = tpu.sem_alloc : memref<!tpu.dma_semaphore, #tpu.memory_space<semaphore_mem>>
      %dma_start3A = arith.constant 0 : i32
      %dma_start3A_37 = tpu.memref_slice %arg10[%add3A_25, %dma_start3A] : memref<10240x128xf32, #tpu.memory_space<vmem_shared>> -> memref<128x128xf32, #tpu.memory_space<vmem_shared>>
      %dma_start3A_38 = arith.constant 0 : i32
      %dma_start3A_39 = tpu.memref_slice %arg10[%add3A_25, %dma_start3A_38] : memref<10240x128xf32, #tpu.memory_space<vmem_shared>> -> memref<128x128xf32, #tpu.memory_space<vmem_shared>>
      tpu.enqueue_dma source(%arg9 : memref<128x128xf32, #tpu.memory_space<vmem>>) target(%dma_start3A_39 : memref<128x128xf32, #tpu.memory_space<vmem_shared>>) target_semaphore(%run_scoped3A : memref<!tpu.dma_semaphore, #tpu.memory_space<semaphore_mem>>)
      %dma_wait3A = arith.constant 0 : i32
      %dma_wait3A_40 = tpu.memref_slice %arg10[%add3A_25, %dma_wait3A] : memref<10240x128xf32, #tpu.memory_space<vmem_shared>> -> memref<128x128xf32, #tpu.memory_space<vmem_shared>>
      %dma_wait3A_41 = arith.constant 0 : i32
      %dma_wait3A_42 = tpu.memref_slice %arg10[%add3A_25, %dma_wait3A_41] : memref<10240x128xf32, #tpu.memory_space<vmem_shared>> -> memref<128x128xf32, #tpu.memory_space<vmem_shared>>
      tpu.wait_dma2 semaphore(%run_scoped3A : memref<!tpu.dma_semaphore, #tpu.memory_space<semaphore_mem>>) src(%arg9 : memref<128x128xf32, #tpu.memory_space<vmem>>) dst(%dma_wait3A_42 : memref<128x128xf32, #tpu.memory_space<vmem_shared>>)
      tpu.yield
    }) : () -> ()
    %barrier3A = arith.constant 0 : index
    tpu.barrier barrier_id(%barrier3A)
    %scan3A_26 = arith.constant 0 : i32
    %scan3A_27 = arith.constant 0 : i32
    %scan3A_28 = arith.constant 125 : i32
    %scan3A_29 = arith.addi %scan3A_27, %scan3A_28 : i32
    %scan3A_30 = arith.constant 1 : i32
    scf.for %scan3A_37 = %scan3A_27 to %scan3A_29 step %scan3A_30  : i32 {
      %mul3A_38 = arith.constant 10000 : i32
      %mul3A_39 = arith.muli %add3A, %mul3A_38 : i32
      %mul3A_40 = arith.constant 80 : i32
      %mul3A_41 = arith.muli %scan3A_37, %mul3A_40 : i32
      %add3A_42 = arith.addi %mul3A_39, %mul3A_41 : i32
      "tpu.region"() ({
        %run_scoped3A = tpu.sem_alloc : memref<!tpu.dma_semaphore, #tpu.memory_space<semaphore_mem>>
        %dma_start3A_47 = tpu.memref_slice %arg3[%add3A_42] : memref<320000xi32, #tpu.memory_space<hbm>> -> memref<80xi32, #tpu.memory_space<hbm>>
        %dma_start3A_48 = tpu.memref_slice %arg3[%add3A_42] : memref<320000xi32, #tpu.memory_space<hbm>> -> memref<80xi32, #tpu.memory_space<hbm>>
        tpu.enqueue_dma source(%dma_start3A_48 : memref<80xi32, #tpu.memory_space<hbm>>) target(%arg6 : memref<80xi32, #tpu.memory_space<vmem>>) target_semaphore(%run_scoped3A : memref<!tpu.dma_semaphore, #tpu.memory_space<semaphore_mem>>)
        %dma_wait3A_49 = tpu.memref_slice %arg3[%add3A_42] : memref<320000xi32, #tpu.memory_space<hbm>> -> memref<80xi32, #tpu.memory_space<hbm>>
        %dma_wait3A_50 = tpu.memref_slice %arg3[%add3A_42] : memref<320000xi32, #tpu.memory_space<hbm>> -> memref<80xi32, #tpu.memory_space<hbm>>
        tpu.wait_dma2 semaphore(%run_scoped3A : memref<!tpu.dma_semaphore, #tpu.memory_space<semaphore_mem>>) src(%dma_wait3A_50 : memref<80xi32, #tpu.memory_space<hbm>>) dst(%arg6 : memref<80xi32, #tpu.memory_space<vmem>>)
        tpu.yield
      }) : () -> ()
      "tpu.region"() ({
        %run_scoped3A = tpu.sem_alloc : memref<!tpu.dma_semaphore, #tpu.memory_space<semaphore_mem>>
        %dma_start3A_47 = tpu.memref_slice %arg4[%add3A_42] : memref<320000xi32, #tpu.memory_space<hbm>> -> memref<80xi32, #tpu.memory_space<hbm>>
        %dma_start3A_48 = tpu.memref_slice %arg4[%add3A_42] : memref<320000xi32, #tpu.memory_space<hbm>> -> memref<80xi32, #tpu.memory_space<hbm>>
        tpu.enqueue_dma source(%dma_start3A_48 : memref<80xi32, #tpu.memory_space<hbm>>) target(%arg7 : memref<80xi32, #tpu.memory_space<vmem>>) target_semaphore(%run_scoped3A : memref<!tpu.dma_semaphore, #tpu.memory_space<semaphore_mem>>)
        %dma_wait3A_49 = tpu.memref_slice %arg4[%add3A_42] : memref<320000xi32, #tpu.memory_space<hbm>> -> memref<80xi32, #tpu.memory_space<hbm>>
        %dma_wait3A_50 = tpu.memref_slice %arg4[%add3A_42] : memref<320000xi32, #tpu.memory_space<hbm>> -> memref<80xi32, #tpu.memory_space<hbm>>
        tpu.wait_dma2 semaphore(%run_scoped3A : memref<!tpu.dma_semaphore, #tpu.memory_space<semaphore_mem>>) src(%dma_wait3A_50 : memref<80xi32, #tpu.memory_space<hbm>>) dst(%arg7 : memref<80xi32, #tpu.memory_space<vmem>>)
        tpu.yield
      }) : () -> ()
      %dma_start3A = arith.constant 0 : i32
      %dma_start3A_43 = arith.constant 0 : i32
      %dma_start3A_44 = tpu.memref_slice %arg2[%dma_start3A, %dma_start3A_43] : memref<10000x128xf32, #tpu.memory_space<hbm>> -> memref<10000x128xf32, #tpu.memory_space<hbm>>
      tpu.enqueue_indirect_dma source(%dma_start3A_44 : memref<10000x128xf32, #tpu.memory_space<hbm>>) target(%arg8 : memref<80x128xf32, #tpu.memory_space<vmem>>) offsets(%arg6 : memref<80xi32, #tpu.memory_space<vmem>>) semaphore(%arg11 : memref<!tpu.dma_semaphore, #tpu.memory_space<semaphore_mem>>)
      %dma_wait3A = arith.constant 0 : i32
      %dma_wait3A_45 = arith.constant 0 : i32
      %dma_wait3A_46 = tpu.memref_slice %arg2[%dma_wait3A, %dma_wait3A_45] : memref<10000x128xf32, #tpu.memory_space<hbm>> -> memref<10000x128xf32, #tpu.memory_space<hbm>>
      tpu.wait_indirect_dma semaphore(%arg11 : memref<!tpu.dma_semaphore, #tpu.memory_space<semaphore_mem>>) src(%dma_wait3A_46 : memref<10000x128xf32, #tpu.memory_space<hbm>>) dst(%arg8 : memref<80x128xf32, #tpu.memory_space<vmem>>)
      "tpu.region"() ({
        %run_scoped3A = tpu.sem_alloc : memref<!tpu.dma_semaphore, #tpu.memory_space<semaphore_mem>>
        %dma_start3A_47 = arith.constant 0 : i32
        %dma_start3A_48 = arith.constant 0 : i32
        %dma_start3A_49 = tpu.memref_slice %arg10[%dma_start3A_47, %dma_start3A_48] : memref<10240x128xf32, #tpu.memory_space<vmem_shared>> -> memref<10240x128xf32, #tpu.memory_space<vmem_shared>>
        tpu.enqueue_indirect_dma source(%arg8 : memref<80x128xf32, #tpu.memory_space<vmem>>) target(%dma_start3A_49 : memref<10240x128xf32, #tpu.memory_space<vmem_shared>>) offsets(%arg7 : memref<80xi32, #tpu.memory_space<vmem>>) semaphore(%run_scoped3A : memref<!tpu.dma_semaphore, #tpu.memory_space<semaphore_mem>>) {add = true}
        %dma_wait3A_50 = arith.constant 0 : i32
        %dma_wait3A_51 = arith.constant 0 : i32
        %dma_wait3A_52 = tpu.memref_slice %arg10[%dma_wait3A_50, %dma_wait3A_51] : memref<10240x128xf32, #tpu.memory_space<vmem_shared>> -> memref<10240x128xf32, #tpu.memory_space<vmem_shared>>
        tpu.wait_indirect_dma semaphore(%run_scoped3A : memref<!tpu.dma_semaphore, #tpu.memory_space<semaphore_mem>>) src(%arg8 : memref<80x128xf32, #tpu.memory_space<vmem>>) dst(%dma_wait3A_52 : memref<10240x128xf32, #tpu.memory_space<vmem_shared>>)
        tpu.yield
      }) : () -> ()
    }
    %scan3A_31 = arith.constant 125 : i32
    %barrier3A_32 = arith.constant 0 : index
    tpu.barrier barrier_id(%barrier3A_32)
    %mul3A_33 = arith.constant 640 : i32
    %mul3A_34 = arith.muli %arg1, %mul3A_33 : i32
    %mul3A_35 = arith.constant 640 : i32
    %mul3A_36 = arith.muli %arg1, %mul3A_35 : i32
    "tpu.region"() ({
      %run_scoped3A = tpu.sem_alloc : memref<!tpu.dma_semaphore, #tpu.memory_space<semaphore_mem>>
      %dma_start3A = arith.constant 0 : i32
      %dma_start3A_37 = tpu.memref_slice %arg5[%arg0, %mul3A_36, %dma_start3A] : memref<2x10240x128xf32, #tpu.memory_space<hbm>> -> memref<1x640x128xf32, #tpu.memory_space<hbm>>
      %dma_start3A_38 = tpu.memref_squeeze %dma_start3A_37 : memref<1x640x128xf32, #tpu.memory_space<hbm>> -> memref<640x128xf32, #tpu.memory_space<hbm>>
      %dma_start3A_39 = arith.constant 0 : i32
      %dma_start3A_40 = tpu.memref_slice %arg10[%mul3A_34, %dma_start3A_39] : memref<10240x128xf32, #tpu.memory_space<vmem_shared>> -> memref<640x128xf32, #tpu.memory_space<vmem_shared>>
      tpu.enqueue_dma source(%dma_start3A_40 : memref<640x128xf32, #tpu.memory_space<vmem_shared>>) target(%dma_start3A_38 : memref<640x128xf32, #tpu.memory_space<hbm>>) target_semaphore(%run_scoped3A : memref<!tpu.dma_semaphore, #tpu.memory_space<semaphore_mem>>)
      %dma_wait3A = arith.constant 0 : i32
      %dma_wait3A_41 = tpu.memref_slice %arg5[%arg0, %mul3A_36, %dma_wait3A] : memref<2x10240x128xf32, #tpu.memory_space<hbm>> -> memref<1x640x128xf32, #tpu.memory_space<hbm>>
      %dma_wait3A_42 = tpu.memref_squeeze %dma_wait3A_41 : memref<1x640x128xf32, #tpu.memory_space<hbm>> -> memref<640x128xf32, #tpu.memory_space<hbm>>
      %dma_wait3A_43 = arith.constant 0 : i32
      %dma_wait3A_44 = tpu.memref_slice %arg10[%mul3A_34, %dma_wait3A_43] : memref<10240x128xf32, #tpu.memory_space<vmem_shared>> -> memref<640x128xf32, #tpu.memory_space<vmem_shared>>
      tpu.wait_dma2 semaphore(%run_scoped3A : memref<!tpu.dma_semaphore, #tpu.memory_space<semaphore_mem>>) src(%dma_wait3A_44 : memref<640x128xf32, #tpu.memory_space<vmem_shared>>) dst(%dma_wait3A_42 : memref<640x128xf32, #tpu.memory_space<hbm>>)
      tpu.yield
    }) : () -> ()
    return
  }
}

module attributes {stable_mosaic.version = 14 : i64} {
  func.func @_gin_pool_tail_kernel(%arg0: memref<10000x128xf32, #tpu.memory_space<vmem>>, %arg1: memref<2x10000x128xf32, #tpu.memory_space<vmem>>, %arg2: memref<10000x64xf32, #tpu.memory_space<vmem>>, %arg3: memref<128x128xf32, #tpu.memory_space<vmem>>, %arg4: memref<1x128xf32, #tpu.memory_space<vmem>>, %arg5: memref<128x128xf32, #tpu.memory_space<vmem>>, %arg6: memref<1x128xf32, #tpu.memory_space<vmem>>, %arg7: memref<128x128xf32, #tpu.memory_space<vmem>>, %arg8: memref<1x128xf32, #tpu.memory_space<vmem>>, %arg9: memref<128x1xf32, #tpu.memory_space<vmem>>, %arg10: memref<1x1xf32, #tpu.memory_space<vmem>>, %arg11: memref<128x64xf32, #tpu.memory_space<vmem>>, %arg12: memref<1x64xf32, #tpu.memory_space<vmem>>, %arg13: memref<64x64xf32, #tpu.memory_space<vmem>>) attributes {dimension_semantics = [], scalar_prefetch = 0 : i64, scratch_operands = 0 : i64, tpu.core_type = #tpu.core_type<tc>} {
    %get3A = arith.constant 0 : index
    %get3A_0 = arith.constant 0 : index
    %get3A_1 = vector.load %arg0[%get3A, %get3A_0] : memref<10000x128xf32, #tpu.memory_space<vmem>>, vector<10000x128xf32>
    %get3A_2 = arith.constant 0 : index
    %get3A_3 = arith.constant 0 : index
    %get3A_4 = arith.constant 0 : index
    %get3A_5 = vector.load %arg1[%get3A_2, %get3A_3, %get3A_4] : memref<2x10000x128xf32, #tpu.memory_space<vmem>>, vector<1x10000x128xf32>
    %get3A_6 = vector.shape_cast %get3A_5 : vector<1x10000x128xf32> to vector<10000x128xf32>
    %get3A_7 = arith.constant 1 : index
    %get3A_8 = arith.constant 0 : index
    %get3A_9 = arith.constant 0 : index
    %get3A_10 = vector.load %arg1[%get3A_7, %get3A_8, %get3A_9] : memref<2x10000x128xf32, #tpu.memory_space<vmem>>, vector<1x10000x128xf32>
    %get3A_11 = vector.shape_cast %get3A_10 : vector<1x10000x128xf32> to vector<10000x128xf32>
    %add3A = arith.addf %get3A_6, %get3A_11 : vector<10000x128xf32>
    %add3A_12 = arith.addf %get3A_1, %add3A : vector<10000x128xf32>
    %get3A_13 = arith.constant 0 : index
    %get3A_14 = arith.constant 0 : index
    %get3A_15 = vector.load %arg3[%get3A_13, %get3A_14] : memref<128x128xf32, #tpu.memory_space<vmem>>, vector<128x128xf32>
    %dot_general3A = arith.constant dense<0.000000e+00> : vector<10000x128xf32>
    %dot_general3A_16 = tpu.matmul %add3A_12, %get3A_15, %dot_general3A {dimension_numbers = #tpu.dot_dimension_numbers<[1], [0], [0], [1], [0, 0, 1, 1], [], []>, transpose_lhs_hint = false} : vector<10000x128xf32>, vector<128x128xf32>, vector<10000x128xf32> -> vector<10000x128xf32>
    %get3A_17 = arith.constant 0 : index
    %get3A_18 = arith.constant 0 : index
    %get3A_19 = vector.load %arg4[%get3A_17, %get3A_18] : memref<1x128xf32, #tpu.memory_space<vmem>>, vector<1x128xf32>
    %add3A_20 = vector.broadcast %get3A_19 : vector<1x128xf32> to vector<10000x128xf32>
    %add3A_21 = arith.addf %dot_general3A_16, %add3A_20 : vector<10000x128xf32>
    %max3A = arith.constant 0.000000e+00 : f32
    %max3A_22 = vector.broadcast %max3A : f32 to vector<10000x128xf32>
    %max3A_23 = arith.maximumf %add3A_21, %max3A_22 : vector<10000x128xf32>
    %get3A_24 = arith.constant 0 : index
    %get3A_25 = arith.constant 0 : index
    %get3A_26 = vector.load %arg5[%get3A_24, %get3A_25] : memref<128x128xf32, #tpu.memory_space<vmem>>, vector<128x128xf32>
    %dot_general3A_27 = arith.constant dense<0.000000e+00> : vector<10000x128xf32>
    %dot_general3A_28 = tpu.matmul %max3A_23, %get3A_26, %dot_general3A_27 {dimension_numbers = #tpu.dot_dimension_numbers<[1], [0], [0], [1], [0, 0, 1, 1], [], []>, transpose_lhs_hint = false} : vector<10000x128xf32>, vector<128x128xf32>, vector<10000x128xf32> -> vector<10000x128xf32>
    %get3A_29 = arith.constant 0 : index
    %get3A_30 = arith.constant 0 : index
    %get3A_31 = vector.load %arg6[%get3A_29, %get3A_30] : memref<1x128xf32, #tpu.memory_space<vmem>>, vector<1x128xf32>
    %add3A_32 = vector.broadcast %get3A_31 : vector<1x128xf32> to vector<10000x128xf32>
    %add3A_33 = arith.addf %dot_general3A_28, %add3A_32 : vector<10000x128xf32>
    %max3A_34 = arith.constant 0.000000e+00 : f32
    %max3A_35 = vector.broadcast %max3A_34 : f32 to vector<10000x128xf32>
    %max3A_36 = arith.maximumf %add3A_33, %max3A_35 : vector<10000x128xf32>
    %get3A_37 = arith.constant 0 : index
    %get3A_38 = arith.constant 0 : index
    %get3A_39 = vector.load %arg2[%get3A_37, %get3A_38] : memref<10000x64xf32, #tpu.memory_space<vmem>>, vector<10000x64xf32>
    %get3A_40 = arith.constant 0 : index
    %get3A_41 = arith.constant 0 : index
    %get3A_42 = vector.load %arg7[%get3A_40, %get3A_41] : memref<128x128xf32, #tpu.memory_space<vmem>>, vector<128x128xf32>
    %dot_general3A_43 = arith.constant dense<0.000000e+00> : vector<10000x128xf32>
    %dot_general3A_44 = tpu.matmul %max3A_36, %get3A_42, %dot_general3A_43 {dimension_numbers = #tpu.dot_dimension_numbers<[1], [0], [0], [1], [0, 0, 1, 1], [], []>, transpose_lhs_hint = false} : vector<10000x128xf32>, vector<128x128xf32>, vector<10000x128xf32> -> vector<10000x128xf32>
    %get3A_45 = arith.constant 0 : index
    %get3A_46 = arith.constant 0 : index
    %get3A_47 = vector.load %arg8[%get3A_45, %get3A_46] : memref<1x128xf32, #tpu.memory_space<vmem>>, vector<1x128xf32>
    %add3A_48 = vector.broadcast %get3A_47 : vector<1x128xf32> to vector<10000x128xf32>
    %add3A_49 = arith.addf %dot_general3A_44, %add3A_48 : vector<10000x128xf32>
    %max3A_50 = arith.constant 0.000000e+00 : f32
    %max3A_51 = vector.broadcast %max3A_50 : f32 to vector<10000x128xf32>
    %max3A_52 = arith.maximumf %add3A_49, %max3A_51 : vector<10000x128xf32>
    %get3A_53 = arith.constant 0 : index
    %get3A_54 = arith.constant 0 : index
    %get3A_55 = vector.load %arg9[%get3A_53, %get3A_54] : memref<128x1xf32, #tpu.memory_space<vmem>>, vector<128x1xf32>
    %dot_general3A_56 = arith.constant dense<0.000000e+00> : vector<10000x1xf32>
    %dot_general3A_57 = tpu.matmul %max3A_52, %get3A_55, %dot_general3A_56 {dimension_numbers = #tpu.dot_dimension_numbers<[1], [0], [0], [1], [0, 0, 1, 1], [], []>, transpose_lhs_hint = false} : vector<10000x128xf32>, vector<128x1xf32>, vector<10000x1xf32> -> vector<10000x1xf32>
    %get3A_58 = arith.constant 0 : index
    %get3A_59 = arith.constant 0 : index
    %get3A_60 = vector.load %arg10[%get3A_58, %get3A_59] : memref<1x1xf32, #tpu.memory_space<vmem>>, vector<1x1xf32>
    %add3A_61 = vector.broadcast %get3A_60 : vector<1x1xf32> to vector<10000x1xf32>
    %add3A_62 = arith.addf %dot_general3A_57, %add3A_61 : vector<10000x1xf32>
    %gt3A = arith.constant 0.000000e+00 : f32
    %gt3A_63 = vector.broadcast %gt3A : f32 to vector<10000x64xf32>
    %gt3A_64 = arith.cmpf ogt, %get3A_39, %gt3A_63 : vector<10000x64xf32>
    %jit3A = arith.constant 0xFF800000 : f32
    %broadcast_in_dim3A = vector.shape_cast %add3A_62 : vector<10000x1xf32> to vector<10000x1xf32>
    %broadcast_in_dim3A_65 = vector.broadcast %broadcast_in_dim3A : vector<10000x1xf32> to vector<10000x64xf32>
    %broadcast_in_dim3A_66 = vector.broadcast %jit3A : f32 to vector<10000x64xf32>
    %select_n3A = arith.select %gt3A_64, %broadcast_in_dim3A_65, %broadcast_in_dim3A_66 : vector<10000x64xi1>, vector<10000x64xf32>
    %reduce_max3A = arith.constant dense<0xFF800000> : vector<64xf32>
    %reduce_max3A_67 = vector.multi_reduction <maximumf>, %select_n3A, %reduce_max3A [0] : vector<10000x64xf32> to vector<64xf32>
    %eq3A = arith.constant 0xFF800000 : f32
    %eq3A_68 = vector.broadcast %eq3A : f32 to vector<64xf32>
    %eq3A_69 = arith.cmpf oeq, %reduce_max3A_67, %eq3A_68 : vector<64xf32>
    %jit3A_70 = arith.constant 0.000000e+00 : f32
    %broadcast_in_dim3A_71 = vector.broadcast %jit3A_70 : f32 to vector<64xf32>
    %select_n3A_72 = arith.select %eq3A_69, %broadcast_in_dim3A_71, %reduce_max3A_67 : vector<64xi1>, vector<64xf32>
    %broadcast_in_dim3A_73 = vector.shape_cast %select_n3A_72 : vector<64xf32> to vector<1x64xf32>
    %mul3A = vector.broadcast %broadcast_in_dim3A_73 : vector<1x64xf32> to vector<10000x64xf32>
    %mul3A_74 = arith.mulf %get3A_39, %mul3A : vector<10000x64xf32>
    %reduce_sum3A = arith.constant dense<0.000000e+00> : vector<10000xf32>
    %reduce_sum3A_75 = vector.multi_reduction <add>, %mul3A_74, %reduce_sum3A [1] : vector<10000x64xf32> to vector<10000xf32>
    %broadcast_in_dim3A_76 = vector.shape_cast %reduce_sum3A_75 : vector<10000xf32> to vector<10000x1xf32>
    %sub3A = arith.subf %add3A_62, %broadcast_in_dim3A_76 : vector<10000x1xf32>
    %exp3A = math.exp %sub3A : vector<10000x1xf32>
    %transpose3A = tpu.transpose %get3A_39, [1, 0] : vector<10000x64xf32> -> vector<64x10000xf32>
    %dot_general3A_77 = arith.constant dense<0.000000e+00> : vector<64x1xf32>
    %dot_general3A_78 = tpu.matmul %transpose3A, %exp3A, %dot_general3A_77 {dimension_numbers = #tpu.dot_dimension_numbers<[1], [0], [0], [1], [0, 0, 1, 1], [], []>, transpose_lhs_hint = false} : vector<64x10000xf32>, vector<10000x1xf32>, vector<64x1xf32> -> vector<64x1xf32>
    %squeeze3A = vector.shape_cast %dot_general3A_78 : vector<64x1xf32> to vector<64xf32>
    %broadcast_in_dim3A_79 = vector.shape_cast %squeeze3A : vector<64xf32> to vector<1x64xf32>
    %mul3A_80 = vector.broadcast %broadcast_in_dim3A_79 : vector<1x64xf32> to vector<10000x64xf32>
    %mul3A_81 = arith.mulf %get3A_39, %mul3A_80 : vector<10000x64xf32>
    %reduce_sum3A_82 = arith.constant dense<0.000000e+00> : vector<10000xf32>
    %reduce_sum3A_83 = vector.multi_reduction <add>, %mul3A_81, %reduce_sum3A_82 [1] : vector<10000x64xf32> to vector<10000xf32>
    %broadcast_in_dim3A_84 = vector.shape_cast %reduce_sum3A_83 : vector<10000xf32> to vector<10000x1xf32>
    %add3A_85 = arith.constant 1.000000e-16 : f32
    %add3A_86 = vector.broadcast %add3A_85 : f32 to vector<10000x1xf32>
    %add3A_87 = arith.addf %broadcast_in_dim3A_84, %add3A_86 : vector<10000x1xf32>
    %div3A = arith.divf %exp3A, %add3A_87 : vector<10000x1xf32>
    %transpose3A_88 = tpu.transpose %get3A_39, [1, 0] : vector<10000x64xf32> -> vector<64x10000xf32>
    %mul3A_89 = vector.broadcast %div3A : vector<10000x1xf32> to vector<10000x128xf32>
    %mul3A_90 = arith.mulf %mul3A_89, %max3A_36 : vector<10000x128xf32>
    %dot_general3A_91 = arith.constant dense<0.000000e+00> : vector<64x128xf32>
    %dot_general3A_92 = tpu.matmul %transpose3A_88, %mul3A_90, %dot_general3A_91 {dimension_numbers = #tpu.dot_dimension_numbers<[1], [0], [0], [1], [0, 0, 1, 1], [], []>, transpose_lhs_hint = false} : vector<64x10000xf32>, vector<10000x128xf32>, vector<64x128xf32> -> vector<64x128xf32>
    %get3A_93 = arith.constant 0 : index
    %get3A_94 = arith.constant 0 : index
    %get3A_95 = vector.load %arg11[%get3A_93, %get3A_94] : memref<128x64xf32, #tpu.memory_space<vmem>>, vector<128x64xf32>
    %dot_general3A_96 = arith.constant dense<0.000000e+00> : vector<64x64xf32>
    %dot_general3A_97 = tpu.matmul %dot_general3A_92, %get3A_95, %dot_general3A_96 {dimension_numbers = #tpu.dot_dimension_numbers<[1], [0], [0], [1], [0, 0, 1, 1], [], []>, transpose_lhs_hint = false} : vector<64x128xf32>, vector<128x64xf32>, vector<64x64xf32> -> vector<64x64xf32>
    %get3A_98 = arith.constant 0 : index
    %get3A_99 = arith.constant 0 : index
    %get3A_100 = vector.load %arg12[%get3A_98, %get3A_99] : memref<1x64xf32, #tpu.memory_space<vmem>>, vector<1x64xf32>
    %add3A_101 = vector.broadcast %get3A_100 : vector<1x64xf32> to vector<64x64xf32>
    %add3A_102 = arith.addf %dot_general3A_97, %add3A_101 : vector<64x64xf32>
    %reduce_max3A_103 = arith.constant dense<0xFF800000> : vector<64xf32>
    %reduce_max3A_104 = vector.multi_reduction <maximumf>, %add3A_102, %reduce_max3A_103 [1] : vector<64x64xf32> to vector<64xf32>
    %broadcast_in_dim3A_105 = vector.shape_cast %reduce_max3A_104 : vector<64xf32> to vector<64x1xf32>
    %sub3A_106 = vector.broadcast %broadcast_in_dim3A_105 : vector<64x1xf32> to vector<64x64xf32>
    %sub3A_107 = arith.subf %add3A_102, %sub3A_106 : vector<64x64xf32>
    %exp3A_108 = math.exp %sub3A_107 : vector<64x64xf32>
    %reduce_sum3A_109 = arith.constant dense<0.000000e+00> : vector<64xf32>
    %reduce_sum3A_110 = vector.multi_reduction <add>, %exp3A_108, %reduce_sum3A_109 [1] : vector<64x64xf32> to vector<64xf32>
    %broadcast_in_dim3A_111 = vector.shape_cast %reduce_sum3A_110 : vector<64xf32> to vector<64x1xf32>
    %log3A = math.log %broadcast_in_dim3A_111 : vector<64x1xf32>
    %add3A_112 = arith.addf %log3A, %broadcast_in_dim3A_105 : vector<64x1xf32>
    %sub3A_113 = vector.broadcast %add3A_112 : vector<64x1xf32> to vector<64x64xf32>
    %sub3A_114 = arith.subf %add3A_102, %sub3A_113 : vector<64x64xf32>
    %swap3A = arith.constant 0 : index
    %swap3A_115 = arith.constant 0 : index
    %swap3A_116 = vector.load %arg13[%swap3A, %swap3A_115] : memref<64x64xf32, #tpu.memory_space<vmem>>, vector<64x64xf32>
    tpu.vector_store %arg13[%swap3A, %swap3A_115], %sub3A_114 {strides = array<i32>} : memref<64x64xf32, #tpu.memory_space<vmem>>, vector<64x64xf32>,
    return
  }
}

</mosaic_0001>

<sc_bundles>
// kernel: kernel.11.cloned.1.call-start
scs
__scs_entry_jumppad:
0x0: {  	(pc) =	sbr.rel $0x88, $3  }
0x1: {  	(tag) =	ssettag $0x0;
	lr =	simm.s32 $0x1  }
0x2: {  	[smem:$0x3F8A] =	sst lr;
	_ =	strace $0xD0000000  }
0x3: {  	_ = 	snop  }
0x4: {  	_ = 	snop  }
0x5: {  	_ = 	snop  }
0x6: {  	_ = 	snop  }
0x7: {  	_ = 	snop  }
__scs_overlays_trampoline_lowered:
0x8: {  	[smem:$0x3F99] =	sst s0  }
0x9: {  	[smem:$0x3F9A] =	sst s1  }
0xa: {  	[smem:$0x3F9B] =	sst s2  }
0xb: {  	[smem:$0x3F9C] =	sst s3  }
0xc: {  	[smem:$0x3F9D] =	sst s4  }
0xd: {  	[smem:$0x3F9E] =	sst s5  }
0xe: {  	[smem:$0x3F9F] =	sst s6  }
0xf: {  	[smem:$0x3FA0] =	sst s7  }
0x10: {  	[smem:$0x3FA1] =	sst s8  }
0x11: {  	[smem:$0x3FA2] =	sst s9;
	s0 =	simm.s32 @!p0 $0x0  }
0x12: {  	s1 =	sld [smem:$0x3F88];
	s0 =	simm.s32 @p0 $0x1  }
0x13: {  	[smem:$0x3FA3] =	sst s0;
	s0 =	simm.s32 @!p1 $0x0  }
0x14: {  	s2 =	sld [smem:$0x3F87];
	s0 =	simm.s32 @p1 $0x1  }
0x15: {  	[smem:$0x3FA4] =	sst s0;
	s0 =	simm.s32 @!p2 $0x0  }
0x16: {  	s3 =	sld [smem:$0x3FDB];
	s0 =	simm.s32 @p2 $0x1  }
0x17: {  	s4 =	simm.s32 $0x1BF5;
	[smem:$0x3FA6] =	sst s0  }
0x18: {  	s0 =	sld [smem:$0x3F89];
	_ =	swait.ge [sflag:s4], $0x0  }
0x19: {  	s7 =	sld [smem:$0x3F8A]  }
0x1a: {  	s8 =	sadd.s32 $0xFFFFE003, lr  }
0x1b: {  	s9 =	sadd.s32 $0xFFFFFEF7, lr;
	s5 =	simm.s32 $0xFFFFFFFF;
	p2 =	slt.u32 s8, $0xFFFFF086  }
0x1c: {  	p1 =	slt.u32 s9, $0xF7A;
	s5 =	simm.s32 @!p2 $0x0  }
0x1d: {  	s5 =	simm.s32 @p1 $0x1;
	p0 =	seq.s32 s7, s2  }
0x1e: {  	s7 =	smul.u32 @!p0 $0xF7A, s2;
	p2 =	seq.s32 @!p0 s5, $0x0  }
0x1f: {  	s9 =	smul.u32 $0xF7A, s1;
	s8 =	simm.s32 @!p0 $0x1BF5;
	p2 =	por !p2, p0  }
0x20: {  	[sflag:s8] =	ssyncset.s32 @!p0 $0xFFFFF086;
	s6 =	sadd.s32 @!p0 s3, s7;
	s7 =	simm.s32 @!p0 $0x108  }
0x21: {  	s3 =	sadd.s32 s3, s9;
	s6 =	sadd.s32 @!p0 $0x88, s6;
	s7 =	simm.s32 @p2 $0x1082  }
0x22: {  	[simem:s7], [sflag:s8] =	dma.local @!p0 [hbm:s6], $0xF7A  }
0x23: {  	s9 =	sor.u32 $0xD0000000, s2;
	s6 =	simm.s32 $0x108;
	_ =	swait.ge @!p0 [sflag:s8], $0x0  }
0x24: {  	s3 =	sadd.s32 $0x88, s3;
	s6 =	simm.s32 @!p1 $0x1082;
	[sflag:s4] =	ssyncset.s32 $0xFFFFF086  }
0x25: {  	[simem:s6], [sflag:s4] =	dma.local [hbm:s3], $0xF7A  }
0x26: {  	[smem:$0x3F8A] =	sst s1;
	(tag) =	ssettag s2;
	_ =	strace s9  }
0x27: {  	s1 =	sld [smem:$0x3F9A]  }
0x28: {  	s2 =	sld [smem:$0x3F9B]  }
0x29: {  	s4 =	sld [smem:$0x3F9D]  }
0x2a: {  	p0 =	seq.s32 s5, $0x0;
	s5 =	sld [smem:$0x3F9E]  }
0x2b: {  	s6 =	sld [smem:$0x3F9F]  }
0x2c: {  	s7 =	sld [smem:$0x3FA0]  }
0x2d: {  	s3 =	simm.s32 $0x108;
	s8 =	sld [smem:$0x3FA1]  }
0x2e: {  	s3 =	simm.s32 @!p0 $0x1082;
	s9 =	sld [smem:$0x3FA2]  }
0x2f: {  	lr =	sadd.s32 s0, s3;
	s0 =	sld [smem:$0x3F99]  }
0x30: {  	s3 =	sld [smem:$0x3F9C]  }
0x31: {  	[smem:$0x3FA5] =	sst s10  }
0x32: {  	s10 =	sld [smem:$0x3FA3];
	_ =	sdelay $0x3  }
0x33: {  	p0 =	seq.s32 s10, $0x1;
	s10 =	sld [smem:$0x3FA5];
	_ =	sdelay $0x3  }
0x34: {  	[smem:$0x3FA5] =	sst s10  }
0x35: {  	s10 =	sld [smem:$0x3FA4];
	_ =	sdelay $0x3  }
0x36: {  	p1 =	seq.s32 s10, $0x1;
	s10 =	sld [smem:$0x3FA5];
	_ =	sdelay $0x3  }
0x37: {  	[smem:$0x3FA5] =	sst s10  }
0x38: {  	s10 =	sld [smem:$0x3FA6]  }
0x39: {  	_ = 	snop;
	(pc) =	sbr.ind lr, $3  }
0x3a: {  	_ = 	snop  }
0x3b: {  	_ = 	snop  }
0x3c: {  	p2 =	seq.s32 s10, $0x1;
	s10 =	sld [smem:$0x3FA5]  }
0x3d: {  	_ =	shalt  }
0x3e: {  	_ =	shalt  }
0x3f: {  	_ =	shalt  }
0x40: {  	_ =	shalt  }
0x41: {  	_ =	shalt  }
0x42: {  	_ =	shalt  }
0x43: {  	_ =	shalt  }
0x44: {  	_ =	shalt  }
0x45: {  	_ =	shalt  }
0x46: {  	_ =	shalt  }
0x47: {  	_ =	shalt  }
0x48: {  	_ =	shalt  }
0x49: {  	_ =	shalt  }
0x4a: {  	_ =	shalt  }
0x4b: {  	_ =	shalt  }
0x4c: {  	_ =	shalt  }
0x4d: {  	_ =	shalt  }
0x4e: {  	_ =	shalt  }
0x4f: {  	_ =	shalt  }
0x50: {  	_ =	shalt  }
0x51: {  	_ =	shalt  }
0x52: {  	_ =	shalt  }
0x53: {  	_ =	shalt  }
0x54: {  	_ =	shalt  }
0x55: {  	_ =	shalt  }
0x56: {  	_ =	shalt  }
0x57: {  	_ =	shalt  }
0x58: {  	_ =	shalt  }
0x59: {  	_ =	shalt  }
0x5a: {  	_ =	shalt  }
0x5b: {  	_ =	shalt  }
0x5c: {  	_ =	shalt  }
0x5d: {  	_ =	shalt  }
0x5e: {  	_ =	shalt  }
0x5f: {  	_ =	shalt  }
0x60: {  	_ =	shalt  }
0x61: {  	_ =	shalt  }
0x62: {  	_ =	shalt  }
0x63: {  	_ =	shalt  }
0x64: {  	_ =	shalt  }
0x65: {  	_ =	shalt  }
0x66: {  	_ =	shalt  }
0x67: {  	_ =	shalt  }
0x68: {  	_ =	shalt  }
0x69: {  	_ =	shalt  }
0x6a: {  	_ =	shalt  }
0x6b: {  	_ =	shalt  }
0x6c: {  	_ =	shalt  }
0x6d: {  	_ =	shalt  }
0x6e: {  	_ =	shalt  }
0x6f: {  	_ =	shalt  }
0x70: {  	_ =	shalt  }
0x71: {  	_ =	shalt  }
0x72: {  	_ =	shalt  }
0x73: {  	_ =	shalt  }
0x74: {  	_ =	shalt  }
0x75: {  	_ =	shalt  }
0x76: {  	_ =	shalt  }
0x77: {  	_ =	shalt  }
0x78: {  	_ =	shalt  }
0x79: {  	_ =	shalt  }
0x7a: {  	_ =	shalt  }
0x7b: {  	_ =	shalt  }
0x7c: {  	_ =	shalt  }
0x7d: {  	_ =	shalt  }
0x7e: {  	_ =	shalt  }
0x7f: {  	_ =	shalt  }
0x80: {  	_ =	shalt  }
0x81: {  	_ =	shalt  }
0x82: {  	_ =	shalt  }
0x83: {  	_ =	shalt  }
0x84: {  	_ =	shalt  }
0x85: {  	_ =	shalt  }
0x86: {  	_ =	shalt  }
0x87: {  	_ =	shalt  }
.Lfunc_end0:
.L_simem_size_0:
called_computation.1_lowered:
.L_overlay_start_0:
0x88: {  	s2 =	sld [smem:$0x3FD9]  }
0x89: {  	s3 =	sld [smem:$0x3FFE];
	_ =	sdelay $0x1  }
0x8a: {  	s1 =	srdreg.scid  }
0x8b: {  	s0 =	sand.u32 $0x1, s1  }
0x8c: {  	s16 =	sshll.u32 s0, $0xA;
	s2 =	sadd.s32 s3, s2  }
0x8d: {  	s2 =	sadd.s32 s2, s16  }
0x8e: {  	[smem:$0x3FB1] =	sst s2  }
0x8f: {  	_ = 	snop  }
0x90: {  	(tm) =	ssettm $0x1  }
0x91: {  	s17 =	sld [smem:$0x3FFB];
	_ =	sdelay $0x3  }
0x92: {  	_ =	strace s17  }
0x93: {  	s2 =	sld [smem:$0x3FFC];
	_ =	sdelay $0x3  }
0x94: {  	_ =	strace s2  }
0x95: {  	s2 =	sld [smem:$0x3FFD];
	_ =	sdelay $0x3  }
0x96: {  	_ =	strace s2  }
0x97: {  	_ =	strace $0x8FFFFFFF  }
0x98: {  	s18 =	sld [smem:$0x3FDB];
	_ =	sdelay $0x1  }
0x99: {  	s19 =	simm.s32 $_scs_section_size  }
0x9a: {  	s4 =	simm.s32 $_size__tile_overlayer_lowered;
	s5 =	simm.s32 $_tile_overlayer_lowered  }
0x9b: {  	s22 =	simm.s32 $0x1BFF;
	s21 =	sshll.u32 s5, $0x1;
	s2 =	sadd.s32 s19, s18  }
0x9c: {  	s6 =	simm.s32 $0x0;
	s20 =	sshll.u32 s4, $0x1;
	s4 =	sadd.s32 s21, s2  }
0x9d: {  	[timem:s6], [sflag:s22] =	dma.local [hbm:s4], s20  }
0x9e: {  	_ =	swait.ge [sflag:s22], s20  }
0x9f: {  	s3 =	ssub.s32 $0x0, s20;
	[sflag:s22] =	ssyncset.done $0x0  }
0xa0: {  	[sflag:s22] =	ssyncadd.s32 s3;
	_ =	sdelay $0x1  }
0xa1: {  	s23 =	simm.s32 $0x1B8B  }
0xa2: {  	_ =	swait.ge [sflag:s23], $0x1  }
0xa3: {  	[sflag:s23] =	ssyncset.done $0x0  }
0xa4: {  	s25 =	simm.s32 $0x1B8E;
	s24 =	sld [smem:$0x3FFE];
	[sflag:s23] =	ssyncadd.s32 $0xFFFFFFFF  }
0xa5: {  	s26 =	simm.s32 $execute0_lowered;
	[smem:$0x3FD2] =	sst s25  }
0xa6: {  	s4 =	sshll.u32 s26, $0x1;
	_ =	strace $0x80000046;
	[dreg:$0x1] =	wrdreg $0xFFFFFFFF  }
0xa7: {  	s28 =	simm.s32 $_size_execute0_lowered;
	s2 =	sadd.s32 s2, s4;
	[dreg:$0x0] =	wrdreg $0x0  }
0xa8: {  	s4 =	sshll.u32 s28, $0x1;
	[dreg:$0x2] =	wrdreg s2  }
0xa9: {  	[dreg:$0x3] =	wrdreg s4  }
0xaa: {  	[dreg:$0x4] =	wrdreg $0xC0  }
0xab: {  	_ =	task [dreg:s6], $0x5FFFF  }
0xac: {  	[dreg:$0x1] =	wrdreg $0xFFFFFFFF  }
0xad: {  	[dreg:$0x0] =	wrdreg $0x60  }
0xae: {  	[dreg:$0x2] =	wrdreg s24  }
0xaf: {  	[dreg:$0x3] =	wrdreg $0x68800  }
0xb0: {  	[dreg:$0x4] =	wrdreg $0x9  }
0xb1: {  	_ =	task.clear_ibuf [dreg:s6], $0x5FFFF;
	_ =	strace $0x90000046  }
0xb2: {  	s29 =	simm.s32 $0x9;
	_ =	strace $0x80000048  }
0xb3: {  	_ =	swait.ge [sflag:s29], $0x1  }
0xb4: {  	[sflag:s29] =	ssyncadd.s32 $0xFFFFFFFF  }
0xb5: {  	_ =	strace $0x90000048  }
0xb6: {  	_ =	sfence  }
0xb7: {  	s30 =	sld [smem:$0x0];
	_ =	sdelay $0x2  }
0xb8: {  	s31 =	sshll.u32 s1, $0xD;
	s1 =	sshrl.u32 s1, $0x2  }
0xb9: {  	s3 =	sand.u32 $0x4000, s31;
	s1 =	sadd.s32 s1, s30  }
0xba: {  	s0 =	sor.u32 s3, s0;
	s1 =	sshll.u32 s1, $0x11  }
0xbb: {  	s0 =	sor.u32 s1, s0  }
0xbc: {  	s0 =	sadd.s32 $0x8F2B, s0  }
0xbd: {  	[sflag:s0] =	ssyncadd.remote.s32 $0x1  }
0xbe: {  	_ =	sfence.sel $0xFFFF  }
0xbf: {  	[dreg:$0x0] =	wrdreg $0xFFFFFFFF;
	(pc) =	sbr.abs _section_cstart, $3  }
0xc0: {  	[dreg:$0x1] =	wrdreg $0xFFFFFFFF  }
0xc1: {  	_ =	task.clear_ibuf [dreg:s6], $0x2FFFF;
	_ =	strace $0x9FFFFFFF  }
0xc2: {  	(tm) =	ssettm $0x7FFFFFFF  }
0xc3: {  	_ =	shalt  }
tec
execute0_lowered:
.L_overlay_start_1:
0x0: {  	(tag) =	ssettag $0x1  }
0x1: {  	s4 =	rddreg [dreg:$0x0]  }
0x2: {  	s2 =	rddreg [dreg:$0x1]  }
0x3: {  	s0 =	srdreg.scid;
	s1 =	rddreg [dreg:$0x2]  }
0x4: {  	s3 =	simm.s32 $0x0;
	s12 =	simm.s32 $0x2880;
	s5 =	sand.u32 $0x1, s0  }
0x5: {  	s13 =	simm.s32 $0x1;
	s0 =	stileid.u32;
	s6 =	smul.u32 $0x27100, s5  }
0x6: {  	s14 =	simm.s32 $0x50;
	s15 =	simm.s32 $0x80;
	s7 =	smul.u32 $0x2710, s0  }
0x7: {  	s18 =	simm.s32 $0x0;
	[smem:$0x7FF] =	sst s3;
	s8 =	smul.u32 $0x140000, s5  }
0x8: {  	s26 =	smul.u32 $0x14000, s0;
	_ =	strace $0x80000047;
	s5 =	ssub.s32 $0x2, s5  }
0x9: {  	s9 =	smul.u32 $0x50000, s0;
	s16 =	sshll.u32 s0, $0x6;
	s29 =	sshrl.u32 s5, $0x1  }
0xa: {  	s16 =	sor.u32 $0x1C01, s16;
	s6 =	sadd.s32 s7, s6;
	s28 =	sadd.s32 s26, s8  }
0xb: {  	s30 =	sshrl.u32 s9, $0x2;
	s10 =	ssub.s32 s5, s29;
	s6 =	sshrl.u32 s6, $0x3  }
0xc: {  	s10 =	smax.u32 s10, $0x1;
	s11 =	sadd.s32 s6, s4;
	s6 =	sshrl.u32 s28, $0x3  }
0xd: {  	s31 =	sadd.s32 s6, s4;
	s4 =	sadd.s32 s30, s2;
	s11 =	sadd.s32 $0x9E00, s11  }
0xe: {  	s5 =	sadd.s32 $0x4000, s4;
	s6 =	sadd.s32 $0x8000, s4;
	s7 =	sadd.s32 $0xC000, s4  }
0xf: {  	v0 =	vimm.f32 $0.0e+00;
	v1 =	vimm.f32 $1.000000000e+00;
	s8 =	sadd.s32 $0x10000, s4;
	s9 =	sadd.s32 $0x13C00, s31;
	s17 =	sshrl.u32 s4, $0x3  }
.LBB2_1:
0x10: {  	s19 =	simm.s32 $0x0  }
.LBB2_2:
0x11: {  	p0 =	sne.s32 s19, $0xFE00  }
.Ltmp0:
0x12: {  	_ = 	snop;
	(pc) =	sbr.rel @p0 .LBB2_2-.Ltmp0, $3  }
0x13: {  	_ =	sdelay $0x1  }
0x14: {  	s20 =	sshra.s32 s19, $0x2  }
0x15: {  	s19 =	sadd.s32 $0x200, s19;
	[tilespmem:s20+$0x2880] =	vst v0  }
0x16: {  	s19 =	simm.s32 $0x200;
	s20 =	simm.s32 $0x0  }
.LBB2_4:
0x17: {  	p0 =	sne.s32 s19, $0x9E00;
	[tilespmem:s20+$0x80] =	vst v1;
	s20 =	smov.u32 s19;
	s19 =	sadd.s32 $0x200, s19  }
.Ltmp1:
0x18: {  	(pc) =	sbr.rel @p0 .LBB2_4-.Ltmp1, $2  }
0x19: {  	_ =	sdelay $0x2  }
0x1a: {  	s20 =	sshra.s32 s20, $0x2  }
0x1b: {  	[tilespmem:s20+$0x80] =	vst v1  }
0x1c: {  	[spmem:s4] =	stream.linear.scatter [tilespmem:s12], [sflag:$0x1], $0x4000, $0x38;
	[tilespmem:$0x9080] =	vst v63  }
0x1d: {  	_ =	swait.ge [sflag:s13], $0x4000  }
0x1e: {  	[sflag:s13] =	ssyncset.done $0x0  }
0x1f: {  	[sflag:s13] =	ssyncadd.s32 $0xFFFFC000  }
0x20: {  	[spmem:s5] =	stream.linear.scatter [tilespmem:s12], [sflag:$0x1], $0x4000, $0x38;
	[tilespmem:$0x9080] =	vst v63  }
0x21: {  	_ =	swait.ge [sflag:s13], $0x4000  }
0x22: {  	[sflag:s13] =	ssyncset.done $0x0  }
0x23: {  	[sflag:s13] =	ssyncadd.s32 $0xFFFFC000  }
0x24: {  	[spmem:s6] =	stream.linear.scatter [tilespmem:s12], [sflag:$0x1], $0x4000, $0x38;
	[tilespmem:$0x9080] =	vst v63  }
0x25: {  	_ =	swait.ge [sflag:s13], $0x4000  }
0x26: {  	[sflag:s13] =	ssyncset.done $0x0  }
0x27: {  	[sflag:s13] =	ssyncadd.s32 $0xFFFFC000  }
0x28: {  	[spmem:s7] =	stream.linear.scatter [tilespmem:s12], [sflag:$0x1], $0x4000, $0x38;
	[tilespmem:$0x9080] =	vst v63  }
0x29: {  	_ =	swait.ge [sflag:s13], $0x4000  }
0x2a: {  	[sflag:s13] =	ssyncset.done $0x0  }
0x2b: {  	[sflag:s13] =	ssyncadd.s32 $0xFFFFC000  }
0x2c: {  	[spmem:s8] =	stream.linear.scatter [tilespmem:s12], [sflag:$0x1], $0x4000, $0x38;
	[tilespmem:$0x9080] =	vst v63  }
0x2d: {  	_ =	swait.ge [sflag:s13], $0x4000  }
0x2e: {  	[sflag:s13] =	ssyncset.done $0x0  }
0x2f: {  	[sflag:s13] =	ssyncadd.s32 $0xFFFFC000  }
0x30: {  	s19 =	sadd.s32 $0x0, s11;
	[bflag:$0x0] =	sbarrier.arrive $0xFFFF  }
0x31: {  	[tilespmem:s3], [sflag:$0x1] =	stream.linear.gather [hbm4b:s19+s3], $0x50, $0x38;
	[tilespmem:$0x9080] =	vst v63  }
0x32: {  	_ =	swait.ge [sflag:s13], $0x50  }
0x33: {  	[sflag:s13] =	ssyncset.done $0x0  }
0x34: {  	[sflag:s13] =	ssyncadd.s32 $0xFFFFFFB0  }
0x35: {  	[spmem:s2] =	stream.indirect.scatter.add.f32 [tilespmem:s15], [sflag:$0x1], $0x10, s3, s14, $0xb8;
	[tilespmem:$0x9080] =	vst v63  }
0x36: {  	_ =	swait.ge [sflag:s13], $0x500  }
0x37: {  	s20 =	simm.s32 $0x14;
	s19 =	simm.s32 $0xA;
	[sflag:s13] =	ssyncset.done $0x0  }
.LBB2_6:
0x38: {  	s21 =	sadd.s32 s19, s11  }
0x39: {  	[sflag:s13] =	ssyncadd.s32 $0xFFFFFB00;
	s19 =	smov.u32 s20;
	s22 =	sadd.s32 $0xA, s20  }
0x3a: {  	[tilespmem:s3], [sflag:$0x1] =	stream.linear.gather [hbm4b:s21+s3], $0x50, $0x38;
	[tilespmem:$0x9080] =	vst v63  }
0x3b: {  	p0 =	sne.s32 s20, $0x4D8;
	_ =	swait.ge [sflag:s13], $0x50  }
.Ltmp2:
0x3c: {  	[sflag:s13] =	ssyncset.done $0x0;
	(pc) =	sbr.rel @p0 .LBB2_6-.Ltmp2, $4  }
0x3d: {  	[sflag:s13] =	ssyncadd.s32 $0xFFFFFFB0  }
0x3e: {  	[spmem:s2] =	stream.indirect.scatter.add.f32 [tilespmem:s15], [sflag:$0x1], $0x10, s3, s14, $0xb8;
	[tilespmem:$0x9080] =	vst v63  }
0x3f: {  	_ =	swait.ge [sflag:s13], $0x500  }
0x40: {  	s20 =	smov.u32 s22;
	[sflag:s13] =	ssyncset.done $0x0  }
0x41: {  	s19 =	sadd.s32 s19, s11;
	[sflag:s13] =	ssyncadd.s32 $0xFFFFFB00  }
0x42: {  	[tilespmem:s3], [sflag:$0x1] =	stream.linear.gather [hbm4b:s19+s3], $0x50, $0x38;
	[tilespmem:$0x9080] =	vst v63  }
0x43: {  	_ =	swait.ge [sflag:s13], $0x50  }
0x44: {  	[sflag:s13] =	ssyncset.done $0x0  }
0x45: {  	[sflag:s13] =	ssyncadd.s32 $0xFFFFFFB0  }
0x46: {  	[spmem:s2] =	stream.indirect.scatter.add.f32 [tilespmem:s15], [sflag:$0x1], $0x10, s3, s14, $0xb8;
	[tilespmem:$0x9080] =	vst v63  }
0x47: {  	_ =	swait.ge [sflag:s13], $0x500  }
0x48: {  	s18 =	sadd.s32 $0x1, s18;
	[sflag:s13] =	ssyncset.done $0x0  }
0x49: {  	p0 =	sne.s32 s18, s10;
	[sflag:s13] =	ssyncadd.s32 $0xFFFFFB00  }
.Ltmp3:
0x4a: {  	[bflag:$0x0] =	sbarrier.arrive $0xFFFF;
	(pc) =	sbr.rel @p0 .LBB2_1-.Ltmp3, $4  }
0x4b: {  	[hbm:s9], [sflag:s16] =	dma.local [spmem:s17], $0x2800  }
0x4c: {  	_ =	swait.ge [sflag:s13], $0x2800  }
0x4d: {  	[sflag:s13] =	ssyncset.done $0x0  }
0x4e: {  	[sflag:s13] =	ssyncadd.s32 $0xFFFFD800  }
0x4f: {  	_ =	sfence.sel $0x180000  }
0x50: {  	[bflag:$0x0] =	sbarrier.arrive $0xFFFF  }
0x51: {  	p0 =	sne.s32 s0, $0x0;
	_ =	strace $0x90000047  }
0x52: {  	s0 =	sadd.s32 @!p0 $0x100000, s1;
	[bflag:$0x2] =	sbarrier.arrive $0xFFFF  }
0x53: {  	[sflag:s0] =	ssyncadd.tile.s32 @!p0 $0x1;
	_ =	shalt  }
.Lfunc_end2:
_tile_overlayer_lowered:
.L_overlay_start_2:
0x54: {  	(tag) =	ssettag $0x2  }
0x55: {  	s0 =	rddreg [dreg:$0x0];
	s2 =	stileid.u32  }
0x56: {  	s1 =	rddreg [dreg:$0x1];
	p0 =	sne.s32 s2, $0x0  }
0x57: {  	s3 =	rddreg [dreg:$0x2];
	[bflag:$0x3] =	sbarrier.arrive $0xFFFF;
	s2 =	simm.s32 @!p0 $0x1C01  }
0x58: {  	[timem:s3], [sflag:s2] =	dma.local @!p0 [hbm:s0], s1  }
0x59: {  	s0 =	simm.s32 @!p0 $0x1  }
0x5a: {  	_ =	swait.ge @!p0 [sflag:s0], s1  }
0x5b: {  	s1 =	ssub.s32 @!p0 $0x0, s1;
	[sflag:s0] =	ssyncset.done @!p0 $0x0  }
0x5c: {  	[sflag:s0] =	ssyncadd.s32 @!p0 s1  }
0x5d: {  	[bflag:$0x3] =	sbarrier.arrive $0xFFFF  }
0x5e: {  	_ =	shalt  }

// kernel: kernel.14.cloned.1.call-start
scs
__scs_entry_jumppad:
0x0: {  	(pc) =	sbr.rel $0x88, $3  }
0x1: {  	(tag) =	ssettag $0x0;
	lr =	simm.s32 $0x1  }
0x2: {  	[smem:$0x3F8A] =	sst lr;
	_ =	strace $0xD0000000  }
0x3: {  	_ = 	snop  }
0x4: {  	_ = 	snop  }
0x5: {  	_ = 	snop  }
0x6: {  	_ = 	snop  }
0x7: {  	_ = 	snop  }
__scs_overlays_trampoline_lowered:
0x8: {  	[smem:$0x3F99] =	sst s0  }
0x9: {  	[smem:$0x3F9A] =	sst s1  }
0xa: {  	[smem:$0x3F9B] =	sst s2  }
0xb: {  	[smem:$0x3F9C] =	sst s3  }
0xc: {  	[smem:$0x3F9D] =	sst s4  }
0xd: {  	[smem:$0x3F9E] =	sst s5  }
0xe: {  	[smem:$0x3F9F] =	sst s6  }
0xf: {  	[smem:$0x3FA0] =	sst s7  }
0x10: {  	[smem:$0x3FA1] =	sst s8  }
0x11: {  	[smem:$0x3FA2] =	sst s9;
	s0 =	simm.s32 @!p0 $0x0  }
0x12: {  	s1 =	sld [smem:$0x3F88];
	s0 =	simm.s32 @p0 $0x1  }
0x13: {  	[smem:$0x3FA3] =	sst s0;
	s0 =	simm.s32 @!p1 $0x0  }
0x14: {  	s2 =	sld [smem:$0x3F87];
	s0 =	simm.s32 @p1 $0x1  }
0x15: {  	[smem:$0x3FA4] =	sst s0;
	s0 =	simm.s32 @!p2 $0x0  }
0x16: {  	s3 =	sld [smem:$0x3FDB];
	s0 =	simm.s32 @p2 $0x1  }
0x17: {  	s4 =	simm.s32 $0x1BF5;
	[smem:$0x3FA6] =	sst s0  }
0x18: {  	s0 =	sld [smem:$0x3F89];
	_ =	swait.ge [sflag:s4], $0x0  }
0x19: {  	s7 =	sld [smem:$0x3F8A]  }
0x1a: {  	s8 =	sadd.s32 $0xFFFFE003, lr  }
0x1b: {  	s9 =	sadd.s32 $0xFFFFFEF7, lr;
	s5 =	simm.s32 $0xFFFFFFFF;
	p2 =	slt.u32 s8, $0xFFFFF086  }
0x1c: {  	p1 =	slt.u32 s9, $0xF7A;
	s5 =	simm.s32 @!p2 $0x0  }
0x1d: {  	s5 =	simm.s32 @p1 $0x1;
	p0 =	seq.s32 s7, s2  }
0x1e: {  	s7 =	smul.u32 @!p0 $0xF7A, s2;
	p2 =	seq.s32 @!p0 s5, $0x0  }
0x1f: {  	s9 =	smul.u32 $0xF7A, s1;
	s8 =	simm.s32 @!p0 $0x1BF5;
	p2 =	por !p2, p0  }
0x20: {  	[sflag:s8] =	ssyncset.s32 @!p0 $0xFFFFF086;
	s6 =	sadd.s32 @!p0 s3, s7;
	s7 =	simm.s32 @!p0 $0x108  }
0x21: {  	s3 =	sadd.s32 s3, s9;
	s6 =	sadd.s32 @!p0 $0x88, s6;
	s7 =	simm.s32 @p2 $0x1082  }
0x22: {  	[simem:s7], [sflag:s8] =	dma.local @!p0 [hbm:s6], $0xF7A  }
0x23: {  	s9 =	sor.u32 $0xD0000000, s2;
	s6 =	simm.s32 $0x108;
	_ =	swait.ge @!p0 [sflag:s8], $0x0  }
0x24: {  	s3 =	sadd.s32 $0x88, s3;
	s6 =	simm.s32 @!p1 $0x1082;
	[sflag:s4] =	ssyncset.s32 $0xFFFFF086  }
0x25: {  	[simem:s6], [sflag:s4] =	dma.local [hbm:s3], $0xF7A  }
0x26: {  	[smem:$0x3F8A] =	sst s1;
	(tag) =	ssettag s2;
	_ =	strace s9  }
0x27: {  	s1 =	sld [smem:$0x3F9A]  }
0x28: {  	s2 =	sld [smem:$0x3F9B]  }
0x29: {  	s4 =	sld [smem:$0x3F9D]  }
0x2a: {  	p0 =	seq.s32 s5, $0x0;
	s5 =	sld [smem:$0x3F9E]  }
0x2b: {  	s6 =	sld [smem:$0x3F9F]  }
0x2c: {  	s7 =	sld [smem:$0x3FA0]  }
0x2d: {  	s3 =	simm.s32 $0x108;
	s8 =	sld [smem:$0x3FA1]  }
0x2e: {  	s3 =	simm.s32 @!p0 $0x1082;
	s9 =	sld [smem:$0x3FA2]  }
0x2f: {  	lr =	sadd.s32 s0, s3;
	s0 =	sld [smem:$0x3F99]  }
0x30: {  	s3 =	sld [smem:$0x3F9C]  }
0x31: {  	[smem:$0x3FA5] =	sst s10  }
0x32: {  	s10 =	sld [smem:$0x3FA3];
	_ =	sdelay $0x3  }
0x33: {  	p0 =	seq.s32 s10, $0x1;
	s10 =	sld [smem:$0x3FA5];
	_ =	sdelay $0x3  }
0x34: {  	[smem:$0x3FA5] =	sst s10  }
0x35: {  	s10 =	sld [smem:$0x3FA4];
	_ =	sdelay $0x3  }
0x36: {  	p1 =	seq.s32 s10, $0x1;
	s10 =	sld [smem:$0x3FA5];
	_ =	sdelay $0x3  }
0x37: {  	[smem:$0x3FA5] =	sst s10  }
0x38: {  	s10 =	sld [smem:$0x3FA6]  }
0x39: {  	_ = 	snop;
	(pc) =	sbr.ind lr, $3  }
0x3a: {  	_ = 	snop  }
0x3b: {  	_ = 	snop  }
0x3c: {  	p2 =	seq.s32 s10, $0x1;
	s10 =	sld [smem:$0x3FA5]  }
0x3d: {  	_ =	shalt  }
0x3e: {  	_ =	shalt  }
0x3f: {  	_ =	shalt  }
0x40: {  	_ =	shalt  }
0x41: {  	_ =	shalt  }
0x42: {  	_ =	shalt  }
0x43: {  	_ =	shalt  }
0x44: {  	_ =	shalt  }
0x45: {  	_ =	shalt  }
0x46: {  	_ =	shalt  }
0x47: {  	_ =	shalt  }
0x48: {  	_ =	shalt  }
0x49: {  	_ =	shalt  }
0x4a: {  	_ =	shalt  }
0x4b: {  	_ =	shalt  }
0x4c: {  	_ =	shalt  }
0x4d: {  	_ =	shalt  }
0x4e: {  	_ =	shalt  }
0x4f: {  	_ =	shalt  }
0x50: {  	_ =	shalt  }
0x51: {  	_ =	shalt  }
0x52: {  	_ =	shalt  }
0x53: {  	_ =	shalt  }
0x54: {  	_ =	shalt  }
0x55: {  	_ =	shalt  }
0x56: {  	_ =	shalt  }
0x57: {  	_ =	shalt  }
0x58: {  	_ =	shalt  }
0x59: {  	_ =	shalt  }
0x5a: {  	_ =	shalt  }
0x5b: {  	_ =	shalt  }
0x5c: {  	_ =	shalt  }
0x5d: {  	_ =	shalt  }
0x5e: {  	_ =	shalt  }
0x5f: {  	_ =	shalt  }
0x60: {  	_ =	shalt  }
0x61: {  	_ =	shalt  }
0x62: {  	_ =	shalt  }
0x63: {  	_ =	shalt  }
0x64: {  	_ =	shalt  }
0x65: {  	_ =	shalt  }
0x66: {  	_ =	shalt  }
0x67: {  	_ =	shalt  }
0x68: {  	_ =	shalt  }
0x69: {  	_ =	shalt  }
0x6a: {  	_ =	shalt  }
0x6b: {  	_ =	shalt  }
0x6c: {  	_ =	shalt  }
0x6d: {  	_ =	shalt  }
0x6e: {  	_ =	shalt  }
0x6f: {  	_ =	shalt  }
0x70: {  	_ =	shalt  }
0x71: {  	_ =	shalt  }
0x72: {  	_ =	shalt  }
0x73: {  	_ =	shalt  }
0x74: {  	_ =	shalt  }
0x75: {  	_ =	shalt  }
0x76: {  	_ =	shalt  }
0x77: {  	_ =	shalt  }
0x78: {  	_ =	shalt  }
0x79: {  	_ =	shalt  }
0x7a: {  	_ =	shalt  }
0x7b: {  	_ =	shalt  }
0x7c: {  	_ =	shalt  }
0x7d: {  	_ =	shalt  }
0x7e: {  	_ =	shalt  }
0x7f: {  	_ =	shalt  }
0x80: {  	_ =	shalt  }
0x81: {  	_ =	shalt  }
0x82: {  	_ =	shalt  }
0x83: {  	_ =	shalt  }
0x84: {  	_ =	shalt  }
0x85: {  	_ =	shalt  }
0x86: {  	_ =	shalt  }
0x87: {  	_ =	shalt  }
.Lfunc_end0:
.L_simem_size_0:
called_computation.2_lowered:
.L_overlay_start_0:
0x88: {  	s2 =	sld [smem:$0x3FD9]  }
0x89: {  	s3 =	sld [smem:$0x3FFE];
	_ =	sdelay $0x1  }
0x8a: {  	s1 =	srdreg.scid  }
0x8b: {  	s0 =	sand.u32 $0x1, s1  }
0x8c: {  	s16 =	sshll.u32 s0, $0xA;
	s2 =	sadd.s32 s3, s2  }
0x8d: {  	s2 =	sadd.s32 s2, s16  }
0x8e: {  	[smem:$0x3FB1] =	sst s2  }
0x8f: {  	_ = 	snop  }
0x90: {  	(tm) =	ssettm $0x1  }
0x91: {  	s17 =	sld [smem:$0x3FFB];
	_ =	sdelay $0x3  }
0x92: {  	_ =	strace s17  }
0x93: {  	s2 =	sld [smem:$0x3FFC];
	_ =	sdelay $0x3  }
0x94: {  	_ =	strace s2  }
0x95: {  	s2 =	sld [smem:$0x3FFD];
	_ =	sdelay $0x3  }
0x96: {  	_ =	strace s2  }
0x97: {  	_ =	strace $0x8FFFFFFF  }
0x98: {  	s18 =	sld [smem:$0x3FDB];
	_ =	sdelay $0x1  }
0x99: {  	s19 =	simm.s32 $_scs_section_size  }
0x9a: {  	s4 =	simm.s32 $_size__tile_overlayer_lowered;
	s5 =	simm.s32 $_tile_overlayer_lowered  }
0x9b: {  	s22 =	simm.s32 $0x1BFF;
	s21 =	sshll.u32 s5, $0x1;
	s2 =	sadd.s32 s19, s18  }
0x9c: {  	s6 =	simm.s32 $0x0;
	s20 =	sshll.u32 s4, $0x1;
	s4 =	sadd.s32 s21, s2  }
0x9d: {  	[timem:s6], [sflag:s22] =	dma.local [hbm:s4], s20  }
0x9e: {  	_ =	swait.ge [sflag:s22], s20  }
0x9f: {  	s3 =	ssub.s32 $0x0, s20;
	[sflag:s22] =	ssyncset.done $0x0  }
0xa0: {  	[sflag:s22] =	ssyncadd.s32 s3;
	_ =	sdelay $0x1  }
0xa1: {  	s23 =	simm.s32 $0x1B8B  }
0xa2: {  	_ =	swait.ge [sflag:s23], $0x1  }
0xa3: {  	[sflag:s23] =	ssyncset.done $0x0  }
0xa4: {  	s25 =	simm.s32 $0x1B8E;
	s24 =	sld [smem:$0x3FFE];
	[sflag:s23] =	ssyncadd.s32 $0xFFFFFFFF  }
0xa5: {  	s26 =	simm.s32 $execute0_lowered;
	[smem:$0x3FD2] =	sst s25  }
0xa6: {  	s4 =	sshll.u32 s26, $0x1;
	_ =	strace $0x80000049;
	[dreg:$0x1] =	wrdreg $0xFFFFFFFF  }
0xa7: {  	s28 =	simm.s32 $_size_execute0_lowered;
	s2 =	sadd.s32 s2, s4;
	[dreg:$0x0] =	wrdreg $0x0  }
0xa8: {  	s4 =	sshll.u32 s28, $0x1;
	[dreg:$0x2] =	wrdreg s2  }
0xa9: {  	[dreg:$0x3] =	wrdreg s4  }
0xaa: {  	[dreg:$0x4] =	wrdreg $0xC0  }
0xab: {  	_ =	task [dreg:s6], $0x5FFFF  }
0xac: {  	[dreg:$0x1] =	wrdreg $0xFFFFFFFF  }
0xad: {  	[dreg:$0x0] =	wrdreg $0x60  }
0xae: {  	[dreg:$0x2] =	wrdreg s24  }
0xaf: {  	[dreg:$0x3] =	wrdreg $0x69000  }
0xb0: {  	[dreg:$0x4] =	wrdreg $0x9  }
0xb1: {  	_ =	task.clear_ibuf [dreg:s6], $0x5FFFF;
	_ =	strace $0x90000049  }
0xb2: {  	s29 =	simm.s32 $0x9;
	_ =	strace $0x8000004B  }
0xb3: {  	_ =	swait.ge [sflag:s29], $0x1  }
0xb4: {  	[sflag:s29] =	ssyncadd.s32 $0xFFFFFFFF  }
0xb5: {  	_ =	strace $0x9000004B  }
0xb6: {  	_ =	sfence  }
0xb7: {  	s30 =	sld [smem:$0x0];
	_ =	sdelay $0x2  }
0xb8: {  	s31 =	sshll.u32 s1, $0xD;
	s1 =	sshrl.u32 s1, $0x2  }
0xb9: {  	s3 =	sand.u32 $0x4000, s31;
	s1 =	sadd.s32 s1, s30  }
0xba: {  	s0 =	sor.u32 s3, s0;
	s1 =	sshll.u32 s1, $0x11  }
0xbb: {  	s0 =	sor.u32 s1, s0  }
0xbc: {  	s0 =	sadd.s32 $0x8F2B, s0  }
0xbd: {  	[sflag:s0] =	ssyncadd.remote.s32 $0x1  }
0xbe: {  	_ =	sfence.sel $0xFFFF  }
0xbf: {  	[dreg:$0x0] =	wrdreg $0xFFFFFFFF;
	(pc) =	sbr.abs _section_cstart, $3  }
0xc0: {  	[dreg:$0x1] =	wrdreg $0xFFFFFFFF  }
0xc1: {  	_ =	task.clear_ibuf [dreg:s6], $0x2FFFF;
	_ =	strace $0x9FFFFFFF  }
0xc2: {  	(tm) =	ssettm $0x7FFFFFFF  }
0xc3: {  	_ =	shalt  }
tec
execute0_lowered:
.L_overlay_start_1:
0x0: {  	(tag) =	ssettag $0x1  }
0x1: {  	s11 =	rddreg [dreg:$0x0];
	s0 =	srdreg.scid  }
0x2: {  	s2 =	rddreg [dreg:$0x1];
	s1 =	stileid.u32  }
0x3: {  	s3 =	simm.s32 $0x0;
	s14 =	simm.s32 $0x2900;
	s15 =	simm.s32 $0x2  }
0x4: {  	s16 =	simm.s32 $0x80;
	s17 =	simm.s32 $0x50;
	s6 =	smul.u32 $0x14000, s1  }
0x5: {  	s18 =	simm.s32 $0x100;
	s19 =	simm.s32 $0x1;
	s7 =	smul.u32 $0x50000, s1  }
0x6: {  	s5 =	sand.u32 $0x1, s0;
	s0 =	rddreg [dreg:$0x2];
	s29 =	smul.u32 $0x2710, s1  }
0x7: {  	s22 =	simm.s32 $0x0;
	[smem:$0x7FF] =	sst s3;
	s4 =	smul.u32 $0x140000, s5  }
0x8: {  	s20 =	sshll.u32 s1, $0x6;
	_ =	strace $0x8000004A;
	s8 =	smul.u32 $0x27100, s5  }
0x9: {  	s9 =	ssub.s32 $0x2, s5;
	s20 =	sor.u32 $0x1C02, s20;
	s28 =	sshrl.u32 s7, $0x2  }
0xa: {  	s30 =	sshrl.u32 s9, $0x1;
	s6 =	sadd.s32 s6, s4;
	s4 =	sadd.s32 $0x13C00, s11  }
0xb: {  	s5 =	sadd.s32 s28, s2;
	s12 =	ssub.s32 s9, s30;
	s31 =	sadd.s32 s29, s8  }
0xc: {  	s6 =	sshrl.u32 s6, $0x3;
	s7 =	sadd.s32 $0x8000, s5;
	s8 =	sadd.s32 $0xC000, s5  }
0xd: {  	s13 =	sshrl.u32 s31, $0x3;
	s9 =	sadd.s32 $0x10000, s5;
	s12 =	smax.u32 s12, $0x1  }
0xe: {  	s21 =	sshrl.u32 s5, $0x3;
	s10 =	sadd.s32 s6, s11;
	s11 =	sadd.s32 s13, s11  }
0xf: {  	v0 =	vimm.f32 $0.0e+00;
	s6 =	sadd.s32 $0x4000, s5;
	s10 =	sadd.s32 $0x3AE00, s10;
	s13 =	sadd.s32 $0x9E00, s11  }
.LBB2_1:
0x10: {  	s23 =	simm.s32 $0x0;
	s24 =	simm.s32 $0x200  }
.LBB2_2:
0x11: {  	p0 =	sne.s32 s24, $0xFE00;
	[tilespmem:s23+$0x2970] =	vst v0  }
0x12: {  	[tilespmem:s23+$0x2900] =	vst v0  }
0x13: {  	[tilespmem:s23+$0x2910] =	vst v0  }
.Ltmp0:
0x14: {  	[tilespmem:s23+$0x2920] =	vst v0;
	(pc) =	sbr.rel @p0 .LBB2_2-.Ltmp0, $4  }
0x15: {  	[tilespmem:s23+$0x2930] =	vst v0  }
0x16: {  	[tilespmem:s23+$0x2940] =	vst v0  }
0x17: {  	[tilespmem:s23+$0x2950] =	vst v0  }
0x18: {  	[tilespmem:s23+$0x2960] =	vst v0;
	s23 =	sshra.s32 s24, $0x2;
	s24 =	sadd.s32 $0x200, s24  }
0x19: {  	[tilespmem:s23+$0x2970] =	vst v0  }
0x1a: {  	[tilespmem:s23+$0x2900] =	vst v0  }
0x1b: {  	[tilespmem:s23+$0x2910] =	vst v0  }
0x1c: {  	[tilespmem:s23+$0x2920] =	vst v0  }
0x1d: {  	[tilespmem:s23+$0x2930] =	vst v0  }
0x1e: {  	[tilespmem:s23+$0x2940] =	vst v0  }
0x1f: {  	[tilespmem:s23+$0x2950] =	vst v0  }
0x20: {  	[tilespmem:s23+$0x2960] =	vst v0  }
0x21: {  	[spmem:s5] =	stream.linear.scatter [tilespmem:s14], [sflag:$0x2], $0x4000, $0x38;
	[tilespmem:$0x1A900] =	vst v63  }
0x22: {  	_ =	swait.ge [sflag:s15], $0x4000  }
0x23: {  	[sflag:s15] =	ssyncset.done $0x0  }
0x24: {  	[sflag:s15] =	ssyncadd.s32 $0xFFFFC000  }
0x25: {  	[spmem:s6] =	stream.linear.scatter [tilespmem:s14], [sflag:$0x2], $0x4000, $0x38;
	[tilespmem:$0x1A900] =	vst v63  }
0x26: {  	_ =	swait.ge [sflag:s15], $0x4000  }
0x27: {  	[sflag:s15] =	ssyncset.done $0x0  }
0x28: {  	[sflag:s15] =	ssyncadd.s32 $0xFFFFC000  }
0x29: {  	[spmem:s7] =	stream.linear.scatter [tilespmem:s14], [sflag:$0x2], $0x4000, $0x38;
	[tilespmem:$0x1A900] =	vst v63  }
0x2a: {  	_ =	swait.ge [sflag:s15], $0x4000  }
0x2b: {  	[sflag:s15] =	ssyncset.done $0x0  }
0x2c: {  	[sflag:s15] =	ssyncadd.s32 $0xFFFFC000  }
0x2d: {  	[spmem:s8] =	stream.linear.scatter [tilespmem:s14], [sflag:$0x2], $0x4000, $0x38;
	[tilespmem:$0x1A900] =	vst v63  }
0x2e: {  	_ =	swait.ge [sflag:s15], $0x4000  }
0x2f: {  	[sflag:s15] =	ssyncset.done $0x0  }
0x30: {  	[sflag:s15] =	ssyncadd.s32 $0xFFFFC000  }
0x31: {  	[spmem:s9] =	stream.linear.scatter [tilespmem:s14], [sflag:$0x2], $0x4000, $0x38;
	[tilespmem:$0x1A900] =	vst v63  }
0x32: {  	_ =	swait.ge [sflag:s15], $0x4000  }
0x33: {  	[sflag:s15] =	ssyncset.done $0x0  }
0x34: {  	[sflag:s15] =	ssyncadd.s32 $0xFFFFC000  }
0x35: {  	s30 =	sadd.s32 $0x0, s11;
	[bflag:$0x0] =	sbarrier.arrive $0xFFFF  }
0x36: {  	[tilespmem:s3], [sflag:$0x2] =	stream.linear.gather [hbm4b:s30+s3], $0x50, $0x38;
	[tilespmem:$0x1A900] =	vst v63  }
0x37: {  	_ =	swait.ge [sflag:s15], $0x50  }
0x38: {  	[sflag:s15] =	ssyncset.done $0x0  }
0x39: {  	s31 =	sadd.s32 $0x0, s13;
	[sflag:s15] =	ssyncadd.s32 $0xFFFFFFB0  }
0x3a: {  	[tilespmem:s16], [sflag:$0x2] =	stream.linear.gather [hbm4b:s31+s3], $0x50, $0x38;
	[tilespmem:$0x1A900] =	vst v63  }
0x3b: {  	_ =	swait.ge [sflag:s15], $0x50  }
0x3c: {  	[sflag:s15] =	ssyncset.done $0x0  }
0x3d: {  	[sflag:s15] =	ssyncadd.s32 $0xFFFFFFB0  }
0x3e: {  	[tilespmem:s18], [sflag:$0x1] =	stream.indirect.gather [hbm4b:s4+s17], $0x80, s3, s17, $0xb8;
	[tilespmem:$0x1A900] =	vst v63  }
0x3f: {  	_ =	swait.ge [sflag:s19], $0x2800  }
0x40: {  	[sflag:s19] =	ssyncset.done $0x0  }
0x41: {  	[sflag:s19] =	ssyncadd.s32 $0xFFFFD800  }
0x42: {  	[spmem:s2] =	stream.indirect.scatter.add.f32 [tilespmem:s18], [sflag:$0x2], $0x80, s16, s17, $0xb8;
	[tilespmem:$0x1A900] =	vst v63  }
0x43: {  	_ =	swait.ge [sflag:s15], $0x2800  }
0x44: {  	s23 =	simm.s32 $0xA;
	s24 =	simm.s32 $0x14;
	[sflag:s15] =	ssyncset.done $0x0  }
.LBB2_4:
0x45: {  	s25 =	sadd.s32 s23, s11  }
0x46: {  	[sflag:s15] =	ssyncadd.s32 $0xFFFFD800;
	s26 =	smov.u32 s24;
	s28 =	sadd.s32 $0xA, s24  }
0x47: {  	[tilespmem:s3], [sflag:$0x2] =	stream.linear.gather [hbm4b:s25+s3], $0x50, $0x38;
	[tilespmem:$0x1A900] =	vst v63  }
0x48: {  	p0 =	sne.s32 s24, $0x4D8;
	_ =	swait.ge [sflag:s15], $0x50  }
0x49: {  	[sflag:s15] =	ssyncset.done $0x0  }
0x4a: {  	s24 =	sadd.s32 s23, s13;
	s23 =	smov.u32 s26;
	[sflag:s15] =	ssyncadd.s32 $0xFFFFFFB0  }
0x4b: {  	[tilespmem:s16], [sflag:$0x2] =	stream.linear.gather [hbm4b:s24+s3], $0x50, $0x38;
	[tilespmem:$0x1A900] =	vst v63  }
0x4c: {  	_ =	swait.ge [sflag:s15], $0x50  }
0x4d: {  	[sflag:s15] =	ssyncset.done $0x0  }
0x4e: {  	[sflag:s15] =	ssyncadd.s32 $0xFFFFFFB0  }
0x4f: {  	[tilespmem:s18], [sflag:$0x1] =	stream.indirect.gather [hbm4b:s4+s17], $0x80, s3, s17, $0xb8;
	[tilespmem:$0x1A900] =	vst v63  }
0x50: {  	_ =	swait.ge [sflag:s19], $0x2800  }
.Ltmp1:
0x51: {  	[sflag:s19] =	ssyncset.done $0x0;
	(pc) =	sbr.rel @p0 .LBB2_4-.Ltmp1, $4  }
0x52: {  	[sflag:s19] =	ssyncadd.s32 $0xFFFFD800  }
0x53: {  	[spmem:s2] =	stream.indirect.scatter.add.f32 [tilespmem:s18], [sflag:$0x2], $0x80, s16, s17, $0xb8;
	[tilespmem:$0x1A900] =	vst v63  }
0x54: {  	_ =	swait.ge [sflag:s15], $0x2800  }
0x55: {  	s24 =	smov.u32 s28;
	[sflag:s15] =	ssyncset.done $0x0  }
0x56: {  	s24 =	sadd.s32 s23, s11;
	[sflag:s15] =	ssyncadd.s32 $0xFFFFD800  }
0x57: {  	[tilespmem:s3], [sflag:$0x2] =	stream.linear.gather [hbm4b:s24+s3], $0x50, $0x38;
	[tilespmem:$0x1A900] =	vst v63  }
0x58: {  	_ =	swait.ge [sflag:s15], $0x50  }
0x59: {  	[sflag:s15] =	ssyncset.done $0x0  }
0x5a: {  	s31 =	sadd.s32 s23, s13;
	[sflag:s15] =	ssyncadd.s32 $0xFFFFFFB0  }
0x5b: {  	[tilespmem:s16], [sflag:$0x2] =	stream.linear.gather [hbm4b:s31+s3], $0x50, $0x38;
	[tilespmem:$0x1A900] =	vst v63  }
0x5c: {  	_ =	swait.ge [sflag:s15], $0x50  }
0x5d: {  	[sflag:s15] =	ssyncset.done $0x0  }
0x5e: {  	[sflag:s15] =	ssyncadd.s32 $0xFFFFFFB0  }
0x5f: {  	[tilespmem:s18], [sflag:$0x1] =	stream.indirect.gather [hbm4b:s4+s17], $0x80, s3, s17, $0xb8;
	[tilespmem:$0x1A900] =	vst v63  }
0x60: {  	_ =	swait.ge [sflag:s19], $0x2800  }
0x61: {  	[sflag:s19] =	ssyncset.done $0x0  }
0x62: {  	[sflag:s19] =	ssyncadd.s32 $0xFFFFD800  }
0x63: {  	[spmem:s2] =	stream.indirect.scatter.add.f32 [tilespmem:s18], [sflag:$0x2], $0x80, s16, s17, $0xb8;
	[tilespmem:$0x1A900] =	vst v63  }
0x64: {  	_ =	swait.ge [sflag:s15], $0x2800  }
0x65: {  	s22 =	sadd.s32 $0x1, s22;
	[sflag:s15] =	ssyncset.done $0x0  }
0x66: {  	p0 =	sne.s32 s22, s12;
	[sflag:s15] =	ssyncadd.s32 $0xFFFFD800  }
.Ltmp2:
0x67: {  	[bflag:$0x0] =	sbarrier.arrive $0xFFFF;
	(pc) =	sbr.rel @p0 .LBB2_1-.Ltmp2, $4  }
0x68: {  	[hbm:s10], [sflag:s20] =	dma.local [spmem:s21], $0x2800  }
0x69: {  	_ =	swait.ge [sflag:s15], $0x2800  }
0x6a: {  	[sflag:s15] =	ssyncset.done $0x0  }
0x6b: {  	[sflag:s15] =	ssyncadd.s32 $0xFFFFD800  }
0x6c: {  	_ =	sfence.sel $0x180000  }
0x6d: {  	[bflag:$0x0] =	sbarrier.arrive $0xFFFF  }
0x6e: {  	p0 =	sne.s32 s1, $0x0;
	_ =	strace $0x9000004A  }
0x6f: {  	s0 =	sadd.s32 @!p0 $0x100000, s0;
	[bflag:$0x2] =	sbarrier.arrive $0xFFFF  }
0x70: {  	[sflag:s0] =	ssyncadd.tile.s32 @!p0 $0x1;
	_ =	shalt  }
.Lfunc_end2:
_tile_overlayer_lowered:
.L_overlay_start_2:
0x71: {  	(tag) =	ssettag $0x2  }
0x72: {  	s0 =	rddreg [dreg:$0x0];
	s2 =	stileid.u32  }
0x73: {  	s1 =	rddreg [dreg:$0x1];
	p0 =	sne.s32 s2, $0x0  }
0x74: {  	s3 =	rddreg [dreg:$0x2];
	[bflag:$0x3] =	sbarrier.arrive $0xFFFF;
	s2 =	simm.s32 @!p0 $0x1C02  }
0x75: {  	[timem:s3], [sflag:s2] =	dma.local @!p0 [hbm:s0], s1  }
0x76: {  	s0 =	simm.s32 @!p0 $0x2  }
0x77: {  	_ =	swait.ge @!p0 [sflag:s0], s1  }
0x78: {  	s1 =	ssub.s32 @!p0 $0x0, s1;
	[sflag:s0] =	ssyncset.done @!p0 $0x0  }
0x79: {  	[sflag:s0] =	ssyncadd.s32 @!p0 s1  }
0x7a: {  	[bflag:$0x3] =	sbarrier.arrive $0xFFFF  }
0x7b: {  	_ =	shalt  }

// kernel: kernel.17.cloned.1.call-start
scs
__scs_entry_jumppad:
0x0: {  	(pc) =	sbr.rel $0x88, $3  }
0x1: {  	(tag) =	ssettag $0x0;
	lr =	simm.s32 $0x1  }
0x2: {  	[smem:$0x3F8A] =	sst lr;
	_ =	strace $0xD0000000  }
0x3: {  	_ = 	snop  }
0x4: {  	_ = 	snop  }
0x5: {  	_ = 	snop  }
0x6: {  	_ = 	snop  }
0x7: {  	_ = 	snop  }
__scs_overlays_trampoline_lowered:
0x8: {  	[smem:$0x3F99] =	sst s0  }
0x9: {  	[smem:$0x3F9A] =	sst s1  }
0xa: {  	[smem:$0x3F9B] =	sst s2  }
0xb: {  	[smem:$0x3F9C] =	sst s3  }
0xc: {  	[smem:$0x3F9D] =	sst s4  }
0xd: {  	[smem:$0x3F9E] =	sst s5  }
0xe: {  	[smem:$0x3F9F] =	sst s6  }
0xf: {  	[smem:$0x3FA0] =	sst s7  }
0x10: {  	[smem:$0x3FA1] =	sst s8  }
0x11: {  	[smem:$0x3FA2] =	sst s9;
	s0 =	simm.s32 @!p0 $0x0  }
0x12: {  	s1 =	sld [smem:$0x3F88];
	s0 =	simm.s32 @p0 $0x1  }
0x13: {  	[smem:$0x3FA3] =	sst s0;
	s0 =	simm.s32 @!p1 $0x0  }
0x14: {  	s2 =	sld [smem:$0x3F87];
	s0 =	simm.s32 @p1 $0x1  }
0x15: {  	[smem:$0x3FA4] =	sst s0;
	s0 =	simm.s32 @!p2 $0x0  }
0x16: {  	s3 =	sld [smem:$0x3FDB];
	s0 =	simm.s32 @p2 $0x1  }
0x17: {  	s4 =	simm.s32 $0x1BF5;
	[smem:$0x3FA6] =	sst s0  }
0x18: {  	s0 =	sld [smem:$0x3F89];
	_ =	swait.ge [sflag:s4], $0x0  }
0x19: {  	s7 =	sld [smem:$0x3F8A]  }
0x1a: {  	s8 =	sadd.s32 $0xFFFFE003, lr  }
0x1b: {  	s9 =	sadd.s32 $0xFFFFFEF7, lr;
	s5 =	simm.s32 $0xFFFFFFFF;
	p2 =	slt.u32 s8, $0xFFFFF086  }
0x1c: {  	p1 =	slt.u32 s9, $0xF7A;
	s5 =	simm.s32 @!p2 $0x0  }
0x1d: {  	s5 =	simm.s32 @p1 $0x1;
	p0 =	seq.s32 s7, s2  }
0x1e: {  	s7 =	smul.u32 @!p0 $0xF7A, s2;
	p2 =	seq.s32 @!p0 s5, $0x0  }
0x1f: {  	s9 =	smul.u32 $0xF7A, s1;
	s8 =	simm.s32 @!p0 $0x1BF5;
	p2 =	por !p2, p0  }
0x20: {  	[sflag:s8] =	ssyncset.s32 @!p0 $0xFFFFF086;
	s6 =	sadd.s32 @!p0 s3, s7;
	s7 =	simm.s32 @!p0 $0x108  }
0x21: {  	s3 =	sadd.s32 s3, s9;
	s6 =	sadd.s32 @!p0 $0x88, s6;
	s7 =	simm.s32 @p2 $0x1082  }
0x22: {  	[simem:s7], [sflag:s8] =	dma.local @!p0 [hbm:s6], $0xF7A  }
0x23: {  	s9 =	sor.u32 $0xD0000000, s2;
	s6 =	simm.s32 $0x108;
	_ =	swait.ge @!p0 [sflag:s8], $0x0  }
0x24: {  	s3 =	sadd.s32 $0x88, s3;
	s6 =	simm.s32 @!p1 $0x1082;
	[sflag:s4] =	ssyncset.s32 $0xFFFFF086  }
0x25: {  	[simem:s6], [sflag:s4] =	dma.local [hbm:s3], $0xF7A  }
0x26: {  	[smem:$0x3F8A] =	sst s1;
	(tag) =	ssettag s2;
	_ =	strace s9  }
0x27: {  	s1 =	sld [smem:$0x3F9A]  }
0x28: {  	s2 =	sld [smem:$0x3F9B]  }
0x29: {  	s4 =	sld [smem:$0x3F9D]  }
0x2a: {  	p0 =	seq.s32 s5, $0x0;
	s5 =	sld [smem:$0x3F9E]  }
0x2b: {  	s6 =	sld [smem:$0x3F9F]  }
0x2c: {  	s7 =	sld [smem:$0x3FA0]  }
0x2d: {  	s3 =	simm.s32 $0x108;
	s8 =	sld [smem:$0x3FA1]  }
0x2e: {  	s3 =	simm.s32 @!p0 $0x1082;
	s9 =	sld [smem:$0x3FA2]  }
0x2f: {  	lr =	sadd.s32 s0, s3;
	s0 =	sld [smem:$0x3F99]  }
0x30: {  	s3 =	sld [smem:$0x3F9C]  }
0x31: {  	[smem:$0x3FA5] =	sst s10  }
0x32: {  	s10 =	sld [smem:$0x3FA3];
	_ =	sdelay $0x3  }
0x33: {  	p0 =	seq.s32 s10, $0x1;
	s10 =	sld [smem:$0x3FA5];
	_ =	sdelay $0x3  }
0x34: {  	[smem:$0x3FA5] =	sst s10  }
0x35: {  	s10 =	sld [smem:$0x3FA4];
	_ =	sdelay $0x3  }
0x36: {  	p1 =	seq.s32 s10, $0x1;
	s10 =	sld [smem:$0x3FA5];
	_ =	sdelay $0x3  }
0x37: {  	[smem:$0x3FA5] =	sst s10  }
0x38: {  	s10 =	sld [smem:$0x3FA6]  }
0x39: {  	_ = 	snop;
	(pc) =	sbr.ind lr, $3  }
0x3a: {  	_ = 	snop  }
0x3b: {  	_ = 	snop  }
0x3c: {  	p2 =	seq.s32 s10, $0x1;
	s10 =	sld [smem:$0x3FA5]  }
0x3d: {  	_ =	shalt  }
0x3e: {  	_ =	shalt  }
0x3f: {  	_ =	shalt  }
0x40: {  	_ =	shalt  }
0x41: {  	_ =	shalt  }
0x42: {  	_ =	shalt  }
0x43: {  	_ =	shalt  }
0x44: {  	_ =	shalt  }
0x45: {  	_ =	shalt  }
0x46: {  	_ =	shalt  }
0x47: {  	_ =	shalt  }
0x48: {  	_ =	shalt  }
0x49: {  	_ =	shalt  }
0x4a: {  	_ =	shalt  }
0x4b: {  	_ =	shalt  }
0x4c: {  	_ =	shalt  }
0x4d: {  	_ =	shalt  }
0x4e: {  	_ =	shalt  }
0x4f: {  	_ =	shalt  }
0x50: {  	_ =	shalt  }
0x51: {  	_ =	shalt  }
0x52: {  	_ =	shalt  }
0x53: {  	_ =	shalt  }
0x54: {  	_ =	shalt  }
0x55: {  	_ =	shalt  }
0x56: {  	_ =	shalt  }
0x57: {  	_ =	shalt  }
0x58: {  	_ =	shalt  }
0x59: {  	_ =	shalt  }
0x5a: {  	_ =	shalt  }
0x5b: {  	_ =	shalt  }
0x5c: {  	_ =	shalt  }
0x5d: {  	_ =	shalt  }
0x5e: {  	_ =	shalt  }
0x5f: {  	_ =	shalt  }
0x60: {  	_ =	shalt  }
0x61: {  	_ =	shalt  }
0x62: {  	_ =	shalt  }
0x63: {  	_ =	shalt  }
0x64: {  	_ =	shalt  }
0x65: {  	_ =	shalt  }
0x66: {  	_ =	shalt  }
0x67: {  	_ =	shalt  }
0x68: {  	_ =	shalt  }
0x69: {  	_ =	shalt  }
0x6a: {  	_ =	shalt  }
0x6b: {  	_ =	shalt  }
0x6c: {  	_ =	shalt  }
0x6d: {  	_ =	shalt  }
0x6e: {  	_ =	shalt  }
0x6f: {  	_ =	shalt  }
0x70: {  	_ =	shalt  }
0x71: {  	_ =	shalt  }
0x72: {  	_ =	shalt  }
0x73: {  	_ =	shalt  }
0x74: {  	_ =	shalt  }
0x75: {  	_ =	shalt  }
0x76: {  	_ =	shalt  }
0x77: {  	_ =	shalt  }
0x78: {  	_ =	shalt  }
0x79: {  	_ =	shalt  }
0x7a: {  	_ =	shalt  }
0x7b: {  	_ =	shalt  }
0x7c: {  	_ =	shalt  }
0x7d: {  	_ =	shalt  }
0x7e: {  	_ =	shalt  }
0x7f: {  	_ =	shalt  }
0x80: {  	_ =	shalt  }
0x81: {  	_ =	shalt  }
0x82: {  	_ =	shalt  }
0x83: {  	_ =	shalt  }
0x84: {  	_ =	shalt  }
0x85: {  	_ =	shalt  }
0x86: {  	_ =	shalt  }
0x87: {  	_ =	shalt  }
.Lfunc_end0:
.L_simem_size_0:
called_computation.3_lowered:
.L_overlay_start_0:
0x88: {  	s2 =	sld [smem:$0x3FD9]  }
0x89: {  	s3 =	sld [smem:$0x3FFE];
	_ =	sdelay $0x1  }
0x8a: {  	s1 =	srdreg.scid  }
0x8b: {  	s0 =	sand.u32 $0x1, s1  }
0x8c: {  	s16 =	sshll.u32 s0, $0xA;
	s2 =	sadd.s32 s3, s2  }
0x8d: {  	s2 =	sadd.s32 s2, s16  }
0x8e: {  	[smem:$0x3FB1] =	sst s2  }
0x8f: {  	_ = 	snop  }
0x90: {  	(tm) =	ssettm $0x1  }
0x91: {  	s17 =	sld [smem:$0x3FFB];
	_ =	sdelay $0x3  }
0x92: {  	_ =	strace s17  }
0x93: {  	s2 =	sld [smem:$0x3FFC];
	_ =	sdelay $0x3  }
0x94: {  	_ =	strace s2  }
0x95: {  	s2 =	sld [smem:$0x3FFD];
	_ =	sdelay $0x3  }
0x96: {  	_ =	strace s2  }
0x97: {  	_ =	strace $0x8FFFFFFF  }
0x98: {  	s18 =	sld [smem:$0x3FDB];
	_ =	sdelay $0x1  }
0x99: {  	s19 =	simm.s32 $_scs_section_size  }
0x9a: {  	s4 =	simm.s32 $_size__tile_overlayer_lowered;
	s5 =	simm.s32 $_tile_overlayer_lowered  }
0x9b: {  	s22 =	simm.s32 $0x1BFF;
	s21 =	sshll.u32 s5, $0x1;
	s2 =	sadd.s32 s19, s18  }
0x9c: {  	s6 =	simm.s32 $0x0;
	s20 =	sshll.u32 s4, $0x1;
	s4 =	sadd.s32 s21, s2  }
0x9d: {  	[timem:s6], [sflag:s22] =	dma.local [hbm:s4], s20  }
0x9e: {  	_ =	swait.ge [sflag:s22], s20  }
0x9f: {  	s3 =	ssub.s32 $0x0, s20;
	[sflag:s22] =	ssyncset.done $0x0  }
0xa0: {  	[sflag:s22] =	ssyncadd.s32 s3;
	_ =	sdelay $0x1  }
0xa1: {  	s23 =	simm.s32 $0x1B8B  }
0xa2: {  	_ =	swait.ge [sflag:s23], $0x1  }
0xa3: {  	[sflag:s23] =	ssyncset.done $0x0  }
0xa4: {  	s25 =	simm.s32 $0x1B8E;
	s24 =	sld [smem:$0x3FFE];
	[sflag:s23] =	ssyncadd.s32 $0xFFFFFFFF  }
0xa5: {  	s26 =	simm.s32 $execute0_lowered;
	[smem:$0x3FD2] =	sst s25  }
0xa6: {  	s4 =	sshll.u32 s26, $0x1;
	_ =	strace $0x8000004C;
	[dreg:$0x1] =	wrdreg $0xFFFFFFFF  }
0xa7: {  	s28 =	simm.s32 $_size_execute0_lowered;
	s2 =	sadd.s32 s2, s4;
	[dreg:$0x0] =	wrdreg $0x0  }
0xa8: {  	s4 =	sshll.u32 s28, $0x1;
	[dreg:$0x2] =	wrdreg s2  }
0xa9: {  	[dreg:$0x3] =	wrdreg s4  }
0xaa: {  	[dreg:$0x4] =	wrdreg $0xC0  }
0xab: {  	_ =	task [dreg:s6], $0x5FFFF  }
0xac: {  	[dreg:$0x1] =	wrdreg $0xFFFFFFFF  }
0xad: {  	[dreg:$0x0] =	wrdreg $0x60  }
0xae: {  	[dreg:$0x2] =	wrdreg s24  }
0xaf: {  	[dreg:$0x3] =	wrdreg $0xB9000  }
0xb0: {  	[dreg:$0x4] =	wrdreg $0x9  }
0xb1: {  	_ =	task.clear_ibuf [dreg:s6], $0x5FFFF;
	_ =	strace $0x9000004C  }
0xb2: {  	s29 =	simm.s32 $0x9;
	_ =	strace $0x8000004E  }
0xb3: {  	_ =	swait.ge [sflag:s29], $0x1  }
0xb4: {  	[sflag:s29] =	ssyncadd.s32 $0xFFFFFFFF  }
0xb5: {  	_ =	strace $0x9000004E  }
0xb6: {  	_ =	sfence  }
0xb7: {  	s30 =	sld [smem:$0x0];
	_ =	sdelay $0x2  }
0xb8: {  	s31 =	sshll.u32 s1, $0xD;
	s1 =	sshrl.u32 s1, $0x2  }
0xb9: {  	s3 =	sand.u32 $0x4000, s31;
	s1 =	sadd.s32 s1, s30  }
0xba: {  	s0 =	sor.u32 s3, s0;
	s1 =	sshll.u32 s1, $0x11  }
0xbb: {  	s0 =	sor.u32 s1, s0  }
0xbc: {  	s0 =	sadd.s32 $0x8F2B, s0  }
0xbd: {  	[sflag:s0] =	ssyncadd.remote.s32 $0x1  }
0xbe: {  	_ =	sfence.sel $0xFFFF  }
0xbf: {  	[dreg:$0x0] =	wrdreg $0xFFFFFFFF;
	(pc) =	sbr.abs _section_cstart, $3  }
0xc0: {  	[dreg:$0x1] =	wrdreg $0xFFFFFFFF  }
0xc1: {  	_ =	task.clear_ibuf [dreg:s6], $0x2FFFF;
	_ =	strace $0x9FFFFFFF  }
0xc2: {  	(tm) =	ssettm $0x7FFFFFFF  }
0xc3: {  	_ =	shalt  }
tec
execute0_lowered:
.L_overlay_start_1:
0x0: {  	(tag) =	ssettag $0x1  }
0x1: {  	s1 =	rddreg [dreg:$0x0]  }
0x2: {  	s2 =	rddreg [dreg:$0x1];
	s0 =	srdreg.scid;
	s4 =	simm.s32 $0x0  }
0x3: {  	s11 =	stileid.u32;
	s16 =	simm.s32 $0x7900;
	s17 =	simm.s32 $0x3  }
0x4: {  	s18 =	simm.s32 $0x80;
	s19 =	simm.s32 $0x50;
	s20 =	simm.s32 $0x100  }
0x5: {  	s21 =	simm.s32 $0x1;
	s22 =	simm.s32 $0x2900;
	s23 =	simm.s32 $0x2  }
0x6: {  	s24 =	simm.s32 $0x5100;
	s25 =	simm.s32 $0x0;
	s26 =	simm.s32 $0x0  }
0x7: {  	s0 =	sand.u32 $0x1, s0;
	[smem:$0x7FF] =	sst s4;
	s7 =	smul.u32 $0x14000, s11  }
0x8: {  	s5 =	sadd.s32 $0x101000, s1;
	s6 =	sadd.s32 $0x9E00, s1;
	s8 =	smul.u32 $0x50000, s11  }
0x9: {  	s3 =	smul.u32 $0x140000, s0;
	_ =	strace $0x8000004D;
	s9 =	ssub.s32 $0x2, s0  }
0xa: {  	s0 =	sshll.u32 s0, $0x4;
	s10 =	sshrl.u32 s9, $0x1;
	s8 =	sshrl.u32 s8, $0x2  }
0xb: {  	s0 =	sor.u32 s11, s0;
	s3 =	sadd.s32 s7, s3;
	s7 =	sadd.s32 $0x128200, s1  }
0xc: {  	s9 =	ssub.s32 s9, s10;
	s8 =	sadd.s32 s8, s2;
	s13 =	smul.u32 $0x2710, s0  }
0xd: {  	s3 =	sshrl.u32 s3, $0x3;
	s31 =	sadd.s32 $0x4000, s8;
	s10 =	sadd.s32 $0x8000, s8  }
0xe: {  	s11 =	sadd.s32 $0xC000, s8;
	s12 =	sadd.s32 $0x10000, s8;
	s3 =	sadd.s32 s3, s1  }
0xf: {  	v0 =	vimm.f32 $0.0e+00;
	s15 =	smax.u32 s9, $0x1;
	[dreg:$0x3] =	wrdreg s31;
	s14 =	sadd.s32 $0x16400, s3  }
.LBB2_1:
0x10: {  	s3 =	simm.s32 $0x200;
	s0 =	simm.s32 $0x0  }
.LBB2_2:
0x11: {  	p0 =	sne.s32 s3, $0xFE00;
	[tilespmem:s0+$0x7930] =	vst v0;
	s9 =	smov.u32 s3;
	s3 =	sadd.s32 $0x200, s3  }
.Ltmp0:
0x12: {  	[tilespmem:s0+$0x7920] =	vst v0;
	(pc) =	sbr.rel @p0 .LBB2_2-.Ltmp0, $3  }
0x13: {  	[tilespmem:s0+$0x7900] =	vst v0  }
0x14: {  	[tilespmem:s0+$0x7910] =	vst v0;
	_ =	sdelay $0x1  }
0x15: {  	s0 =	sshra.s32 s9, $0x2  }
0x16: {  	[tilespmem:s0+$0x7930] =	vst v0  }
0x17: {  	[tilespmem:s0+$0x7920] =	vst v0  }
0x18: {  	[tilespmem:s0+$0x7900] =	vst v0  }
0x19: {  	[tilespmem:s0+$0x7910] =	vst v0  }
0x1a: {  	[spmem:s8] =	stream.linear.scatter [tilespmem:s16], [sflag:$0x3], $0x4000, $0x38;
	[tilespmem:$0x15900] =	vst v63  }
0x1b: {  	_ =	swait.ge [sflag:s17], $0x4000  }
0x1c: {  	[sflag:s17] =	ssyncset.done $0x0  }
0x1d: {  	s31 =	rddreg [dreg:$0x3];
	[sflag:s17] =	ssyncadd.s32 $0xFFFFC000  }
0x1e: {  	[spmem:s31] =	stream.linear.scatter [tilespmem:s16], [sflag:$0x3], $0x4000, $0x38;
	[tilespmem:$0x15900] =	vst v63  }
0x1f: {  	_ =	swait.ge [sflag:s17], $0x4000  }
0x20: {  	[sflag:s17] =	ssyncset.done $0x0  }
0x21: {  	[sflag:s17] =	ssyncadd.s32 $0xFFFFC000  }
0x22: {  	[spmem:s10] =	stream.linear.scatter [tilespmem:s16], [sflag:$0x3], $0x4000, $0x38;
	[tilespmem:$0x15900] =	vst v63  }
0x23: {  	_ =	swait.ge [sflag:s17], $0x4000  }
0x24: {  	[sflag:s17] =	ssyncset.done $0x0  }
0x25: {  	[sflag:s17] =	ssyncadd.s32 $0xFFFFC000  }
0x26: {  	[spmem:s11] =	stream.linear.scatter [tilespmem:s16], [sflag:$0x3], $0x4000, $0x38;
	[tilespmem:$0x15900] =	vst v63  }
0x27: {  	_ =	swait.ge [sflag:s17], $0x4000  }
0x28: {  	[sflag:s17] =	ssyncset.done $0x0  }
0x29: {  	[sflag:s17] =	ssyncadd.s32 $0xFFFFC000  }
0x2a: {  	[spmem:s12] =	stream.linear.scatter [tilespmem:s16], [sflag:$0x3], $0x4000, $0x38;
	[tilespmem:$0x15900] =	vst v63  }
0x2b: {  	_ =	swait.ge [sflag:s17], $0x4000  }
0x2c: {  	[sflag:s17] =	ssyncset.done $0x0  }
0x2d: {  	[sflag:s17] =	ssyncadd.s32 $0xFFFFC000  }
0x2e: {  	s28 =	simm.s32 $0x0;
	[bflag:$0x0] =	sbarrier.arrive $0xFFFF  }
.LBB2_4:
0x2f: {  	s0 =	smul.u32 $0x50, s28;
	_ =	sdelay $0x1  }
0x30: {  	s29 =	sadd.s32 s13, s0  }
0x31: {  	s0 =	sshrl.u32 s29, $0x3  }
0x32: {  	s3 =	sadd.s32 s1, s0  }
0x33: {  	[tilespmem:s26], [sflag:$0x3] =	stream.linear.gather [hbm4b:s3+s26], $0x50, $0x38;
	[tilespmem:$0x15900] =	vst v63  }
0x34: {  	_ =	swait.ge [sflag:s17], $0x50  }
0x35: {  	[sflag:s17] =	ssyncset.done $0x0  }
0x36: {  	s0 =	sadd.s32 s6, s0;
	[sflag:s17] =	ssyncadd.s32 $0xFFFFFFB0  }
0x37: {  	[tilespmem:s18], [sflag:$0x3] =	stream.linear.gather [hbm4b:s0+s26], $0x50, $0x38;
	[tilespmem:$0x15900] =	vst v63  }
0x38: {  	_ =	swait.ge [sflag:s17], $0x50  }
0x39: {  	[sflag:s17] =	ssyncset.done $0x0  }
0x3a: {  	[sflag:s17] =	ssyncadd.s32 $0xFFFFFFB0  }
0x3b: {  	[tilespmem:s20], [sflag:$0x1] =	stream.indirect.gather [hbm4b:s5+s19], $0x80, s26, s19, $0xb8;
	[tilespmem:$0x15900] =	vst v63  }
0x3c: {  	_ =	swait.ge [sflag:s21], $0x2800  }
0x3d: {  	[sflag:s21] =	ssyncset.done $0x0  }
0x3e: {  	[sflag:s21] =	ssyncadd.s32 $0xFFFFD800  }
0x3f: {  	[tilespmem:s22], [sflag:$0x2] =	stream.indirect.gather [hbm4b:s5+s19], $0x80, s18, s19, $0xb8;
	[tilespmem:$0x15900] =	vst v63  }
0x40: {  	_ =	swait.ge [sflag:s23], $0x2800  }
0x41: {  	[sflag:s23] =	ssyncset.done $0x0  }
0x42: {  	s0 =	simm.s32 $0x0;
	[sflag:s23] =	ssyncadd.s32 $0xFFFFD800  }
0x43: {  	v1 =	vld [tilespmem:s0+$0x160]  }
0x44: {  	v2 =	vld [tilespmem:s0+$0x2970]  }
0x45: {  	v3 =	vld [tilespmem:s0+$0x100]  }
0x46: {  	v4 =	vld [tilespmem:s0+$0x2910]  }
0x47: {  	v5 =	vld [tilespmem:s0+$0x120]  }
0x48: {  	v6 =	vld [tilespmem:s0+$0x2930]  }
0x49: {  	s30 =	simm.s32 $0x80;
	v7 =	vld [tilespmem:s0+$0x140];
	v1 =	vadd.f32 v2, v1  }
0x4a: {  	v11 =	vld [tilespmem:s30+$0x120]  }
0x4b: {  	v2 =	vld [tilespmem:s0+$0x2950];
	v8 =	vmin.f32 v1, $0.0e+00  }
0x4c: {  	v12 =	vld [tilespmem:s30+$0x2930];
	v3 =	vadd.f32 v4, v3;
	v4 =	vmul.f32 $2.000000030e-01, v8  }
0x4d: {  	v5 =	vadd.f32 v6, v5;
	v6 =	vld [tilespmem:s30+$0x2970];
	v1 =	vmax.f32 v1, $0.0e+00  }
0x4e: {  	v9 =	vmin.f32 v3, $0.0e+00;
	v8 =	vld [tilespmem:s30+$0x160];
	v1 =	vadd.f32 v4, v1  }
0x4f: {  	v10 =	vmin.f32 v5, $0.0e+00;
	v9 =	vmul.f32 $2.000000030e-01, v9;
	v4 =	vld [tilespmem:s30+$0x100]  }
0x50: {  	v10 =	vmul.f32 $2.000000030e-01, v10;
	v2 =	vadd.f32 v2, v7;
	v7 =	vld [tilespmem:s30+$0x2910];
	v1 =	vmul.f32 $1.442695020e+00, v1  }
0x51: {  	v3 =	vmax.f32 v3, $0.0e+00;
	v5 =	vmax.f32 v5, $0.0e+00  }
0x52: {  	v3 =	vadd.f32 v9, v3;
	v5 =	vadd.f32 v10, v5;
	(erf) = vpow2.f32 v1  }
0x53: {  	v10 =	vadd.f32 v12, v11;
	v9 =	vmin.f32 v2, $0.0e+00;
	v6 =	vadd.f32 v6, v8;
	v8 =	vld [tilespmem:s30+$0x2950]  }
0x54: {  	v2 =	vmax.f32 v2, $0.0e+00;
	v3 =	vmul.f32 $1.442695020e+00, v3;
	v5 =	vmul.f32 $1.442695020e+00, v5;
	v1 =	vld [tilespmem:s30+$0x140]  }
0x55: {  	v9 =	vmul.f32 $2.000000030e-01, v9;
	v4 =	vadd.f32 v7, v4;
	v7 =	vmin.f32 v6, $0.0e+00  }
0x56: {  	s31 =	simm.s32 $0x100;
	v12 =	vmin.f32 v10, $0.0e+00;
	(erf) = vpow2.f32 v3;
	v3 =	vmul.f32 $2.000000030e-01, v7  }
0x57: {  	v11 =	vld [tilespmem:s31+$0x2970];
	v2 =	vadd.f32 v9, v2;
	v6 =	vmax.f32 v6, $0.0e+00;
	v9 =	vmin.f32 v4, $0.0e+00  }
0x58: {  	v7 =	vld [tilespmem:s31+$0x160];
	(erf) = vpow2.f32 v5;
	v9 =	vmul.f32 $2.000000030e-01, v9;
	v3 =	vadd.f32 v3, v6  }
0x59: {  	v4 =	vmax.f32 v4, $0.0e+00;
	v6 =	vld [tilespmem:s31+$0x100];
	v1 =	vadd.f32 v8, v1;
	v8 =	vmax.f32 v10, $0.0e+00  }
0x5a: {  	v10 =	vld [tilespmem:s31+$0x2910];
	v4 =	vadd.f32 v9, v4;
	v9 =	vmul.f32 $2.000000030e-01, v12;
	v3 =	vmul.f32 $1.442695020e+00, v3  }
0x5b: {  	v63 =	vld [tilespmem:s31+$0x120];
	v2 =	vmul.f32 $1.442695020e+00, v2;
	v13 =	vmax.f32 v1, $0.0e+00;
	v1 =	vmin.f32 v1, $0.0e+00;
	v5 =	vpop (erf)  }
0x5c: {  	v14 =	vld [tilespmem:s31+$0x2930];
	v8 =	vadd.f32 v9, v8;
	v1 =	vmul.f32 $2.000000030e-01, v1;
	(erf) = vpow2.f32 v3;
	[tilespmem:s0+$0x5130] =	vst v5  }
0x5d: {  	v11 =	vadd.f32 v11, v7;
	v3 =	vmul.f32 $1.442695020e+00, v4;
	(erf) = vpow2.f32 v2;
	v4 =	vld [tilespmem:s31+$0x140]  }
0x5e: {  	v2 =	vmul.f32 $1.442695020e+00, v8;
	v1 =	vadd.f32 v1, v13;
	v5 =	vld [tilespmem:s31+$0x2950]  }
0x5f: {  	v7 =	vpop (erf);
	v6 =	vadd.f32 v10, v6;
	v8 =	vmin.f32 v11, $0.0e+00;
	(erf) = vpow2.f32 v3  }
0x60: {  	s3 =	simm.s32 $0x180;
	v10 =	vmax.f32 v11, $0.0e+00;
	[tilespmem:s0+$0x5100] =	vst v7;
	v7 =	vmul.f32 $2.000000030e-01, v8  }
0x61: {  	s9 =	simm.s32 $0x800;
	v8 =	vadd.f32 v14, v63;
	v1 =	vmul.f32 $1.442695020e+00, v1;
	v3 =	vld [tilespmem:s3+$0x160];
	v9 =	vmin.f32 v6, $0.0e+00  }
.LBB2_5:
0x62: {  	p0 =	sne.s32 s9, $0x9E00;
	v11 =	vld [tilespmem:s3+$0x2970];
	v6 =	vmax.f32 v6, $0.0e+00;
	v9 =	vmul.f32 $2.000000030e-01, v9;
	v7 =	vadd.f32 v7, v10  }
0x63: {  	v10 =	vld [tilespmem:s3+$0x100];
	v12 =	vmax.f32 v8, $0.0e+00;
	v14 =	vmin.f32 v8, $0.0e+00;
	v4 =	vadd.f32 v5, v4  }
0x64: {  	v13 =	vld [tilespmem:s3+$0x2910];
	v5 =	vadd.f32 v9, v6;
	v6 =	vmul.f32 $2.000000030e-01, v14;
	v7 =	vmul.f32 $1.442695020e+00, v7;
	v8 =	vpop (erf)  }
0x65: {  	v14 =	vld [tilespmem:s3+$0x120];
	v9 =	vmax.f32 v4, $0.0e+00;
	v4 =	vmin.f32 v4, $0.0e+00;
	(erf) = vpow2.f32 v2;
	v2 =	vpop (erf);
	[tilespmem:s0+$0x5110] =	vst v8  }
0x66: {  	v8 =	vld [tilespmem:s3+$0x2930];
	v6 =	vadd.f32 v6, v12;
	v12 =	vmul.f32 $2.000000030e-01, v4;
	(erf) = vpow2.f32 v7;
	[tilespmem:s30+$0x5130] =	vst v2;
	v2 =	vpop (erf)  }
.Ltmp1:
0x67: {  	v4 =	vld [tilespmem:s3+$0x140];
	v11 =	vadd.f32 v11, v3;
	v3 =	vmul.f32 $1.442695020e+00, v5;
	(erf) = vpow2.f32 v1;
	[tilespmem:s0+$0x5120] =	vst v2;
	s0 =	smov.u32 s30;
	s30 =	smov.u32 s31;
	(pc) =	sbr.rel @p0 .LBB2_5-.Ltmp1, $4  }
0x68: {  	s31 =	smov.u32 s3;
	v5 =	vld [tilespmem:s3+$0x2950];
	v2 =	vmul.f32 $1.442695020e+00, v6;
	v1 =	vadd.f32 v12, v9;
	v7 =	vpop (erf)  }
0x69: {  	v6 =	vadd.f32 v13, v10;
	v9 =	vmin.f32 v11, $0.0e+00;
	(erf) = vpow2.f32 v3;
	[tilespmem:s0+$0x5100] =	vst v7  }
0x6a: {  	s3 =	sshra.s32 s9, $0x2;
	v7 =	vmul.f32 $2.000000030e-01, v9;
	v1 =	vmul.f32 $1.442695020e+00, v1  }
0x6b: {  	s9 =	sadd.s32 $0x200, s9;
	v10 =	vmax.f32 v11, $0.0e+00;
	v3 =	vld [tilespmem:s3+$0x160];
	v9 =	vmin.f32 v6, $0.0e+00;
	v8 =	vadd.f32 v8, v14  }
0x6c: {  	v11 =	vld [tilespmem:s3+$0x2970]  }
0x6d: {  	v12 =	vld [tilespmem:s3+$0x100]  }
0x6e: {  	v13 =	vld [tilespmem:s3+$0x2910];
	v9 =	vmul.f32 $2.000000030e-01, v9;
	v7 =	vadd.f32 v7, v10;
	v6 =	vmax.f32 v6, $0.0e+00;
	v14 =	vpop (erf)  }
0x6f: {  	v15 =	vld [tilespmem:s3+$0x120];
	v47 =	vmin.f32 v8, $0.0e+00;
	v4 =	vadd.f32 v5, v4;
	v49 =	vmax.f32 v8, $0.0e+00;
	[tilespmem:s0+$0x5110] =	vst v14;
	v48 =	vpop (erf)  }
0x70: {  	v10 =	vmul.f32 $2.000000030e-01, v47;
	v50 =	vadd.f32 v9, v6;
	v51 =	vmul.f32 $1.442695020e+00, v7;
	v14 =	vld [tilespmem:s3+$0x2930];
	[tilespmem:s30+$0x5130] =	vst v48;
	v53 =	vpop (erf)  }
0x71: {  	v52 =	vmin.f32 v4, $0.0e+00;
	v4 =	vmax.f32 v4, $0.0e+00;
	(erf) = vpow2.f32 v2;
	v16 =	vld [tilespmem:s3+$0x140];
	[tilespmem:s0+$0x5120] =	vst v53  }
0x72: {  	v2 =	vadd.f32 v10, v49;
	v7 =	vmul.f32 $2.000000030e-01, v52;
	v5 =	vmul.f32 $1.442695020e+00, v50;
	v54 =	vld [tilespmem:s3+$0x2950]  }
0x73: {  	(erf) = vpow2.f32 v51;
	v3 =	vadd.f32 v11, v3;
	v55 =	vadd.f32 v13, v12  }
0x74: {  	(erf) = vpow2.f32 v1;
	v1 =	vmul.f32 $1.442695020e+00, v2;
	v2 =	vadd.f32 v7, v4  }
0x75: {  	v56 =	vmin.f32 v3, $0.0e+00;
	(erf) = vpow2.f32 v5;
	v58 =	vmin.f32 v55, $0.0e+00  }
0x76: {  	v3 =	vmax.f32 v3, $0.0e+00;
	v57 =	vmul.f32 $2.000000030e-01, v56;
	v59 =	vadd.f32 v14, v15  }
0x77: {  	v4 =	vmax.f32 v55, $0.0e+00;
	v7 =	vmul.f32 $2.000000030e-01, v58;
	v6 =	vadd.f32 v54, v16  }
0x78: {  	v2 =	vmul.f32 $1.442695020e+00, v2;
	v3 =	vadd.f32 v57, v3;
	v60 =	vmin.f32 v59, $0.0e+00  }
0x79: {  	v4 =	vadd.f32 v7, v4;
	v5 =	vmul.f32 $2.000000030e-01, v60;
	v61 =	vmin.f32 v6, $0.0e+00  }
0x7a: {  	v8 =	vmax.f32 v59, $0.0e+00;
	v3 =	vmul.f32 $1.442695020e+00, v3;
	v62 =	vmul.f32 $2.000000030e-01, v61  }
0x7b: {  	(erf) = vpow2.f32 v1;
	v6 =	vmax.f32 v6, $0.0e+00;
	v1 =	vadd.f32 v5, v8  }
0x7c: {  	(erf) = vpow2.f32 v3;
	v3 =	vmul.f32 $1.442695020e+00, v4;
	v63 =	vadd.f32 v62, v6  }
0x7d: {  	v1 =	vmul.f32 $1.442695020e+00, v1  }
0x7e: {  	(erf) = vpow2.f32 v2;
	v2 =	vmul.f32 $1.442695020e+00, v63  }
0x7f: {  	(erf) = vpow2.f32 v3  }
0x80: {  	v3 =	vpop (erf);
	(erf) = vpow2.f32 v1  }
0x81: {  	[tilespmem:s30+$0x5100] =	vst v3;
	v1 =	vpop (erf);
	(erf) = vpow2.f32 v2  }
0x82: {  	[tilespmem:s30+$0x5110] =	vst v1;
	v2 =	vpop (erf)  }
0x83: {  	v1 =	vpop (erf);
	[tilespmem:s31+$0x5130] =	vst v2  }
0x84: {  	v2 =	vpop (erf);
	[tilespmem:s30+$0x5120] =	vst v1  }
0x85: {  	v1 =	vpop (erf);
	[tilespmem:s31+$0x5100] =	vst v2  }
0x86: {  	v2 =	vpop (erf);
	[tilespmem:s31+$0x5110] =	vst v1  }
0x87: {  	[tilespmem:s3+$0x5130] =	vst v2;
	v1 =	vpop (erf)  }
0x88: {  	[tilespmem:s31+$0x5120] =	vst v1;
	v1 =	vpop (erf)  }
0x89: {  	[tilespmem:s3+$0x5100] =	vst v1;
	v1 =	vpop (erf)  }
0x8a: {  	s31 =	sshll.u32 s29, $0x4;
	[tilespmem:s3+$0x5110] =	vst v1;
	v1 =	vpop (erf)  }
0x8b: {  	s0 =	sadd.s32 s7, s31;
	[tilespmem:s3+$0x5120] =	vst v1  }
0x8c: {  	[hbm4b:s0+s4] =	stream.linear.scatter [tilespmem:s24], [sflag:$0x3], $0x2800, $0x38;
	[tilespmem:$0x15900] =	vst v63  }
0x8d: {  	s28 =	sadd.s32 $0x1, s28;
	_ =	swait.ge [sflag:s17], $0x2800  }
0x8e: {  	p0 =	sne.s32 s28, $0x7D;
	[sflag:s17] =	ssyncset.done $0x0  }
.Ltmp2:
0x8f: {  	[sflag:s17] =	ssyncadd.s32 $0xFFFFD800;
	(pc) =	sbr.rel @p0 .LBB2_4-.Ltmp2, $4  }
0x90: {  	[spmem:s2] =	stream.indirect.scatter.add.f32 [tilespmem:s24], [sflag:$0x3], $0x40, s18, s19, $0xb8;
	[tilespmem:$0x15900] =	vst v63  }
0x91: {  	_ =	swait.ge [sflag:s17], $0x1400  }
0x92: {  	[sflag:s17] =	ssyncset.done $0x0  }
0x93: {  	[sflag:s17] =	ssyncadd.s32 $0xFFFFEC00  }
0x94: {  	s0 =	stileid.u32;
	s25 =	sadd.s32 $0x1, s25  }
0x95: {  	[bflag:$0x0] =	sbarrier.arrive $0xFFFF;
	s0 =	sshll.u32 s0, $0x6;
	p0 =	sne.s32 s25, s15  }
.Ltmp3:
0x96: {  	s3 =	sshrl.u32 s8, $0x3;
	s0 =	sor.u32 $0x1C03, s0;
	(pc) =	sbr.rel @p0 .LBB2_1-.Ltmp3, $4  }
0x97: {  	[hbm:s14], [sflag:s0] =	dma.local [spmem:s3], $0x2800  }
0x98: {  	_ =	swait.ge [sflag:s17], $0x2800  }
0x99: {  	[sflag:s17] =	ssyncset.done $0x0  }
0x9a: {  	[sflag:s17] =	ssyncadd.s32 $0xFFFFD800  }
0x9b: {  	_ =	sfence.sel $0x180000  }
0x9c: {  	[bflag:$0x0] =	sbarrier.arrive $0xFFFF  }
0x9d: {  	_ =	strace $0x9000004D  }
0x9e: {  	s0 =	stileid.u32;
	[bflag:$0x2] =	sbarrier.arrive $0xFFFF  }
0x9f: {  	p0 =	sne.s32 s0, $0x0;
	s0 =	rddreg [dreg:$0x2]  }
0xa0: {  	s0 =	sadd.s32 @!p0 $0x100000, s0  }
0xa1: {  	[sflag:s0] =	ssyncadd.tile.s32 @!p0 $0x1;
	_ =	shalt  }
.Lfunc_end2:
_tile_overlayer_lowered:
.L_overlay_start_2:
0xa2: {  	(tag) =	ssettag $0x2  }
0xa3: {  	s0 =	rddreg [dreg:$0x0];
	s2 =	stileid.u32  }
0xa4: {  	s1 =	rddreg [dreg:$0x1];
	p0 =	sne.s32 s2, $0x0  }
0xa5: {  	s3 =	rddreg [dreg:$0x2];
	[bflag:$0x3] =	sbarrier.arrive $0xFFFF;
	s2 =	simm.s32 @!p0 $0x1C03  }
0xa6: {  	[timem:s3], [sflag:s2] =	dma.local @!p0 [hbm:s0], s1  }
0xa7: {  	s0 =	simm.s32 @!p0 $0x3  }
0xa8: {  	_ =	swait.ge @!p0 [sflag:s0], s1  }
0xa9: {  	s1 =	ssub.s32 @!p0 $0x0, s1;
	[sflag:s0] =	ssyncset.done @!p0 $0x0  }
0xaa: {  	[sflag:s0] =	ssyncadd.s32 @!p0 s1  }
0xab: {  	[bflag:$0x3] =	sbarrier.arrive $0xFFFF  }
0xac: {  	_ =	shalt  }

// kernel: kernel.20.cloned.1.call-start
scs
__scs_entry_jumppad:
0x0: {  	(pc) =	sbr.rel $0x88, $3  }
0x1: {  	(tag) =	ssettag $0x0;
	lr =	simm.s32 $0x1  }
0x2: {  	[smem:$0x3F8A] =	sst lr;
	_ =	strace $0xD0000000  }
0x3: {  	_ = 	snop  }
0x4: {  	_ = 	snop  }
0x5: {  	_ = 	snop  }
0x6: {  	_ = 	snop  }
0x7: {  	_ = 	snop  }
__scs_overlays_trampoline_lowered:
0x8: {  	[smem:$0x3F99] =	sst s0  }
0x9: {  	[smem:$0x3F9A] =	sst s1  }
0xa: {  	[smem:$0x3F9B] =	sst s2  }
0xb: {  	[smem:$0x3F9C] =	sst s3  }
0xc: {  	[smem:$0x3F9D] =	sst s4  }
0xd: {  	[smem:$0x3F9E] =	sst s5  }
0xe: {  	[smem:$0x3F9F] =	sst s6  }
0xf: {  	[smem:$0x3FA0] =	sst s7  }
0x10: {  	[smem:$0x3FA1] =	sst s8  }
0x11: {  	[smem:$0x3FA2] =	sst s9;
	s0 =	simm.s32 @!p0 $0x0  }
0x12: {  	s1 =	sld [smem:$0x3F88];
	s0 =	simm.s32 @p0 $0x1  }
0x13: {  	[smem:$0x3FA3] =	sst s0;
	s0 =	simm.s32 @!p1 $0x0  }
0x14: {  	s2 =	sld [smem:$0x3F87];
	s0 =	simm.s32 @p1 $0x1  }
0x15: {  	[smem:$0x3FA4] =	sst s0;
	s0 =	simm.s32 @!p2 $0x0  }
0x16: {  	s3 =	sld [smem:$0x3FDB];
	s0 =	simm.s32 @p2 $0x1  }
0x17: {  	s4 =	simm.s32 $0x1BF5;
	[smem:$0x3FA6] =	sst s0  }
0x18: {  	s0 =	sld [smem:$0x3F89];
	_ =	swait.ge [sflag:s4], $0x0  }
0x19: {  	s7 =	sld [smem:$0x3F8A]  }
0x1a: {  	s8 =	sadd.s32 $0xFFFFE003, lr  }
0x1b: {  	s9 =	sadd.s32 $0xFFFFFEF7, lr;
	s5 =	simm.s32 $0xFFFFFFFF;
	p2 =	slt.u32 s8, $0xFFFFF086  }
0x1c: {  	p1 =	slt.u32 s9, $0xF7A;
	s5 =	simm.s32 @!p2 $0x0  }
0x1d: {  	s5 =	simm.s32 @p1 $0x1;
	p0 =	seq.s32 s7, s2  }
0x1e: {  	s7 =	smul.u32 @!p0 $0xF7A, s2;
	p2 =	seq.s32 @!p0 s5, $0x0  }
0x1f: {  	s9 =	smul.u32 $0xF7A, s1;
	s8 =	simm.s32 @!p0 $0x1BF5;
	p2 =	por !p2, p0  }
0x20: {  	[sflag:s8] =	ssyncset.s32 @!p0 $0xFFFFF086;
	s6 =	sadd.s32 @!p0 s3, s7;
	s7 =	simm.s32 @!p0 $0x108  }
0x21: {  	s3 =	sadd.s32 s3, s9;
	s6 =	sadd.s32 @!p0 $0x88, s6;
	s7 =	simm.s32 @p2 $0x1082  }
0x22: {  	[simem:s7], [sflag:s8] =	dma.local @!p0 [hbm:s6], $0xF7A  }
0x23: {  	s9 =	sor.u32 $0xD0000000, s2;
	s6 =	simm.s32 $0x108;
	_ =	swait.ge @!p0 [sflag:s8], $0x0  }
0x24: {  	s3 =	sadd.s32 $0x88, s3;
	s6 =	simm.s32 @!p1 $0x1082;
	[sflag:s4] =	ssyncset.s32 $0xFFFFF086  }
0x25: {  	[simem:s6], [sflag:s4] =	dma.local [hbm:s3], $0xF7A  }
0x26: {  	[smem:$0x3F8A] =	sst s1;
	(tag) =	ssettag s2;
	_ =	strace s9  }
0x27: {  	s1 =	sld [smem:$0x3F9A]  }
0x28: {  	s2 =	sld [smem:$0x3F9B]  }
0x29: {  	s4 =	sld [smem:$0x3F9D]  }
0x2a: {  	p0 =	seq.s32 s5, $0x0;
	s5 =	sld [smem:$0x3F9E]  }
0x2b: {  	s6 =	sld [smem:$0x3F9F]  }
0x2c: {  	s7 =	sld [smem:$0x3FA0]  }
0x2d: {  	s3 =	simm.s32 $0x108;
	s8 =	sld [smem:$0x3FA1]  }
0x2e: {  	s3 =	simm.s32 @!p0 $0x1082;
	s9 =	sld [smem:$0x3FA2]  }
0x2f: {  	lr =	sadd.s32 s0, s3;
	s0 =	sld [smem:$0x3F99]  }
0x30: {  	s3 =	sld [smem:$0x3F9C]  }
0x31: {  	[smem:$0x3FA5] =	sst s10  }
0x32: {  	s10 =	sld [smem:$0x3FA3];
	_ =	sdelay $0x3  }
0x33: {  	p0 =	seq.s32 s10, $0x1;
	s10 =	sld [smem:$0x3FA5];
	_ =	sdelay $0x3  }
0x34: {  	[smem:$0x3FA5] =	sst s10  }
0x35: {  	s10 =	sld [smem:$0x3FA4];
	_ =	sdelay $0x3  }
0x36: {  	p1 =	seq.s32 s10, $0x1;
	s10 =	sld [smem:$0x3FA5];
	_ =	sdelay $0x3  }
0x37: {  	[smem:$0x3FA5] =	sst s10  }
0x38: {  	s10 =	sld [smem:$0x3FA6]  }
0x39: {  	_ = 	snop;
	(pc) =	sbr.ind lr, $3  }
0x3a: {  	_ = 	snop  }
0x3b: {  	_ = 	snop  }
0x3c: {  	p2 =	seq.s32 s10, $0x1;
	s10 =	sld [smem:$0x3FA5]  }
0x3d: {  	_ =	shalt  }
0x3e: {  	_ =	shalt  }
0x3f: {  	_ =	shalt  }
0x40: {  	_ =	shalt  }
0x41: {  	_ =	shalt  }
0x42: {  	_ =	shalt  }
0x43: {  	_ =	shalt  }
0x44: {  	_ =	shalt  }
0x45: {  	_ =	shalt  }
0x46: {  	_ =	shalt  }
0x47: {  	_ =	shalt  }
0x48: {  	_ =	shalt  }
0x49: {  	_ =	shalt  }
0x4a: {  	_ =	shalt  }
0x4b: {  	_ =	shalt  }
0x4c: {  	_ =	shalt  }
0x4d: {  	_ =	shalt  }
0x4e: {  	_ =	shalt  }
0x4f: {  	_ =	shalt  }
0x50: {  	_ =	shalt  }
0x51: {  	_ =	shalt  }
0x52: {  	_ =	shalt  }
0x53: {  	_ =	shalt  }
0x54: {  	_ =	shalt  }
0x55: {  	_ =	shalt  }
0x56: {  	_ =	shalt  }
0x57: {  	_ =	shalt  }
0x58: {  	_ =	shalt  }
0x59: {  	_ =	shalt  }
0x5a: {  	_ =	shalt  }
0x5b: {  	_ =	shalt  }
0x5c: {  	_ =	shalt  }
0x5d: {  	_ =	shalt  }
0x5e: {  	_ =	shalt  }
0x5f: {  	_ =	shalt  }
0x60: {  	_ =	shalt  }
0x61: {  	_ =	shalt  }
0x62: {  	_ =	shalt  }
0x63: {  	_ =	shalt  }
0x64: {  	_ =	shalt  }
0x65: {  	_ =	shalt  }
0x66: {  	_ =	shalt  }
0x67: {  	_ =	shalt  }
0x68: {  	_ =	shalt  }
0x69: {  	_ =	shalt  }
0x6a: {  	_ =	shalt  }
0x6b: {  	_ =	shalt  }
0x6c: {  	_ =	shalt  }
0x6d: {  	_ =	shalt  }
0x6e: {  	_ =	shalt  }
0x6f: {  	_ =	shalt  }
0x70: {  	_ =	shalt  }
0x71: {  	_ =	shalt  }
0x72: {  	_ =	shalt  }
0x73: {  	_ =	shalt  }
0x74: {  	_ =	shalt  }
0x75: {  	_ =	shalt  }
0x76: {  	_ =	shalt  }
0x77: {  	_ =	shalt  }
0x78: {  	_ =	shalt  }
0x79: {  	_ =	shalt  }
0x7a: {  	_ =	shalt  }
0x7b: {  	_ =	shalt  }
0x7c: {  	_ =	shalt  }
0x7d: {  	_ =	shalt  }
0x7e: {  	_ =	shalt  }
0x7f: {  	_ =	shalt  }
0x80: {  	_ =	shalt  }
0x81: {  	_ =	shalt  }
0x82: {  	_ =	shalt  }
0x83: {  	_ =	shalt  }
0x84: {  	_ =	shalt  }
0x85: {  	_ =	shalt  }
0x86: {  	_ =	shalt  }
0x87: {  	_ =	shalt  }
.Lfunc_end0:
.L_simem_size_0:
called_computation.4_lowered:
.L_overlay_start_0:
0x88: {  	s2 =	sld [smem:$0x3FD9]  }
0x89: {  	s3 =	sld [smem:$0x3FFE];
	_ =	sdelay $0x1  }
0x8a: {  	s1 =	srdreg.scid  }
0x8b: {  	s0 =	sand.u32 $0x1, s1  }
0x8c: {  	s16 =	sshll.u32 s0, $0xA;
	s2 =	sadd.s32 s3, s2  }
0x8d: {  	s2 =	sadd.s32 s2, s16  }
0x8e: {  	[smem:$0x3FB1] =	sst s2  }
0x8f: {  	_ = 	snop  }
0x90: {  	(tm) =	ssettm $0x1  }
0x91: {  	s17 =	sld [smem:$0x3FFB];
	_ =	sdelay $0x3  }
0x92: {  	_ =	strace s17  }
0x93: {  	s2 =	sld [smem:$0x3FFC];
	_ =	sdelay $0x3  }
0x94: {  	_ =	strace s2  }
0x95: {  	s2 =	sld [smem:$0x3FFD];
	_ =	sdelay $0x3  }
0x96: {  	_ =	strace s2  }
0x97: {  	_ =	strace $0x8FFFFFFF  }
0x98: {  	s18 =	sld [smem:$0x3FDB];
	_ =	sdelay $0x1  }
0x99: {  	s19 =	simm.s32 $_scs_section_size  }
0x9a: {  	s4 =	simm.s32 $_size__tile_overlayer_lowered;
	s5 =	simm.s32 $_tile_overlayer_lowered  }
0x9b: {  	s22 =	simm.s32 $0x1BFF;
	s21 =	sshll.u32 s5, $0x1;
	s2 =	sadd.s32 s19, s18  }
0x9c: {  	s6 =	simm.s32 $0x0;
	s20 =	sshll.u32 s4, $0x1;
	s4 =	sadd.s32 s21, s2  }
0x9d: {  	[timem:s6], [sflag:s22] =	dma.local [hbm:s4], s20  }
0x9e: {  	_ =	swait.ge [sflag:s22], s20  }
0x9f: {  	s3 =	ssub.s32 $0x0, s20;
	[sflag:s22] =	ssyncset.done $0x0  }
0xa0: {  	[sflag:s22] =	ssyncadd.s32 s3;
	_ =	sdelay $0x1  }
0xa1: {  	s23 =	simm.s32 $0x1B8B  }
0xa2: {  	_ =	swait.ge [sflag:s23], $0x1  }
0xa3: {  	[sflag:s23] =	ssyncset.done $0x0  }
0xa4: {  	s25 =	simm.s32 $0x1B8E;
	s24 =	sld [smem:$0x3FFE];
	[sflag:s23] =	ssyncadd.s32 $0xFFFFFFFF  }
0xa5: {  	s26 =	simm.s32 $execute0_lowered;
	[smem:$0x3FD2] =	sst s25  }
0xa6: {  	s4 =	sshll.u32 s26, $0x1;
	_ =	strace $0x8000004F;
	[dreg:$0x1] =	wrdreg $0xFFFFFFFF  }
0xa7: {  	s28 =	simm.s32 $_size_execute0_lowered;
	s2 =	sadd.s32 s2, s4;
	[dreg:$0x0] =	wrdreg $0x0  }
0xa8: {  	s4 =	sshll.u32 s28, $0x1;
	[dreg:$0x2] =	wrdreg s2  }
0xa9: {  	[dreg:$0x3] =	wrdreg s4  }
0xaa: {  	[dreg:$0x4] =	wrdreg $0xC0  }
0xab: {  	_ =	task [dreg:s6], $0x5FFFF  }
0xac: {  	[dreg:$0x1] =	wrdreg $0xFFFFFFFF  }
0xad: {  	[dreg:$0x0] =	wrdreg $0x60  }
0xae: {  	[dreg:$0x2] =	wrdreg s24  }
0xaf: {  	[dreg:$0x3] =	wrdreg $0xB9000  }
0xb0: {  	[dreg:$0x4] =	wrdreg $0x9  }
0xb1: {  	_ =	task.clear_ibuf [dreg:s6], $0x5FFFF;
	_ =	strace $0x9000004F  }
0xb2: {  	s29 =	simm.s32 $0x9;
	_ =	strace $0x80000051  }
0xb3: {  	_ =	swait.ge [sflag:s29], $0x1  }
0xb4: {  	[sflag:s29] =	ssyncadd.s32 $0xFFFFFFFF  }
0xb5: {  	_ =	strace $0x90000051  }
0xb6: {  	_ =	sfence  }
0xb7: {  	s30 =	sld [smem:$0x0];
	_ =	sdelay $0x2  }
0xb8: {  	s31 =	sshll.u32 s1, $0xD;
	s1 =	sshrl.u32 s1, $0x2  }
0xb9: {  	s3 =	sand.u32 $0x4000, s31;
	s1 =	sadd.s32 s1, s30  }
0xba: {  	s0 =	sor.u32 s3, s0;
	s1 =	sshll.u32 s1, $0x11  }
0xbb: {  	s0 =	sor.u32 s1, s0  }
0xbc: {  	s0 =	sadd.s32 $0x8F2B, s0  }
0xbd: {  	[sflag:s0] =	ssyncadd.remote.s32 $0x1  }
0xbe: {  	_ =	sfence.sel $0xFFFF  }
0xbf: {  	[dreg:$0x0] =	wrdreg $0xFFFFFFFF;
	(pc) =	sbr.abs _section_cstart, $3  }
0xc0: {  	[dreg:$0x1] =	wrdreg $0xFFFFFFFF  }
0xc1: {  	_ =	task.clear_ibuf [dreg:s6], $0x2FFFF;
	_ =	strace $0x9FFFFFFF  }
0xc2: {  	(tm) =	ssettm $0x7FFFFFFF  }
0xc3: {  	_ =	shalt  }
tec
execute0_lowered:
.L_overlay_start_1:
0x0: {  	(tag) =	ssettag $0x1  }
0x1: {  	s2 =	rddreg [dreg:$0x0];
	s0 =	srdreg.scid  }
0x2: {  	s3 =	rddreg [dreg:$0x1];
	s1 =	stileid.u32  }
0x3: {  	s4 =	simm.s32 $0x0;
	s16 =	simm.s32 $0x7900;
	s17 =	simm.s32 $0x2  }
0x4: {  	s18 =	simm.s32 $0x80;
	s19 =	simm.s32 $0x5100;
	s20 =	simm.s32 $0x50  }
0x5: {  	s21 =	simm.s32 $0x100;
	s22 =	simm.s32 $0x1;
	s23 =	simm.s32 $0x2900  }
0x6: {  	s8 =	sand.u32 $0x1, s0;
	s0 =	rddreg [dreg:$0x2];
	s7 =	smul.u32 $0x14000, s1  }
0x7: {  	[smem:$0x7FF] =	sst s4;
	s5 =	sadd.s32 $0x60A200, s2;
	s10 =	smul.u32 $0x50000, s1  }
0x8: {  	s6 =	smul.u32 $0x140000, s8;
	_ =	strace $0x80000050;
	s31 =	ssub.s32 $0x2, s8  }
0x9: {  	s8 =	sshll.u32 s8, $0x4;
	s11 =	sshrl.u32 s31, $0x1;
	s10 =	sshrl.u32 s10, $0x2  }
0xa: {  	s13 =	sor.u32 s1, s8;
	s7 =	sadd.s32 s7, s6;
	s6 =	sadd.s32 $0x128200, s2  }
0xb: {  	s15 =	ssub.s32 s31, s11;
	s8 =	sadd.s32 s10, s3;
	s13 =	smul.u32 $0x2710, s13  }
0xc: {  	s9 =	sshrl.u32 s7, $0x3;
	s7 =	sadd.s32 $0x9E00, s2;
	s10 =	sadd.s32 $0x8000, s8  }
0xd: {  	s11 =	sadd.s32 $0xC000, s8;
	s12 =	sadd.s32 $0x10000, s8;
	s14 =	sadd.s32 s9, s2  }
0xe: {  	v0 =	vimm.f32 $0.0e+00;
	s15 =	smax.u32 s15, $0x1;
	s9 =	sadd.s32 $0x4000, s8;
	s14 =	sadd.s32 $0x631400, s14  }
.LBB2_1:
0xf: {  	s24 =	simm.s32 $0x0;
	s25 =	simm.s32 $0x200  }
.LBB2_2:
0x10: {  	p0 =	sne.s32 s25, $0xFE00;
	[tilespmem:s24+$0x7970] =	vst v0  }
0x11: {  	[tilespmem:s24+$0x7900] =	vst v0  }
0x12: {  	[tilespmem:s24+$0x7910] =	vst v0  }
.Ltmp0:
0x13: {  	[tilespmem:s24+$0x7920] =	vst v0;
	(pc) =	sbr.rel @p0 .LBB2_2-.Ltmp0, $4  }
0x14: {  	[tilespmem:s24+$0x7930] =	vst v0  }
0x15: {  	[tilespmem:s24+$0x7940] =	vst v0  }
0x16: {  	[tilespmem:s24+$0x7950] =	vst v0  }
0x17: {  	[tilespmem:s24+$0x7960] =	vst v0;
	s24 =	sshra.s32 s25, $0x2;
	s25 =	sadd.s32 $0x200, s25  }
0x18: {  	[tilespmem:s24+$0x7970] =	vst v0  }
0x19: {  	[tilespmem:s24+$0x7900] =	vst v0  }
0x1a: {  	[tilespmem:s24+$0x7910] =	vst v0  }
0x1b: {  	[tilespmem:s24+$0x7920] =	vst v0  }
0x1c: {  	[tilespmem:s24+$0x7930] =	vst v0  }
0x1d: {  	[tilespmem:s24+$0x7940] =	vst v0  }
0x1e: {  	[tilespmem:s24+$0x7950] =	vst v0  }
0x1f: {  	[tilespmem:s24+$0x7960] =	vst v0  }
0x20: {  	[spmem:s8] =	stream.linear.scatter [tilespmem:s16], [sflag:$0x2], $0x4000, $0x38;
	[tilespmem:$0x1F900] =	vst v63  }
0x21: {  	_ =	swait.ge [sflag:s17], $0x4000  }
0x22: {  	[sflag:s17] =	ssyncset.done $0x0  }
0x23: {  	[sflag:s17] =	ssyncadd.s32 $0xFFFFC000  }
0x24: {  	[spmem:s9] =	stream.linear.scatter [tilespmem:s16], [sflag:$0x2], $0x4000, $0x38;
	[tilespmem:$0x1F900] =	vst v63  }
0x25: {  	_ =	swait.ge [sflag:s17], $0x4000  }
0x26: {  	[sflag:s17] =	ssyncset.done $0x0  }
0x27: {  	[sflag:s17] =	ssyncadd.s32 $0xFFFFC000  }
0x28: {  	[spmem:s10] =	stream.linear.scatter [tilespmem:s16], [sflag:$0x2], $0x4000, $0x38;
	[tilespmem:$0x1F900] =	vst v63  }
0x29: {  	_ =	swait.ge [sflag:s17], $0x4000  }
0x2a: {  	[sflag:s17] =	ssyncset.done $0x0  }
0x2b: {  	[sflag:s17] =	ssyncadd.s32 $0xFFFFC000  }
0x2c: {  	[spmem:s11] =	stream.linear.scatter [tilespmem:s16], [sflag:$0x2], $0x4000, $0x38;
	[tilespmem:$0x1F900] =	vst v63  }
0x2d: {  	_ =	swait.ge [sflag:s17], $0x4000  }
0x2e: {  	[sflag:s17] =	ssyncset.done $0x0  }
0x2f: {  	[sflag:s17] =	ssyncadd.s32 $0xFFFFC000  }
0x30: {  	[spmem:s12] =	stream.linear.scatter [tilespmem:s16], [sflag:$0x2], $0x4000, $0x38;
	[tilespmem:$0x1F900] =	vst v63  }
0x31: {  	_ =	swait.ge [sflag:s17], $0x4000  }
0x32: {  	[sflag:s17] =	ssyncset.done $0x0  }
0x33: {  	[sflag:s17] =	ssyncadd.s32 $0xFFFFC000  }
0x34: {  	s24 =	simm.s32 $0x0;
	s25 =	simm.s32 $0x0;
	[bflag:$0x0] =	sbarrier.arrive $0xFFFF  }
.LBB2_4:
0x35: {  	s26 =	smul.u32 $0x50, s25;
	_ =	sdelay $0x1  }
0x36: {  	s26 =	sadd.s32 s13, s26  }
0x37: {  	s28 =	sshrl.u32 s26, $0x3  }
0x38: {  	s29 =	sadd.s32 s2, s28  }
0x39: {  	[tilespmem:s24], [sflag:$0x2] =	stream.linear.gather [hbm4b:s29+s24], $0x50, $0x38;
	[tilespmem:$0x1F900] =	vst v63  }
0x3a: {  	_ =	swait.ge [sflag:s17], $0x50  }
0x3b: {  	[sflag:s17] =	ssyncset.done $0x0  }
0x3c: {  	s28 =	sadd.s32 s7, s28;
	[sflag:s17] =	ssyncadd.s32 $0xFFFFFFB0  }
0x3d: {  	[tilespmem:s18], [sflag:$0x2] =	stream.linear.gather [hbm4b:s28+s24], $0x50, $0x38;
	[tilespmem:$0x1F900] =	vst v63  }
0x3e: {  	_ =	swait.ge [sflag:s17], $0x50  }
0x3f: {  	s26 =	sshll.u32 s26, $0x4;
	[sflag:s17] =	ssyncset.done $0x0  }
0x40: {  	s26 =	sadd.s32 s6, s26;
	[sflag:s17] =	ssyncadd.s32 $0xFFFFFFB0  }
0x41: {  	[tilespmem:s19], [sflag:$0x2] =	stream.linear.gather [hbm4b:s26+s24], $0x2800, $0x38;
	[tilespmem:$0x1F900] =	vst v63  }
0x42: {  	_ =	swait.ge [sflag:s17], $0x2800  }
0x43: {  	[sflag:s17] =	ssyncset.done $0x0  }
0x44: {  	[sflag:s17] =	ssyncadd.s32 $0xFFFFD800  }
0x45: {  	[tilespmem:s21], [sflag:$0x1] =	stream.indirect.gather [hbm4b:s5+s20], $0x80, s24, s20, $0xb8;
	[tilespmem:$0x1F900] =	vst v63  }
0x46: {  	_ =	swait.ge [sflag:s22], $0x2800  }
0x47: {  	[sflag:s22] =	ssyncset.done $0x0  }
0x48: {  	s28 =	simm.s32 $0x0;
	[sflag:s22] =	ssyncadd.s32 $0xFFFFD800  }
0x49: {  	v1 =	vld [tilespmem:s28+$0x5100]  }
0x4a: {  	v2 =	vld [tilespmem:s28+$0x170]  }
0x4b: {  	v7 =	vld [tilespmem:s28+$0x100]  }
0x4c: {  	v8 =	vld [tilespmem:s28+$0x110]  }
0x4d: {  	v9 =	vld [tilespmem:s28+$0x120]  }
0x4e: {  	v6 =	vld [tilespmem:s28+$0x130]  }
0x4f: {  	v4 =	vld [tilespmem:s28+$0x140];
	v2 =	vmul.f32 v2, v1  }
0x50: {  	v5 =	vld [tilespmem:s28+$0x150];
	v10 =	vmul.f32 v7, v1  }
0x51: {  	s26 =	simm.s32 $0x80;
	v3 =	vld [tilespmem:s28+$0x160];
	v7 =	vmul.f32 v8, v1;
	[tilespmem:s28+$0x2970] =	vst v2  }
0x52: {  	s29 =	simm.s32 $0x400;
	v8 =	vmul.f32 v9, v1;
	v2 =	vld [tilespmem:s26+$0x5100];
	[tilespmem:s28+$0x2900] =	vst v10  }
.LBB2_5:
0x53: {  	p0 =	sne.s32 s29, $0x9E00;
	v9 =	vld [tilespmem:s26+$0x170];
	[tilespmem:s28+$0x2910] =	vst v7;
	v6 =	vmul.f32 v6, v1  }
0x54: {  	v7 =	vld [tilespmem:s26+$0x100];
	[tilespmem:s28+$0x2920] =	vst v8;
	v4 =	vmul.f32 v4, v1  }
0x55: {  	v8 =	vld [tilespmem:s26+$0x110];
	[tilespmem:s28+$0x2930] =	vst v6;
	v5 =	vmul.f32 v5, v1  }
0x56: {  	v10 =	vld [tilespmem:s26+$0x120];
	[tilespmem:s28+$0x2940] =	vst v4;
	v3 =	vmul.f32 v3, v1  }
.Ltmp1:
0x57: {  	v6 =	vld [tilespmem:s26+$0x130];
	[tilespmem:s28+$0x2950] =	vst v5;
	v1 =	vmov v2;
	(pc) =	sbr.rel @p0 .LBB2_5-.Ltmp1, $4  }
0x58: {  	v4 =	vld [tilespmem:s26+$0x140];
	v2 =	vmul.f32 v9, v1;
	[tilespmem:s28+$0x2960] =	vst v3;
	s28 =	smov.u32 s26  }
0x59: {  	v9 =	vmul.f32 v7, v1;
	v5 =	vld [tilespmem:s28+$0x150]  }
0x5a: {  	s26 =	sshra.s32 s29, $0x2;
	v7 =	vmul.f32 v8, v1;
	v3 =	vld [tilespmem:s28+$0x160];
	[tilespmem:s28+$0x2970] =	vst v2  }
0x5b: {  	s29 =	sadd.s32 $0x200, s29;
	v2 =	vld [tilespmem:s26+$0x5100];
	[tilespmem:s28+$0x2900] =	vst v9;
	v8 =	vmul.f32 v10, v1  }
0x5c: {  	v9 =	vld [tilespmem:s26+$0x170];
	[tilespmem:s28+$0x2910] =	vst v7;
	v6 =	vmul.f32 v6, v1  }
0x5d: {  	v7 =	vld [tilespmem:s26+$0x100];
	[tilespmem:s28+$0x2920] =	vst v8;
	v4 =	vmul.f32 v4, v1  }
0x5e: {  	v8 =	vld [tilespmem:s26+$0x110];
	[tilespmem:s28+$0x2930] =	vst v6;
	v5 =	vmul.f32 v5, v1  }
0x5f: {  	v6 =	vld [tilespmem:s26+$0x120];
	[tilespmem:s28+$0x2940] =	vst v4;
	v1 =	vmul.f32 v3, v1  }
0x60: {  	v4 =	vld [tilespmem:s26+$0x130];
	[tilespmem:s28+$0x2950] =	vst v5  }
0x61: {  	v3 =	vld [tilespmem:s26+$0x140];
	[tilespmem:s28+$0x2960] =	vst v1;
	v1 =	vmul.f32 v9, v2  }
0x62: {  	v5 =	vld [tilespmem:s26+$0x150];
	v7 =	vmul.f32 v7, v2  }
0x63: {  	v63 =	vld [tilespmem:s26+$0x160];
	v8 =	vmul.f32 v8, v2;
	[tilespmem:s26+$0x2970] =	vst v1  }
0x64: {  	[tilespmem:s26+$0x2900] =	vst v7;
	v1 =	vmul.f32 v6, v2  }
0x65: {  	[tilespmem:s26+$0x2910] =	vst v8;
	v4 =	vmul.f32 v4, v2  }
0x66: {  	[tilespmem:s26+$0x2920] =	vst v1;
	v1 =	vmul.f32 v3, v2  }
0x67: {  	[tilespmem:s26+$0x2930] =	vst v4;
	v3 =	vmul.f32 v5, v2  }
0x68: {  	s25 =	sadd.s32 $0x1, s25;
	[tilespmem:s26+$0x2940] =	vst v1;
	v1 =	vmul.f32 v63, v2  }
0x69: {  	p0 =	sne.s32 s25, $0x7D;
	[tilespmem:s26+$0x2950] =	vst v3  }
.Ltmp2:
0x6a: {  	[tilespmem:s26+$0x2960] =	vst v1;
	(pc) =	sbr.rel @p0 .LBB2_4-.Ltmp2, $4  }
0x6b: {  	[spmem:s3] =	stream.indirect.scatter.add.f32 [tilespmem:s23], [sflag:$0x2], $0x80, s18, s20, $0xb8;
	[tilespmem:$0x1F900] =	vst v63  }
0x6c: {  	_ =	swait.ge [sflag:s17], $0x2800  }
0x6d: {  	[sflag:s17] =	ssyncset.done $0x0  }
0x6e: {  	[sflag:s17] =	ssyncadd.s32 $0xFFFFD800  }
0x6f: {  	s4 =	sadd.s32 $0x1, s4  }
0x70: {  	s24 =	sshll.u32 s1, $0x6;
	[bflag:$0x0] =	sbarrier.arrive $0xFFFF;
	p0 =	sne.s32 s4, s15  }
.Ltmp3:
0x71: {  	s25 =	sshrl.u32 s8, $0x3;
	s24 =	sor.u32 $0x1C02, s24;
	(pc) =	sbr.rel @p0 .LBB2_1-.Ltmp3, $4  }
0x72: {  	[hbm:s14], [sflag:s24] =	dma.local [spmem:s25], $0x2800  }
0x73: {  	_ =	swait.ge [sflag:s17], $0x2800  }
0x74: {  	[sflag:s17] =	ssyncset.done $0x0  }
0x75: {  	[sflag:s17] =	ssyncadd.s32 $0xFFFFD800  }
0x76: {  	_ =	sfence.sel $0x180000  }
0x77: {  	[bflag:$0x0] =	sbarrier.arrive $0xFFFF  }
0x78: {  	p0 =	sne.s32 s1, $0x0;
	_ =	strace $0x90000050  }
0x79: {  	s0 =	sadd.s32 @!p0 $0x100000, s0;
	[bflag:$0x2] =	sbarrier.arrive $0xFFFF  }
0x7a: {  	[sflag:s0] =	ssyncadd.tile.s32 @!p0 $0x1;
	_ =	shalt  }
.Lfunc_end2:
_tile_overlayer_lowered:
.L_overlay_start_2:
0x7b: {  	(tag) =	ssettag $0x2  }
0x7c: {  	s0 =	rddreg [dreg:$0x0];
	s2 =	stileid.u32  }
0x7d: {  	s1 =	rddreg [dreg:$0x1];
	p0 =	sne.s32 s2, $0x0  }
0x7e: {  	s3 =	rddreg [dreg:$0x2];
	[bflag:$0x3] =	sbarrier.arrive $0xFFFF;
	s2 =	simm.s32 @!p0 $0x1C02  }
0x7f: {  	[timem:s3], [sflag:s2] =	dma.local @!p0 [hbm:s0], s1  }
0x80: {  	s0 =	simm.s32 @!p0 $0x2  }
0x81: {  	_ =	swait.ge @!p0 [sflag:s0], s1  }
0x82: {  	s1 =	ssub.s32 @!p0 $0x0, s1;
	[sflag:s0] =	ssyncset.done @!p0 $0x0  }
0x83: {  	[sflag:s0] =	ssyncadd.s32 @!p0 s1  }
0x84: {  	[bflag:$0x3] =	sbarrier.arrive $0xFFFF  }
0x85: {  	_ =	shalt  }

// kernel: kernel.23.cloned.1.call-start
scs
__scs_entry_jumppad:
0x0: {  	(pc) =	sbr.rel $0x88, $3  }
0x1: {  	(tag) =	ssettag $0x0;
	lr =	simm.s32 $0x1  }
0x2: {  	[smem:$0x3F8A] =	sst lr;
	_ =	strace $0xD0000000  }
0x3: {  	_ = 	snop  }
0x4: {  	_ = 	snop  }
0x5: {  	_ = 	snop  }
0x6: {  	_ = 	snop  }
0x7: {  	_ = 	snop  }
__scs_overlays_trampoline_lowered:
0x8: {  	[smem:$0x3F99] =	sst s0  }
0x9: {  	[smem:$0x3F9A] =	sst s1  }
0xa: {  	[smem:$0x3F9B] =	sst s2  }
0xb: {  	[smem:$0x3F9C] =	sst s3  }
0xc: {  	[smem:$0x3F9D] =	sst s4  }
0xd: {  	[smem:$0x3F9E] =	sst s5  }
0xe: {  	[smem:$0x3F9F] =	sst s6  }
0xf: {  	[smem:$0x3FA0] =	sst s7  }
0x10: {  	[smem:$0x3FA1] =	sst s8  }
0x11: {  	[smem:$0x3FA2] =	sst s9;
	s0 =	simm.s32 @!p0 $0x0  }
0x12: {  	s1 =	sld [smem:$0x3F88];
	s0 =	simm.s32 @p0 $0x1  }
0x13: {  	[smem:$0x3FA3] =	sst s0;
	s0 =	simm.s32 @!p1 $0x0  }
0x14: {  	s2 =	sld [smem:$0x3F87];
	s0 =	simm.s32 @p1 $0x1  }
0x15: {  	[smem:$0x3FA4] =	sst s0;
	s0 =	simm.s32 @!p2 $0x0  }
0x16: {  	s3 =	sld [smem:$0x3FDB];
	s0 =	simm.s32 @p2 $0x1  }
0x17: {  	s4 =	simm.s32 $0x1BF5;
	[smem:$0x3FA6] =	sst s0  }
0x18: {  	s0 =	sld [smem:$0x3F89];
	_ =	swait.ge [sflag:s4], $0x0  }
0x19: {  	s7 =	sld [smem:$0x3F8A]  }
0x1a: {  	s8 =	sadd.s32 $0xFFFFE003, lr  }
0x1b: {  	s9 =	sadd.s32 $0xFFFFFEF7, lr;
	s5 =	simm.s32 $0xFFFFFFFF;
	p2 =	slt.u32 s8, $0xFFFFF086  }
0x1c: {  	p1 =	slt.u32 s9, $0xF7A;
	s5 =	simm.s32 @!p2 $0x0  }
0x1d: {  	s5 =	simm.s32 @p1 $0x1;
	p0 =	seq.s32 s7, s2  }
0x1e: {  	s7 =	smul.u32 @!p0 $0xF7A, s2;
	p2 =	seq.s32 @!p0 s5, $0x0  }
0x1f: {  	s9 =	smul.u32 $0xF7A, s1;
	s8 =	simm.s32 @!p0 $0x1BF5;
	p2 =	por !p2, p0  }
0x20: {  	[sflag:s8] =	ssyncset.s32 @!p0 $0xFFFFF086;
	s6 =	sadd.s32 @!p0 s3, s7;
	s7 =	simm.s32 @!p0 $0x108  }
0x21: {  	s3 =	sadd.s32 s3, s9;
	s6 =	sadd.s32 @!p0 $0x88, s6;
	s7 =	simm.s32 @p2 $0x1082  }
0x22: {  	[simem:s7], [sflag:s8] =	dma.local @!p0 [hbm:s6], $0xF7A  }
0x23: {  	s9 =	sor.u32 $0xD0000000, s2;
	s6 =	simm.s32 $0x108;
	_ =	swait.ge @!p0 [sflag:s8], $0x0  }
0x24: {  	s3 =	sadd.s32 $0x88, s3;
	s6 =	simm.s32 @!p1 $0x1082;
	[sflag:s4] =	ssyncset.s32 $0xFFFFF086  }
0x25: {  	[simem:s6], [sflag:s4] =	dma.local [hbm:s3], $0xF7A  }
0x26: {  	[smem:$0x3F8A] =	sst s1;
	(tag) =	ssettag s2;
	_ =	strace s9  }
0x27: {  	s1 =	sld [smem:$0x3F9A]  }
0x28: {  	s2 =	sld [smem:$0x3F9B]  }
0x29: {  	s4 =	sld [smem:$0x3F9D]  }
0x2a: {  	p0 =	seq.s32 s5, $0x0;
	s5 =	sld [smem:$0x3F9E]  }
0x2b: {  	s6 =	sld [smem:$0x3F9F]  }
0x2c: {  	s7 =	sld [smem:$0x3FA0]  }
0x2d: {  	s3 =	simm.s32 $0x108;
	s8 =	sld [smem:$0x3FA1]  }
0x2e: {  	s3 =	simm.s32 @!p0 $0x1082;
	s9 =	sld [smem:$0x3FA2]  }
0x2f: {  	lr =	sadd.s32 s0, s3;
	s0 =	sld [smem:$0x3F99]  }
0x30: {  	s3 =	sld [smem:$0x3F9C]  }
0x31: {  	[smem:$0x3FA5] =	sst s10  }
0x32: {  	s10 =	sld [smem:$0x3FA3];
	_ =	sdelay $0x3  }
0x33: {  	p0 =	seq.s32 s10, $0x1;
	s10 =	sld [smem:$0x3FA5];
	_ =	sdelay $0x3  }
0x34: {  	[smem:$0x3FA5] =	sst s10  }
0x35: {  	s10 =	sld [smem:$0x3FA4];
	_ =	sdelay $0x3  }
0x36: {  	p1 =	seq.s32 s10, $0x1;
	s10 =	sld [smem:$0x3FA5];
	_ =	sdelay $0x3  }
0x37: {  	[smem:$0x3FA5] =	sst s10  }
0x38: {  	s10 =	sld [smem:$0x3FA6]  }
0x39: {  	_ = 	snop;
	(pc) =	sbr.ind lr, $3  }
0x3a: {  	_ = 	snop  }
0x3b: {  	_ = 	snop  }
0x3c: {  	p2 =	seq.s32 s10, $0x1;
	s10 =	sld [smem:$0x3FA5]  }
0x3d: {  	_ =	shalt  }
0x3e: {  	_ =	shalt  }
0x3f: {  	_ =	shalt  }
0x40: {  	_ =	shalt  }
0x41: {  	_ =	shalt  }
0x42: {  	_ =	shalt  }
0x43: {  	_ =	shalt  }
0x44: {  	_ =	shalt  }
0x45: {  	_ =	shalt  }
0x46: {  	_ =	shalt  }
0x47: {  	_ =	shalt  }
0x48: {  	_ =	shalt  }
0x49: {  	_ =	shalt  }
0x4a: {  	_ =	shalt  }
0x4b: {  	_ =	shalt  }
0x4c: {  	_ =	shalt  }
0x4d: {  	_ =	shalt  }
0x4e: {  	_ =	shalt  }
0x4f: {  	_ =	shalt  }
0x50: {  	_ =	shalt  }
0x51: {  	_ =	shalt  }
0x52: {  	_ =	shalt  }
0x53: {  	_ =	shalt  }
0x54: {  	_ =	shalt  }
0x55: {  	_ =	shalt  }
0x56: {  	_ =	shalt  }
0x57: {  	_ =	shalt  }
0x58: {  	_ =	shalt  }
0x59: {  	_ =	shalt  }
0x5a: {  	_ =	shalt  }
0x5b: {  	_ =	shalt  }
0x5c: {  	_ =	shalt  }
0x5d: {  	_ =	shalt  }
0x5e: {  	_ =	shalt  }
0x5f: {  	_ =	shalt  }
0x60: {  	_ =	shalt  }
0x61: {  	_ =	shalt  }
0x62: {  	_ =	shalt  }
0x63: {  	_ =	shalt  }
0x64: {  	_ =	shalt  }
0x65: {  	_ =	shalt  }
0x66: {  	_ =	shalt  }
0x67: {  	_ =	shalt  }
0x68: {  	_ =	shalt  }
0x69: {  	_ =	shalt  }
0x6a: {  	_ =	shalt  }
0x6b: {  	_ =	shalt  }
0x6c: {  	_ =	shalt  }
0x6d: {  	_ =	shalt  }
0x6e: {  	_ =	shalt  }
0x6f: {  	_ =	shalt  }
0x70: {  	_ =	shalt  }
0x71: {  	_ =	shalt  }
0x72: {  	_ =	shalt  }
0x73: {  	_ =	shalt  }
0x74: {  	_ =	shalt  }
0x75: {  	_ =	shalt  }
0x76: {  	_ =	shalt  }
0x77: {  	_ =	shalt  }
0x78: {  	_ =	shalt  }
0x79: {  	_ =	shalt  }
0x7a: {  	_ =	shalt  }
0x7b: {  	_ =	shalt  }
0x7c: {  	_ =	shalt  }
0x7d: {  	_ =	shalt  }
0x7e: {  	_ =	shalt  }
0x7f: {  	_ =	shalt  }
0x80: {  	_ =	shalt  }
0x81: {  	_ =	shalt  }
0x82: {  	_ =	shalt  }
0x83: {  	_ =	shalt  }
0x84: {  	_ =	shalt  }
0x85: {  	_ =	shalt  }
0x86: {  	_ =	shalt  }
0x87: {  	_ =	shalt  }
.Lfunc_end0:
.L_simem_size_0:
called_computation.5_lowered:
.L_overlay_start_0:
0x88: {  	s2 =	sld [smem:$0x3FD9]  }
0x89: {  	s3 =	sld [smem:$0x3FFE];
	_ =	sdelay $0x1  }
0x8a: {  	s1 =	srdreg.scid  }
0x8b: {  	s0 =	sand.u32 $0x1, s1  }
0x8c: {  	s17 =	sshll.u32 s0, $0xA;
	s2 =	sadd.s32 s3, s2  }
0x8d: {  	s2 =	sadd.s32 s2, s17  }
0x8e: {  	[smem:$0x3FB1] =	sst s2  }
0x8f: {  	_ = 	snop  }
0x90: {  	(tm) =	ssettm $0x1  }
0x91: {  	s18 =	sld [smem:$0x3FFB];
	_ =	sdelay $0x3  }
0x92: {  	_ =	strace s18  }
0x93: {  	s2 =	sld [smem:$0x3FFC];
	_ =	sdelay $0x3  }
0x94: {  	_ =	strace s2  }
0x95: {  	s2 =	sld [smem:$0x3FFD];
	_ =	sdelay $0x3  }
0x96: {  	_ =	strace s2  }
0x97: {  	_ =	strace $0x8FFFFFFF  }
0x98: {  	s19 =	sld [smem:$0x3FDB];
	_ =	sdelay $0x1  }
0x99: {  	s20 =	simm.s32 $_scs_section_size  }
0x9a: {  	s4 =	simm.s32 $_size__tile_overlayer_lowered;
	s5 =	simm.s32 $_tile_overlayer_lowered  }
0x9b: {  	s6 =	simm.s32 $0x1BFF;
	s21 =	sshll.u32 s5, $0x1;
	s3 =	sadd.s32 s20, s19  }
0x9c: {  	s22 =	simm.s32 $0x0;
	s4 =	sshll.u32 s4, $0x1;
	s5 =	sadd.s32 s21, s3  }
0x9d: {  	[timem:s22], [sflag:s6] =	dma.local [hbm:s5], s4  }
0x9e: {  	_ =	swait.ge [sflag:s6], s4  }
0x9f: {  	s4 =	ssub.s32 $0x0, s4;
	[sflag:s6] =	ssyncset.done $0x0  }
0xa0: {  	[sflag:s6] =	ssyncadd.s32 s4;
	_ =	sdelay $0x1  }
0xa1: {  	s23 =	simm.s32 $0x1B8B  }
0xa2: {  	_ =	swait.ge [sflag:s23], $0x1  }
0xa3: {  	[sflag:s23] =	ssyncset.done $0x0  }
0xa4: {  	[sflag:s23] =	ssyncadd.s32 $0xFFFFFFFF  }
0xa5: {  	s4 =	sld [smem:$0x0]  }
0xa6: {  	s5 =	sand.u32 $0xFFFFFFFE, s1  }
0xa7: {  	p0 =	sne.s32 s1, s5  }
0xa8: {  	s5 =	sshll.u32 @p0 s5, $0xE  }
0xa9: {  	s5 =	sadd.s32 @p0 $0x11B8D, s5;
	s6 =	sshll.u32 @p0 s4, $0x11  }
0xaa: {  	s5 =	sor.u32 @p0 s6, s5  }
0xab: {  	[sflag:s5] =	ssyncadd.remote.s32 @p0 $0x1;
	_ =	sdelay $0x1  }
0xac: {  	s5 =	simm.s32 @p0 $0x1B8D  }
0xad: {  	_ =	swait.eq @p0 [sflag:s5], $0x1  }
0xae: {  	[sflag:s5] =	ssyncadd.s32 @p0 $0xFFFFFFFF  }
0xaf: {  	s6 =	sshll.u32 @!p0 s1, $0xE  }
0xb0: {  	s6 =	sor.u32 @!p0 $0x4000, s6;
	s5 =	simm.s32 @!p0 $0x1B8D  }
0xb1: {  	s4 =	sshll.u32 @!p0 s4, $0x11;
	s6 =	sadd.s32 @!p0 $0x11B8D, s6;
	_ =	swait.eq @!p0 [sflag:s5], $0x1  }
0xb2: {  	s4 =	sor.u32 @!p0 s4, s6;
	[sflag:s5] =	ssyncadd.s32 @!p0 $0xFFFFFFFF  }
0xb3: {  	s25 =	simm.s32 $0x1B8E;
	s24 =	sld [smem:$0x3FFE];
	[sflag:s4] =	ssyncadd.remote.s32 @!p0 $0x1  }
0xb4: {  	s26 =	simm.s32 $execute0_lowered;
	[smem:$0x3FD2] =	sst s25  }
0xb5: {  	s5 =	sshll.u32 s26, $0x1;
	_ =	strace $0x80000052;
	[dreg:$0x1] =	wrdreg $0xFFFFFFFF  }
0xb6: {  	s28 =	simm.s32 $_size_execute0_lowered;
	s3 =	sadd.s32 s3, s5;
	[dreg:$0x0] =	wrdreg $0x0  }
0xb7: {  	s5 =	sshll.u32 s28, $0x1;
	[dreg:$0x2] =	wrdreg s3  }
0xb8: {  	[dreg:$0x3] =	wrdreg s5  }
0xb9: {  	[dreg:$0x4] =	wrdreg $0xC0  }
0xba: {  	_ =	task [dreg:s22], $0x5FFFF  }
0xbb: {  	[dreg:$0x1] =	wrdreg $0xFFFFFFFF  }
0xbc: {  	[dreg:$0x0] =	wrdreg $0x60  }
0xbd: {  	[dreg:$0x2] =	wrdreg s24  }
0xbe: {  	[dreg:$0x3] =	wrdreg $0xB9000  }
0xbf: {  	[dreg:$0x4] =	wrdreg $0xA  }
0xc0: {  	_ =	task.clear_ibuf [dreg:s22], $0x5FFFF;
	_ =	strace $0x90000052  }
0xc1: {  	s29 =	simm.s32 $0xA;
	_ =	strace $0x80000054  }
0xc2: {  	_ =	swait.ge [sflag:s29], $0x1  }
0xc3: {  	[sflag:s29] =	ssyncadd.s32 $0xFFFFFFFF  }
0xc4: {  	_ =	strace $0x90000054  }
0xc5: {  	_ =	sfence  }
0xc6: {  	s30 =	sld [smem:$0x0];
	_ =	sdelay $0x2  }
0xc7: {  	s31 =	sshll.u32 s1, $0xD;
	s1 =	sshrl.u32 s1, $0x2  }
0xc8: {  	s4 =	sand.u32 $0x4000, s31;
	s1 =	sadd.s32 s1, s30  }
0xc9: {  	s0 =	sor.u32 s4, s0;
	s1 =	sshll.u32 s1, $0x11  }
0xca: {  	s0 =	sor.u32 s1, s0  }
0xcb: {  	s0 =	sadd.s32 $0x8F2B, s0  }
0xcc: {  	[sflag:s0] =	ssyncadd.remote.s32 $0x1  }
0xcd: {  	_ =	sfence.sel $0xFFFF  }
0xce: {  	[dreg:$0x0] =	wrdreg $0xFFFFFFFF;
	(pc) =	sbr.abs _section_cstart, $3  }
0xcf: {  	[dreg:$0x1] =	wrdreg $0xFFFFFFFF  }
0xd0: {  	_ =	task.clear_ibuf [dreg:s22], $0x2FFFF;
	_ =	strace $0x9FFFFFFF  }
0xd1: {  	(tm) =	ssettm $0x7FFFFFFF  }
tec
execute0_lowered:
.L_overlay_start_1:
0x0: {  	(tag) =	ssettag $0x1  }
0x1: {  	s2 =	rddreg [dreg:$0x0];
	s0 =	srdreg.scid  }
0x2: {  	s3 =	rddreg [dreg:$0x1];
	s1 =	stileid.u32  }
0x3: {  	s4 =	simm.s32 $0x0;
	s16 =	simm.s32 $0x7900;
	s17 =	simm.s32 $0x2  }
0x4: {  	s18 =	simm.s32 $0x80;
	s19 =	simm.s32 $0x5100;
	s20 =	simm.s32 $0x50  }
0x5: {  	s21 =	simm.s32 $0x100;
	s22 =	simm.s32 $0x1;
	s23 =	simm.s32 $0x2900  }
0x6: {  	s8 =	sand.u32 $0x1, s0;
	s0 =	rddreg [dreg:$0x2];
	s7 =	smul.u32 $0x14000, s1  }
0x7: {  	[smem:$0x7FF] =	sst s4;
	s5 =	sadd.s32 $0x66400, s2;
	s10 =	smul.u32 $0x50000, s1  }
0x8: {  	s6 =	smul.u32 $0x140000, s8;
	_ =	strace $0x80000053;
	s31 =	ssub.s32 $0x2, s8  }
0x9: {  	s8 =	sshll.u32 s8, $0x4;
	s11 =	sshrl.u32 s31, $0x1;
	s10 =	sshrl.u32 s10, $0x2  }
0xa: {  	s13 =	sor.u32 s1, s8;
	s7 =	sadd.s32 s7, s6;
	s6 =	sadd.s32 $0x128200, s2  }
0xb: {  	s15 =	ssub.s32 s31, s11;
	s8 =	sadd.s32 s10, s3;
	s13 =	smul.u32 $0x2710, s13  }
0xc: {  	s9 =	sshrl.u32 s7, $0x3;
	s7 =	sadd.s32 $0x9E00, s2;
	s10 =	sadd.s32 $0x8000, s8  }
0xd: {  	s11 =	sadd.s32 $0xC000, s8;
	s12 =	sadd.s32 $0x10000, s8;
	s14 =	sadd.s32 s9, s2  }
0xe: {  	v0 =	vimm.f32 $0.0e+00;
	s15 =	smax.u32 s15, $0x1;
	s9 =	sadd.s32 $0x4000, s8;
	s14 =	sadd.s32 $0x681400, s14  }
.LBB2_1:
0xf: {  	s24 =	simm.s32 $0x0;
	s25 =	simm.s32 $0x200  }
.LBB2_2:
0x10: {  	p0 =	sne.s32 s25, $0xFE00;
	[tilespmem:s24+$0x7970] =	vst v0  }
0x11: {  	[tilespmem:s24+$0x7900] =	vst v0  }
0x12: {  	[tilespmem:s24+$0x7910] =	vst v0  }
.Ltmp0:
0x13: {  	[tilespmem:s24+$0x7920] =	vst v0;
	(pc) =	sbr.rel @p0 .LBB2_2-.Ltmp0, $4  }
0x14: {  	[tilespmem:s24+$0x7930] =	vst v0  }
0x15: {  	[tilespmem:s24+$0x7940] =	vst v0  }
0x16: {  	[tilespmem:s24+$0x7950] =	vst v0  }
0x17: {  	[tilespmem:s24+$0x7960] =	vst v0;
	s24 =	sshra.s32 s25, $0x2;
	s25 =	sadd.s32 $0x200, s25  }
0x18: {  	[tilespmem:s24+$0x7970] =	vst v0  }
0x19: {  	[tilespmem:s24+$0x7900] =	vst v0  }
0x1a: {  	[tilespmem:s24+$0x7910] =	vst v0  }
0x1b: {  	[tilespmem:s24+$0x7920] =	vst v0  }
0x1c: {  	[tilespmem:s24+$0x7930] =	vst v0  }
0x1d: {  	[tilespmem:s24+$0x7940] =	vst v0  }
0x1e: {  	[tilespmem:s24+$0x7950] =	vst v0  }
0x1f: {  	[tilespmem:s24+$0x7960] =	vst v0  }
0x20: {  	[spmem:s8] =	stream.linear.scatter [tilespmem:s16], [sflag:$0x2], $0x4000, $0x38;
	[tilespmem:$0x1F900] =	vst v63  }
0x21: {  	_ =	swait.ge [sflag:s17], $0x4000  }
0x22: {  	[sflag:s17] =	ssyncset.done $0x0  }
0x23: {  	[sflag:s17] =	ssyncadd.s32 $0xFFFFC000  }
0x24: {  	[spmem:s9] =	stream.linear.scatter [tilespmem:s16], [sflag:$0x2], $0x4000, $0x38;
	[tilespmem:$0x1F900] =	vst v63  }
0x25: {  	_ =	swait.ge [sflag:s17], $0x4000  }
0x26: {  	[sflag:s17] =	ssyncset.done $0x0  }
0x27: {  	[sflag:s17] =	ssyncadd.s32 $0xFFFFC000  }
0x28: {  	[spmem:s10] =	stream.linear.scatter [tilespmem:s16], [sflag:$0x2], $0x4000, $0x38;
	[tilespmem:$0x1F900] =	vst v63  }
0x29: {  	_ =	swait.ge [sflag:s17], $0x4000  }
0x2a: {  	[sflag:s17] =	ssyncset.done $0x0  }
0x2b: {  	[sflag:s17] =	ssyncadd.s32 $0xFFFFC000  }
0x2c: {  	[spmem:s11] =	stream.linear.scatter [tilespmem:s16], [sflag:$0x2], $0x4000, $0x38;
	[tilespmem:$0x1F900] =	vst v63  }
0x2d: {  	_ =	swait.ge [sflag:s17], $0x4000  }
0x2e: {  	[sflag:s17] =	ssyncset.done $0x0  }
0x2f: {  	[sflag:s17] =	ssyncadd.s32 $0xFFFFC000  }
0x30: {  	[spmem:s12] =	stream.linear.scatter [tilespmem:s16], [sflag:$0x2], $0x4000, $0x38;
	[tilespmem:$0x1F900] =	vst v63  }
0x31: {  	_ =	swait.ge [sflag:s17], $0x4000  }
0x32: {  	[sflag:s17] =	ssyncset.done $0x0  }
0x33: {  	[sflag:s17] =	ssyncadd.s32 $0xFFFFC000  }
0x34: {  	s24 =	simm.s32 $0x0;
	s25 =	simm.s32 $0x0;
	[bflag:$0x0] =	sbarrier.arrive $0xFFFF  }
.LBB2_4:
0x35: {  	s26 =	smul.u32 $0x50, s25;
	_ =	sdelay $0x1  }
0x36: {  	s26 =	sadd.s32 s13, s26  }
0x37: {  	s28 =	sshrl.u32 s26, $0x3  }
0x38: {  	s29 =	sadd.s32 s2, s28  }
0x39: {  	[tilespmem:s24], [sflag:$0x2] =	stream.linear.gather [hbm4b:s29+s24], $0x50, $0x38;
	[tilespmem:$0x1F900] =	vst v63  }
0x3a: {  	_ =	swait.ge [sflag:s17], $0x50  }
0x3b: {  	[sflag:s17] =	ssyncset.done $0x0  }
0x3c: {  	s28 =	sadd.s32 s7, s28;
	[sflag:s17] =	ssyncadd.s32 $0xFFFFFFB0  }
0x3d: {  	[tilespmem:s18], [sflag:$0x2] =	stream.linear.gather [hbm4b:s28+s24], $0x50, $0x38;
	[tilespmem:$0x1F900] =	vst v63  }
0x3e: {  	_ =	swait.ge [sflag:s17], $0x50  }
0x3f: {  	s26 =	sshll.u32 s26, $0x4;
	[sflag:s17] =	ssyncset.done $0x0  }
0x40: {  	s26 =	sadd.s32 s6, s26;
	[sflag:s17] =	ssyncadd.s32 $0xFFFFFFB0  }
0x41: {  	[tilespmem:s19], [sflag:$0x2] =	stream.linear.gather [hbm4b:s26+s24], $0x2800, $0x38;
	[tilespmem:$0x1F900] =	vst v63  }
0x42: {  	_ =	swait.ge [sflag:s17], $0x2800  }
0x43: {  	[sflag:s17] =	ssyncset.done $0x0  }
0x44: {  	[sflag:s17] =	ssyncadd.s32 $0xFFFFD800  }
0x45: {  	[tilespmem:s21], [sflag:$0x1] =	stream.indirect.gather [hbm4b:s5+s20], $0x80, s24, s20, $0xb8;
	[tilespmem:$0x1F900] =	vst v63  }
0x46: {  	_ =	swait.ge [sflag:s22], $0x2800  }
0x47: {  	[sflag:s22] =	ssyncset.done $0x0  }
0x48: {  	s28 =	simm.s32 $0x0;
	[sflag:s22] =	ssyncadd.s32 $0xFFFFD800  }
0x49: {  	v1 =	vld [tilespmem:s28+$0x5110]  }
0x4a: {  	v2 =	vld [tilespmem:s28+$0x170]  }
0x4b: {  	v7 =	vld [tilespmem:s28+$0x100]  }
0x4c: {  	v8 =	vld [tilespmem:s28+$0x110]  }
0x4d: {  	v9 =	vld [tilespmem:s28+$0x120]  }
0x4e: {  	v6 =	vld [tilespmem:s28+$0x130]  }
0x4f: {  	v4 =	vld [tilespmem:s28+$0x140];
	v2 =	vmul.f32 v2, v1  }
0x50: {  	v5 =	vld [tilespmem:s28+$0x150];
	v10 =	vmul.f32 v7, v1  }
0x51: {  	s26 =	simm.s32 $0x80;
	v3 =	vld [tilespmem:s28+$0x160];
	v7 =	vmul.f32 v8, v1;
	[tilespmem:s28+$0x2970] =	vst v2  }
0x52: {  	s29 =	simm.s32 $0x400;
	v8 =	vmul.f32 v9, v1;
	v2 =	vld [tilespmem:s26+$0x5110];
	[tilespmem:s28+$0x2900] =	vst v10  }
.LBB2_5:
0x53: {  	p0 =	sne.s32 s29, $0x9E00;
	v9 =	vld [tilespmem:s26+$0x170];
	[tilespmem:s28+$0x2910] =	vst v7;
	v6 =	vmul.f32 v6, v1  }
0x54: {  	v7 =	vld [tilespmem:s26+$0x100];
	[tilespmem:s28+$0x2920] =	vst v8;
	v4 =	vmul.f32 v4, v1  }
0x55: {  	v8 =	vld [tilespmem:s26+$0x110];
	[tilespmem:s28+$0x2930] =	vst v6;
	v5 =	vmul.f32 v5, v1  }
0x56: {  	v10 =	vld [tilespmem:s26+$0x120];
	[tilespmem:s28+$0x2940] =	vst v4;
	v3 =	vmul.f32 v3, v1  }
.Ltmp1:
0x57: {  	v6 =	vld [tilespmem:s26+$0x130];
	[tilespmem:s28+$0x2950] =	vst v5;
	v1 =	vmov v2;
	(pc) =	sbr.rel @p0 .LBB2_5-.Ltmp1, $4  }
0x58: {  	v4 =	vld [tilespmem:s26+$0x140];
	v2 =	vmul.f32 v9, v1;
	[tilespmem:s28+$0x2960] =	vst v3;
	s28 =	smov.u32 s26  }
0x59: {  	v9 =	vmul.f32 v7, v1;
	v5 =	vld [tilespmem:s28+$0x150]  }
0x5a: {  	s26 =	sshra.s32 s29, $0x2;
	v7 =	vmul.f32 v8, v1;
	v3 =	vld [tilespmem:s28+$0x160];
	[tilespmem:s28+$0x2970] =	vst v2  }
0x5b: {  	s29 =	sadd.s32 $0x200, s29;
	v2 =	vld [tilespmem:s26+$0x5110];
	[tilespmem:s28+$0x2900] =	vst v9;
	v8 =	vmul.f32 v10, v1  }
0x5c: {  	v9 =	vld [tilespmem:s26+$0x170];
	[tilespmem:s28+$0x2910] =	vst v7;
	v6 =	vmul.f32 v6, v1  }
0x5d: {  	v7 =	vld [tilespmem:s26+$0x100];
	[tilespmem:s28+$0x2920] =	vst v8;
	v4 =	vmul.f32 v4, v1  }
0x5e: {  	v8 =	vld [tilespmem:s26+$0x110];
	[tilespmem:s28+$0x2930] =	vst v6;
	v5 =	vmul.f32 v5, v1  }
0x5f: {  	v6 =	vld [tilespmem:s26+$0x120];
	[tilespmem:s28+$0x2940] =	vst v4;
	v1 =	vmul.f32 v3, v1  }
0x60: {  	v4 =	vld [tilespmem:s26+$0x130];
	[tilespmem:s28+$0x2950] =	vst v5  }
0x61: {  	v3 =	vld [tilespmem:s26+$0x140];
	[tilespmem:s28+$0x2960] =	vst v1;
	v1 =	vmul.f32 v9, v2  }
0x62: {  	v5 =	vld [tilespmem:s26+$0x150];
	v7 =	vmul.f32 v7, v2  }
0x63: {  	v63 =	vld [tilespmem:s26+$0x160];
	v8 =	vmul.f32 v8, v2;
	[tilespmem:s26+$0x2970] =	vst v1  }
0x64: {  	[tilespmem:s26+$0x2900] =	vst v7;
	v1 =	vmul.f32 v6, v2  }
0x65: {  	[tilespmem:s26+$0x2910] =	vst v8;
	v4 =	vmul.f32 v4, v2  }
0x66: {  	[tilespmem:s26+$0x2920] =	vst v1;
	v1 =	vmul.f32 v3, v2  }
0x67: {  	[tilespmem:s26+$0x2930] =	vst v4;
	v3 =	vmul.f32 v5, v2  }
0x68: {  	s25 =	sadd.s32 $0x1, s25;
	[tilespmem:s26+$0x2940] =	vst v1;
	v1 =	vmul.f32 v63, v2  }
0x69: {  	p0 =	sne.s32 s25, $0x7D;
	[tilespmem:s26+$0x2950] =	vst v3  }
.Ltmp2:
0x6a: {  	[tilespmem:s26+$0x2960] =	vst v1;
	(pc) =	sbr.rel @p0 .LBB2_4-.Ltmp2, $4  }
0x6b: {  	[spmem:s3] =	stream.indirect.scatter.add.f32 [tilespmem:s23], [sflag:$0x2], $0x80, s18, s20, $0xb8;
	[tilespmem:$0x1F900] =	vst v63  }
0x6c: {  	_ =	swait.ge [sflag:s17], $0x2800  }
0x6d: {  	[sflag:s17] =	ssyncset.done $0x0  }
0x6e: {  	[sflag:s17] =	ssyncadd.s32 $0xFFFFD800  }
0x6f: {  	s4 =	sadd.s32 $0x1, s4  }
0x70: {  	s24 =	sshll.u32 s1, $0x6;
	[bflag:$0x0] =	sbarrier.arrive $0xFFFF;
	p0 =	sne.s32 s4, s15  }
.Ltmp3:
0x71: {  	s25 =	sshrl.u32 s8, $0x3;
	s24 =	sor.u32 $0x1C02, s24;
	(pc) =	sbr.rel @p0 .LBB2_1-.Ltmp3, $4  }
0x72: {  	[hbm:s14], [sflag:s24] =	dma.local [spmem:s25], $0x2800  }
0x73: {  	_ =	swait.ge [sflag:s17], $0x2800  }
0x74: {  	[sflag:s17] =	ssyncset.done $0x0  }
0x75: {  	[sflag:s17] =	ssyncadd.s32 $0xFFFFD800  }
0x76: {  	_ =	sfence.sel $0x180000  }
0x77: {  	[bflag:$0x0] =	sbarrier.arrive $0xFFFF  }
0x78: {  	p0 =	sne.s32 s1, $0x0;
	_ =	strace $0x90000053  }
0x79: {  	s0 =	sadd.s32 @!p0 $0x100000, s0;
	[bflag:$0x2] =	sbarrier.arrive $0xFFFF  }
0x7a: {  	[sflag:s0] =	ssyncadd.tile.s32 @!p0 $0x1;
	_ =	shalt  }
.Lfunc_end2:
_tile_overlayer_lowered:
.L_overlay_start_2:
0x7b: {  	(tag) =	ssettag $0x2  }
0x7c: {  	s0 =	rddreg [dreg:$0x0];
	s2 =	stileid.u32  }
0x7d: {  	s1 =	rddreg [dreg:$0x1];
	p0 =	sne.s32 s2, $0x0  }
0x7e: {  	s3 =	rddreg [dreg:$0x2];
	[bflag:$0x3] =	sbarrier.arrive $0xFFFF;
	s2 =	simm.s32 @!p0 $0x1C02  }
0x7f: {  	[timem:s3], [sflag:s2] =	dma.local @!p0 [hbm:s0], s1  }
0x80: {  	s0 =	simm.s32 @!p0 $0x2  }
0x81: {  	_ =	swait.ge @!p0 [sflag:s0], s1  }
0x82: {  	s1 =	ssub.s32 @!p0 $0x0, s1;
	[sflag:s0] =	ssyncset.done @!p0 $0x0  }
0x83: {  	[sflag:s0] =	ssyncadd.s32 @!p0 s1  }
0x84: {  	[bflag:$0x3] =	sbarrier.arrive $0xFFFF  }
0x85: {  	_ =	shalt  }

// kernel: kernel.26.cloned.1.call-start
scs
__scs_entry_jumppad:
0x0: {  	(pc) =	sbr.rel $0x88, $3  }
0x1: {  	(tag) =	ssettag $0x0;
	lr =	simm.s32 $0x1  }
0x2: {  	[smem:$0x3F8A] =	sst lr;
	_ =	strace $0xD0000000  }
0x3: {  	_ = 	snop  }
0x4: {  	_ = 	snop  }
0x5: {  	_ = 	snop  }
0x6: {  	_ = 	snop  }
0x7: {  	_ = 	snop  }
__scs_overlays_trampoline_lowered:
0x8: {  	[smem:$0x3F99] =	sst s0  }
0x9: {  	[smem:$0x3F9A] =	sst s1  }
0xa: {  	[smem:$0x3F9B] =	sst s2  }
0xb: {  	[smem:$0x3F9C] =	sst s3  }
0xc: {  	[smem:$0x3F9D] =	sst s4  }
0xd: {  	[smem:$0x3F9E] =	sst s5  }
0xe: {  	[smem:$0x3F9F] =	sst s6  }
0xf: {  	[smem:$0x3FA0] =	sst s7  }
0x10: {  	[smem:$0x3FA1] =	sst s8  }
0x11: {  	[smem:$0x3FA2] =	sst s9;
	s0 =	simm.s32 @!p0 $0x0  }
0x12: {  	s1 =	sld [smem:$0x3F88];
	s0 =	simm.s32 @p0 $0x1  }
0x13: {  	[smem:$0x3FA3] =	sst s0;
	s0 =	simm.s32 @!p1 $0x0  }
0x14: {  	s2 =	sld [smem:$0x3F87];
	s0 =	simm.s32 @p1 $0x1  }
0x15: {  	[smem:$0x3FA4] =	sst s0;
	s0 =	simm.s32 @!p2 $0x0  }
0x16: {  	s3 =	sld [smem:$0x3FDB];
	s0 =	simm.s32 @p2 $0x1  }
0x17: {  	s4 =	simm.s32 $0x1BF5;
	[smem:$0x3FA6] =	sst s0  }
0x18: {  	s0 =	sld [smem:$0x3F89];
	_ =	swait.ge [sflag:s4], $0x0  }
0x19: {  	s7 =	sld [smem:$0x3F8A]  }
0x1a: {  	s8 =	sadd.s32 $0xFFFFE003, lr  }
0x1b: {  	s9 =	sadd.s32 $0xFFFFFEF7, lr;
	s5 =	simm.s32 $0xFFFFFFFF;
	p2 =	slt.u32 s8, $0xFFFFF086  }
0x1c: {  	p1 =	slt.u32 s9, $0xF7A;
	s5 =	simm.s32 @!p2 $0x0  }
0x1d: {  	s5 =	simm.s32 @p1 $0x1;
	p0 =	seq.s32 s7, s2  }
0x1e: {  	s7 =	smul.u32 @!p0 $0xF7A, s2;
	p2 =	seq.s32 @!p0 s5, $0x0  }
0x1f: {  	s9 =	smul.u32 $0xF7A, s1;
	s8 =	simm.s32 @!p0 $0x1BF5;
	p2 =	por !p2, p0  }
0x20: {  	[sflag:s8] =	ssyncset.s32 @!p0 $0xFFFFF086;
	s6 =	sadd.s32 @!p0 s3, s7;
	s7 =	simm.s32 @!p0 $0x108  }
0x21: {  	s3 =	sadd.s32 s3, s9;
	s6 =	sadd.s32 @!p0 $0x88, s6;
	s7 =	simm.s32 @p2 $0x1082  }
0x22: {  	[simem:s7], [sflag:s8] =	dma.local @!p0 [hbm:s6], $0xF7A  }
0x23: {  	s9 =	sor.u32 $0xD0000000, s2;
	s6 =	simm.s32 $0x108;
	_ =	swait.ge @!p0 [sflag:s8], $0x0  }
0x24: {  	s3 =	sadd.s32 $0x88, s3;
	s6 =	simm.s32 @!p1 $0x1082;
	[sflag:s4] =	ssyncset.s32 $0xFFFFF086  }
0x25: {  	[simem:s6], [sflag:s4] =	dma.local [hbm:s3], $0xF7A  }
0x26: {  	[smem:$0x3F8A] =	sst s1;
	(tag) =	ssettag s2;
	_ =	strace s9  }
0x27: {  	s1 =	sld [smem:$0x3F9A]  }
0x28: {  	s2 =	sld [smem:$0x3F9B]  }
0x29: {  	s4 =	sld [smem:$0x3F9D]  }
0x2a: {  	p0 =	seq.s32 s5, $0x0;
	s5 =	sld [smem:$0x3F9E]  }
0x2b: {  	s6 =	sld [smem:$0x3F9F]  }
0x2c: {  	s7 =	sld [smem:$0x3FA0]  }
0x2d: {  	s3 =	simm.s32 $0x108;
	s8 =	sld [smem:$0x3FA1]  }
0x2e: {  	s3 =	simm.s32 @!p0 $0x1082;
	s9 =	sld [smem:$0x3FA2]  }
0x2f: {  	lr =	sadd.s32 s0, s3;
	s0 =	sld [smem:$0x3F99]  }
0x30: {  	s3 =	sld [smem:$0x3F9C]  }
0x31: {  	[smem:$0x3FA5] =	sst s10  }
0x32: {  	s10 =	sld [smem:$0x3FA3];
	_ =	sdelay $0x3  }
0x33: {  	p0 =	seq.s32 s10, $0x1;
	s10 =	sld [smem:$0x3FA5];
	_ =	sdelay $0x3  }
0x34: {  	[smem:$0x3FA5] =	sst s10  }
0x35: {  	s10 =	sld [smem:$0x3FA4];
	_ =	sdelay $0x3  }
0x36: {  	p1 =	seq.s32 s10, $0x1;
	s10 =	sld [smem:$0x3FA5];
	_ =	sdelay $0x3  }
0x37: {  	[smem:$0x3FA5] =	sst s10  }
0x38: {  	s10 =	sld [smem:$0x3FA6]  }
0x39: {  	_ = 	snop;
	(pc) =	sbr.ind lr, $3  }
0x3a: {  	_ = 	snop  }
0x3b: {  	_ = 	snop  }
0x3c: {  	p2 =	seq.s32 s10, $0x1;
	s10 =	sld [smem:$0x3FA5]  }
0x3d: {  	_ =	shalt  }
0x3e: {  	_ =	shalt  }
0x3f: {  	_ =	shalt  }
0x40: {  	_ =	shalt  }
0x41: {  	_ =	shalt  }
0x42: {  	_ =	shalt  }
0x43: {  	_ =	shalt  }
0x44: {  	_ =	shalt  }
0x45: {  	_ =	shalt  }
0x46: {  	_ =	shalt  }
0x47: {  	_ =	shalt  }
0x48: {  	_ =	shalt  }
0x49: {  	_ =	shalt  }
0x4a: {  	_ =	shalt  }
0x4b: {  	_ =	shalt  }
0x4c: {  	_ =	shalt  }
0x4d: {  	_ =	shalt  }
0x4e: {  	_ =	shalt  }
0x4f: {  	_ =	shalt  }
0x50: {  	_ =	shalt  }
0x51: {  	_ =	shalt  }
0x52: {  	_ =	shalt  }
0x53: {  	_ =	shalt  }
0x54: {  	_ =	shalt  }
0x55: {  	_ =	shalt  }
0x56: {  	_ =	shalt  }
0x57: {  	_ =	shalt  }
0x58: {  	_ =	shalt  }
0x59: {  	_ =	shalt  }
0x5a: {  	_ =	shalt  }
0x5b: {  	_ =	shalt  }
0x5c: {  	_ =	shalt  }
0x5d: {  	_ =	shalt  }
0x5e: {  	_ =	shalt  }
0x5f: {  	_ =	shalt  }
0x60: {  	_ =	shalt  }
0x61: {  	_ =	shalt  }
0x62: {  	_ =	shalt  }
0x63: {  	_ =	shalt  }
0x64: {  	_ =	shalt  }
0x65: {  	_ =	shalt  }
0x66: {  	_ =	shalt  }
0x67: {  	_ =	shalt  }
0x68: {  	_ =	shalt  }
0x69: {  	_ =	shalt  }
0x6a: {  	_ =	shalt  }
0x6b: {  	_ =	shalt  }
0x6c: {  	_ =	shalt  }
0x6d: {  	_ =	shalt  }
0x6e: {  	_ =	shalt  }
0x6f: {  	_ =	shalt  }
0x70: {  	_ =	shalt  }
0x71: {  	_ =	shalt  }
0x72: {  	_ =	shalt  }
0x73: {  	_ =	shalt  }
0x74: {  	_ =	shalt  }
0x75: {  	_ =	shalt  }
0x76: {  	_ =	shalt  }
0x77: {  	_ =	shalt  }
0x78: {  	_ =	shalt  }
0x79: {  	_ =	shalt  }
0x7a: {  	_ =	shalt  }
0x7b: {  	_ =	shalt  }
0x7c: {  	_ =	shalt  }
0x7d: {  	_ =	shalt  }
0x7e: {  	_ =	shalt  }
0x7f: {  	_ =	shalt  }
0x80: {  	_ =	shalt  }
0x81: {  	_ =	shalt  }
0x82: {  	_ =	shalt  }
0x83: {  	_ =	shalt  }
0x84: {  	_ =	shalt  }
0x85: {  	_ =	shalt  }
0x86: {  	_ =	shalt  }
0x87: {  	_ =	shalt  }
.Lfunc_end0:
.L_simem_size_0:
called_computation.6_lowered:
.L_overlay_start_0:
0x88: {  	s2 =	sld [smem:$0x3FD9]  }
0x89: {  	s3 =	sld [smem:$0x3FFE];
	_ =	sdelay $0x1  }
0x8a: {  	s1 =	srdreg.scid  }
0x8b: {  	s0 =	sand.u32 $0x1, s1  }
0x8c: {  	s17 =	sshll.u32 s0, $0xA;
	s2 =	sadd.s32 s3, s2  }
0x8d: {  	s2 =	sadd.s32 s2, s17  }
0x8e: {  	[smem:$0x3FB1] =	sst s2  }
0x8f: {  	_ = 	snop  }
0x90: {  	(tm) =	ssettm $0x1  }
0x91: {  	s18 =	sld [smem:$0x3FFB];
	_ =	sdelay $0x3  }
0x92: {  	_ =	strace s18  }
0x93: {  	s2 =	sld [smem:$0x3FFC];
	_ =	sdelay $0x3  }
0x94: {  	_ =	strace s2  }
0x95: {  	s2 =	sld [smem:$0x3FFD];
	_ =	sdelay $0x3  }
0x96: {  	_ =	strace s2  }
0x97: {  	_ =	strace $0x8FFFFFFF  }
0x98: {  	s19 =	sld [smem:$0x3FDB];
	_ =	sdelay $0x1  }
0x99: {  	s20 =	simm.s32 $_scs_section_size  }
0x9a: {  	s4 =	simm.s32 $_size__tile_overlayer_lowered;
	s5 =	simm.s32 $_tile_overlayer_lowered  }
0x9b: {  	s6 =	simm.s32 $0x1BFF;
	s21 =	sshll.u32 s5, $0x1;
	s3 =	sadd.s32 s20, s19  }
0x9c: {  	s22 =	simm.s32 $0x0;
	s4 =	sshll.u32 s4, $0x1;
	s5 =	sadd.s32 s21, s3  }
0x9d: {  	[timem:s22], [sflag:s6] =	dma.local [hbm:s5], s4  }
0x9e: {  	_ =	swait.ge [sflag:s6], s4  }
0x9f: {  	s4 =	ssub.s32 $0x0, s4;
	[sflag:s6] =	ssyncset.done $0x0  }
0xa0: {  	[sflag:s6] =	ssyncadd.s32 s4;
	_ =	sdelay $0x1  }
0xa1: {  	s23 =	simm.s32 $0x1B8B  }
0xa2: {  	_ =	swait.ge [sflag:s23], $0x1  }
0xa3: {  	[sflag:s23] =	ssyncset.done $0x0  }
0xa4: {  	[sflag:s23] =	ssyncadd.s32 $0xFFFFFFFF  }
0xa5: {  	s4 =	sld [smem:$0x0]  }
0xa6: {  	s5 =	sand.u32 $0xFFFFFFFE, s1  }
0xa7: {  	p0 =	sne.s32 s1, s5  }
0xa8: {  	s5 =	sshll.u32 @p0 s5, $0xE  }
0xa9: {  	s5 =	sadd.s32 @p0 $0x11B8D, s5;
	s6 =	sshll.u32 @p0 s4, $0x11  }
0xaa: {  	s5 =	sor.u32 @p0 s6, s5  }
0xab: {  	[sflag:s5] =	ssyncadd.remote.s32 @p0 $0x1;
	_ =	sdelay $0x1  }
0xac: {  	s5 =	simm.s32 @p0 $0x1B8D  }
0xad: {  	_ =	swait.eq @p0 [sflag:s5], $0x1  }
0xae: {  	[sflag:s5] =	ssyncadd.s32 @p0 $0xFFFFFFFF  }
0xaf: {  	s6 =	sshll.u32 @!p0 s1, $0xE  }
0xb0: {  	s6 =	sor.u32 @!p0 $0x4000, s6;
	s5 =	simm.s32 @!p0 $0x1B8D  }
0xb1: {  	s4 =	sshll.u32 @!p0 s4, $0x11;
	s6 =	sadd.s32 @!p0 $0x11B8D, s6;
	_ =	swait.eq @!p0 [sflag:s5], $0x1  }
0xb2: {  	s4 =	sor.u32 @!p0 s4, s6;
	[sflag:s5] =	ssyncadd.s32 @!p0 $0xFFFFFFFF  }
0xb3: {  	s25 =	simm.s32 $0x1B8E;
	s24 =	sld [smem:$0x3FFE];
	[sflag:s4] =	ssyncadd.remote.s32 @!p0 $0x1  }
0xb4: {  	s26 =	simm.s32 $execute0_lowered;
	[smem:$0x3FD2] =	sst s25  }
0xb5: {  	s5 =	sshll.u32 s26, $0x1;
	_ =	strace $0x80000055;
	[dreg:$0x1] =	wrdreg $0xFFFFFFFF  }
0xb6: {  	s28 =	simm.s32 $_size_execute0_lowered;
	s3 =	sadd.s32 s3, s5;
	[dreg:$0x0] =	wrdreg $0x0  }
0xb7: {  	s5 =	sshll.u32 s28, $0x1;
	[dreg:$0x2] =	wrdreg s3  }
0xb8: {  	[dreg:$0x3] =	wrdreg s5  }
0xb9: {  	[dreg:$0x4] =	wrdreg $0xC0  }
0xba: {  	_ =	task [dreg:s22], $0x5FFFF  }
0xbb: {  	[dreg:$0x1] =	wrdreg $0xFFFFFFFF  }
0xbc: {  	[dreg:$0x0] =	wrdreg $0x60  }
0xbd: {  	[dreg:$0x2] =	wrdreg s24  }
0xbe: {  	[dreg:$0x3] =	wrdreg $0xB9000  }
0xbf: {  	[dreg:$0x4] =	wrdreg $0xB  }
0xc0: {  	_ =	task.clear_ibuf [dreg:s22], $0x5FFFF;
	_ =	strace $0x90000055  }
0xc1: {  	s29 =	simm.s32 $0xB;
	_ =	strace $0x80000057  }
0xc2: {  	_ =	swait.ge [sflag:s29], $0x1  }
0xc3: {  	[sflag:s29] =	ssyncadd.s32 $0xFFFFFFFF  }
0xc4: {  	_ =	strace $0x90000057  }
0xc5: {  	_ =	sfence  }
0xc6: {  	s30 =	sld [smem:$0x0];
	_ =	sdelay $0x2  }
0xc7: {  	s31 =	sshll.u32 s1, $0xD;
	s1 =	sshrl.u32 s1, $0x2  }
0xc8: {  	s4 =	sand.u32 $0x4000, s31;
	s1 =	sadd.s32 s1, s30  }
0xc9: {  	s0 =	sor.u32 s4, s0;
	s1 =	sshll.u32 s1, $0x11  }
0xca: {  	s0 =	sor.u32 s1, s0  }
0xcb: {  	s0 =	sadd.s32 $0x8F2B, s0  }
0xcc: {  	[sflag:s0] =	ssyncadd.remote.s32 $0x1  }
0xcd: {  	_ =	sfence.sel $0xFFFF  }
0xce: {  	[dreg:$0x0] =	wrdreg $0xFFFFFFFF;
	(pc) =	sbr.abs _section_cstart, $3  }
0xcf: {  	[dreg:$0x1] =	wrdreg $0xFFFFFFFF  }
0xd0: {  	_ =	task.clear_ibuf [dreg:s22], $0x2FFFF;
	_ =	strace $0x9FFFFFFF  }
0xd1: {  	(tm) =	ssettm $0x7FFFFFFF  }
tec
execute0_lowered:
.L_overlay_start_1:
0x0: {  	(tag) =	ssettag $0x1  }
0x1: {  	s2 =	rddreg [dreg:$0x0];
	s0 =	srdreg.scid  }
0x2: {  	s3 =	rddreg [dreg:$0x1];
	s1 =	stileid.u32  }
0x3: {  	s4 =	simm.s32 $0x0;
	s16 =	simm.s32 $0x7900;
	s17 =	simm.s32 $0x2  }
0x4: {  	s18 =	simm.s32 $0x80;
	s19 =	simm.s32 $0x5100;
	s20 =	simm.s32 $0x50  }
0x5: {  	s21 =	simm.s32 $0x100;
	s22 =	simm.s32 $0x1;
	s23 =	simm.s32 $0x2900  }
0x6: {  	s8 =	sand.u32 $0x1, s0;
	s0 =	rddreg [dreg:$0x2];
	s7 =	smul.u32 $0x14000, s1  }
0x7: {  	[smem:$0x7FF] =	sst s4;
	s5 =	sadd.s32 $0x8D600, s2;
	s10 =	smul.u32 $0x50000, s1  }
0x8: {  	s6 =	smul.u32 $0x140000, s8;
	_ =	strace $0x80000056;
	s31 =	ssub.s32 $0x2, s8  }
0x9: {  	s8 =	sshll.u32 s8, $0x4;
	s11 =	sshrl.u32 s31, $0x1;
	s10 =	sshrl.u32 s10, $0x2  }
0xa: {  	s13 =	sor.u32 s1, s8;
	s7 =	sadd.s32 s7, s6;
	s6 =	sadd.s32 $0x128200, s2  }
0xb: {  	s15 =	ssub.s32 s31, s11;
	s8 =	sadd.s32 s10, s3;
	s13 =	smul.u32 $0x2710, s13  }
0xc: {  	s9 =	sshrl.u32 s7, $0x3;
	s7 =	sadd.s32 $0x9E00, s2;
	s10 =	sadd.s32 $0x8000, s8  }
0xd: {  	s11 =	sadd.s32 $0xC000, s8;
	s12 =	sadd.s32 $0x10000, s8;
	s14 =	sadd.s32 s9, s2  }
0xe: {  	v0 =	vimm.f32 $0.0e+00;
	s15 =	smax.u32 s15, $0x1;
	s9 =	sadd.s32 $0x4000, s8;
	s14 =	sadd.s32 $0x6D1400, s14  }
.LBB2_1:
0xf: {  	s24 =	simm.s32 $0x0;
	s25 =	simm.s32 $0x200  }
.LBB2_2:
0x10: {  	p0 =	sne.s32 s25, $0xFE00;
	[tilespmem:s24+$0x7970] =	vst v0  }
0x11: {  	[tilespmem:s24+$0x7900] =	vst v0  }
0x12: {  	[tilespmem:s24+$0x7910] =	vst v0  }
.Ltmp0:
0x13: {  	[tilespmem:s24+$0x7920] =	vst v0;
	(pc) =	sbr.rel @p0 .LBB2_2-.Ltmp0, $4  }
0x14: {  	[tilespmem:s24+$0x7930] =	vst v0  }
0x15: {  	[tilespmem:s24+$0x7940] =	vst v0  }
0x16: {  	[tilespmem:s24+$0x7950] =	vst v0  }
0x17: {  	[tilespmem:s24+$0x7960] =	vst v0;
	s24 =	sshra.s32 s25, $0x2;
	s25 =	sadd.s32 $0x200, s25  }
0x18: {  	[tilespmem:s24+$0x7970] =	vst v0  }
0x19: {  	[tilespmem:s24+$0x7900] =	vst v0  }
0x1a: {  	[tilespmem:s24+$0x7910] =	vst v0  }
0x1b: {  	[tilespmem:s24+$0x7920] =	vst v0  }
0x1c: {  	[tilespmem:s24+$0x7930] =	vst v0  }
0x1d: {  	[tilespmem:s24+$0x7940] =	vst v0  }
0x1e: {  	[tilespmem:s24+$0x7950] =	vst v0  }
0x1f: {  	[tilespmem:s24+$0x7960] =	vst v0  }
0x20: {  	[spmem:s8] =	stream.linear.scatter [tilespmem:s16], [sflag:$0x2], $0x4000, $0x38;
	[tilespmem:$0x1F900] =	vst v63  }
0x21: {  	_ =	swait.ge [sflag:s17], $0x4000  }
0x22: {  	[sflag:s17] =	ssyncset.done $0x0  }
0x23: {  	[sflag:s17] =	ssyncadd.s32 $0xFFFFC000  }
0x24: {  	[spmem:s9] =	stream.linear.scatter [tilespmem:s16], [sflag:$0x2], $0x4000, $0x38;
	[tilespmem:$0x1F900] =	vst v63  }
0x25: {  	_ =	swait.ge [sflag:s17], $0x4000  }
0x26: {  	[sflag:s17] =	ssyncset.done $0x0  }
0x27: {  	[sflag:s17] =	ssyncadd.s32 $0xFFFFC000  }
0x28: {  	[spmem:s10] =	stream.linear.scatter [tilespmem:s16], [sflag:$0x2], $0x4000, $0x38;
	[tilespmem:$0x1F900] =	vst v63  }
0x29: {  	_ =	swait.ge [sflag:s17], $0x4000  }
0x2a: {  	[sflag:s17] =	ssyncset.done $0x0  }
0x2b: {  	[sflag:s17] =	ssyncadd.s32 $0xFFFFC000  }
0x2c: {  	[spmem:s11] =	stream.linear.scatter [tilespmem:s16], [sflag:$0x2], $0x4000, $0x38;
	[tilespmem:$0x1F900] =	vst v63  }
0x2d: {  	_ =	swait.ge [sflag:s17], $0x4000  }
0x2e: {  	[sflag:s17] =	ssyncset.done $0x0  }
0x2f: {  	[sflag:s17] =	ssyncadd.s32 $0xFFFFC000  }
0x30: {  	[spmem:s12] =	stream.linear.scatter [tilespmem:s16], [sflag:$0x2], $0x4000, $0x38;
	[tilespmem:$0x1F900] =	vst v63  }
0x31: {  	_ =	swait.ge [sflag:s17], $0x4000  }
0x32: {  	[sflag:s17] =	ssyncset.done $0x0  }
0x33: {  	[sflag:s17] =	ssyncadd.s32 $0xFFFFC000  }
0x34: {  	s24 =	simm.s32 $0x0;
	s25 =	simm.s32 $0x0;
	[bflag:$0x0] =	sbarrier.arrive $0xFFFF  }
.LBB2_4:
0x35: {  	s26 =	smul.u32 $0x50, s25;
	_ =	sdelay $0x1  }
0x36: {  	s26 =	sadd.s32 s13, s26  }
0x37: {  	s28 =	sshrl.u32 s26, $0x3  }
0x38: {  	s29 =	sadd.s32 s2, s28  }
0x39: {  	[tilespmem:s24], [sflag:$0x2] =	stream.linear.gather [hbm4b:s29+s24], $0x50, $0x38;
	[tilespmem:$0x1F900] =	vst v63  }
0x3a: {  	_ =	swait.ge [sflag:s17], $0x50  }
0x3b: {  	[sflag:s17] =	ssyncset.done $0x0  }
0x3c: {  	s28 =	sadd.s32 s7, s28;
	[sflag:s17] =	ssyncadd.s32 $0xFFFFFFB0  }
0x3d: {  	[tilespmem:s18], [sflag:$0x2] =	stream.linear.gather [hbm4b:s28+s24], $0x50, $0x38;
	[tilespmem:$0x1F900] =	vst v63  }
0x3e: {  	_ =	swait.ge [sflag:s17], $0x50  }
0x3f: {  	s26 =	sshll.u32 s26, $0x4;
	[sflag:s17] =	ssyncset.done $0x0  }
0x40: {  	s26 =	sadd.s32 s6, s26;
	[sflag:s17] =	ssyncadd.s32 $0xFFFFFFB0  }
0x41: {  	[tilespmem:s19], [sflag:$0x2] =	stream.linear.gather [hbm4b:s26+s24], $0x2800, $0x38;
	[tilespmem:$0x1F900] =	vst v63  }
0x42: {  	_ =	swait.ge [sflag:s17], $0x2800  }
0x43: {  	[sflag:s17] =	ssyncset.done $0x0  }
0x44: {  	[sflag:s17] =	ssyncadd.s32 $0xFFFFD800  }
0x45: {  	[tilespmem:s21], [sflag:$0x1] =	stream.indirect.gather [hbm4b:s5+s20], $0x80, s24, s20, $0xb8;
	[tilespmem:$0x1F900] =	vst v63  }
0x46: {  	_ =	swait.ge [sflag:s22], $0x2800  }
0x47: {  	[sflag:s22] =	ssyncset.done $0x0  }
0x48: {  	s28 =	simm.s32 $0x0;
	[sflag:s22] =	ssyncadd.s32 $0xFFFFD800  }
0x49: {  	v1 =	vld [tilespmem:s28+$0x5120]  }
0x4a: {  	v2 =	vld [tilespmem:s28+$0x170]  }
0x4b: {  	v7 =	vld [tilespmem:s28+$0x100]  }
0x4c: {  	v8 =	vld [tilespmem:s28+$0x110]  }
0x4d: {  	v9 =	vld [tilespmem:s28+$0x120]  }
0x4e: {  	v6 =	vld [tilespmem:s28+$0x130]  }
0x4f: {  	v4 =	vld [tilespmem:s28+$0x140];
	v2 =	vmul.f32 v2, v1  }
0x50: {  	v5 =	vld [tilespmem:s28+$0x150];
	v10 =	vmul.f32 v7, v1  }
0x51: {  	s26 =	simm.s32 $0x80;
	v3 =	vld [tilespmem:s28+$0x160];
	v7 =	vmul.f32 v8, v1;
	[tilespmem:s28+$0x2970] =	vst v2  }
0x52: {  	s29 =	simm.s32 $0x400;
	v8 =	vmul.f32 v9, v1;
	v2 =	vld [tilespmem:s26+$0x5120];
	[tilespmem:s28+$0x2900] =	vst v10  }
.LBB2_5:
0x53: {  	p0 =	sne.s32 s29, $0x9E00;
	v9 =	vld [tilespmem:s26+$0x170];
	[tilespmem:s28+$0x2910] =	vst v7;
	v6 =	vmul.f32 v6, v1  }
0x54: {  	v7 =	vld [tilespmem:s26+$0x100];
	[tilespmem:s28+$0x2920] =	vst v8;
	v4 =	vmul.f32 v4, v1  }
0x55: {  	v8 =	vld [tilespmem:s26+$0x110];
	[tilespmem:s28+$0x2930] =	vst v6;
	v5 =	vmul.f32 v5, v1  }
0x56: {  	v10 =	vld [tilespmem:s26+$0x120];
	[tilespmem:s28+$0x2940] =	vst v4;
	v3 =	vmul.f32 v3, v1  }
.Ltmp1:
0x57: {  	v6 =	vld [tilespmem:s26+$0x130];
	[tilespmem:s28+$0x2950] =	vst v5;
	v1 =	vmov v2;
	(pc) =	sbr.rel @p0 .LBB2_5-.Ltmp1, $4  }
0x58: {  	v4 =	vld [tilespmem:s26+$0x140];
	v2 =	vmul.f32 v9, v1;
	[tilespmem:s28+$0x2960] =	vst v3;
	s28 =	smov.u32 s26  }
0x59: {  	v9 =	vmul.f32 v7, v1;
	v5 =	vld [tilespmem:s28+$0x150]  }
0x5a: {  	s26 =	sshra.s32 s29, $0x2;
	v7 =	vmul.f32 v8, v1;
	v3 =	vld [tilespmem:s28+$0x160];
	[tilespmem:s28+$0x2970] =	vst v2  }
0x5b: {  	s29 =	sadd.s32 $0x200, s29;
	v2 =	vld [tilespmem:s26+$0x5120];
	[tilespmem:s28+$0x2900] =	vst v9;
	v8 =	vmul.f32 v10, v1  }
0x5c: {  	v9 =	vld [tilespmem:s26+$0x170];
	[tilespmem:s28+$0x2910] =	vst v7;
	v6 =	vmul.f32 v6, v1  }
0x5d: {  	v7 =	vld [tilespmem:s26+$0x100];
	[tilespmem:s28+$0x2920] =	vst v8;
	v4 =	vmul.f32 v4, v1  }
0x5e: {  	v8 =	vld [tilespmem:s26+$0x110];
	[tilespmem:s28+$0x2930] =	vst v6;
	v5 =	vmul.f32 v5, v1  }
0x5f: {  	v6 =	vld [tilespmem:s26+$0x120];
	[tilespmem:s28+$0x2940] =	vst v4;
	v1 =	vmul.f32 v3, v1  }
0x60: {  	v4 =	vld [tilespmem:s26+$0x130];
	[tilespmem:s28+$0x2950] =	vst v5  }
0x61: {  	v3 =	vld [tilespmem:s26+$0x140];
	[tilespmem:s28+$0x2960] =	vst v1;
	v1 =	vmul.f32 v9, v2  }
0x62: {  	v5 =	vld [tilespmem:s26+$0x150];
	v7 =	vmul.f32 v7, v2  }
0x63: {  	v63 =	vld [tilespmem:s26+$0x160];
	v8 =	vmul.f32 v8, v2;
	[tilespmem:s26+$0x2970] =	vst v1  }
0x64: {  	[tilespmem:s26+$0x2900] =	vst v7;
	v1 =	vmul.f32 v6, v2  }
0x65: {  	[tilespmem:s26+$0x2910] =	vst v8;
	v4 =	vmul.f32 v4, v2  }
0x66: {  	[tilespmem:s26+$0x2920] =	vst v1;
	v1 =	vmul.f32 v3, v2  }
0x67: {  	[tilespmem:s26+$0x2930] =	vst v4;
	v3 =	vmul.f32 v5, v2  }
0x68: {  	s25 =	sadd.s32 $0x1, s25;
	[tilespmem:s26+$0x2940] =	vst v1;
	v1 =	vmul.f32 v63, v2  }
0x69: {  	p0 =	sne.s32 s25, $0x7D;
	[tilespmem:s26+$0x2950] =	vst v3  }
.Ltmp2:
0x6a: {  	[tilespmem:s26+$0x2960] =	vst v1;
	(pc) =	sbr.rel @p0 .LBB2_4-.Ltmp2, $4  }
0x6b: {  	[spmem:s3] =	stream.indirect.scatter.add.f32 [tilespmem:s23], [sflag:$0x2], $0x80, s18, s20, $0xb8;
	[tilespmem:$0x1F900] =	vst v63  }
0x6c: {  	_ =	swait.ge [sflag:s17], $0x2800  }
0x6d: {  	[sflag:s17] =	ssyncset.done $0x0  }
0x6e: {  	[sflag:s17] =	ssyncadd.s32 $0xFFFFD800  }
0x6f: {  	s4 =	sadd.s32 $0x1, s4  }
0x70: {  	s24 =	sshll.u32 s1, $0x6;
	[bflag:$0x0] =	sbarrier.arrive $0xFFFF;
	p0 =	sne.s32 s4, s15  }
.Ltmp3:
0x71: {  	s25 =	sshrl.u32 s8, $0x3;
	s24 =	sor.u32 $0x1C02, s24;
	(pc) =	sbr.rel @p0 .LBB2_1-.Ltmp3, $4  }
0x72: {  	[hbm:s14], [sflag:s24] =	dma.local [spmem:s25], $0x2800  }
0x73: {  	_ =	swait.ge [sflag:s17], $0x2800  }
0x74: {  	[sflag:s17] =	ssyncset.done $0x0  }
0x75: {  	[sflag:s17] =	ssyncadd.s32 $0xFFFFD800  }
0x76: {  	_ =	sfence.sel $0x180000  }
0x77: {  	[bflag:$0x0] =	sbarrier.arrive $0xFFFF  }
0x78: {  	p0 =	sne.s32 s1, $0x0;
	_ =	strace $0x90000056  }
0x79: {  	s0 =	sadd.s32 @!p0 $0x100000, s0;
	[bflag:$0x2] =	sbarrier.arrive $0xFFFF  }
0x7a: {  	[sflag:s0] =	ssyncadd.tile.s32 @!p0 $0x1;
	_ =	shalt  }
.Lfunc_end2:
_tile_overlayer_lowered:
.L_overlay_start_2:
0x7b: {  	(tag) =	ssettag $0x2  }
0x7c: {  	s0 =	rddreg [dreg:$0x0];
	s2 =	stileid.u32  }
0x7d: {  	s1 =	rddreg [dreg:$0x1];
	p0 =	sne.s32 s2, $0x0  }
0x7e: {  	s3 =	rddreg [dreg:$0x2];
	[bflag:$0x3] =	sbarrier.arrive $0xFFFF;
	s2 =	simm.s32 @!p0 $0x1C02  }
0x7f: {  	[timem:s3], [sflag:s2] =	dma.local @!p0 [hbm:s0], s1  }
0x80: {  	s0 =	simm.s32 @!p0 $0x2  }
0x81: {  	_ =	swait.ge @!p0 [sflag:s0], s1  }
0x82: {  	s1 =	ssub.s32 @!p0 $0x0, s1;
	[sflag:s0] =	ssyncset.done @!p0 $0x0  }
0x83: {  	[sflag:s0] =	ssyncadd.s32 @!p0 s1  }
0x84: {  	[bflag:$0x3] =	sbarrier.arrive $0xFFFF  }
0x85: {  	_ =	shalt  }

// kernel: kernel.29.cloned.1.call-start
scs
__scs_entry_jumppad:
0x0: {  	(pc) =	sbr.rel $0x88, $3  }
0x1: {  	(tag) =	ssettag $0x0;
	lr =	simm.s32 $0x1  }
0x2: {  	[smem:$0x3F8A] =	sst lr;
	_ =	strace $0xD0000000  }
0x3: {  	_ = 	snop  }
0x4: {  	_ = 	snop  }
0x5: {  	_ = 	snop  }
0x6: {  	_ = 	snop  }
0x7: {  	_ = 	snop  }
__scs_overlays_trampoline_lowered:
0x8: {  	[smem:$0x3F99] =	sst s0  }
0x9: {  	[smem:$0x3F9A] =	sst s1  }
0xa: {  	[smem:$0x3F9B] =	sst s2  }
0xb: {  	[smem:$0x3F9C] =	sst s3  }
0xc: {  	[smem:$0x3F9D] =	sst s4  }
0xd: {  	[smem:$0x3F9E] =	sst s5  }
0xe: {  	[smem:$0x3F9F] =	sst s6  }
0xf: {  	[smem:$0x3FA0] =	sst s7  }
0x10: {  	[smem:$0x3FA1] =	sst s8  }
0x11: {  	[smem:$0x3FA2] =	sst s9;
	s0 =	simm.s32 @!p0 $0x0  }
0x12: {  	s1 =	sld [smem:$0x3F88];
	s0 =	simm.s32 @p0 $0x1  }
0x13: {  	[smem:$0x3FA3] =	sst s0;
	s0 =	simm.s32 @!p1 $0x0  }
0x14: {  	s2 =	sld [smem:$0x3F87];
	s0 =	simm.s32 @p1 $0x1  }
0x15: {  	[smem:$0x3FA4] =	sst s0;
	s0 =	simm.s32 @!p2 $0x0  }
0x16: {  	s3 =	sld [smem:$0x3FDB];
	s0 =	simm.s32 @p2 $0x1  }
0x17: {  	s4 =	simm.s32 $0x1BF5;
	[smem:$0x3FA6] =	sst s0  }
0x18: {  	s0 =	sld [smem:$0x3F89];
	_ =	swait.ge [sflag:s4], $0x0  }
0x19: {  	s7 =	sld [smem:$0x3F8A]  }
0x1a: {  	s8 =	sadd.s32 $0xFFFFE003, lr  }
0x1b: {  	s9 =	sadd.s32 $0xFFFFFEF7, lr;
	s5 =	simm.s32 $0xFFFFFFFF;
	p2 =	slt.u32 s8, $0xFFFFF086  }
0x1c: {  	p1 =	slt.u32 s9, $0xF7A;
	s5 =	simm.s32 @!p2 $0x0  }
0x1d: {  	s5 =	simm.s32 @p1 $0x1;
	p0 =	seq.s32 s7, s2  }
0x1e: {  	s7 =	smul.u32 @!p0 $0xF7A, s2;
	p2 =	seq.s32 @!p0 s5, $0x0  }
0x1f: {  	s9 =	smul.u32 $0xF7A, s1;
	s8 =	simm.s32 @!p0 $0x1BF5;
	p2 =	por !p2, p0  }
0x20: {  	[sflag:s8] =	ssyncset.s32 @!p0 $0xFFFFF086;
	s6 =	sadd.s32 @!p0 s3, s7;
	s7 =	simm.s32 @!p0 $0x108  }
0x21: {  	s3 =	sadd.s32 s3, s9;
	s6 =	sadd.s32 @!p0 $0x88, s6;
	s7 =	simm.s32 @p2 $0x1082  }
0x22: {  	[simem:s7], [sflag:s8] =	dma.local @!p0 [hbm:s6], $0xF7A  }
0x23: {  	s9 =	sor.u32 $0xD0000000, s2;
	s6 =	simm.s32 $0x108;
	_ =	swait.ge @!p0 [sflag:s8], $0x0  }
0x24: {  	s3 =	sadd.s32 $0x88, s3;
	s6 =	simm.s32 @!p1 $0x1082;
	[sflag:s4] =	ssyncset.s32 $0xFFFFF086  }
0x25: {  	[simem:s6], [sflag:s4] =	dma.local [hbm:s3], $0xF7A  }
0x26: {  	[smem:$0x3F8A] =	sst s1;
	(tag) =	ssettag s2;
	_ =	strace s9  }
0x27: {  	s1 =	sld [smem:$0x3F9A]  }
0x28: {  	s2 =	sld [smem:$0x3F9B]  }
0x29: {  	s4 =	sld [smem:$0x3F9D]  }
0x2a: {  	p0 =	seq.s32 s5, $0x0;
	s5 =	sld [smem:$0x3F9E]  }
0x2b: {  	s6 =	sld [smem:$0x3F9F]  }
0x2c: {  	s7 =	sld [smem:$0x3FA0]  }
0x2d: {  	s3 =	simm.s32 $0x108;
	s8 =	sld [smem:$0x3FA1]  }
0x2e: {  	s3 =	simm.s32 @!p0 $0x1082;
	s9 =	sld [smem:$0x3FA2]  }
0x2f: {  	lr =	sadd.s32 s0, s3;
	s0 =	sld [smem:$0x3F99]  }
0x30: {  	s3 =	sld [smem:$0x3F9C]  }
0x31: {  	[smem:$0x3FA5] =	sst s10  }
0x32: {  	s10 =	sld [smem:$0x3FA3];
	_ =	sdelay $0x3  }
0x33: {  	p0 =	seq.s32 s10, $0x1;
	s10 =	sld [smem:$0x3FA5];
	_ =	sdelay $0x3  }
0x34: {  	[smem:$0x3FA5] =	sst s10  }
0x35: {  	s10 =	sld [smem:$0x3FA4];
	_ =	sdelay $0x3  }
0x36: {  	p1 =	seq.s32 s10, $0x1;
	s10 =	sld [smem:$0x3FA5];
	_ =	sdelay $0x3  }
0x37: {  	[smem:$0x3FA5] =	sst s10  }
0x38: {  	s10 =	sld [smem:$0x3FA6]  }
0x39: {  	_ = 	snop;
	(pc) =	sbr.ind lr, $3  }
0x3a: {  	_ = 	snop  }
0x3b: {  	_ = 	snop  }
0x3c: {  	p2 =	seq.s32 s10, $0x1;
	s10 =	sld [smem:$0x3FA5]  }
0x3d: {  	_ =	shalt  }
0x3e: {  	_ =	shalt  }
0x3f: {  	_ =	shalt  }
0x40: {  	_ =	shalt  }
0x41: {  	_ =	shalt  }
0x42: {  	_ =	shalt  }
0x43: {  	_ =	shalt  }
0x44: {  	_ =	shalt  }
0x45: {  	_ =	shalt  }
0x46: {  	_ =	shalt  }
0x47: {  	_ =	shalt  }
0x48: {  	_ =	shalt  }
0x49: {  	_ =	shalt  }
0x4a: {  	_ =	shalt  }
0x4b: {  	_ =	shalt  }
0x4c: {  	_ =	shalt  }
0x4d: {  	_ =	shalt  }
0x4e: {  	_ =	shalt  }
0x4f: {  	_ =	shalt  }
0x50: {  	_ =	shalt  }
0x51: {  	_ =	shalt  }
0x52: {  	_ =	shalt  }
0x53: {  	_ =	shalt  }
0x54: {  	_ =	shalt  }
0x55: {  	_ =	shalt  }
0x56: {  	_ =	shalt  }
0x57: {  	_ =	shalt  }
0x58: {  	_ =	shalt  }
0x59: {  	_ =	shalt  }
0x5a: {  	_ =	shalt  }
0x5b: {  	_ =	shalt  }
0x5c: {  	_ =	shalt  }
0x5d: {  	_ =	shalt  }
0x5e: {  	_ =	shalt  }
0x5f: {  	_ =	shalt  }
0x60: {  	_ =	shalt  }
0x61: {  	_ =	shalt  }
0x62: {  	_ =	shalt  }
0x63: {  	_ =	shalt  }
0x64: {  	_ =	shalt  }
0x65: {  	_ =	shalt  }
0x66: {  	_ =	shalt  }
0x67: {  	_ =	shalt  }
0x68: {  	_ =	shalt  }
0x69: {  	_ =	shalt  }
0x6a: {  	_ =	shalt  }
0x6b: {  	_ =	shalt  }
0x6c: {  	_ =	shalt  }
0x6d: {  	_ =	shalt  }
0x6e: {  	_ =	shalt  }
0x6f: {  	_ =	shalt  }
0x70: {  	_ =	shalt  }
0x71: {  	_ =	shalt  }
0x72: {  	_ =	shalt  }
0x73: {  	_ =	shalt  }
0x74: {  	_ =	shalt  }
0x75: {  	_ =	shalt  }
0x76: {  	_ =	shalt  }
0x77: {  	_ =	shalt  }
0x78: {  	_ =	shalt  }
0x79: {  	_ =	shalt  }
0x7a: {  	_ =	shalt  }
0x7b: {  	_ =	shalt  }
0x7c: {  	_ =	shalt  }
0x7d: {  	_ =	shalt  }
0x7e: {  	_ =	shalt  }
0x7f: {  	_ =	shalt  }
0x80: {  	_ =	shalt  }
0x81: {  	_ =	shalt  }
0x82: {  	_ =	shalt  }
0x83: {  	_ =	shalt  }
0x84: {  	_ =	shalt  }
0x85: {  	_ =	shalt  }
0x86: {  	_ =	shalt  }
0x87: {  	_ =	shalt  }
.Lfunc_end0:
.L_simem_size_0:
called_computation.7_lowered:
.L_overlay_start_0:
0x88: {  	s2 =	sld [smem:$0x3FD9]  }
0x89: {  	s3 =	sld [smem:$0x3FFE];
	_ =	sdelay $0x1  }
0x8a: {  	s1 =	srdreg.scid  }
0x8b: {  	s0 =	sand.u32 $0x1, s1  }
0x8c: {  	s17 =	sshll.u32 s0, $0xA;
	s2 =	sadd.s32 s3, s2  }
0x8d: {  	s2 =	sadd.s32 s2, s17  }
0x8e: {  	[smem:$0x3FB1] =	sst s2  }
0x8f: {  	_ = 	snop  }
0x90: {  	(tm) =	ssettm $0x1  }
0x91: {  	s18 =	sld [smem:$0x3FFB];
	_ =	sdelay $0x3  }
0x92: {  	_ =	strace s18  }
0x93: {  	s2 =	sld [smem:$0x3FFC];
	_ =	sdelay $0x3  }
0x94: {  	_ =	strace s2  }
0x95: {  	s2 =	sld [smem:$0x3FFD];
	_ =	sdelay $0x3  }
0x96: {  	_ =	strace s2  }
0x97: {  	_ =	strace $0x8FFFFFFF  }
0x98: {  	s19 =	sld [smem:$0x3FDB];
	_ =	sdelay $0x1  }
0x99: {  	s20 =	simm.s32 $_scs_section_size  }
0x9a: {  	s4 =	simm.s32 $_size__tile_overlayer_lowered;
	s5 =	simm.s32 $_tile_overlayer_lowered  }
0x9b: {  	s6 =	simm.s32 $0x1BFF;
	s21 =	sshll.u32 s5, $0x1;
	s3 =	sadd.s32 s20, s19  }
0x9c: {  	s22 =	simm.s32 $0x0;
	s4 =	sshll.u32 s4, $0x1;
	s5 =	sadd.s32 s21, s3  }
0x9d: {  	[timem:s22], [sflag:s6] =	dma.local [hbm:s5], s4  }
0x9e: {  	_ =	swait.ge [sflag:s6], s4  }
0x9f: {  	s4 =	ssub.s32 $0x0, s4;
	[sflag:s6] =	ssyncset.done $0x0  }
0xa0: {  	[sflag:s6] =	ssyncadd.s32 s4;
	_ =	sdelay $0x1  }
0xa1: {  	s23 =	simm.s32 $0x1B8B  }
0xa2: {  	_ =	swait.ge [sflag:s23], $0x1  }
0xa3: {  	[sflag:s23] =	ssyncset.done $0x0  }
0xa4: {  	[sflag:s23] =	ssyncadd.s32 $0xFFFFFFFF  }
0xa5: {  	s4 =	sld [smem:$0x0]  }
0xa6: {  	s5 =	sand.u32 $0xFFFFFFFE, s1  }
0xa7: {  	p0 =	sne.s32 s1, s5  }
0xa8: {  	s5 =	sshll.u32 @p0 s5, $0xE  }
0xa9: {  	s5 =	sadd.s32 @p0 $0x11B8D, s5;
	s6 =	sshll.u32 @p0 s4, $0x11  }
0xaa: {  	s5 =	sor.u32 @p0 s6, s5  }
0xab: {  	[sflag:s5] =	ssyncadd.remote.s32 @p0 $0x1;
	_ =	sdelay $0x1  }
0xac: {  	s5 =	simm.s32 @p0 $0x1B8D  }
0xad: {  	_ =	swait.eq @p0 [sflag:s5], $0x1  }
0xae: {  	[sflag:s5] =	ssyncadd.s32 @p0 $0xFFFFFFFF  }
0xaf: {  	s6 =	sshll.u32 @!p0 s1, $0xE  }
0xb0: {  	s6 =	sor.u32 @!p0 $0x4000, s6;
	s5 =	simm.s32 @!p0 $0x1B8D  }
0xb1: {  	s4 =	sshll.u32 @!p0 s4, $0x11;
	s6 =	sadd.s32 @!p0 $0x11B8D, s6;
	_ =	swait.eq @!p0 [sflag:s5], $0x1  }
0xb2: {  	s4 =	sor.u32 @!p0 s4, s6;
	[sflag:s5] =	ssyncadd.s32 @!p0 $0xFFFFFFFF  }
0xb3: {  	s25 =	simm.s32 $0x1B8E;
	s24 =	sld [smem:$0x3FFE];
	[sflag:s4] =	ssyncadd.remote.s32 @!p0 $0x1  }
0xb4: {  	s26 =	simm.s32 $execute0_lowered;
	[smem:$0x3FD2] =	sst s25  }
0xb5: {  	s5 =	sshll.u32 s26, $0x1;
	_ =	strace $0x80000058;
	[dreg:$0x1] =	wrdreg $0xFFFFFFFF  }
0xb6: {  	s28 =	simm.s32 $_size_execute0_lowered;
	s3 =	sadd.s32 s3, s5;
	[dreg:$0x0] =	wrdreg $0x0  }
0xb7: {  	s5 =	sshll.u32 s28, $0x1;
	[dreg:$0x2] =	wrdreg s3  }
0xb8: {  	[dreg:$0x3] =	wrdreg s5  }
0xb9: {  	[dreg:$0x4] =	wrdreg $0xC0  }
0xba: {  	_ =	task [dreg:s22], $0x5FFFF  }
0xbb: {  	[dreg:$0x1] =	wrdreg $0xFFFFFFFF  }
0xbc: {  	[dreg:$0x0] =	wrdreg $0x60  }
0xbd: {  	[dreg:$0x2] =	wrdreg s24  }
0xbe: {  	[dreg:$0x3] =	wrdreg $0xB9000  }
0xbf: {  	[dreg:$0x4] =	wrdreg $0xC  }
0xc0: {  	_ =	task.clear_ibuf [dreg:s22], $0x5FFFF;
	_ =	strace $0x90000058  }
0xc1: {  	s29 =	simm.s32 $0xC;
	_ =	strace $0x8000005A  }
0xc2: {  	_ =	swait.ge [sflag:s29], $0x1  }
0xc3: {  	[sflag:s29] =	ssyncadd.s32 $0xFFFFFFFF  }
0xc4: {  	_ =	strace $0x9000005A  }
0xc5: {  	_ =	sfence  }
0xc6: {  	s30 =	sld [smem:$0x0];
	_ =	sdelay $0x2  }
0xc7: {  	s31 =	sshll.u32 s1, $0xD;
	s1 =	sshrl.u32 s1, $0x2  }
0xc8: {  	s4 =	sand.u32 $0x4000, s31;
	s1 =	sadd.s32 s1, s30  }
0xc9: {  	s0 =	sor.u32 s4, s0;
	s1 =	sshll.u32 s1, $0x11  }
0xca: {  	s0 =	sor.u32 s1, s0  }
0xcb: {  	s0 =	sadd.s32 $0x8F2B, s0  }
0xcc: {  	[sflag:s0] =	ssyncadd.remote.s32 $0x1  }
0xcd: {  	_ =	sfence.sel $0xFFFF  }
0xce: {  	[dreg:$0x0] =	wrdreg $0xFFFFFFFF;
	(pc) =	sbr.abs _section_cstart, $3  }
0xcf: {  	[dreg:$0x1] =	wrdreg $0xFFFFFFFF  }
0xd0: {  	_ =	task.clear_ibuf [dreg:s22], $0x2FFFF;
	_ =	strace $0x9FFFFFFF  }
0xd1: {  	(tm) =	ssettm $0x7FFFFFFF  }
tec
execute0_lowered:
.L_overlay_start_1:
0x0: {  	(tag) =	ssettag $0x1  }
0x1: {  	s2 =	rddreg [dreg:$0x0];
	s0 =	srdreg.scid  }
0x2: {  	s3 =	rddreg [dreg:$0x1];
	s1 =	stileid.u32  }
0x3: {  	s4 =	simm.s32 $0x0;
	s16 =	simm.s32 $0x7900;
	s17 =	simm.s32 $0x2  }
0x4: {  	s18 =	simm.s32 $0x80;
	s19 =	simm.s32 $0x5100;
	s20 =	simm.s32 $0x50  }
0x5: {  	s21 =	simm.s32 $0x100;
	s22 =	simm.s32 $0x1;
	s23 =	simm.s32 $0x2900  }
0x6: {  	s8 =	sand.u32 $0x1, s0;
	s0 =	rddreg [dreg:$0x2];
	s7 =	smul.u32 $0x14000, s1  }
0x7: {  	[smem:$0x7FF] =	sst s4;
	s5 =	sadd.s32 $0xB4800, s2;
	s10 =	smul.u32 $0x50000, s1  }
0x8: {  	s6 =	smul.u32 $0x140000, s8;
	_ =	strace $0x80000059;
	s31 =	ssub.s32 $0x2, s8  }
0x9: {  	s8 =	sshll.u32 s8, $0x4;
	s11 =	sshrl.u32 s31, $0x1;
	s10 =	sshrl.u32 s10, $0x2  }
0xa: {  	s13 =	sor.u32 s1, s8;
	s7 =	sadd.s32 s7, s6;
	s6 =	sadd.s32 $0x128200, s2  }
0xb: {  	s15 =	ssub.s32 s31, s11;
	s8 =	sadd.s32 s10, s3;
	s13 =	smul.u32 $0x2710, s13  }
0xc: {  	s9 =	sshrl.u32 s7, $0x3;
	s7 =	sadd.s32 $0x9E00, s2;
	s10 =	sadd.s32 $0x8000, s8  }
0xd: {  	s11 =	sadd.s32 $0xC000, s8;
	s12 =	sadd.s32 $0x10000, s8;
	s14 =	sadd.s32 s9, s2  }
0xe: {  	v0 =	vimm.f32 $0.0e+00;
	s15 =	smax.u32 s15, $0x1;
	s9 =	sadd.s32 $0x4000, s8;
	s14 =	sadd.s32 $0x721400, s14  }
.LBB2_1:
0xf: {  	s24 =	simm.s32 $0x0;
	s25 =	simm.s32 $0x200  }
.LBB2_2:
0x10: {  	p0 =	sne.s32 s25, $0xFE00;
	[tilespmem:s24+$0x7970] =	vst v0  }
0x11: {  	[tilespmem:s24+$0x7900] =	vst v0  }
0x12: {  	[tilespmem:s24+$0x7910] =	vst v0  }
.Ltmp0:
0x13: {  	[tilespmem:s24+$0x7920] =	vst v0;
	(pc) =	sbr.rel @p0 .LBB2_2-.Ltmp0, $4  }
0x14: {  	[tilespmem:s24+$0x7930] =	vst v0  }
0x15: {  	[tilespmem:s24+$0x7940] =	vst v0  }
0x16: {  	[tilespmem:s24+$0x7950] =	vst v0  }
0x17: {  	[tilespmem:s24+$0x7960] =	vst v0;
	s24 =	sshra.s32 s25, $0x2;
	s25 =	sadd.s32 $0x200, s25  }
0x18: {  	[tilespmem:s24+$0x7970] =	vst v0  }
0x19: {  	[tilespmem:s24+$0x7900] =	vst v0  }
0x1a: {  	[tilespmem:s24+$0x7910] =	vst v0  }
0x1b: {  	[tilespmem:s24+$0x7920] =	vst v0  }
0x1c: {  	[tilespmem:s24+$0x7930] =	vst v0  }
0x1d: {  	[tilespmem:s24+$0x7940] =	vst v0  }
0x1e: {  	[tilespmem:s24+$0x7950] =	vst v0  }
0x1f: {  	[tilespmem:s24+$0x7960] =	vst v0  }
0x20: {  	[spmem:s8] =	stream.linear.scatter [tilespmem:s16], [sflag:$0x2], $0x4000, $0x38;
	[tilespmem:$0x1F900] =	vst v63  }
0x21: {  	_ =	swait.ge [sflag:s17], $0x4000  }
0x22: {  	[sflag:s17] =	ssyncset.done $0x0  }
0x23: {  	[sflag:s17] =	ssyncadd.s32 $0xFFFFC000  }
0x24: {  	[spmem:s9] =	stream.linear.scatter [tilespmem:s16], [sflag:$0x2], $0x4000, $0x38;
	[tilespmem:$0x1F900] =	vst v63  }
0x25: {  	_ =	swait.ge [sflag:s17], $0x4000  }
0x26: {  	[sflag:s17] =	ssyncset.done $0x0  }
0x27: {  	[sflag:s17] =	ssyncadd.s32 $0xFFFFC000  }
0x28: {  	[spmem:s10] =	stream.linear.scatter [tilespmem:s16], [sflag:$0x2], $0x4000, $0x38;
	[tilespmem:$0x1F900] =	vst v63  }
0x29: {  	_ =	swait.ge [sflag:s17], $0x4000  }
0x2a: {  	[sflag:s17] =	ssyncset.done $0x0  }
0x2b: {  	[sflag:s17] =	ssyncadd.s32 $0xFFFFC000  }
0x2c: {  	[spmem:s11] =	stream.linear.scatter [tilespmem:s16], [sflag:$0x2], $0x4000, $0x38;
	[tilespmem:$0x1F900] =	vst v63  }
0x2d: {  	_ =	swait.ge [sflag:s17], $0x4000  }
0x2e: {  	[sflag:s17] =	ssyncset.done $0x0  }
0x2f: {  	[sflag:s17] =	ssyncadd.s32 $0xFFFFC000  }
0x30: {  	[spmem:s12] =	stream.linear.scatter [tilespmem:s16], [sflag:$0x2], $0x4000, $0x38;
	[tilespmem:$0x1F900] =	vst v63  }
0x31: {  	_ =	swait.ge [sflag:s17], $0x4000  }
0x32: {  	[sflag:s17] =	ssyncset.done $0x0  }
0x33: {  	[sflag:s17] =	ssyncadd.s32 $0xFFFFC000  }
0x34: {  	s24 =	simm.s32 $0x0;
	s25 =	simm.s32 $0x0;
	[bflag:$0x0] =	sbarrier.arrive $0xFFFF  }
.LBB2_4:
0x35: {  	s26 =	smul.u32 $0x50, s25;
	_ =	sdelay $0x1  }
0x36: {  	s26 =	sadd.s32 s13, s26  }
0x37: {  	s28 =	sshrl.u32 s26, $0x3  }
0x38: {  	s29 =	sadd.s32 s2, s28  }
0x39: {  	[tilespmem:s24], [sflag:$0x2] =	stream.linear.gather [hbm4b:s29+s24], $0x50, $0x38;
	[tilespmem:$0x1F900] =	vst v63  }
0x3a: {  	_ =	swait.ge [sflag:s17], $0x50  }
0x3b: {  	[sflag:s17] =	ssyncset.done $0x0  }
0x3c: {  	s28 =	sadd.s32 s7, s28;
	[sflag:s17] =	ssyncadd.s32 $0xFFFFFFB0  }
0x3d: {  	[tilespmem:s18], [sflag:$0x2] =	stream.linear.gather [hbm4b:s28+s24], $0x50, $0x38;
	[tilespmem:$0x1F900] =	vst v63  }
0x3e: {  	_ =	swait.ge [sflag:s17], $0x50  }
0x3f: {  	s26 =	sshll.u32 s26, $0x4;
	[sflag:s17] =	ssyncset.done $0x0  }
0x40: {  	s26 =	sadd.s32 s6, s26;
	[sflag:s17] =	ssyncadd.s32 $0xFFFFFFB0  }
0x41: {  	[tilespmem:s19], [sflag:$0x2] =	stream.linear.gather [hbm4b:s26+s24], $0x2800, $0x38;
	[tilespmem:$0x1F900] =	vst v63  }
0x42: {  	_ =	swait.ge [sflag:s17], $0x2800  }
0x43: {  	[sflag:s17] =	ssyncset.done $0x0  }
0x44: {  	[sflag:s17] =	ssyncadd.s32 $0xFFFFD800  }
0x45: {  	[tilespmem:s21], [sflag:$0x1] =	stream.indirect.gather [hbm4b:s5+s20], $0x80, s24, s20, $0xb8;
	[tilespmem:$0x1F900] =	vst v63  }
0x46: {  	_ =	swait.ge [sflag:s22], $0x2800  }
0x47: {  	[sflag:s22] =	ssyncset.done $0x0  }
0x48: {  	s28 =	simm.s32 $0x0;
	[sflag:s22] =	ssyncadd.s32 $0xFFFFD800  }
0x49: {  	v1 =	vld [tilespmem:s28+$0x5130]  }
0x4a: {  	v2 =	vld [tilespmem:s28+$0x170]  }
0x4b: {  	v7 =	vld [tilespmem:s28+$0x100]  }
0x4c: {  	v8 =	vld [tilespmem:s28+$0x110]  }
0x4d: {  	v9 =	vld [tilespmem:s28+$0x120]  }
0x4e: {  	v6 =	vld [tilespmem:s28+$0x130]  }
0x4f: {  	v4 =	vld [tilespmem:s28+$0x140];
	v2 =	vmul.f32 v2, v1  }
0x50: {  	v5 =	vld [tilespmem:s28+$0x150];
	v10 =	vmul.f32 v7, v1  }
0x51: {  	s26 =	simm.s32 $0x80;
	v3 =	vld [tilespmem:s28+$0x160];
	v7 =	vmul.f32 v8, v1;
	[tilespmem:s28+$0x2970] =	vst v2  }
0x52: {  	s29 =	simm.s32 $0x400;
	v8 =	vmul.f32 v9, v1;
	v2 =	vld [tilespmem:s26+$0x5130];
	[tilespmem:s28+$0x2900] =	vst v10  }
.LBB2_5:
0x53: {  	p0 =	sne.s32 s29, $0x9E00;
	v9 =	vld [tilespmem:s26+$0x170];
	[tilespmem:s28+$0x2910] =	vst v7;
	v6 =	vmul.f32 v6, v1  }
0x54: {  	v7 =	vld [tilespmem:s26+$0x100];
	[tilespmem:s28+$0x2920] =	vst v8;
	v4 =	vmul.f32 v4, v1  }
0x55: {  	v8 =	vld [tilespmem:s26+$0x110];
	[tilespmem:s28+$0x2930] =	vst v6;
	v5 =	vmul.f32 v5, v1  }
0x56: {  	v10 =	vld [tilespmem:s26+$0x120];
	[tilespmem:s28+$0x2940] =	vst v4;
	v3 =	vmul.f32 v3, v1  }
.Ltmp1:
0x57: {  	v6 =	vld [tilespmem:s26+$0x130];
	[tilespmem:s28+$0x2950] =	vst v5;
	v1 =	vmov v2;
	(pc) =	sbr.rel @p0 .LBB2_5-.Ltmp1, $4  }
0x58: {  	v4 =	vld [tilespmem:s26+$0x140];
	v2 =	vmul.f32 v9, v1;
	[tilespmem:s28+$0x2960] =	vst v3;
	s28 =	smov.u32 s26  }
0x59: {  	v9 =	vmul.f32 v7, v1;
	v5 =	vld [tilespmem:s28+$0x150]  }
0x5a: {  	s26 =	sshra.s32 s29, $0x2;
	v7 =	vmul.f32 v8, v1;
	v3 =	vld [tilespmem:s28+$0x160];
	[tilespmem:s28+$0x2970] =	vst v2  }
0x5b: {  	s29 =	sadd.s32 $0x200, s29;
	v2 =	vld [tilespmem:s26+$0x5130];
	[tilespmem:s28+$0x2900] =	vst v9;
	v8 =	vmul.f32 v10, v1  }
0x5c: {  	v9 =	vld [tilespmem:s26+$0x170];
	[tilespmem:s28+$0x2910] =	vst v7;
	v6 =	vmul.f32 v6, v1  }
0x5d: {  	v7 =	vld [tilespmem:s26+$0x100];
	[tilespmem:s28+$0x2920] =	vst v8;
	v4 =	vmul.f32 v4, v1  }
0x5e: {  	v8 =	vld [tilespmem:s26+$0x110];
	[tilespmem:s28+$0x2930] =	vst v6;
	v5 =	vmul.f32 v5, v1  }
0x5f: {  	v6 =	vld [tilespmem:s26+$0x120];
	[tilespmem:s28+$0x2940] =	vst v4;
	v1 =	vmul.f32 v3, v1  }
0x60: {  	v4 =	vld [tilespmem:s26+$0x130];
	[tilespmem:s28+$0x2950] =	vst v5  }
0x61: {  	v3 =	vld [tilespmem:s26+$0x140];
	[tilespmem:s28+$0x2960] =	vst v1;
	v1 =	vmul.f32 v9, v2  }
0x62: {  	v5 =	vld [tilespmem:s26+$0x150];
	v7 =	vmul.f32 v7, v2  }
0x63: {  	v63 =	vld [tilespmem:s26+$0x160];
	v8 =	vmul.f32 v8, v2;
	[tilespmem:s26+$0x2970] =	vst v1  }
0x64: {  	[tilespmem:s26+$0x2900] =	vst v7;
	v1 =	vmul.f32 v6, v2  }
0x65: {  	[tilespmem:s26+$0x2910] =	vst v8;
	v4 =	vmul.f32 v4, v2  }
0x66: {  	[tilespmem:s26+$0x2920] =	vst v1;
	v1 =	vmul.f32 v3, v2  }
0x67: {  	[tilespmem:s26+$0x2930] =	vst v4;
	v3 =	vmul.f32 v5, v2  }
0x68: {  	s25 =	sadd.s32 $0x1, s25;
	[tilespmem:s26+$0x2940] =	vst v1;
	v1 =	vmul.f32 v63, v2  }
0x69: {  	p0 =	sne.s32 s25, $0x7D;
	[tilespmem:s26+$0x2950] =	vst v3  }
.Ltmp2:
0x6a: {  	[tilespmem:s26+$0x2960] =	vst v1;
	(pc) =	sbr.rel @p0 .LBB2_4-.Ltmp2, $4  }
0x6b: {  	[spmem:s3] =	stream.indirect.scatter.add.f32 [tilespmem:s23], [sflag:$0x2], $0x80, s18, s20, $0xb8;
	[tilespmem:$0x1F900] =	vst v63  }
0x6c: {  	_ =	swait.ge [sflag:s17], $0x2800  }
0x6d: {  	[sflag:s17] =	ssyncset.done $0x0  }
0x6e: {  	[sflag:s17] =	ssyncadd.s32 $0xFFFFD800  }
0x6f: {  	s4 =	sadd.s32 $0x1, s4  }
0x70: {  	s24 =	sshll.u32 s1, $0x6;
	[bflag:$0x0] =	sbarrier.arrive $0xFFFF;
	p0 =	sne.s32 s4, s15  }
.Ltmp3:
0x71: {  	s25 =	sshrl.u32 s8, $0x3;
	s24 =	sor.u32 $0x1C02, s24;
	(pc) =	sbr.rel @p0 .LBB2_1-.Ltmp3, $4  }
0x72: {  	[hbm:s14], [sflag:s24] =	dma.local [spmem:s25], $0x2800  }
0x73: {  	_ =	swait.ge [sflag:s17], $0x2800  }
0x74: {  	[sflag:s17] =	ssyncset.done $0x0  }
0x75: {  	[sflag:s17] =	ssyncadd.s32 $0xFFFFD800  }
0x76: {  	_ =	sfence.sel $0x180000  }
0x77: {  	[bflag:$0x0] =	sbarrier.arrive $0xFFFF  }
0x78: {  	p0 =	sne.s32 s1, $0x0;
	_ =	strace $0x90000059  }
0x79: {  	s0 =	sadd.s32 @!p0 $0x100000, s0;
	[bflag:$0x2] =	sbarrier.arrive $0xFFFF  }
0x7a: {  	[sflag:s0] =	ssyncadd.tile.s32 @!p0 $0x1;
	_ =	shalt  }
.Lfunc_end2:
_tile_overlayer_lowered:
.L_overlay_start_2:
0x7b: {  	(tag) =	ssettag $0x2  }
0x7c: {  	s0 =	rddreg [dreg:$0x0];
	s2 =	stileid.u32  }
0x7d: {  	s1 =	rddreg [dreg:$0x1];
	p0 =	sne.s32 s2, $0x0  }
0x7e: {  	s3 =	rddreg [dreg:$0x2];
	[bflag:$0x3] =	sbarrier.arrive $0xFFFF;
	s2 =	simm.s32 @!p0 $0x1C02  }
0x7f: {  	[timem:s3], [sflag:s2] =	dma.local @!p0 [hbm:s0], s1  }
0x80: {  	s0 =	simm.s32 @!p0 $0x2  }
0x81: {  	_ =	swait.ge @!p0 [sflag:s0], s1  }
0x82: {  	s1 =	ssub.s32 @!p0 $0x0, s1;
	[sflag:s0] =	ssyncset.done @!p0 $0x0  }
0x83: {  	[sflag:s0] =	ssyncadd.s32 @!p0 s1  }
0x84: {  	[bflag:$0x3] =	sbarrier.arrive $0xFFFF  }
0x85: {  	_ =	shalt  }

// kernel: kernel.32.cloned.1.call-start
scs
__scs_entry_jumppad:
0x0: {  	(pc) =	sbr.rel $0x88, $3  }
0x1: {  	(tag) =	ssettag $0x0;
	lr =	simm.s32 $0x1  }
0x2: {  	[smem:$0x3F8A] =	sst lr;
	_ =	strace $0xD0000000  }
0x3: {  	_ = 	snop  }
0x4: {  	_ = 	snop  }
0x5: {  	_ = 	snop  }
0x6: {  	_ = 	snop  }
0x7: {  	_ = 	snop  }
__scs_overlays_trampoline_lowered:
0x8: {  	[smem:$0x3F99] =	sst s0  }
0x9: {  	[smem:$0x3F9A] =	sst s1  }
0xa: {  	[smem:$0x3F9B] =	sst s2  }
0xb: {  	[smem:$0x3F9C] =	sst s3  }
0xc: {  	[smem:$0x3F9D] =	sst s4  }
0xd: {  	[smem:$0x3F9E] =	sst s5  }
0xe: {  	[smem:$0x3F9F] =	sst s6  }
0xf: {  	[smem:$0x3FA0] =	sst s7  }
0x10: {  	[smem:$0x3FA1] =	sst s8  }
0x11: {  	[smem:$0x3FA2] =	sst s9;
	s0 =	simm.s32 @!p0 $0x0  }
0x12: {  	s1 =	sld [smem:$0x3F88];
	s0 =	simm.s32 @p0 $0x1  }
0x13: {  	[smem:$0x3FA3] =	sst s0;
	s0 =	simm.s32 @!p1 $0x0  }
0x14: {  	s2 =	sld [smem:$0x3F87];
	s0 =	simm.s32 @p1 $0x1  }
0x15: {  	[smem:$0x3FA4] =	sst s0;
	s0 =	simm.s32 @!p2 $0x0  }
0x16: {  	s3 =	sld [smem:$0x3FDB];
	s0 =	simm.s32 @p2 $0x1  }
0x17: {  	s4 =	simm.s32 $0x1BF5;
	[smem:$0x3FA6] =	sst s0  }
0x18: {  	s0 =	sld [smem:$0x3F89];
	_ =	swait.ge [sflag:s4], $0x0  }
0x19: {  	s7 =	sld [smem:$0x3F8A]  }
0x1a: {  	s8 =	sadd.s32 $0xFFFFE003, lr  }
0x1b: {  	s9 =	sadd.s32 $0xFFFFFEF7, lr;
	s5 =	simm.s32 $0xFFFFFFFF;
	p2 =	slt.u32 s8, $0xFFFFF086  }
0x1c: {  	p1 =	slt.u32 s9, $0xF7A;
	s5 =	simm.s32 @!p2 $0x0  }
0x1d: {  	s5 =	simm.s32 @p1 $0x1;
	p0 =	seq.s32 s7, s2  }
0x1e: {  	s7 =	smul.u32 @!p0 $0xF7A, s2;
	p2 =	seq.s32 @!p0 s5, $0x0  }
0x1f: {  	s9 =	smul.u32 $0xF7A, s1;
	s8 =	simm.s32 @!p0 $0x1BF5;
	p2 =	por !p2, p0  }
0x20: {  	[sflag:s8] =	ssyncset.s32 @!p0 $0xFFFFF086;
	s6 =	sadd.s32 @!p0 s3, s7;
	s7 =	simm.s32 @!p0 $0x108  }
0x21: {  	s3 =	sadd.s32 s3, s9;
	s6 =	sadd.s32 @!p0 $0x88, s6;
	s7 =	simm.s32 @p2 $0x1082  }
0x22: {  	[simem:s7], [sflag:s8] =	dma.local @!p0 [hbm:s6], $0xF7A  }
0x23: {  	s9 =	sor.u32 $0xD0000000, s2;
	s6 =	simm.s32 $0x108;
	_ =	swait.ge @!p0 [sflag:s8], $0x0  }
0x24: {  	s3 =	sadd.s32 $0x88, s3;
	s6 =	simm.s32 @!p1 $0x1082;
	[sflag:s4] =	ssyncset.s32 $0xFFFFF086  }
0x25: {  	[simem:s6], [sflag:s4] =	dma.local [hbm:s3], $0xF7A  }
0x26: {  	[smem:$0x3F8A] =	sst s1;
	(tag) =	ssettag s2;
	_ =	strace s9  }
0x27: {  	s1 =	sld [smem:$0x3F9A]  }
0x28: {  	s2 =	sld [smem:$0x3F9B]  }
0x29: {  	s4 =	sld [smem:$0x3F9D]  }
0x2a: {  	p0 =	seq.s32 s5, $0x0;
	s5 =	sld [smem:$0x3F9E]  }
0x2b: {  	s6 =	sld [smem:$0x3F9F]  }
0x2c: {  	s7 =	sld [smem:$0x3FA0]  }
0x2d: {  	s3 =	simm.s32 $0x108;
	s8 =	sld [smem:$0x3FA1]  }
0x2e: {  	s3 =	simm.s32 @!p0 $0x1082;
	s9 =	sld [smem:$0x3FA2]  }
0x2f: {  	lr =	sadd.s32 s0, s3;
	s0 =	sld [smem:$0x3F99]  }
0x30: {  	s3 =	sld [smem:$0x3F9C]  }
0x31: {  	[smem:$0x3FA5] =	sst s10  }
0x32: {  	s10 =	sld [smem:$0x3FA3];
	_ =	sdelay $0x3  }
0x33: {  	p0 =	seq.s32 s10, $0x1;
	s10 =	sld [smem:$0x3FA5];
	_ =	sdelay $0x3  }
0x34: {  	[smem:$0x3FA5] =	sst s10  }
0x35: {  	s10 =	sld [smem:$0x3FA4];
	_ =	sdelay $0x3  }
0x36: {  	p1 =	seq.s32 s10, $0x1;
	s10 =	sld [smem:$0x3FA5];
	_ =	sdelay $0x3  }
0x37: {  	[smem:$0x3FA5] =	sst s10  }
0x38: {  	s10 =	sld [smem:$0x3FA6]  }
0x39: {  	_ = 	snop;
	(pc) =	sbr.ind lr, $3  }
0x3a: {  	_ = 	snop  }
0x3b: {  	_ = 	snop  }
0x3c: {  	p2 =	seq.s32 s10, $0x1;
	s10 =	sld [smem:$0x3FA5]  }
0x3d: {  	_ =	shalt  }
0x3e: {  	_ =	shalt  }
0x3f: {  	_ =	shalt  }
0x40: {  	_ =	shalt  }
0x41: {  	_ =	shalt  }
0x42: {  	_ =	shalt  }
0x43: {  	_ =	shalt  }
0x44: {  	_ =	shalt  }
0x45: {  	_ =	shalt  }
0x46: {  	_ =	shalt  }
0x47: {  	_ =	shalt  }
0x48: {  	_ =	shalt  }
0x49: {  	_ =	shalt  }
0x4a: {  	_ =	shalt  }
0x4b: {  	_ =	shalt  }
0x4c: {  	_ =	shalt  }
0x4d: {  	_ =	shalt  }
0x4e: {  	_ =	shalt  }
0x4f: {  	_ =	shalt  }
0x50: {  	_ =	shalt  }
0x51: {  	_ =	shalt  }
0x52: {  	_ =	shalt  }
0x53: {  	_ =	shalt  }
0x54: {  	_ =	shalt  }
0x55: {  	_ =	shalt  }
0x56: {  	_ =	shalt  }
0x57: {  	_ =	shalt  }
0x58: {  	_ =	shalt  }
0x59: {  	_ =	shalt  }
0x5a: {  	_ =	shalt  }
0x5b: {  	_ =	shalt  }
0x5c: {  	_ =	shalt  }
0x5d: {  	_ =	shalt  }
0x5e: {  	_ =	shalt  }
0x5f: {  	_ =	shalt  }
0x60: {  	_ =	shalt  }
0x61: {  	_ =	shalt  }
0x62: {  	_ =	shalt  }
0x63: {  	_ =	shalt  }
0x64: {  	_ =	shalt  }
0x65: {  	_ =	shalt  }
0x66: {  	_ =	shalt  }
0x67: {  	_ =	shalt  }
0x68: {  	_ =	shalt  }
0x69: {  	_ =	shalt  }
0x6a: {  	_ =	shalt  }
0x6b: {  	_ =	shalt  }
0x6c: {  	_ =	shalt  }
0x6d: {  	_ =	shalt  }
0x6e: {  	_ =	shalt  }
0x6f: {  	_ =	shalt  }
0x70: {  	_ =	shalt  }
0x71: {  	_ =	shalt  }
0x72: {  	_ =	shalt  }
0x73: {  	_ =	shalt  }
0x74: {  	_ =	shalt  }
0x75: {  	_ =	shalt  }
0x76: {  	_ =	shalt  }
0x77: {  	_ =	shalt  }
0x78: {  	_ =	shalt  }
0x79: {  	_ =	shalt  }
0x7a: {  	_ =	shalt  }
0x7b: {  	_ =	shalt  }
0x7c: {  	_ =	shalt  }
0x7d: {  	_ =	shalt  }
0x7e: {  	_ =	shalt  }
0x7f: {  	_ =	shalt  }
0x80: {  	_ =	shalt  }
0x81: {  	_ =	shalt  }
0x82: {  	_ =	shalt  }
0x83: {  	_ =	shalt  }
0x84: {  	_ =	shalt  }
0x85: {  	_ =	shalt  }
0x86: {  	_ =	shalt  }
0x87: {  	_ =	shalt  }
.Lfunc_end0:
.L_simem_size_0:
called_computation.8_lowered:
.L_overlay_start_0:
0x88: {  	s2 =	sld [smem:$0x3FD9]  }
0x89: {  	s3 =	sld [smem:$0x3FFE];
	_ =	sdelay $0x1  }
0x8a: {  	s1 =	srdreg.scid  }
0x8b: {  	s0 =	sand.u32 $0x1, s1  }
0x8c: {  	s16 =	sshll.u32 s0, $0xA;
	s2 =	sadd.s32 s3, s2  }
0x8d: {  	s2 =	sadd.s32 s2, s16  }
0x8e: {  	[smem:$0x3FB1] =	sst s2  }
0x8f: {  	_ = 	snop  }
0x90: {  	(tm) =	ssettm $0x1  }
0x91: {  	s17 =	sld [smem:$0x3FFB];
	_ =	sdelay $0x3  }
0x92: {  	_ =	strace s17  }
0x93: {  	s2 =	sld [smem:$0x3FFC];
	_ =	sdelay $0x3  }
0x94: {  	_ =	strace s2  }
0x95: {  	s2 =	sld [smem:$0x3FFD];
	_ =	sdelay $0x3  }
0x96: {  	_ =	strace s2  }
0x97: {  	_ =	strace $0x8FFFFFFF  }
0x98: {  	s18 =	sld [smem:$0x3FDB];
	_ =	sdelay $0x1  }
0x99: {  	s19 =	simm.s32 $_scs_section_size  }
0x9a: {  	s4 =	simm.s32 $_size__tile_overlayer_lowered;
	s5 =	simm.s32 $_tile_overlayer_lowered  }
0x9b: {  	s22 =	simm.s32 $0x1BFF;
	s21 =	sshll.u32 s5, $0x1;
	s2 =	sadd.s32 s19, s18  }
0x9c: {  	s6 =	simm.s32 $0x0;
	s20 =	sshll.u32 s4, $0x1;
	s4 =	sadd.s32 s21, s2  }
0x9d: {  	[timem:s6], [sflag:s22] =	dma.local [hbm:s4], s20  }
0x9e: {  	_ =	swait.ge [sflag:s22], s20  }
0x9f: {  	s3 =	ssub.s32 $0x0, s20;
	[sflag:s22] =	ssyncset.done $0x0  }
0xa0: {  	[sflag:s22] =	ssyncadd.s32 s3;
	_ =	sdelay $0x1  }
0xa1: {  	s23 =	simm.s32 $0x1B8B  }
0xa2: {  	_ =	swait.ge [sflag:s23], $0x1  }
0xa3: {  	[sflag:s23] =	ssyncset.done $0x0  }
0xa4: {  	s25 =	simm.s32 $0x1B8E;
	s24 =	sld [smem:$0x3FFE];
	[sflag:s23] =	ssyncadd.s32 $0xFFFFFFFF  }
0xa5: {  	s26 =	simm.s32 $execute0_lowered;
	[smem:$0x3FD2] =	sst s25  }
0xa6: {  	s4 =	sshll.u32 s26, $0x1;
	_ =	strace $0x8000005E;
	[dreg:$0x1] =	wrdreg $0xFFFFFFFF  }
0xa7: {  	s28 =	simm.s32 $_size_execute0_lowered;
	s2 =	sadd.s32 s2, s4;
	[dreg:$0x0] =	wrdreg $0x0  }
0xa8: {  	s4 =	sshll.u32 s28, $0x1;
	[dreg:$0x2] =	wrdreg s2  }
0xa9: {  	[dreg:$0x3] =	wrdreg s4  }
0xaa: {  	[dreg:$0x4] =	wrdreg $0xC0  }
0xab: {  	_ =	task [dreg:s6], $0x5FFFF  }
0xac: {  	[dreg:$0x1] =	wrdreg $0xFFFFFFFF  }
0xad: {  	[dreg:$0x0] =	wrdreg $0x60  }
0xae: {  	[dreg:$0x2] =	wrdreg s24  }
0xaf: {  	[dreg:$0x3] =	wrdreg $0x69000  }
0xb0: {  	[dreg:$0x4] =	wrdreg $0x9  }
0xb1: {  	_ =	task.clear_ibuf [dreg:s6], $0x5FFFF;
	_ =	strace $0x9000005E  }
0xb2: {  	s29 =	simm.s32 $0x9;
	_ =	strace $0x80000060  }
0xb3: {  	_ =	swait.ge [sflag:s29], $0x1  }
0xb4: {  	[sflag:s29] =	ssyncadd.s32 $0xFFFFFFFF  }
0xb5: {  	_ =	strace $0x90000060  }
0xb6: {  	_ =	sfence  }
0xb7: {  	s30 =	sld [smem:$0x0];
	_ =	sdelay $0x2  }
0xb8: {  	s31 =	sshll.u32 s1, $0xD;
	s1 =	sshrl.u32 s1, $0x2  }
0xb9: {  	s3 =	sand.u32 $0x4000, s31;
	s1 =	sadd.s32 s1, s30  }
0xba: {  	s0 =	sor.u32 s3, s0;
	s1 =	sshll.u32 s1, $0x11  }
0xbb: {  	s0 =	sor.u32 s1, s0  }
0xbc: {  	s0 =	sadd.s32 $0x8F2B, s0  }
0xbd: {  	[sflag:s0] =	ssyncadd.remote.s32 $0x1  }
0xbe: {  	_ =	sfence.sel $0xFFFF  }
0xbf: {  	[dreg:$0x0] =	wrdreg $0xFFFFFFFF;
	(pc) =	sbr.abs _section_cstart, $3  }
0xc0: {  	[dreg:$0x1] =	wrdreg $0xFFFFFFFF  }
0xc1: {  	_ =	task.clear_ibuf [dreg:s6], $0x2FFFF;
	_ =	strace $0x9FFFFFFF  }
0xc2: {  	(tm) =	ssettm $0x7FFFFFFF  }
0xc3: {  	_ =	shalt  }
tec
execute0_lowered:
.L_overlay_start_1:
0x0: {  	(tag) =	ssettag $0x1  }
0x1: {  	s11 =	rddreg [dreg:$0x0];
	s0 =	srdreg.scid  }
0x2: {  	s2 =	rddreg [dreg:$0x1];
	s1 =	stileid.u32  }
0x3: {  	s3 =	simm.s32 $0x0;
	s14 =	simm.s32 $0x2900;
	s15 =	simm.s32 $0x2  }
0x4: {  	s16 =	simm.s32 $0x80;
	s17 =	simm.s32 $0x50;
	s6 =	smul.u32 $0x14000, s1  }
0x5: {  	s18 =	simm.s32 $0x100;
	s19 =	simm.s32 $0x1;
	s7 =	smul.u32 $0x50000, s1  }
0x6: {  	s5 =	sand.u32 $0x1, s0;
	s0 =	rddreg [dreg:$0x2];
	s29 =	smul.u32 $0x2710, s1  }
0x7: {  	s22 =	simm.s32 $0x0;
	[smem:$0x7FF] =	sst s3;
	s4 =	smul.u32 $0x140000, s5  }
0x8: {  	s20 =	sshll.u32 s1, $0x6;
	_ =	strace $0x8000005F;
	s8 =	smul.u32 $0x27100, s5  }
0x9: {  	s9 =	ssub.s32 $0x2, s5;
	s20 =	sor.u32 $0x1C02, s20;
	s28 =	sshrl.u32 s7, $0x2  }
0xa: {  	s30 =	sshrl.u32 s9, $0x1;
	s6 =	sadd.s32 s6, s4;
	s4 =	sadd.s32 $0x3AE00, s11  }
0xb: {  	s5 =	sadd.s32 s28, s2;
	s12 =	ssub.s32 s9, s30;
	s31 =	sadd.s32 s29, s8  }
0xc: {  	s6 =	sshrl.u32 s6, $0x3;
	s7 =	sadd.s32 $0x8000, s5;
	s8 =	sadd.s32 $0xC000, s5  }
0xd: {  	s13 =	sshrl.u32 s31, $0x3;
	s9 =	sadd.s32 $0x10000, s5;
	s12 =	smax.u32 s12, $0x1  }
0xe: {  	s21 =	sshrl.u32 s5, $0x3;
	s10 =	sadd.s32 s6, s11;
	s11 =	sadd.s32 s13, s11  }
0xf: {  	v0 =	vimm.f32 $0.0e+00;
	s6 =	sadd.s32 $0x4000, s5;
	s10 =	sadd.s32 $0x62000, s10;
	s13 =	sadd.s32 $0x9E00, s11  }
.LBB2_1:
0x10: {  	s23 =	simm.s32 $0x0;
	s24 =	simm.s32 $0x200  }
.LBB2_2:
0x11: {  	p0 =	sne.s32 s24, $0xFE00;
	[tilespmem:s23+$0x2970] =	vst v0  }
0x12: {  	[tilespmem:s23+$0x2900] =	vst v0  }
0x13: {  	[tilespmem:s23+$0x2910] =	vst v0  }
.Ltmp0:
0x14: {  	[tilespmem:s23+$0x2920] =	vst v0;
	(pc) =	sbr.rel @p0 .LBB2_2-.Ltmp0, $4  }
0x15: {  	[tilespmem:s23+$0x2930] =	vst v0  }
0x16: {  	[tilespmem:s23+$0x2940] =	vst v0  }
0x17: {  	[tilespmem:s23+$0x2950] =	vst v0  }
0x18: {  	[tilespmem:s23+$0x2960] =	vst v0;
	s23 =	sshra.s32 s24, $0x2;
	s24 =	sadd.s32 $0x200, s24  }
0x19: {  	[tilespmem:s23+$0x2970] =	vst v0  }
0x1a: {  	[tilespmem:s23+$0x2900] =	vst v0  }
0x1b: {  	[tilespmem:s23+$0x2910] =	vst v0  }
0x1c: {  	[tilespmem:s23+$0x2920] =	vst v0  }
0x1d: {  	[tilespmem:s23+$0x2930] =	vst v0  }
0x1e: {  	[tilespmem:s23+$0x2940] =	vst v0  }
0x1f: {  	[tilespmem:s23+$0x2950] =	vst v0  }
0x20: {  	[tilespmem:s23+$0x2960] =	vst v0  }
0x21: {  	[spmem:s5] =	stream.linear.scatter [tilespmem:s14], [sflag:$0x2], $0x4000, $0x38;
	[tilespmem:$0x1A900] =	vst v63  }
0x22: {  	_ =	swait.ge [sflag:s15], $0x4000  }
0x23: {  	[sflag:s15] =	ssyncset.done $0x0  }
0x24: {  	[sflag:s15] =	ssyncadd.s32 $0xFFFFC000  }
0x25: {  	[spmem:s6] =	stream.linear.scatter [tilespmem:s14], [sflag:$0x2], $0x4000, $0x38;
	[tilespmem:$0x1A900] =	vst v63  }
0x26: {  	_ =	swait.ge [sflag:s15], $0x4000  }
0x27: {  	[sflag:s15] =	ssyncset.done $0x0  }
0x28: {  	[sflag:s15] =	ssyncadd.s32 $0xFFFFC000  }
0x29: {  	[spmem:s7] =	stream.linear.scatter [tilespmem:s14], [sflag:$0x2], $0x4000, $0x38;
	[tilespmem:$0x1A900] =	vst v63  }
0x2a: {  	_ =	swait.ge [sflag:s15], $0x4000  }
0x2b: {  	[sflag:s15] =	ssyncset.done $0x0  }
0x2c: {  	[sflag:s15] =	ssyncadd.s32 $0xFFFFC000  }
0x2d: {  	[spmem:s8] =	stream.linear.scatter [tilespmem:s14], [sflag:$0x2], $0x4000, $0x38;
	[tilespmem:$0x1A900] =	vst v63  }
0x2e: {  	_ =	swait.ge [sflag:s15], $0x4000  }
0x2f: {  	[sflag:s15] =	ssyncset.done $0x0  }
0x30: {  	[sflag:s15] =	ssyncadd.s32 $0xFFFFC000  }
0x31: {  	[spmem:s9] =	stream.linear.scatter [tilespmem:s14], [sflag:$0x2], $0x4000, $0x38;
	[tilespmem:$0x1A900] =	vst v63  }
0x32: {  	_ =	swait.ge [sflag:s15], $0x4000  }
0x33: {  	[sflag:s15] =	ssyncset.done $0x0  }
0x34: {  	[sflag:s15] =	ssyncadd.s32 $0xFFFFC000  }
0x35: {  	s30 =	sadd.s32 $0x0, s11;
	[bflag:$0x0] =	sbarrier.arrive $0xFFFF  }
0x36: {  	[tilespmem:s3], [sflag:$0x2] =	stream.linear.gather [hbm4b:s30+s3], $0x50, $0x38;
	[tilespmem:$0x1A900] =	vst v63  }
0x37: {  	_ =	swait.ge [sflag:s15], $0x50  }
0x38: {  	[sflag:s15] =	ssyncset.done $0x0  }
0x39: {  	s31 =	sadd.s32 $0x0, s13;
	[sflag:s15] =	ssyncadd.s32 $0xFFFFFFB0  }
0x3a: {  	[tilespmem:s16], [sflag:$0x2] =	stream.linear.gather [hbm4b:s31+s3], $0x50, $0x38;
	[tilespmem:$0x1A900] =	vst v63  }
0x3b: {  	_ =	swait.ge [sflag:s15], $0x50  }
0x3c: {  	[sflag:s15] =	ssyncset.done $0x0  }
0x3d: {  	[sflag:s15] =	ssyncadd.s32 $0xFFFFFFB0  }
0x3e: {  	[tilespmem:s18], [sflag:$0x1] =	stream.indirect.gather [hbm4b:s4+s17], $0x80, s3, s17, $0xb8;
	[tilespmem:$0x1A900] =	vst v63  }
0x3f: {  	_ =	swait.ge [sflag:s19], $0x2800  }
0x40: {  	[sflag:s19] =	ssyncset.done $0x0  }
0x41: {  	[sflag:s19] =	ssyncadd.s32 $0xFFFFD800  }
0x42: {  	[spmem:s2] =	stream.indirect.scatter.add.f32 [tilespmem:s18], [sflag:$0x2], $0x80, s16, s17, $0xb8;
	[tilespmem:$0x1A900] =	vst v63  }
0x43: {  	_ =	swait.ge [sflag:s15], $0x2800  }
0x44: {  	s23 =	simm.s32 $0xA;
	s24 =	simm.s32 $0x14;
	[sflag:s15] =	ssyncset.done $0x0  }
.LBB2_4:
0x45: {  	s25 =	sadd.s32 s23, s11  }
0x46: {  	[sflag:s15] =	ssyncadd.s32 $0xFFFFD800;
	s26 =	smov.u32 s24;
	s28 =	sadd.s32 $0xA, s24  }
0x47: {  	[tilespmem:s3], [sflag:$0x2] =	stream.linear.gather [hbm4b:s25+s3], $0x50, $0x38;
	[tilespmem:$0x1A900] =	vst v63  }
0x48: {  	p0 =	sne.s32 s24, $0x4D8;
	_ =	swait.ge [sflag:s15], $0x50  }
0x49: {  	[sflag:s15] =	ssyncset.done $0x0  }
0x4a: {  	s24 =	sadd.s32 s23, s13;
	s23 =	smov.u32 s26;
	[sflag:s15] =	ssyncadd.s32 $0xFFFFFFB0  }
0x4b: {  	[tilespmem:s16], [sflag:$0x2] =	stream.linear.gather [hbm4b:s24+s3], $0x50, $0x38;
	[tilespmem:$0x1A900] =	vst v63  }
0x4c: {  	_ =	swait.ge [sflag:s15], $0x50  }
0x4d: {  	[sflag:s15] =	ssyncset.done $0x0  }
0x4e: {  	[sflag:s15] =	ssyncadd.s32 $0xFFFFFFB0  }
0x4f: {  	[tilespmem:s18], [sflag:$0x1] =	stream.indirect.gather [hbm4b:s4+s17], $0x80, s3, s17, $0xb8;
	[tilespmem:$0x1A900] =	vst v63  }
0x50: {  	_ =	swait.ge [sflag:s19], $0x2800  }
.Ltmp1:
0x51: {  	[sflag:s19] =	ssyncset.done $0x0;
	(pc) =	sbr.rel @p0 .LBB2_4-.Ltmp1, $4  }
0x52: {  	[sflag:s19] =	ssyncadd.s32 $0xFFFFD800  }
0x53: {  	[spmem:s2] =	stream.indirect.scatter.add.f32 [tilespmem:s18], [sflag:$0x2], $0x80, s16, s17, $0xb8;
	[tilespmem:$0x1A900] =	vst v63  }
0x54: {  	_ =	swait.ge [sflag:s15], $0x2800  }
0x55: {  	s24 =	smov.u32 s28;
	[sflag:s15] =	ssyncset.done $0x0  }
0x56: {  	s24 =	sadd.s32 s23, s11;
	[sflag:s15] =	ssyncadd.s32 $0xFFFFD800  }
0x57: {  	[tilespmem:s3], [sflag:$0x2] =	stream.linear.gather [hbm4b:s24+s3], $0x50, $0x38;
	[tilespmem:$0x1A900] =	vst v63  }
0x58: {  	_ =	swait.ge [sflag:s15], $0x50  }
0x59: {  	[sflag:s15] =	ssyncset.done $0x0  }
0x5a: {  	s31 =	sadd.s32 s23, s13;
	[sflag:s15] =	ssyncadd.s32 $0xFFFFFFB0  }
0x5b: {  	[tilespmem:s16], [sflag:$0x2] =	stream.linear.gather [hbm4b:s31+s3], $0x50, $0x38;
	[tilespmem:$0x1A900] =	vst v63  }
0x5c: {  	_ =	swait.ge [sflag:s15], $0x50  }
0x5d: {  	[sflag:s15] =	ssyncset.done $0x0  }
0x5e: {  	[sflag:s15] =	ssyncadd.s32 $0xFFFFFFB0  }
0x5f: {  	[tilespmem:s18], [sflag:$0x1] =	stream.indirect.gather [hbm4b:s4+s17], $0x80, s3, s17, $0xb8;
	[tilespmem:$0x1A900] =	vst v63  }
0x60: {  	_ =	swait.ge [sflag:s19], $0x2800  }
0x61: {  	[sflag:s19] =	ssyncset.done $0x0  }
0x62: {  	[sflag:s19] =	ssyncadd.s32 $0xFFFFD800  }
0x63: {  	[spmem:s2] =	stream.indirect.scatter.add.f32 [tilespmem:s18], [sflag:$0x2], $0x80, s16, s17, $0xb8;
	[tilespmem:$0x1A900] =	vst v63  }
0x64: {  	_ =	swait.ge [sflag:s15], $0x2800  }
0x65: {  	s22 =	sadd.s32 $0x1, s22;
	[sflag:s15] =	ssyncset.done $0x0  }
0x66: {  	p0 =	sne.s32 s22, s12;
	[sflag:s15] =	ssyncadd.s32 $0xFFFFD800  }
.Ltmp2:
0x67: {  	[bflag:$0x0] =	sbarrier.arrive $0xFFFF;
	(pc) =	sbr.rel @p0 .LBB2_1-.Ltmp2, $4  }
0x68: {  	[hbm:s10], [sflag:s20] =	dma.local [spmem:s21], $0x2800  }
0x69: {  	_ =	swait.ge [sflag:s15], $0x2800  }
0x6a: {  	[sflag:s15] =	ssyncset.done $0x0  }
0x6b: {  	[sflag:s15] =	ssyncadd.s32 $0xFFFFD800  }
0x6c: {  	_ =	sfence.sel $0x180000  }
0x6d: {  	[bflag:$0x0] =	sbarrier.arrive $0xFFFF  }
0x6e: {  	p0 =	sne.s32 s1, $0x0;
	_ =	strace $0x9000005F  }
0x6f: {  	s0 =	sadd.s32 @!p0 $0x100000, s0;
	[bflag:$0x2] =	sbarrier.arrive $0xFFFF  }
0x70: {  	[sflag:s0] =	ssyncadd.tile.s32 @!p0 $0x1;
	_ =	shalt  }
.Lfunc_end2:
_tile_overlayer_lowered:
.L_overlay_start_2:
0x71: {  	(tag) =	ssettag $0x2  }
0x72: {  	s0 =	rddreg [dreg:$0x0];
	s2 =	stileid.u32  }
0x73: {  	s1 =	rddreg [dreg:$0x1];
	p0 =	sne.s32 s2, $0x0  }
0x74: {  	s3 =	rddreg [dreg:$0x2];
	[bflag:$0x3] =	sbarrier.arrive $0xFFFF;
	s2 =	simm.s32 @!p0 $0x1C02  }
0x75: {  	[timem:s3], [sflag:s2] =	dma.local @!p0 [hbm:s0], s1  }
0x76: {  	s0 =	simm.s32 @!p0 $0x2  }
0x77: {  	_ =	swait.ge @!p0 [sflag:s0], s1  }
0x78: {  	s1 =	ssub.s32 @!p0 $0x0, s1;
	[sflag:s0] =	ssyncset.done @!p0 $0x0  }
0x79: {  	[sflag:s0] =	ssyncadd.s32 @!p0 s1  }
0x7a: {  	[bflag:$0x3] =	sbarrier.arrive $0xFFFF  }
0x7b: {  	_ =	shalt  }

// kernel: scatter_offload_async_start
scs
__scs_entry_jumppad:
0x0: {  	(pc) =	sbr.rel $0x88, $3  }
0x1: {  	(tag) =	ssettag $0x0;
	lr =	simm.s32 $0x1  }
0x2: {  	[smem:$0x3F8A] =	sst lr;
	_ =	strace $0xD0000000  }
0x3: {  	_ = 	snop  }
0x4: {  	_ = 	snop  }
0x5: {  	_ = 	snop  }
0x6: {  	_ = 	snop  }
0x7: {  	_ = 	snop  }
__scs_overlays_trampoline_lowered:
0x8: {  	[smem:$0x3F99] =	sst s0  }
0x9: {  	[smem:$0x3F9A] =	sst s1  }
0xa: {  	[smem:$0x3F9B] =	sst s2  }
0xb: {  	[smem:$0x3F9C] =	sst s3  }
0xc: {  	[smem:$0x3F9D] =	sst s4  }
0xd: {  	[smem:$0x3F9E] =	sst s5  }
0xe: {  	[smem:$0x3F9F] =	sst s6  }
0xf: {  	[smem:$0x3FA0] =	sst s7  }
0x10: {  	[smem:$0x3FA1] =	sst s8  }
0x11: {  	[smem:$0x3FA2] =	sst s9;
	s0 =	simm.s32 @!p0 $0x0  }
0x12: {  	s1 =	sld [smem:$0x3F88];
	s0 =	simm.s32 @p0 $0x1  }
0x13: {  	[smem:$0x3FA3] =	sst s0;
	s0 =	simm.s32 @!p1 $0x0  }
0x14: {  	s2 =	sld [smem:$0x3F87];
	s0 =	simm.s32 @p1 $0x1  }
0x15: {  	[smem:$0x3FA4] =	sst s0;
	s0 =	simm.s32 @!p2 $0x0  }
0x16: {  	s3 =	sld [smem:$0x3FDB];
	s0 =	simm.s32 @p2 $0x1  }
0x17: {  	s4 =	simm.s32 $0x1BF5;
	[smem:$0x3FA6] =	sst s0  }
0x18: {  	s0 =	sld [smem:$0x3F89];
	_ =	swait.ge [sflag:s4], $0x0  }
0x19: {  	s7 =	sld [smem:$0x3F8A]  }
0x1a: {  	s8 =	sadd.s32 $0xFFFFE003, lr  }
0x1b: {  	s9 =	sadd.s32 $0xFFFFFEF7, lr;
	s5 =	simm.s32 $0xFFFFFFFF;
	p2 =	slt.u32 s8, $0xFFFFF086  }
0x1c: {  	p1 =	slt.u32 s9, $0xF7A;
	s5 =	simm.s32 @!p2 $0x0  }
0x1d: {  	s5 =	simm.s32 @p1 $0x1;
	p0 =	seq.s32 s7, s2  }
0x1e: {  	s7 =	smul.u32 @!p0 $0xF7A, s2;
	p2 =	seq.s32 @!p0 s5, $0x0  }
0x1f: {  	s9 =	smul.u32 $0xF7A, s1;
	s8 =	simm.s32 @!p0 $0x1BF5;
	p2 =	por !p2, p0  }
0x20: {  	[sflag:s8] =	ssyncset.s32 @!p0 $0xFFFFF086;
	s6 =	sadd.s32 @!p0 s3, s7;
	s7 =	simm.s32 @!p0 $0x108  }
0x21: {  	s3 =	sadd.s32 s3, s9;
	s6 =	sadd.s32 @!p0 $0x88, s6;
	s7 =	simm.s32 @p2 $0x1082  }
0x22: {  	[simem:s7], [sflag:s8] =	dma.local @!p0 [hbm:s6], $0xF7A  }
0x23: {  	s9 =	sor.u32 $0xD0000000, s2;
	s6 =	simm.s32 $0x108;
	_ =	swait.ge @!p0 [sflag:s8], $0x0  }
0x24: {  	s3 =	sadd.s32 $0x88, s3;
	s6 =	simm.s32 @!p1 $0x1082;
	[sflag:s4] =	ssyncset.s32 $0xFFFFF086  }
0x25: {  	[simem:s6], [sflag:s4] =	dma.local [hbm:s3], $0xF7A  }
0x26: {  	[smem:$0x3F8A] =	sst s1;
	(tag) =	ssettag s2;
	_ =	strace s9  }
0x27: {  	s1 =	sld [smem:$0x3F9A]  }
0x28: {  	s2 =	sld [smem:$0x3F9B]  }
0x29: {  	s4 =	sld [smem:$0x3F9D]  }
0x2a: {  	p0 =	seq.s32 s5, $0x0;
	s5 =	sld [smem:$0x3F9E]  }
0x2b: {  	s6 =	sld [smem:$0x3F9F]  }
0x2c: {  	s7 =	sld [smem:$0x3FA0]  }
0x2d: {  	s3 =	simm.s32 $0x108;
	s8 =	sld [smem:$0x3FA1]  }
0x2e: {  	s3 =	simm.s32 @!p0 $0x1082;
	s9 =	sld [smem:$0x3FA2]  }
0x2f: {  	lr =	sadd.s32 s0, s3;
	s0 =	sld [smem:$0x3F99]  }
0x30: {  	s3 =	sld [smem:$0x3F9C]  }
0x31: {  	[smem:$0x3FA5] =	sst s10  }
0x32: {  	s10 =	sld [smem:$0x3FA3];
	_ =	sdelay $0x3  }
0x33: {  	p0 =	seq.s32 s10, $0x1;
	s10 =	sld [smem:$0x3FA5];
	_ =	sdelay $0x3  }
0x34: {  	[smem:$0x3FA5] =	sst s10  }
0x35: {  	s10 =	sld [smem:$0x3FA4];
	_ =	sdelay $0x3  }
0x36: {  	p1 =	seq.s32 s10, $0x1;
	s10 =	sld [smem:$0x3FA5];
	_ =	sdelay $0x3  }
0x37: {  	[smem:$0x3FA5] =	sst s10  }
0x38: {  	s10 =	sld [smem:$0x3FA6]  }
0x39: {  	_ = 	snop;
	(pc) =	sbr.ind lr, $3  }
0x3a: {  	_ = 	snop  }
0x3b: {  	_ = 	snop  }
0x3c: {  	p2 =	seq.s32 s10, $0x1;
	s10 =	sld [smem:$0x3FA5]  }
0x3d: {  	_ =	shalt  }
0x3e: {  	_ =	shalt  }
0x3f: {  	_ =	shalt  }
0x40: {  	_ =	shalt  }
0x41: {  	_ =	shalt  }
0x42: {  	_ =	shalt  }
0x43: {  	_ =	shalt  }
0x44: {  	_ =	shalt  }
0x45: {  	_ =	shalt  }
0x46: {  	_ =	shalt  }
0x47: {  	_ =	shalt  }
0x48: {  	_ =	shalt  }
0x49: {  	_ =	shalt  }
0x4a: {  	_ =	shalt  }
0x4b: {  	_ =	shalt  }
0x4c: {  	_ =	shalt  }
0x4d: {  	_ =	shalt  }
0x4e: {  	_ =	shalt  }
0x4f: {  	_ =	shalt  }
0x50: {  	_ =	shalt  }
0x51: {  	_ =	shalt  }
0x52: {  	_ =	shalt  }
0x53: {  	_ =	shalt  }
0x54: {  	_ =	shalt  }
0x55: {  	_ =	shalt  }
0x56: {  	_ =	shalt  }
0x57: {  	_ =	shalt  }
0x58: {  	_ =	shalt  }
0x59: {  	_ =	shalt  }
0x5a: {  	_ =	shalt  }
0x5b: {  	_ =	shalt  }
0x5c: {  	_ =	shalt  }
0x5d: {  	_ =	shalt  }
0x5e: {  	_ =	shalt  }
0x5f: {  	_ =	shalt  }
0x60: {  	_ =	shalt  }
0x61: {  	_ =	shalt  }
0x62: {  	_ =	shalt  }
0x63: {  	_ =	shalt  }
0x64: {  	_ =	shalt  }
0x65: {  	_ =	shalt  }
0x66: {  	_ =	shalt  }
0x67: {  	_ =	shalt  }
0x68: {  	_ =	shalt  }
0x69: {  	_ =	shalt  }
0x6a: {  	_ =	shalt  }
0x6b: {  	_ =	shalt  }
0x6c: {  	_ =	shalt  }
0x6d: {  	_ =	shalt  }
0x6e: {  	_ =	shalt  }
0x6f: {  	_ =	shalt  }
0x70: {  	_ =	shalt  }
0x71: {  	_ =	shalt  }
0x72: {  	_ =	shalt  }
0x73: {  	_ =	shalt  }
0x74: {  	_ =	shalt  }
0x75: {  	_ =	shalt  }
0x76: {  	_ =	shalt  }
0x77: {  	_ =	shalt  }
0x78: {  	_ =	shalt  }
0x79: {  	_ =	shalt  }
0x7a: {  	_ =	shalt  }
0x7b: {  	_ =	shalt  }
0x7c: {  	_ =	shalt  }
0x7d: {  	_ =	shalt  }
0x7e: {  	_ =	shalt  }
0x7f: {  	_ =	shalt  }
0x80: {  	_ =	shalt  }
0x81: {  	_ =	shalt  }
0x82: {  	_ =	shalt  }
0x83: {  	_ =	shalt  }
0x84: {  	_ =	shalt  }
0x85: {  	_ =	shalt  }
0x86: {  	_ =	shalt  }
0x87: {  	_ =	shalt  }
.Lfunc_end0:
.L_simem_size_0:
called_computation_lowered:
.L_overlay_start_0:
0x88: {  	s2 =	sld [smem:$0x3FD9]  }
0x89: {  	s3 =	sld [smem:$0x3FFE];
	_ =	sdelay $0x1  }
0x8a: {  	s1 =	srdreg.scid  }
0x8b: {  	s0 =	sand.u32 $0x1, s1  }
0x8c: {  	s15 =	sshll.u32 s0, $0xA;
	s2 =	sadd.s32 s3, s2  }
0x8d: {  	s2 =	sadd.s32 s2, s15  }
0x8e: {  	[smem:$0x3FB1] =	sst s2  }
0x8f: {  	_ = 	snop  }
0x90: {  	(tm) =	ssettm $0x1  }
0x91: {  	s16 =	sld [smem:$0x3FFB];
	_ =	sdelay $0x3  }
0x92: {  	_ =	strace s16  }
0x93: {  	s2 =	sld [smem:$0x3FFC];
	_ =	sdelay $0x3  }
0x94: {  	_ =	strace s2  }
0x95: {  	s2 =	sld [smem:$0x3FFD];
	_ =	sdelay $0x3  }
0x96: {  	_ =	strace s2  }
0x97: {  	_ =	strace $0x8FFFFFFF  }
0x98: {  	s17 =	sld [smem:$0x3FDB];
	_ =	sdelay $0x1  }
0x99: {  	s18 =	simm.s32 $_scs_section_size  }
0x9a: {  	s4 =	simm.s32 $_size__tile_overlayer_lowered;
	s5 =	simm.s32 $_tile_overlayer_lowered  }
0x9b: {  	s21 =	simm.s32 $0x1BFF;
	s20 =	sshll.u32 s5, $0x1;
	s2 =	sadd.s32 s18, s17  }
0x9c: {  	s6 =	simm.s32 $0x0;
	s19 =	sshll.u32 s4, $0x1;
	s4 =	sadd.s32 s20, s2  }
0x9d: {  	[timem:s6], [sflag:s21] =	dma.local [hbm:s4], s19  }
0x9e: {  	_ =	swait.ge [sflag:s21], s19  }
0x9f: {  	s3 =	ssub.s32 $0x0, s19;
	[sflag:s21] =	ssyncset.done $0x0  }
0xa0: {  	[sflag:s21] =	ssyncadd.s32 s3;
	_ =	sdelay $0x1  }
0xa1: {  	s22 =	simm.s32 $0x1B8B  }
0xa2: {  	_ =	swait.ge [sflag:s22], $0x1  }
0xa3: {  	[sflag:s22] =	ssyncset.done $0x0  }
0xa4: {  	s23 =	sld [smem:$0x3FFE];
	[sflag:s22] =	ssyncadd.s32 $0xFFFFFFFF  }
0xa5: {  	s25 =	simm.s32 $0x1B8E;
	s24 =	sld [smem:$0x0]  }
0xa6: {  	s26 =	simm.s32 $execute0_lowered;
	[smem:$0x3FD2] =	sst s25  }
0xa7: {  	s5 =	sshll.u32 s26, $0x1;
	_ =	strace $0x8000005B;
	[dreg:$0x1] =	wrdreg $0xFFFFFFFF  }
0xa8: {  	s28 =	simm.s32 $_size_execute0_lowered;
	s2 =	sadd.s32 s2, s5;
	[dreg:$0x0] =	wrdreg $0x0  }
0xa9: {  	s5 =	sshll.u32 s28, $0x1;
	[dreg:$0x2] =	wrdreg s2  }
0xaa: {  	[dreg:$0x3] =	wrdreg s5  }
0xab: {  	[dreg:$0x4] =	wrdreg $0xC0  }
0xac: {  	_ =	task [dreg:s6], $0x5FFFF  }
0xad: {  	[dreg:$0x1] =	wrdreg $0xFFFFFFFF  }
0xae: {  	[dreg:$0x0] =	wrdreg $0x60  }
0xaf: {  	[dreg:$0x2] =	wrdreg s23  }
0xb0: {  	[dreg:$0x3] =	wrdreg s1  }
0xb1: {  	[dreg:$0x4] =	wrdreg s24  }
0xb2: {  	[dreg:$0x5] =	wrdreg $0x9  }
0xb3: {  	_ =	task.clear_ibuf [dreg:s6], $0x6FFFF;
	_ =	strace $0x9000005B  }
0xb4: {  	s29 =	simm.s32 $0x9;
	_ =	strace $0x8000005D  }
0xb5: {  	_ =	swait.ge [sflag:s29], $0x1  }
0xb6: {  	[sflag:s29] =	ssyncadd.s32 $0xFFFFFFFF  }
0xb7: {  	_ =	strace $0x9000005D  }
0xb8: {  	_ =	sfence  }
0xb9: {  	s30 =	sld [smem:$0x0];
	_ =	sdelay $0x2  }
0xba: {  	s31 =	sshll.u32 s1, $0xD;
	s1 =	sshrl.u32 s1, $0x2  }
0xbb: {  	s3 =	sand.u32 $0x4000, s31;
	s1 =	sadd.s32 s1, s30  }
0xbc: {  	s0 =	sor.u32 s3, s0;
	s1 =	sshll.u32 s1, $0x11  }
0xbd: {  	s0 =	sor.u32 s1, s0  }
0xbe: {  	s0 =	sadd.s32 $0x8F2B, s0  }
0xbf: {  	[sflag:s0] =	ssyncadd.remote.s32 $0x1  }
0xc0: {  	_ =	sfence.sel $0xFFFF  }
0xc1: {  	[dreg:$0x0] =	wrdreg $0xFFFFFFFF;
	(pc) =	sbr.abs _section_cstart, $3  }
0xc2: {  	[dreg:$0x1] =	wrdreg $0xFFFFFFFF  }
0xc3: {  	_ =	task.clear_ibuf [dreg:s6], $0x2FFFF;
	_ =	strace $0x9FFFFFFF  }
0xc4: {  	(tm) =	ssettm $0x7FFFFFFF  }
0xc5: {  	_ =	shalt  }
tec
execute0_lowered:
.L_overlay_start_1:
0x0: {  	(tag) =	ssettag $0x1  }
0x1: {  	s2 =	rddreg [dreg:$0x0]  }
0x2: {  	s3 =	rddreg [dreg:$0x1];
	_ =	strace $0x8000005C;
	s0 =	simm.s32 $0x1  }
0x3: {  	v0 =	vimm.s32 $0x0;
	[sflag:s0] =	ssyncpa.u1 $0x0;
	s0 =	simm.s32 $0x108  }
0x4: {  	[tilespmem:s0+$0x70] =	vst v0  }
0x5: {  	[tilespmem:s0+$0x60] =	vst v0  }
0x6: {  	[tilespmem:s0+$0x50] =	vst v0  }
0x7: {  	[tilespmem:s0+$0x40] =	vst v0  }
0x8: {  	[tilespmem:s0+$0x30] =	vst v0  }
0x9: {  	s1 =	sadd.s32 $0x13C00, s2;
	s15 =	sadd.s32 $0xDBA00, s2;
	s6 =	sadd.s32 $0xABD400, s2;
	[tilespmem:s0+$0x20] =	vst v0  }
0xa: {  	s14 =	sadd.s32 $0xE5800, s2;
	s5 =	sand.u32 $0x1, s3;
	s3 =	simm.s32 $0x40;
	[tilespmem:s0+$0x10] =	vst v0  }
.LBB2_1:
0xb: {  	s3 =	sadd.s32 $0x40, s3;
	[tilespmem:s0+$0x0] =	vst v0;
	s0 =	sadd.s32 $0x80, s0  }
0xc: {  	p0 =	slt.u32 s3, $0x3C40;
	[tilespmem:s0+$0x70] =	vst v0  }
0xd: {  	[tilespmem:s0+$0x60] =	vst v0  }
.Ltmp0:
0xe: {  	[tilespmem:s0+$0x50] =	vst v0;
	(pc) =	sbr.rel @p0 .LBB2_1-.Ltmp0, $4  }
0xf: {  	[tilespmem:s0+$0x40] =	vst v0  }
0x10: {  	[tilespmem:s0+$0x30] =	vst v0  }
0x11: {  	[tilespmem:s0+$0x20] =	vst v0  }
0x12: {  	[tilespmem:s0+$0x10] =	vst v0  }
0x13: {  	s9 =	stileid.u32  }
0x14: {  	s2 =	smul.u32 $0x29, s9  }
0x15: {  	s3 =	smin.u32 s9, $0xB  }
0x16: {  	s2 =	sadd.s32 s3, s2  }
0x17: {  	p0 =	slt.u32 s9, $0xB;
	s7 =	smul.u32 $0xF0, s2;
	s2 =	simm.s32 $0x2760  }
0x18: {  	s2 =	simm.s32 @!p0 $0x2670  }
0x19: {  	s2 =	sadd.s32 s2, s7  }
0x1a: {  	s8 =	smin.u32 s2, $0x27100  }
0x1b: {  	s2 =	ssub.s32 s8, s7  }
0x1c: {  	p0 =	sgt.s32 s2, $0x0  }
0x1d: {  	s29 =	simm.s32 $0x2;
	s10 =	simm.s32 $0x9;
	s2 =	simm.s32 @!p0 $0x0  }
0x1e: {  	s4 =	simm.s32 $0xA;
	s11 =	simm.s32 $0xB;
	s28 =	smulhi.u32 $0x88888889, s2  }
0x1f: {  	[dreg:$0x4] =	wrdreg s5;
	s31 =	smul.u32 $0x4E20, s5;
	s12 =	simm.s32 $0x1  }
0x20: {  	s22 =	simm.s32 $0x0;
	s18 =	simm.s32 $0xC;
	s30 =	sshrl.u32 s28, $0x7  }
0x21: {  	s20 =	simm.s32 $0x0;
	s21 =	simm.s32 $0x0;
	s3 =	smul.u32 $0xF0, s30  }
.Ltmp1:
0x22: {  	[tilespmem:s0+$0x0] =	vst v0;
	v0 =	vimm.s32 $0xFFFFFFFF;
	[sflag:s29] =	ssyncpa.u1 $0x0;
	s16 =	sshll.u32 s9, $0x8;
	(pc) =	sbr.rel .LBB2_3-.Ltmp1, $4  }
0x23: {  	[tilespmem:$0xF208] =	vst v0;
	[sflag:s10] =	ssyncpa.u1 $0x0;
	p0 =	sne.s32 s2, s3;
	s2 =	simm.s32 $0x1  }
0x24: {  	s14 =	sadd.s32 s31, s14;
	[sflag:s4] =	ssyncpa.u1 $0x0;
	s2 =	simm.s32 @!p0 $0x0  }
0x25: {  	s15 =	sadd.s32 s31, s15;
	[sflag:s11] =	ssyncpa.u1 $0x0;
	s13 =	sadd.s32 s2, s30  }
0x26: {  	v0 =	vlaneseq.u32;
	s19 =	smov.u32 s7;
	p0 =	por $0x0, $0x0;
	s17 =	sadd.s32 $0x1, s13  }
.LBB2_18:
0x27: {  	s0 =	sshrl.u32 s31, $0x2  }
.LBB2_20:
0x28: {  	_ =	swait.ge [sflag:s18], s0  }
0x29: {  	s31 =	ssub.s32 $0x0, s0;
	v1 =	vmov s24;
	vm0 =	veq.s32 v0, $0x0;
	[sflag:s18] =	ssyncset.done $0x0  }
0x2a: {  	vm15 =	veq.s32 v0, $0x2;
	v1 =	vsel vm0, s30, v1;
	[sflag:s18] =	ssyncadd.s32 s31  }
0x2b: {  	v1 =	vsel vm15, s22, v1;
	[sflag:s18] =	ssyncpa.u1 $0x1  }
0x2c: {  	[tilespmem:$0xF208] =	vst v1  }
.LBB2_21:
0x2d: {  	s0 =	sadd.s32 $0xF0, s19  }
0x2e: {  	s2 =	smov.u32 s7;
	p1 =	slt.s32 s0, s8  }
0x2f: {  	s2 =	smov.u32 @p1 s0;
	p1 =	sne.s32 s21, s17  }
.Ltmp2:
0x30: {  	_ = 	snop;
	(pc) =	sbr.rel @!p1 .LBB2_22-.Ltmp2, $3  }
0x31: {  	_ =	sdelay $0x1  }
0x32: {  	s22 =	smov.u32 s20;
	s31 =	sadd.s32 $0x1, s21;
	s20 =	smov.u32 s19  }
0x33: {  	p0 =	por !p0, !p0;
	s21 =	smov.u32 s31;
	s19 =	smov.u32 s2  }
.LBB2_3:
0x34: {  	p1 =	sge.u32 s21, s13  }
0x35: {  	s0 =	smulhi.u32 @!p1 $0xAAAAAAAB, s21  }
0x36: {  	s2 =	smov.u32 s19;
	p2 =	sgt.s32 @!p1 s19, $0x27010  }
0x37: {  	s3 =	sshra.s32 @!p1 s19, $0x1F;
	p2 =	por !p2, p1;
	s0 =	sshrl.u32 @!p1 s0, $0x1  }
0x38: {  	s3 =	sand.u32 @!p1 s3, s19;
	s2 =	simm.s32 @p2 $0x27010;
	s0 =	smul.u32 @!p1 $0x3, s0  }
0x39: {  	s2 =	ssub.s32 @!p1 s2, s3  }
0x3a: {  	s2 =	sadd.s32 @!p1 $0xFFFD8FF0, s2;
	s0 =	ssub.s32 @!p1 s21, s0  }
0x3b: {  	s3 =	sshll.u32 @!p1 s2, $0x2;
	p2 =	sgt.s32 @!p1 s2, $0xEF;
	s0 =	smul.u32 @!p1 $0x3C0, s0  }
0x3c: {  	s4 =	sand.u32 @!p1 $0x7, s19;
	s2 =	ssub.s32 @!p1 $0x3C0, s3;
	p2 =	por !p2, p1  }
0x3d: {  	s3 =	sshrl.u32 @!p1 s19, $0x3;
	s2 =	sshrl.u32 @!p1 s2, $0x2;
	s0 =	sshrl.u32 @!p1 s0, $0x2  }
0x3e: {  	s3 =	sadd.s32 @!p1 s3, s14;
	s2 =	simm.s32 @!p2 $0x0;
	s0 =	sadd.s32 @!p1 $0x10248, s0  }
0x3f: {  	[tilespmem:s0], [sflag:$0xA] =	stream.linear.gather @!p1 [hbm4b:s3+s4], s2, $0x38;
	[tilespmem:$0x1F6F8] =	vst v63  }
0x40: {  	s0 =	sadd.s32 $0xFFFFFFFF, s21  }
0x41: {  	p1 =	sge.u32 s0, s13  }
0x42: {  	p2 =	sgt.s32 @!p1 s20, $0x27010  }
0x43: {  	s2 =	smov.u32 s20;
	s3 =	sshra.s32 @!p1 s20, $0x1F;
	p2 =	por !p2, p1  }
0x44: {  	s3 =	sand.u32 @!p1 s3, s20;
	s2 =	simm.s32 @p2 $0x27010  }
0x45: {  	s2 =	ssub.s32 @!p1 s2, s3  }
0x46: {  	s2 =	sadd.s32 @!p1 $0xFFFD8FF0, s2  }
0x47: {  	s4 =	sand.u32 @!p1 $0x1, s0;
	s3 =	sshll.u32 @!p1 s2, $0x2  }
0x48: {  	p2 =	sgt.s32 @!p1 s2, $0xEF;
	s2 =	ssub.s32 @!p1 $0x3C0, s3;
	s3 =	smulhi.u32 @!p1 $0xAAAAAAAB, s0  }
0x49: {  	s23 =	smul.u32 @!p1 $0x3C0, s4;
	p2 =	por !p2, p1;
	s2 =	sshrl.u32 @!p1 s2, $0x2  }
0x4a: {  	s5 =	simm.s32 @!p1 $0xA;
	s2 =	simm.s32 @!p2 $0x0;
	s3 =	sshrl.u32 @!p1 s3, $0x1  }
0x4b: {  	s23 =	sshrl.u32 @!p1 s23, $0x2;
	_ =	swait.ge @!p1 [sflag:s5], s2;
	s3 =	smul.u32 @!p1 $0x3, s3  }
0x4c: {  	s23 =	sadd.s32 @!p1 $0x10518, s23;
	s24 =	ssub.s32 @!p1 $0x0, s2;
	[sflag:s5] =	ssyncset.done @!p1 $0x0  }
0x4d: {  	[sflag:s5] =	ssyncadd.s32 @!p1 s24;
	s5 =	sshrl.u32 @!p1 s20, $0x3;
	s0 =	ssub.s32 @!p1 s0, s3  }
0x4e: {  	s24 =	sand.u32 @!p1 $0x7, s20;
	s5 =	sadd.s32 @!p1 s5, s15;
	s0 =	smul.u32 @!p1 $0x3C0, s0  }
0x4f: {  	[tilespmem:s23], [sflag:$0xB] =	stream.linear.gather @!p1 [hbm4b:s5+s24], s2, $0x38;
	[tilespmem:$0x1F6F8] =	vst v63  }
0x50: {  	s3 =	ssub.s32 @!p1 $0x27100, s20;
	s2 =	smul.u32 @!p1 $0x1E000, s4  }
0x51: {  	p2 =	slt.s32 @!p1 s3, $0xF0  }
0x52: {  	p2 =	por !p2, p1;
	s0 =	sshrl.u32 @!p1 s0, $0x2;
	s2 =	sshrl.u32 @!p1 s2, $0x2  }
0x53: {  	s3 =	simm.s32 @p2 $0xF0;
	s0 =	sadd.s32 @!p1 $0x10248, s0;
	s2 =	sor.u32 @!p1 $0x106F8, s2  }
0x54: {  	[tilespmem:s2], [sflag:$0x9] =	stream.indirect.gather @!p1 [hbm4b:s6+s3], $0x80, s0, s3, $0xb8;
	[tilespmem:$0x1F6F8] =	vst v63  }
0x55: {  	p1 =	slt.u32 s21, $0x2  }
.Ltmp3:
0x56: {  	_ = 	snop;
	(pc) =	sbr.rel @p1 .LBB2_21-.Ltmp3, $1  }
0x57: {  	_ =	sdelay $0x3  }
0x58: {  	p1 =	sgt.s32 s22, $0x27010  }
0x59: {  	s0 =	smov.u32 s22;
	s2 =	sshra.s32 s22, $0x1F;
	s3 =	ssub.s32 $0x27100, s22  }
0x5a: {  	s0 =	simm.s32 @!p1 $0x27010;
	s2 =	sand.u32 s2, s22;
	p1 =	slt.s32 s3, $0xF0  }
0x5b: {  	s0 =	ssub.s32 s0, s2;
	s3 =	simm.s32 @!p1 $0xF0  }
0x5c: {  	s0 =	sadd.s32 $0xFFFD8FF0, s0;
	s25 =	sshll.u32 s3, $0x7  }
0x5d: {  	s26 =	sshll.u32 s0, $0x2;
	s2 =	sand.u32 $0x3FFFFF80, s25  }
0x5e: {  	p1 =	sgt.s32 s0, $0xEF;
	s29 =	ssub.s32 $0x3C0, s26;
	_ =	swait.ge [sflag:s10], s2  }
0x5f: {  	s2 =	ssub.s32 $0x0, s2;
	[sflag:s10] =	ssyncset.done $0x0;
	s0 =	sshrl.u32 s29, $0x2  }
0x60: {  	[sflag:s10] =	ssyncadd.s32 s2;
	s0 =	simm.s32 @p1 $0x0  }
0x61: {  	_ =	swait.ge [sflag:s11], s0  }
0x62: {  	s0 =	ssub.s32 $0x0, s0;
	[sflag:s11] =	ssyncset.done $0x0  }
0x63: {  	[sflag:s11] =	ssyncadd.s32 s0  }
0x64: {  	v1 =	vld [tilespmem:$0xF208];
	_ =	sdelay $0x4  }
0x65: {  	(v2sf) =	vpush v1, $0x0  }
0x66: {  	(v2sf) =	vpush v1, $0x1  }
0x67: {  	(v2sf) =	vpush v1, $0x2;
	_ =	sdelay $0x3  }
0x68: {  	s0 =	sadd.s32 $0xF0, s22  }
0x69: {  	s2 =	ssub.s32 $0x4E200, s22;
	p1 =	slt.s32 s8, s0  }
0x6a: {  	s0 =	smov.u32 @p1 s8;
	p1 =	sgt.s32 s2, $0x0  }
0x6b: {  	s26 =	ssub.s32 s0, s22;
	s2 =	simm.s32 @!p1 $0x0  }
0x6c: {  	p1 =	slt.s32 s2, s26  }
0x6d: {  	s26 =	smov.u32 @p1 s2  }
0x6e: {  	s25 =	simm.s32 $0x1;
	p1 =	slt.s32 s26, $0x1  }
.Ltmp4:
0x6f: {  	s25 =	simm.s32 @!p0 $0x0;
	(pc) =	sbr.rel @p1 .LBB2_8-.Ltmp4, $4  }
0x70: {  	s31 =	smul.u32 $0x3C0, s25  }
0x71: {  	s28 =	spop (v2sf)  }
0x72: {  	s0 =	sshrl.u32 s31, $0x2;
	s30 =	spop (v2sf)  }
0x73: {  	s23 =	sadd.s32 $0x10518, s0;
	s22 =	spop (v2sf)  }
0x74: {  	s0 =	smin.u32 s26, $0x10  }
0x75: {  	v1 =	vmov s0  }
0x76: {  	p2 =	sgt.s32 s26, $0x10;
	vm1 =	vgt.u32 v1, v0  }
.Ltmp5:
0x77: {  	_ = 	snop;
	(pc) =	sbr.rel @!p2 .LBB2_7-.Ltmp5, $2  }
0x78: {  	_ =	sdelay $0x2  }
0x79: {  	s4 =	simm.s32 $0x10;
	s24 =	sadd.s32 $0xFFFFFFF0, s26;
	s0 =	smov.u32 s23;
	vm0 =	vmmov vm1  }
.LBB2_6:
0x7a: {  	s2 =	smin.u32 s24, $0x10;
	s4 =	sadd.s32 $0x10, s4;
	v1 =	vld.msk [tilespmem:s0+$0x0 ss:$0x1], vm1  }
0x7b: {  	v2 =	vmov s2;
	p2 =	slt.s32 s4, s26  }
0x7c: {  	vm1 =	vgt.u32 v2, v0  }
.Ltmp6:
0x7d: {  	(pc) =	sbr.rel @p2 .LBB2_6-.Ltmp6, $3  }
0x7e: {  	_ =	sdelay $0x1  }
0x7f: {  	v1 =	vshll.u32 v1, $0x4  }
0x80: {  	s24 =	sadd.s32 $0xFFFFFFF0, s24;
	[tilespmem:s0+$0x0] =	vst.msk vm0, v1;
	s0 =	sadd.s32 $0x10, s0;
	vm0 =	vmmov vm1  }
.LBB2_7:
0x81: {  	_ =	sdelay $0x4  }
0x82: {  	v1 =	vld.msk [tilespmem:s0+$0x0 ss:$0x1], vm1;
	_ =	sdelay $0x4  }
0x83: {  	v1 =	vshll.u32 v1, $0x4  }
0x84: {  	[tilespmem:s0+$0x0] =	vst.msk vm0, v1  }
.LBB2_8:
0x85: {  	s0 =	sand.u32 $0x1, s21  }
0x86: {  	s2 =	smul.u32 $0x7800, s0  }
0x87: {  	p2 =	sne.s32 s30, $0xFFFFFFFF  }
0x88: {  	v1 =	vld @!p2 [tilespmem:s2+$0x106F8];
	_ =	sdelay $0x2  }
0x89: {  	s0 =	smul.u32 $0xF0, s0;
	_ =	sdelay $0x1  }
0x8a: {  	v2 =	vld.msk @!p2 [tilespmem:s0+$0x10518], $0x1;
	[tilespmem:$0x108] =	vst @!p2 v1  }
0x8b: {  	v1 =	vld @!p2 [tilespmem:s2+$0x10708];
	_ =	sdelay $0x4  }
0x8c: {  	[tilespmem:$0x118] =	vst @!p2 v1  }
0x8d: {  	v1 =	vld @!p2 [tilespmem:s2+$0x10718];
	_ =	sdelay $0x4  }
0x8e: {  	[tilespmem:$0x128] =	vst @!p2 v1  }
0x8f: {  	v1 =	vld @!p2 [tilespmem:s2+$0x10728];
	_ =	sdelay $0x4  }
0x90: {  	[tilespmem:$0x138] =	vst @!p2 v1  }
0x91: {  	v1 =	vld @!p2 [tilespmem:s2+$0x10738];
	_ =	sdelay $0x4  }
0x92: {  	[tilespmem:$0x148] =	vst @!p2 v1  }
0x93: {  	(v2sf) =	vpush @!p2 v2, $0x0;
	v1 =	vld @!p2 [tilespmem:s2+$0x10748];
	_ =	sdelay $0x4  }
0x94: {  	[tilespmem:$0x158] =	vst @!p2 v1  }
0x95: {  	v1 =	vld @!p2 [tilespmem:s2+$0x10758];
	_ =	sdelay $0x4  }
0x96: {  	[tilespmem:$0x168] =	vst @!p2 v1  }
0x97: {  	v1 =	vld @!p2 [tilespmem:s2+$0x10768]  }
.Ltmp7:
0x98: {  	_ = 	snop;
	(pc) =	sbr.rel @p1 .LBB2_19-.Ltmp7, $4  }
0x99: {  	_ = 	snop  }
0x9a: {  	s29 =	spop @!p2 (v2sf)  }
0x9b: {  	s22 =	simm.s32 @!p2 $0x0;
	s24 =	smov.u32 s29  }
0x9c: {  	s29 =	smov.u32 @p2 s28;
	s24 =	smov.u32 @p2 s30;
	[tilespmem:$0x178] =	vst @!p2 v1;
	[sflag:s18] =	ssyncpa.u1 $0x0  }
0x9d: {  	v1 =	vld.msk [tilespmem:s23+$0x0], $0x1;
	_ =	sdelay $0x4  }
0x9e: {  	(v2sf) =	vpush v1, $0x0;
	_ =	sdelay $0xe  }
0x9f: {  	s2 =	smul.u32 $0x1E000, s25;
	s0 =	spop (v2sf)  }
0xa0: {  	s26 =	ssub.s32 $0x0, s26;
	p1 =	seq.s32 s29, s0  }
0xa1: {  	s30 =	sadd.s32 $0x1, s26;
	s2 =	sshrl.u32 s2, $0x2;
	p2 =	sgt.s32 @!p1 s29, $0x0  }
0xa2: {  	s25 =	sor.u32 $0x10738, s2;
	s2 =	smov.u32 s29;
	p2 =	por !p2, p1  }
0xa3: {  	s2 =	simm.s32 @p2 $0x0;
	p2 =	seq.s32 s30, $0x0  }
.Ltmp8:
0xa4: {  	_ = 	snop;
	(pc) =	sbr.rel @p2 .LBB2_11-.Ltmp8, $4  }
0xa5: {  	_ = 	snop  }
0xa6: {  	s28 =	simm.s32 $0x0;
	s31 =	sadd.s32 $0x1, s23;
	s2 =	smin.u32 @!p1 s2, $0x270F0  }
0xa7: {  	s4 =	simm.s32 @!p1 $0x1;
	s5 =	simm.s32 @!p1 $0x7988;
	s3 =	sand.u32 @!p1 $0x3FFF8, s2  }
0xa8: {  	s4 =	smov.u32 @p1 s28;
	s2 =	sand.u32 @!p1 $0x7, s2;
	s3 =	sadd.s32 @!p1 s1, s3  }
.LBB2_10:
0xa9: {  	s9 =	smov.u32 s4  }
0xaa: {  	[tilespmem:s5], [sflag:$0x2] =	stream.linear.gather @!p1 [hbm4b:s3+s2], $0x80, $0x38;
	[tilespmem:$0x1F6F8] =	vst v63  }
0xab: {  	s30 =	sadd.s32 $0x1, s30;
	s2 =	smov.u32 s0;
	v1 =	vld.msk [tilespmem:s31+$0x0], $0x1  }
0xac: {  	p2 =	seq.s32 s30, $0x0;
	_ =	sdelay $0x3  }
0xad: {  	(v2sf) =	vpush v1, $0x0;
	_ =	sdelay $0xe  }
0xae: {  	s0 =	spop (v2sf)  }
0xaf: {  	p1 =	seq.s32 s2, s0  }
0xb0: {  	p3 =	sgt.s32 @!p1 s2, $0x0;
	s3 =	sshll.u32 @!p1 s4, $0x9;
	s4 =	sadd.s32 @!p1 $0x1, s4  }
.Ltmp9:
0xb1: {  	p3 =	por !p3, p1;
	s3 =	sshra.s32 @!p1 s3, $0x2;
	(pc) =	sbr.rel @!p2 .LBB2_10-.Ltmp9, $4  }
0xb2: {  	s4 =	smov.u32 @p1 s9;
	s2 =	simm.s32 @p3 $0x0;
	s5 =	sadd.s32 @!p1 $0x7988, s3  }
0xb3: {  	s2 =	smin.u32 @!p1 s2, $0x270F0  }
0xb4: {  	s3 =	sand.u32 @!p1 $0x3FFF8, s2;
	s2 =	sand.u32 @!p1 $0x7, s2  }
0xb5: {  	s31 =	sadd.s32 $0x1, s31;
	s3 =	sadd.s32 @!p1 s1, s3  }
.LBB2_11:
0xb6: {  	[tilespmem:s5], [sflag:$0x2] =	stream.linear.gather @!p1 [hbm4b:s3+s2], $0x80, $0x38;
	[tilespmem:$0x1F6F8] =	vst v63  }
.Ltmp10:
0xb7: {  	s0 =	sshll.u32 s4, $0x7;
	(pc) =	sbr.rel .LBB2_12-.Ltmp10, $4  }
0xb8: {  	s30 =	simm.s32 $0x2;
	s0 =	sand.u32 $0x3FFFFF80, s0  }
0xb9: {  	_ =	swait.ge [sflag:s30], s0  }
0xba: {  	s0 =	ssub.s32 $0x0, s0;
	[sflag:s30] =	ssyncset.done $0x0  }
0xbb: {  	s31 =	simm.s32 $0x0;
	[sflag:s30] =	ssyncadd.s32 s0  }
.LBB2_13:
0xbc: {  	s0 =	sshra.s32 s0, $0x2;
	v1 =	vld [tilespmem:s25+$0xFFFFFFC0]  }
0xbd: {  	v2 =	vld [tilespmem:s0+$0x108];
	_ =	sdelay $0x4  }
0xbe: {  	v1 =	vmax.f32 v1, v2  }
0xbf: {  	v2 =	vld [tilespmem:s0+$0x118];
	[tilespmem:s0+$0x108] =	vst v1  }
0xc0: {  	v1 =	vld [tilespmem:s25+$0xFFFFFFD0];
	_ =	sdelay $0x4  }
0xc1: {  	v1 =	vmax.f32 v1, v2  }
0xc2: {  	v2 =	vld [tilespmem:s0+$0x128];
	[tilespmem:s0+$0x118] =	vst v1  }
0xc3: {  	v1 =	vld [tilespmem:s25+$0xFFFFFFE0];
	_ =	sdelay $0x4  }
0xc4: {  	v1 =	vmax.f32 v1, v2  }
0xc5: {  	v2 =	vld [tilespmem:s0+$0x138];
	[tilespmem:s0+$0x128] =	vst v1  }
0xc6: {  	v1 =	vld [tilespmem:s25+$0xFFFFFFF0];
	_ =	sdelay $0x4  }
0xc7: {  	v1 =	vmax.f32 v1, v2  }
0xc8: {  	v2 =	vld [tilespmem:s0+$0x148];
	[tilespmem:s0+$0x138] =	vst v1  }
0xc9: {  	v1 =	vld [tilespmem:s25+$0x0];
	_ =	sdelay $0x4  }
0xca: {  	v1 =	vmax.f32 v1, v2  }
0xcb: {  	v2 =	vld [tilespmem:s0+$0x158];
	[tilespmem:s0+$0x148] =	vst v1  }
0xcc: {  	v1 =	vld [tilespmem:s25+$0x10];
	_ =	sdelay $0x4  }
0xcd: {  	v1 =	vmax.f32 v1, v2  }
0xce: {  	v2 =	vld [tilespmem:s0+$0x168];
	[tilespmem:s0+$0x158] =	vst v1  }
0xcf: {  	v1 =	vld [tilespmem:s25+$0x20];
	_ =	sdelay $0x4  }
0xd0: {  	v1 =	vmax.f32 v1, v2  }
0xd1: {  	v2 =	vld [tilespmem:s0+$0x178];
	[tilespmem:s0+$0x168] =	vst v1  }
0xd2: {  	v1 =	vld [tilespmem:s25+$0x30];
	_ =	sdelay $0x4  }
0xd3: {  	v1 =	vmax.f32 v1, v2  }
0xd4: {  	[tilespmem:s0+$0x178] =	vst v1  }
.LBB2_17:
0xd5: {  	s26 =	sadd.s32 $0x1, s26  }
0xd6: {  	p1 =	seq.s32 s26, $0x0  }
.Ltmp11:
0xd7: {  	_ = 	snop;
	(pc) =	sbr.rel @p1 .LBB2_18-.Ltmp11, $2  }
0xd8: {  	_ =	sdelay $0x2  }
0xd9: {  	s23 =	sadd.s32 $0x1, s23;
	s25 =	sadd.s32 $0x80, s25;
	s29 =	smov.u32 s30  }
.LBB2_12:
0xda: {  	v1 =	vld.msk [tilespmem:s23+$0x0], $0x1;
	_ =	sdelay $0x4  }
0xdb: {  	(v2sf) =	vpush v1, $0x0;
	_ =	sdelay $0xe  }
0xdc: {  	s30 =	spop (v2sf)  }
0xdd: {  	p1 =	sne.s32 s29, s30  }
.Ltmp12:
0xde: {  	_ = 	snop;
	(pc) =	sbr.rel @!p1 .LBB2_13-.Ltmp12, $2  }
0xdf: {  	_ =	sdelay $0x2  }
0xe0: {  	s0 =	sshll.u32 s22, $0x9  }
0xe1: {  	p1 =	seq.s32 s29, s24  }
.Ltmp13:
0xe2: {  	_ = 	snop;
	(pc) =	sbr.rel @!p1 .LBB2_15-.Ltmp13, $1  }
0xe3: {  	_ =	sdelay $0x3  }
0xe4: {  	s0 =	sshra.s32 s0, $0x2  }
.Ltmp14:
0xe5: {  	s0 =	sadd.s32 $0x108, s0;
	(pc) =	sbr.rel .LBB2_16-.Ltmp14, $4  }
0xe6: {  	[spmem:s16] =	stream.linear.scatter [tilespmem:s0], [sflag:$0x1], $0x80, $0x38;
	[tilespmem:$0x1F6F8] =	vst v63  }
0xe7: {  	_ =	swait.ge [sflag:s12], $0x80  }
0xe8: {  	[sflag:s12] =	ssyncset.done $0x0  }
0xe9: {  	[sflag:s12] =	ssyncadd.s32 $0xFFFFFF80  }
.LBB2_15:
0xea: {  	s2 =	sshll.u32 s28, $0x9;
	s0 =	sshra.s32 s0, $0x2  }
0xeb: {  	s2 =	sshra.s32 s2, $0x2;
	v2 =	vld [tilespmem:s0+$0x108]  }
0xec: {  	v1 =	vld [tilespmem:s2+$0x7988];
	_ =	sdelay $0x4  }
0xed: {  	v1 =	vmax.f32 v1, v2  }
0xee: {  	v2 =	vld [tilespmem:s0+$0x118];
	[tilespmem:s0+$0x108] =	vst v1  }
0xef: {  	v1 =	vld [tilespmem:s2+$0x7998];
	_ =	sdelay $0x4  }
0xf0: {  	v1 =	vmax.f32 v1, v2  }
0xf1: {  	v2 =	vld [tilespmem:s0+$0x128];
	[tilespmem:s0+$0x118] =	vst v1  }
0xf2: {  	v1 =	vld [tilespmem:s2+$0x79A8];
	_ =	sdelay $0x4  }
0xf3: {  	v1 =	vmax.f32 v1, v2  }
0xf4: {  	v2 =	vld [tilespmem:s0+$0x138];
	[tilespmem:s0+$0x128] =	vst v1  }
0xf5: {  	v1 =	vld [tilespmem:s2+$0x79B8];
	_ =	sdelay $0x4  }
0xf6: {  	v1 =	vmax.f32 v1, v2  }
0xf7: {  	v2 =	vld [tilespmem:s0+$0x148];
	[tilespmem:s0+$0x138] =	vst v1  }
0xf8: {  	v1 =	vld [tilespmem:s2+$0x79C8];
	_ =	sdelay $0x4  }
0xf9: {  	v1 =	vmax.f32 v1, v2  }
0xfa: {  	v2 =	vld [tilespmem:s0+$0x158];
	[tilespmem:s0+$0x148] =	vst v1  }
0xfb: {  	v1 =	vld [tilespmem:s2+$0x79D8];
	_ =	sdelay $0x4  }
0xfc: {  	v1 =	vmax.f32 v1, v2  }
0xfd: {  	v2 =	vld [tilespmem:s0+$0x168];
	[tilespmem:s0+$0x158] =	vst v1  }
0xfe: {  	v1 =	vld [tilespmem:s2+$0x79E8];
	_ =	sdelay $0x4  }
0xff: {  	v1 =	vmax.f32 v1, v2  }
0x100: {  	v2 =	vld [tilespmem:s0+$0x178];
	[tilespmem:s0+$0x168] =	vst v1  }
0x101: {  	v1 =	vld [tilespmem:s2+$0x79F8];
	_ =	sdelay $0x3  }
0x102: {  	p1 =	sgt.u32 s29, $0x270F0  }
0x103: {  	s2 =	sand.u32 @!p1 $0x3FFF8, s29;
	v1 =	vmax.f32 v1, v2  }
0x104: {  	s3 =	sadd.s32 $0x108, s0;
	[tilespmem:s0+$0x178] =	vst v1;
	s0 =	sadd.s32 @!p1 s1, s2;
	s2 =	sand.u32 @!p1 $0x7, s29  }
0x105: {  	[hbm4b:s0+s2] =	stream.linear.scatter @!p1 [tilespmem:s3], [sflag:$0xC], $0x80, $0x38;
	[tilespmem:$0x1F6F8] =	vst v63  }
0x106: {  	s0 =	simm.s32 $0x0  }
0x107: {  	s0 =	simm.s32 @!p1 $0x200  }
0x108: {  	s31 =	sadd.s32 s0, s31  }
.LBB2_16:
0x109: {  	s0 =	sadd.s32 $0x1, s22  }
0x10a: {  	s2 =	smulhi.u32 $0x88888889, s0;
	_ =	sdelay $0x1  }
0x10b: {  	v1 =	vld [tilespmem:s25+$0xFFFFFFC0];
	s2 =	sshrl.u32 s2, $0x7  }
0x10c: {  	s2 =	smul.u32 $0xF0, s2;
	_ =	sdelay $0x1  }
0x10d: {  	s22 =	ssub.s32 s0, s2  }
0x10e: {  	s0 =	sshll.u32 s22, $0x7  }
0x10f: {  	[tilespmem:s0+$0x108] =	vst v1  }
0x110: {  	v1 =	vld [tilespmem:s25+$0xFFFFFFD0];
	_ =	sdelay $0x4  }
0x111: {  	[tilespmem:s0+$0x118] =	vst v1  }
0x112: {  	v1 =	vld [tilespmem:s25+$0xFFFFFFE0];
	_ =	sdelay $0x4  }
0x113: {  	[tilespmem:s0+$0x128] =	vst v1  }
0x114: {  	v1 =	vld [tilespmem:s25+$0xFFFFFFF0];
	_ =	sdelay $0x4  }
0x115: {  	[tilespmem:s0+$0x138] =	vst v1  }
0x116: {  	v1 =	vld [tilespmem:s25+$0x0];
	_ =	sdelay $0x4  }
0x117: {  	[tilespmem:s0+$0x148] =	vst v1  }
0x118: {  	v1 =	vld [tilespmem:s25+$0x10];
	_ =	sdelay $0x4  }
0x119: {  	[tilespmem:s0+$0x158] =	vst v1  }
0x11a: {  	v1 =	vld [tilespmem:s25+$0x20];
	_ =	sdelay $0x4  }
0x11b: {  	[tilespmem:s0+$0x168] =	vst v1  }
0x11c: {  	v1 =	vld [tilespmem:s25+$0x30]  }
.Ltmp15:
0x11d: {  	_ = 	snop;
	(pc) =	sbr.rel .LBB2_17-.Ltmp15, $2  }
0x11e: {  	_ =	sdelay $0x2  }
0x11f: {  	s28 =	sadd.s32 $0x1, s28;
	[tilespmem:s0+$0x178] =	vst v1  }
.LBB2_19:
.Ltmp16:
0x120: {  	(pc) =	sbr.rel .LBB2_20-.Ltmp16, $4  }
0x121: {  	_ = 	snop  }
0x122: {  	s0 =	simm.s32 $0x2  }
0x123: {  	_ =	swait.ge [sflag:s0], $0x0  }
0x124: {  	s30 =	smov.u32 s29;
	[sflag:s0] =	ssyncset.done $0x0;
	s0 =	simm.s32 $0x0  }
.LBB2_22:
0x125: {  	_ =	sfence.sel $0x180000  }
0x126: {  	s0 =	simm.s32 $0x9;
	[bflag:$0x0] =	sbarrier.arrive $0xFFFF  }
0x127: {  	s24 =	simm.s32 $0xA;
	[sflag:s0] =	ssyncpa.u1 $0x1  }
0x128: {  	s25 =	simm.s32 $0xB;
	[sflag:s24] =	ssyncpa.u1 $0x1  }
0x129: {  	s26 =	simm.s32 $0x2;
	[sflag:s25] =	ssyncpa.u1 $0x1  }
0x12a: {  	[sflag:s26] =	ssyncpa.u1 $0x1  }
0x12b: {  	v0 =	vld [tilespmem:$0xF208];
	_ =	sdelay $0x4  }
0x12c: {  	(v2sf) =	vpush v0, $0x0  }
0x12d: {  	(v2sf) =	vpush v0, $0x1;
	_ =	sdelay $0x1  }
0x12e: {  	(v2sf) =	vpush v0, $0x2;
	_ =	sdelay $0xb  }
0x12f: {  	s0 =	spop (v2sf)  }
0x130: {  	s2 =	spop (v2sf)  }
0x131: {  	s3 =	smov.u32 s0;
	p0 =	sne.s32 s0, s2  }
0x132: {  	s4 =	spop (v2sf);
	s3 =	simm.s32 @!p0 $0xFFFFFFFF  }
0x133: {  	v2 =	vimm.s32 $0x1;
	v3 =	vlaneseq.u32;
	p0 =	seq.s32 s4, $0xFFFFFFFF;
	v1 =	vmov s3  }
0x134: {  	s16 =	stileid.u32;
	v0 =	vperm.xlane v0, v2;
	p1 =	sne.s32 @!p0 s0, s2;
	v1 =	vperm.xlane v1, v3  }
0x135: {  	vm0 =	vcmask $0x3F04;
	s6 =	simm.s32 $0xF208;
	s0 =	simm.s32 @!p0 $0x1;
	p1 =	por !p1, p0  }
0x136: {  	s3 =	sshll.u32 s16, $0x1;
	s2 =	sshll.u32 @!p0 s4, $0x9;
	s0 =	simm.s32 @p1 $0x0;
	v0 =	vsel vm0, v1, v0  }
0x137: {  	s5 =	sor.u32 $0x1000, s3;
	s2 =	sshra.s32 @!p0 s2, $0x2;
	s0 =	sor.u32 @!p0 s0, s3;
	[tilespmem:$0xF208] =	vst v0  }
0x138: {  	[spmem:s5] =	stream.linear.scatter [tilespmem:s6], [sflag:$0x1], $0x2, $0x38;
	[tilespmem:$0x1F6F8] =	vst v63  }
0x139: {  	s2 =	sadd.s32 @!p0 $0x108, s2;
	s0 =	sshll.u32 @!p0 s0, $0x7  }
0x13a: {  	[spmem:s0] =	stream.linear.scatter @!p0 [tilespmem:s2], [sflag:$0x1], $0x80, $0x38;
	[tilespmem:$0x1F6F8] =	vst v63  }
0x13b: {  	s0 =	simm.s32 @!p0 $0x82  }
0x13c: {  	s28 =	simm.s32 $0x1;
	s0 =	simm.s32 @p0 $0x2  }
0x13d: {  	_ =	swait.ge [sflag:s28], s0  }
0x13e: {  	s0 =	ssub.s32 $0x0, s0;
	[sflag:s28] =	ssyncset.done $0x0  }
0x13f: {  	p0 =	sne.s32 s16, $0x0;
	[sflag:s28] =	ssyncadd.s32 s0  }
.Ltmp17:
0x140: {  	_ =	sfence.stream.spmem;
	(pc) =	sbr.rel @p0 .LBB2_39-.Ltmp17, $4  }
0x141: {  	s29 =	simm.s32 $0x3;
	[bflag:$0x0] =	sbarrier.arrive $0xFFFF  }
0x142: {  	s30 =	simm.s32 $0x4;
	[sflag:s29] =	ssyncpa.u1 $0x1  }
0x143: {  	s31 =	simm.s32 $0x3C;
	[sflag:s30] =	ssyncpa.u1 $0x1  }
0x144: {  	s15 =	rddreg [dreg:$0x4];
	[sflag:s31] =	ssyncpa.u1 $0x1  }
0x145: {  	_ =	sfence.stream.spmem;
	s0 =	simm.s32 $0x5  }
0x146: {  	s2 =	simm.s32 $0x1000;
	s3 =	simm.s32 $0xF218;
	[sflag:s0] =	ssyncpa.u1 $0x0  }
0x147: {  	[tilespmem:s3], [sflag:$0x5] =	stream.linear.gather [spmem:s2], $0x20, $0x38;
	[tilespmem:$0x1F6F8] =	vst v63  }
0x148: {  	s26 =	simm.s32 $0x0;
	s28 =	simm.s32 $0xF238  }
0x149: {  	[tilespmem:s28], [sflag:$0x5] =	stream.linear.gather [spmem:s26], $0x1000, $0x38;
	[tilespmem:$0x1F6F8] =	vst v63  }
0x14a: {  	_ =	swait.ge [sflag:s0], $0x1020  }
0x14b: {  	[sflag:s0] =	ssyncset.done $0x0  }
0x14c: {  	s29 =	simm.s32 $0x0;
	[sflag:s0] =	ssyncadd.s32 $0xFFFFEFE0  }
0x14d: {  	v0 =	vld.msk [tilespmem:s29+$0xF218], $0x1;
	_ =	sdelay $0x1  }
0x14e: {  	s30 =	simm.s32 $0x1  }
0x14f: {  	v1 =	vld.msk [tilespmem:s30+$0xF218], $0x1;
	_ =	sdelay $0x1  }
0x150: {  	(v2sf) =	vpush v0, $0x0;
	_ =	sdelay $0x2  }
0x151: {  	(v2sf) =	vpush v1, $0x0;
	_ =	sdelay $0x2  }
0x152: {  	s31 =	simm.s32 $0x2  }
0x153: {  	v0 =	vld.msk [tilespmem:s31+$0xF218], $0x1;
	_ =	sdelay $0x2  }
0x154: {  	s4 =	simm.s32 $0xFFFFFFFF;
	s5 =	simm.s32 $0xFFFFFFFF;
	s0 =	simm.s32 $0xC  }
.LBB2_24:
0x155: {  	s2 =	smov.u32 s5;
	s3 =	smov.u32 s4  }
0x156: {  	s4 =	sshra.s32 s0, $0x2;
	p1 =	sne.s32 s0, $0x7C;
	s0 =	sadd.s32 $0x4, s0;
	(v2sf) =	vpush v0, $0x0  }
0x157: {  	v0 =	vld.msk [tilespmem:s4+$0xF218], $0x1  }
.Ltmp18:
0x158: {  	(pc) =	sbr.rel @p1 .LBB2_24-.Ltmp18, $4  }
0x159: {  	s5 =	spop (v2sf)  }
0x15a: {  	p2 =	sne.s32 s3, $0xFFFFFFFF;
	s4 =	smov.u32 s5  }
0x15b: {  	p3 =	seq.s32 s5, $0xFFFFFFFF;
	s4 =	smov.u32 @p2 s3  }
0x15c: {  	s5 =	smov.u32 @p3 s2;
	s4 =	smov.u32 @p3 s3  }
0x15d: {  	(v2sf) =	vpush v0, $0x0;
	_ =	sdelay $0x8  }
0x15e: {  	s0 =	spop (v2sf)  }
0x15f: {  	p1 =	sne.s32 s4, $0xFFFFFFFF;
	s2 =	smov.u32 s0  }
0x160: {  	s9 =	simm.s32 $0x6;
	p2 =	seq.s32 s0, $0xFFFFFFFF;
	s2 =	smov.u32 @p1 s4  }
0x161: {  	s6 =	simm.s32 $0x0;
	s2 =	smov.u32 @p2 s4;
	s3 =	spop (v2sf)  }
0x162: {  	s0 =	smov.u32 @p2 s5;
	p1 =	sne.s32 s2, $0xFFFFFFFF;
	s4 =	smov.u32 s3  }
.Ltmp19:
0x163: {  	p2 =	seq.s32 s3, $0xFFFFFFFF;
	s4 =	smov.u32 @p1 s2;
	(pc) =	sbr.rel .LBB2_26-.Ltmp19, $4  }
0x164: {  	s10 =	simm.s32 $0xF188;
	s4 =	smov.u32 @p2 s2;
	s7 =	spop (v2sf)  }
0x165: {  	s11 =	simm.s32 $0x0;
	p1 =	sne.s32 s4, $0xFFFFFFFF;
	s8 =	smov.u32 s7  }
0x166: {  	s3 =	smov.u32 @p2 s0;
	p2 =	seq.s32 s7, $0xFFFFFFFF;
	s8 =	smov.u32 @p1 s4  }
0x167: {  	[sflag:s9] =	ssyncpa.u1 $0x0;
	s7 =	smov.u32 @p2 s3;
	s8 =	smov.u32 @p2 s4  }
.LBB2_32:
0x168: {  	p1 =	sgt.u32 s12, $0x270F0  }
0x169: {  	p2 =	seq.s32 @!p1 s12, s8  }
0x16a: {  	p1 =	por p1, p2  }
0x16b: {  	p2 =	sne.s32 @!p1 s12, s7  }
0x16c: {  	p1 =	por p1, !p2  }
0x16d: {  	s0 =	sshll.u32 @p1 s11, $0x9  }
0x16e: {  	s0 =	sand.u32 @!p1 $0x3FFF8, s12  }
0x16f: {  	s2 =	sand.u32 @!p1 $0x7, s12;
	s0 =	sadd.s32 @!p1 s1, s0  }
0x170: {  	[tilespmem:s10], [sflag:$0x6] =	stream.linear.gather @!p1 [hbm4b:s0+s2], $0x80, $0x38;
	[tilespmem:$0x1F6F8] =	vst v63  }
0x171: {  	_ =	swait.ge @!p1 [sflag:s9], $0x80  }
0x172: {  	[sflag:s9] =	ssyncset.done @!p1 $0x0  }
0x173: {  	s0 =	sshll.u32 @!p1 s11, $0x9;
	[sflag:s9] =	ssyncadd.s32 @!p1 $0xFFFFFF80  }
0x174: {  	s2 =	sshrl.u32 @!p1 s0, $0x2;
	v1 =	vld @!p1 [tilespmem:$0xF188]  }
0x175: {  	v2 =	vld @!p1 [tilespmem:s2+$0xF238];
	_ =	sdelay $0x4  }
0x176: {  	v1 =	vmax.f32 @!p1 v1, v2  }
0x177: {  	v2 =	vld @!p1 [tilespmem:s2+$0xF248];
	[tilespmem:s2+$0xF238] =	vst @!p1 v1  }
0x178: {  	v1 =	vld @!p1 [tilespmem:$0xF198];
	_ =	sdelay $0x4  }
0x179: {  	v1 =	vmax.f32 @!p1 v1, v2  }
0x17a: {  	v2 =	vld @!p1 [tilespmem:s2+$0xF258];
	[tilespmem:s2+$0xF248] =	vst @!p1 v1  }
0x17b: {  	v1 =	vld @!p1 [tilespmem:$0xF1A8];
	_ =	sdelay $0x4  }
0x17c: {  	v1 =	vmax.f32 @!p1 v1, v2  }
0x17d: {  	v2 =	vld @!p1 [tilespmem:s2+$0xF268];
	[tilespmem:s2+$0xF258] =	vst @!p1 v1  }
0x17e: {  	v1 =	vld @!p1 [tilespmem:$0xF1B8];
	_ =	sdelay $0x4  }
0x17f: {  	v1 =	vmax.f32 @!p1 v1, v2  }
0x180: {  	v2 =	vld @!p1 [tilespmem:s2+$0xF278];
	[tilespmem:s2+$0xF268] =	vst @!p1 v1  }
0x181: {  	v1 =	vld @!p1 [tilespmem:$0xF1C8];
	_ =	sdelay $0x4  }
0x182: {  	v1 =	vmax.f32 @!p1 v1, v2  }
0x183: {  	v2 =	vld @!p1 [tilespmem:s2+$0xF288];
	[tilespmem:s2+$0xF278] =	vst @!p1 v1  }
0x184: {  	v1 =	vld @!p1 [tilespmem:$0xF1D8];
	_ =	sdelay $0x4  }
0x185: {  	v1 =	vmax.f32 @!p1 v1, v2  }
0x186: {  	v2 =	vld @!p1 [tilespmem:s2+$0xF298];
	[tilespmem:s2+$0xF288] =	vst @!p1 v1  }
0x187: {  	v1 =	vld @!p1 [tilespmem:$0xF1E8];
	_ =	sdelay $0x4  }
0x188: {  	v1 =	vmax.f32 @!p1 v1, v2  }
0x189: {  	v2 =	vld @!p1 [tilespmem:s2+$0xF2A8];
	[tilespmem:s2+$0xF298] =	vst @!p1 v1  }
0x18a: {  	v1 =	vld @!p1 [tilespmem:$0xF1F8];
	_ =	sdelay $0x4  }
0x18b: {  	v1 =	vmax.f32 @!p1 v1, v2  }
0x18c: {  	[tilespmem:s2+$0xF2A8] =	vst @!p1 v1  }
0x18d: {  	s0 =	sshrl.u32 s0, $0x2;
	[tilespmem:s6+$0xF218] =	vst.msk $0x1, v0  }
0x18e: {  	v0 =	vld [tilespmem:s0+$0xF238];
	_ =	sdelay $0x2  }
0x18f: {  	s31 =	sshll.u32 s6, $0x9  }
0x190: {  	s2 =	sshra.s32 s31, $0x2  }
0x191: {  	[tilespmem:s2+$0xF238] =	vst v0  }
0x192: {  	v0 =	vld [tilespmem:s0+$0xF248];
	_ =	sdelay $0x4  }
0x193: {  	[tilespmem:s2+$0xF248] =	vst v0  }
0x194: {  	v0 =	vld [tilespmem:s0+$0xF258];
	_ =	sdelay $0x4  }
0x195: {  	[tilespmem:s2+$0xF258] =	vst v0  }
0x196: {  	v0 =	vld [tilespmem:s0+$0xF268];
	_ =	sdelay $0x4  }
0x197: {  	[tilespmem:s2+$0xF268] =	vst v0  }
0x198: {  	v0 =	vld [tilespmem:s0+$0xF278];
	_ =	sdelay $0x4  }
0x199: {  	[tilespmem:s2+$0xF278] =	vst v0  }
0x19a: {  	v0 =	vld [tilespmem:s0+$0xF288];
	_ =	sdelay $0x4  }
0x19b: {  	[tilespmem:s2+$0xF288] =	vst v0  }
0x19c: {  	v0 =	vld [tilespmem:s0+$0xF298];
	_ =	sdelay $0x4  }
0x19d: {  	[tilespmem:s2+$0xF298] =	vst v0  }
0x19e: {  	v0 =	vld [tilespmem:s0+$0xF2A8];
	_ =	sdelay $0x4  }
0x19f: {  	s6 =	sadd.s32 $0x1, s6;
	[tilespmem:s2+$0xF2A8] =	vst v0  }
.LBB2_33:
0x1a0: {  	s11 =	sadd.s32 $0x1, s11  }
0x1a1: {  	p1 =	sne.s32 s11, $0x20  }
.Ltmp20:
0x1a2: {  	_ = 	snop;
	(pc) =	sbr.rel @!p1 .LBB2_34-.Ltmp20, $1  }
0x1a3: {  	_ =	sdelay $0x3  }
.LBB2_26:
0x1a4: {  	v0 =	vld.msk [tilespmem:s11+$0xF218], $0x1;
	_ =	sdelay $0x4  }
0x1a5: {  	(v2sf) =	vpush v0, $0x0;
	_ =	sdelay $0xe  }
0x1a6: {  	s12 =	spop (v2sf)  }
0x1a7: {  	p1 =	seq.s32 s12, $0xFFFFFFFF  }
.Ltmp21:
0x1a8: {  	_ = 	snop;
	(pc) =	sbr.rel @p1 .LBB2_33-.Ltmp21, $1  }
0x1a9: {  	_ =	sdelay $0x3  }
0x1aa: {  	p1 =	slt.s32 s6, $0x1  }
.Ltmp22:
0x1ab: {  	_ = 	snop;
	(pc) =	sbr.rel @p1 .LBB2_32-.Ltmp22, $1  }
0x1ac: {  	_ =	sdelay $0x3  }
0x1ad: {  	s13 =	simm.s32 $0xF218;
	p1 =	por $0x0, $0x0  }
0x1ae: {  	v1 =	vld.msk @!p1 [tilespmem:s13+$0x0], $0x1;
	_ =	sdelay $0x4  }
0x1af: {  	(v2sf) =	vpush @!p1 v1, $0x0;
	_ =	sdelay $0xd  }
0x1b0: {  	p3 =	sne.s32 s6, $0x1  }
.Ltmp23:
0x1b1: {  	s0 =	spop @!p1 (v2sf);
	(pc) =	sbr.rel @!p3 .LBB2_30-.Ltmp23, $4  }
0x1b2: {  	p2 =	seq.s32 @!p1 s12, s0  }
0x1b3: {  	s14 =	simm.s32 $0x0;
	p2 =	por !p2, p1  }
0x1b4: {  	s2 =	simm.s32 $0xFFFFFFFF;
	s14 =	simm.s32 @p2 $0xFFFFFFFF  }
0x1b5: {  	s0 =	simm.s32 $0x1;
	s14 =	smov.u32 @p1 s2  }
.LBB2_29:
0x1b6: {  	s2 =	smov.u32 s14;
	p1 =	sne.s32 s14, $0xFFFFFFFF  }
0x1b7: {  	s13 =	sadd.s32 $0x1, s13;
	s14 =	smov.u32 s0;
	s0 =	sadd.s32 $0x1, s0  }
0x1b8: {  	p2 =	sne.s32 s6, s0;
	v1 =	vld.msk @!p1 [tilespmem:s13+$0x0], $0x1;
	_ =	sdelay $0x4  }
0x1b9: {  	(v2sf) =	vpush @!p1 v1, $0x0;
	_ =	sdelay $0xe  }
.Ltmp24:
0x1ba: {  	s3 =	spop @!p1 (v2sf);
	(pc) =	sbr.rel @p2 .LBB2_29-.Ltmp24, $4  }
0x1bb: {  	p3 =	seq.s32 @!p1 s12, s3  }
0x1bc: {  	p3 =	por !p3, p1  }
0x1bd: {  	s14 =	simm.s32 @p3 $0xFFFFFFFF  }
0x1be: {  	s14 =	smov.u32 @p1 s2  }
.LBB2_30:
0x1bf: {  	p1 =	seq.s32 s14, $0xFFFFFFFF  }
.Ltmp25:
0x1c0: {  	_ = 	snop;
	(pc) =	sbr.rel @p1 .LBB2_32-.Ltmp25, $1  }
0x1c1: {  	_ =	sdelay $0x3  }
0x1c2: {  	s0 =	sshll.u32 s11, $0x7  }
0x1c3: {  	s2 =	sshll.u32 s14, $0x9;
	s0 =	sand.u32 $0x3FFFFF80, s0  }
0x1c4: {  	s2 =	sshra.s32 s2, $0x2;
	v0 =	vld [tilespmem:s0+$0xF238]  }
0x1c5: {  	v1 =	vld [tilespmem:s2+$0xF238];
	_ =	sdelay $0x4  }
0x1c6: {  	v0 =	vmax.f32 v0, v1  }
0x1c7: {  	v57 =	vld [tilespmem:s2+$0xF248];
	[tilespmem:s2+$0xF238] =	vst v0  }
0x1c8: {  	v0 =	vld [tilespmem:s0+$0xF248];
	_ =	sdelay $0x4  }
0x1c9: {  	v0 =	vmax.f32 v0, v57  }
0x1ca: {  	v58 =	vld [tilespmem:s2+$0xF258];
	[tilespmem:s2+$0xF248] =	vst v0  }
0x1cb: {  	v0 =	vld [tilespmem:s0+$0xF258];
	_ =	sdelay $0x4  }
0x1cc: {  	v0 =	vmax.f32 v0, v58  }
0x1cd: {  	v59 =	vld [tilespmem:s2+$0xF268];
	[tilespmem:s2+$0xF258] =	vst v0  }
0x1ce: {  	v0 =	vld [tilespmem:s0+$0xF268];
	_ =	sdelay $0x4  }
0x1cf: {  	v0 =	vmax.f32 v0, v59  }
0x1d0: {  	v60 =	vld [tilespmem:s2+$0xF278];
	[tilespmem:s2+$0xF268] =	vst v0  }
0x1d1: {  	v0 =	vld [tilespmem:s0+$0xF278];
	_ =	sdelay $0x4  }
0x1d2: {  	v0 =	vmax.f32 v0, v60  }
0x1d3: {  	v61 =	vld [tilespmem:s2+$0xF288];
	[tilespmem:s2+$0xF278] =	vst v0  }
0x1d4: {  	v0 =	vld [tilespmem:s0+$0xF288];
	_ =	sdelay $0x4  }
0x1d5: {  	v0 =	vmax.f32 v0, v61  }
0x1d6: {  	v62 =	vld [tilespmem:s2+$0xF298];
	[tilespmem:s2+$0xF288] =	vst v0  }
0x1d7: {  	v0 =	vld [tilespmem:s0+$0xF298];
	_ =	sdelay $0x4  }
0x1d8: {  	v0 =	vmax.f32 v0, v62  }
0x1d9: {  	v63 =	vld [tilespmem:s2+$0xF2A8];
	[tilespmem:s2+$0xF298] =	vst v0  }
0x1da: {  	v0 =	vld [tilespmem:s0+$0xF2A8];
	_ =	sdelay $0x1  }
.Ltmp26:
0x1db: {  	_ = 	snop;
	(pc) =	sbr.rel .LBB2_33-.Ltmp26, $3  }
0x1dc: {  	_ =	sdelay $0x1  }
0x1dd: {  	v0 =	vmax.f32 v0, v63  }
0x1de: {  	[tilespmem:s2+$0xF2A8] =	vst v0  }
.LBB2_34:
0x1df: {  	s0 =	simm.s32 $0x6;
	p1 =	seq.s32 s6, $0x0  }
0x1e0: {  	[sflag:s0] =	ssyncpa.u1 $0x1;
	v0 =	vimm.s32 @p1 $0xFFFFFFFF  }
0x1e1: {  	s9 =	sadd.s32 $0xFFFFFFFF, s6;
	[tilespmem:$0x10238] =	vst @p1 v0  }
0x1e2: {  	v0 =	vld.msk @!p1 [tilespmem:s9+$0xF218], $0x1;
	_ =	sdelay $0x1  }
0x1e3: {  	v1 =	vld.msk @!p1 [tilespmem:$0xF218], $0x1;
	_ =	sdelay $0x2  }
0x1e4: {  	p2 =	seq.s32 @!p1 s9, $0x0;
	v0 =	vbroadcast @!p1 v0, $0x0  }
0x1e5: {  	vm0 =	vmmov @!p1 $0x1;
	p2 =	por !p2, p1  }
0x1e6: {  	v1 =	vnsel @!p1 vm0, $0xFFFFFFFF, v1;
	vm0 =	vcmask @!p1 $0x308;
	v0 =	vpsel !p2, $0xFFFFFFFF, v0  }
0x1e7: {  	p2 =	sne.s32 @!p1 s8, s7;
	v0 =	vsel @!p1 vm0, v1, v0  }
0x1e8: {  	s0 =	simm.s32 @!p1 $0xF238;
	s2 =	simm.s32 @!p1 $0x0;
	p3 =	por !p2, p1;
	[tilespmem:$0x10238] =	vst @!p1 v0  }
0x1e9: {  	[spmem:s2] =	stream.linear.scatter @!p1 [tilespmem:s0], [sflag:$0x1], $0x80, $0x38;
	[tilespmem:$0x1F6F8] =	vst v63  }
0x1ea: {  	s0 =	sshll.u32 @!p3 s9, $0x9  }
0x1eb: {  	s0 =	sshra.s32 @!p3 s0, $0x2  }
0x1ec: {  	s2 =	simm.s32 @!p3 $0x80;
	s0 =	sadd.s32 @!p3 $0xF238, s0  }
0x1ed: {  	[spmem:s2] =	stream.linear.scatter @!p3 [tilespmem:s0], [sflag:$0x1], $0x80, $0x38;
	[tilespmem:$0x1F6F8] =	vst v63  }
0x1ee: {  	s0 =	simm.s32 @!p3 $0x1  }
0x1ef: {  	_ =	swait.ge @!p3 [sflag:s0], $0x100  }
0x1f0: {  	p1 =	por p2, p1;
	[sflag:s0] =	ssyncset.done @!p3 $0x0  }
0x1f1: {  	[sflag:s0] =	ssyncadd.s32 @!p3 $0xFFFFFF00;
	s0 =	simm.s32 @!p1 $0x1  }
0x1f2: {  	_ =	swait.ge @!p1 [sflag:s0], $0x80  }
0x1f3: {  	s29 =	simm.s32 $0x10238;
	[sflag:s0] =	ssyncset.done @!p1 $0x0  }
0x1f4: {  	s30 =	simm.s32 $0x1000;
	s31 =	simm.s32 $0x1;
	[sflag:s0] =	ssyncadd.s32 @!p1 $0xFFFFFF80  }
0x1f5: {  	[spmem:s30] =	stream.linear.scatter [tilespmem:s29], [sflag:$0x1], $0x10, $0x38;
	[tilespmem:$0x1F6F8] =	vst v63  }
0x1f6: {  	_ =	swait.ge [sflag:s31], $0x10  }
0x1f7: {  	[sflag:s31] =	ssyncset.done $0x0  }
0x1f8: {  	p1 =	seq.s32 s15, $0x0;
	s8 =	rddreg [dreg:$0x1];
	[sflag:s31] =	ssyncadd.s32 $0xFFFFFFF0  }
0x1f9: {  	s2 =	sshll.u32 @p1 s8, $0xE;
	s7 =	rddreg [dreg:$0x2]  }
0x1fa: {  	s0 =	sadd.s32 @p1 $0x15C3C, s2;
	s2 =	sshll.u32 @p1 s7, $0x11  }
0x1fb: {  	_ =	sfence.stream.spmem;
	s0 =	sor.u32 @p1 s2, s0  }
0x1fc: {  	[sflag:s0] =	ssyncadd.remote.s32 @p1 $0x1;
	s0 =	simm.s32 @p1 $0x4  }
0x1fd: {  	s3 =	simm.s32 @!p1 $0x3C;
	s2 =	sand.u32 $0xFFFFFFFE, s8;
	_ =	swait.ge @p1 [sflag:s0], $0x22  }
0x1fe: {  	s4 =	simm.s32 @!p1 $0x0;
	s2 =	sadd.s32 @!p1 $0x4, s2;
	[sflag:s0] =	ssyncset.done @p1 $0x0  }
0x1ff: {  	s5 =	simm.s32 @!p1 $0x100;
	[sflag:s0] =	ssyncadd.s32 @p1 $0xFFFFFFDE;
	s0 =	sshll.u32 @!p1 s2, $0x1A  }
0x200: {  	s2 =	sshll.u32 @!p1 s2, $0xD;
	s0 =	sor.u32 @!p1 s0, s7;
	_ =	swait.eq @!p1 [sflag:s3], $0x1  }
0x201: {  	s2 =	sor.u32 @!p1 $0x1C04, s2;
	s3 =	simm.s32 @!p1 $0x1C03;
	s0 =	sor.u32 @!p1 $0x80004000, s0  }
0x202: {  	[spmem:s5], [sflag:s2] =	dma.general @!p1 [spmem:s4], [sflag:s3], length:$0x20, [dreg:$0x0], stride_count:$0x0, ici_dest:s0, dma_misc:DstOpCode:WRITE  }
0x203: {  	p2 =	slt.s32 s9, $0x2;
	s4 =	simm.s32 @!p1 $0x200;
	s5 =	simm.s32 @!p1 $0x202  }
0x204: {  	[spmem:s5], [sflag:s2] =	dma.general @!p1 [spmem:s4], [sflag:s3], length:$0x2, [dreg:$0x0], stride_count:$0x0, ici_dest:s0, dma_misc:DstOpCode:WRITE  }
.Ltmp27:
0x205: {  	s0 =	simm.s32 @!p1 $0x3;
	(pc) =	sbr.rel @p2 .LBB2_38-.Ltmp27, $4  }
0x206: {  	s2 =	sshll.u32 @!p1 s8, $0xE;
	_ =	swait.ge @!p1 [sflag:s0], $0x22  }
0x207: {  	s3 =	sshll.u32 @!p1 s7, $0x11;
	s2 =	sadd.s32 @!p1 $0x11C3C, s2;
	[sflag:s0] =	ssyncset.done @!p1 $0x0  }
0x208: {  	[sflag:s0] =	ssyncadd.s32 @!p1 $0xFFFFFFDE;
	s0 =	sor.u32 @!p1 s3, s2  }
0x209: {  	[sflag:s0] =	ssyncadd.remote.s32 @!p1 $0xFFFFFFFF;
	s0 =	simm.s32 $0x0  }
0x20a: {  	s0 =	simm.s32 $0xF219  }
0x20b: {  	v0 =	vld.msk [tilespmem:s0+$0x0], $0x1;
	_ =	sdelay $0x4  }
0x20c: {  	(v2sf) =	vpush v0, $0x0;
	_ =	sdelay $0xb  }
0x20d: {  	s31 =	sadd.s32 $0xFFFFFFFE, s6  }
0x20e: {  	s0 =	sadd.s32 $0xFFFFFFFF, s31  }
0x20f: {  	p2 =	sne.s32 s0, $0x0  }
.Ltmp28:
0x210: {  	s2 =	spop (v2sf);
	(pc) =	sbr.rel @!p2 .LBB2_37-.Ltmp28, $4  }
0x211: {  	s4 =	simm.s32 $0xF2B8;
	s7 =	simm.s32 $0x0;
	p1 =	sgt.u32 s2, $0x270F0  }
0x212: {  	s5 =	simm.s32 $0x0;
	s6 =	simm.s32 $0xF21A;
	s3 =	sand.u32 @!p1 $0x3FFF8, s2  }
0x213: {  	s2 =	sand.u32 @!p1 $0x7, s2;
	s7 =	simm.s32 @!p1 $0x200;
	s3 =	sadd.s32 @!p1 s1, s3  }
0x214: {  	[hbm4b:s3+s2] =	stream.linear.scatter @!p1 [tilespmem:s4], [sflag:$0x5], $0x80, $0x38;
	[tilespmem:$0x1F6F8] =	vst v63  }
.LBB2_36:
0x215: {  	v0 =	vld.msk [tilespmem:s6+$0x0], $0x1;
	s0 =	sadd.s32 $0xFFFFFFFF, s0;
	s5 =	sadd.s32 s5, s7  }
0x216: {  	p1 =	sne.s32 s0, $0x0;
	_ =	sdelay $0x3  }
0x217: {  	(v2sf) =	vpush v0, $0x0;
	_ =	sdelay $0xe  }
.Ltmp29:
0x218: {  	s2 =	spop (v2sf);
	(pc) =	sbr.rel @p1 .LBB2_36-.Ltmp29, $4  }
0x219: {  	s7 =	simm.s32 $0x0;
	p2 =	sgt.u32 s2, $0x270F0  }
0x21a: {  	s4 =	sadd.s32 $0x80, s4;
	s7 =	simm.s32 @!p2 $0x200;
	s3 =	sand.u32 @!p2 $0x3FFF8, s2  }
0x21b: {  	s6 =	sadd.s32 $0x1, s6;
	s2 =	sand.u32 @!p2 $0x7, s2;
	s3 =	sadd.s32 @!p2 s1, s3  }
0x21c: {  	[hbm4b:s3+s2] =	stream.linear.scatter @!p2 [tilespmem:s4], [sflag:$0x5], $0x80, $0x38;
	[tilespmem:$0x1F6F8] =	vst v63  }
.LBB2_37:
0x21d: {  	s0 =	sadd.s32 s5, s7  }
0x21e: {  	s0 =	sshrl.u32 s0, $0x2  }
.LBB2_38:
0x21f: {  	s2 =	simm.s32 $0x5  }
0x220: {  	_ =	swait.ge [sflag:s2], s0  }
0x221: {  	s31 =	ssub.s32 $0x0, s0;
	[sflag:s2] =	ssyncset.done $0x0  }
0x222: {  	[sflag:s2] =	ssyncadd.s32 s31  }
0x223: {  	[sflag:s2] =	ssyncpa.u1 $0x1  }
.LBB2_39:
0x224: {  	s0 =	sor.u32 s15, s16  }
0x225: {  	p1 =	sne.s32 s0, $0x0  }
.Ltmp30:
0x226: {  	_ = 	snop;
	(pc) =	sbr.rel @p1 .LBB2_54-.Ltmp30, $3  }
0x227: {  	_ =	sdelay $0x1  }
0x228: {  	[bflag:$0x0] =	sbarrier.arrive $0xFFFF  }
0x229: {  	_ =	sfence  }
0x22a: {  	s0 =	simm.s32 $0x7  }
0x22b: {  	s2 =	simm.s32 $0x1000;
	s3 =	simm.s32 $0xF218;
	[sflag:s0] =	ssyncpa.u1 $0x0  }
0x22c: {  	[tilespmem:s3], [sflag:$0x7] =	stream.linear.gather [spmem:s2], $0x20, $0x38;
	[tilespmem:$0x1F6F8] =	vst v63  }
0x22d: {  	s30 =	simm.s32 $0xF238;
	s2 =	simm.s32 $0x0  }
0x22e: {  	[tilespmem:s30], [sflag:$0x7] =	stream.linear.gather [spmem:s2], $0x1000, $0x38;
	[tilespmem:$0x1F6F8] =	vst v63  }
.Ltmp31:
0x22f: {  	_ = 	snop;
	(pc) =	sbr.rel .LBB2_41-.Ltmp31, $4  }
0x230: {  	_ =	swait.ge [sflag:s0], $0x1020  }
0x231: {  	[sflag:s0] =	ssyncset.done $0x0  }
0x232: {  	s31 =	simm.s32 $0x8;
	[sflag:s0] =	ssyncadd.s32 $0xFFFFEFE0  }
0x233: {  	s3 =	simm.s32 $0x0;
	[sflag:s31] =	ssyncpa.u1 $0x0  }
.LBB2_47:
0x234: {  	p1 =	slt.u32 s4, $0x270F1  }
0x235: {  	s0 =	sand.u32 @p1 $0x3FFF8, s4  }
0x236: {  	s4 =	sand.u32 @p1 $0x7, s4;
	s5 =	simm.s32 @p1 $0xF188;
	s0 =	sadd.s32 @p1 s1, s0  }
0x237: {  	[tilespmem:s5], [sflag:$0x8] =	stream.linear.gather @p1 [hbm4b:s0+s4], $0x80, $0x38;
	[tilespmem:$0x1F6F8] =	vst v63  }
0x238: {  	s0 =	simm.s32 @p1 $0x8  }
0x239: {  	_ =	swait.ge @p1 [sflag:s0], $0x80  }
0x23a: {  	[sflag:s0] =	ssyncset.done @p1 $0x0  }
0x23b: {  	[sflag:s0] =	ssyncadd.s32 @p1 $0xFFFFFF80;
	s0 =	sshll.u32 @p1 s3, $0x9  }
0x23c: {  	s4 =	sshrl.u32 @p1 s0, $0x2;
	v1 =	vld @p1 [tilespmem:$0xF188]  }
0x23d: {  	v2 =	vld @p1 [tilespmem:s4+$0xF238];
	_ =	sdelay $0x4  }
0x23e: {  	v1 =	vmax.f32 @p1 v1, v2  }
0x23f: {  	v2 =	vld @p1 [tilespmem:s4+$0xF248];
	[tilespmem:s4+$0xF238] =	vst @p1 v1  }
0x240: {  	v1 =	vld @p1 [tilespmem:$0xF198];
	_ =	sdelay $0x4  }
0x241: {  	v1 =	vmax.f32 @p1 v1, v2  }
0x242: {  	v2 =	vld @p1 [tilespmem:s4+$0xF258];
	[tilespmem:s4+$0xF248] =	vst @p1 v1  }
0x243: {  	v1 =	vld @p1 [tilespmem:$0xF1A8];
	_ =	sdelay $0x4  }
0x244: {  	v1 =	vmax.f32 @p1 v1, v2  }
0x245: {  	v2 =	vld @p1 [tilespmem:s4+$0xF268];
	[tilespmem:s4+$0xF258] =	vst @p1 v1  }
0x246: {  	v1 =	vld @p1 [tilespmem:$0xF1B8];
	_ =	sdelay $0x4  }
0x247: {  	v1 =	vmax.f32 @p1 v1, v2  }
0x248: {  	v2 =	vld @p1 [tilespmem:s4+$0xF278];
	[tilespmem:s4+$0xF268] =	vst @p1 v1  }
0x249: {  	v1 =	vld @p1 [tilespmem:$0xF1C8];
	_ =	sdelay $0x4  }
0x24a: {  	v1 =	vmax.f32 @p1 v1, v2  }
0x24b: {  	v2 =	vld @p1 [tilespmem:s4+$0xF288];
	[tilespmem:s4+$0xF278] =	vst @p1 v1  }
0x24c: {  	v1 =	vld @p1 [tilespmem:$0xF1D8];
	_ =	sdelay $0x4  }
0x24d: {  	v1 =	vmax.f32 @p1 v1, v2  }
0x24e: {  	v2 =	vld @p1 [tilespmem:s4+$0xF298];
	[tilespmem:s4+$0xF288] =	vst @p1 v1  }
0x24f: {  	v1 =	vld @p1 [tilespmem:$0xF1E8];
	_ =	sdelay $0x4  }
0x250: {  	v1 =	vmax.f32 @p1 v1, v2  }
0x251: {  	v2 =	vld @p1 [tilespmem:s4+$0xF2A8];
	[tilespmem:s4+$0xF298] =	vst @p1 v1  }
0x252: {  	v1 =	vld @p1 [tilespmem:$0xF1F8];
	_ =	sdelay $0x4  }
0x253: {  	s5 =	sshll.u32 @!p1 s3, $0x9;
	v1 =	vmax.f32 @p1 v1, v2  }
0x254: {  	s5 =	smov.u32 @p1 s0;
	[tilespmem:s4+$0xF2A8] =	vst @p1 v1  }
0x255: {  	s0 =	sshrl.u32 s5, $0x2;
	[tilespmem:s2+$0xF218] =	vst.msk $0x1, v0  }
0x256: {  	v0 =	vld [tilespmem:s0+$0xF238];
	_ =	sdelay $0x2  }
0x257: {  	s31 =	sshll.u32 s2, $0x9  }
0x258: {  	s4 =	sshra.s32 s31, $0x2  }
0x259: {  	[tilespmem:s4+$0xF238] =	vst v0  }
0x25a: {  	v0 =	vld [tilespmem:s0+$0xF248];
	_ =	sdelay $0x4  }
0x25b: {  	[tilespmem:s4+$0xF248] =	vst v0  }
0x25c: {  	v0 =	vld [tilespmem:s0+$0xF258];
	_ =	sdelay $0x4  }
0x25d: {  	[tilespmem:s4+$0xF258] =	vst v0  }
0x25e: {  	v0 =	vld [tilespmem:s0+$0xF268];
	_ =	sdelay $0x4  }
0x25f: {  	[tilespmem:s4+$0xF268] =	vst v0  }
0x260: {  	v0 =	vld [tilespmem:s0+$0xF278];
	_ =	sdelay $0x4  }
0x261: {  	[tilespmem:s4+$0xF278] =	vst v0  }
0x262: {  	v0 =	vld [tilespmem:s0+$0xF288];
	_ =	sdelay $0x4  }
0x263: {  	[tilespmem:s4+$0xF288] =	vst v0  }
0x264: {  	v0 =	vld [tilespmem:s0+$0xF298];
	_ =	sdelay $0x4  }
0x265: {  	[tilespmem:s4+$0xF298] =	vst v0  }
0x266: {  	v0 =	vld [tilespmem:s0+$0xF2A8];
	_ =	sdelay $0x4  }
0x267: {  	s2 =	sadd.s32 $0x1, s2;
	[tilespmem:s4+$0xF2A8] =	vst v0  }
.LBB2_48:
0x268: {  	s3 =	sadd.s32 $0x1, s3  }
0x269: {  	p1 =	sne.s32 s3, $0x20  }
.Ltmp32:
0x26a: {  	_ = 	snop;
	(pc) =	sbr.rel @!p1 .LBB2_49-.Ltmp32, $1  }
0x26b: {  	_ =	sdelay $0x3  }
.LBB2_41:
0x26c: {  	v0 =	vld.msk [tilespmem:s3+$0xF218], $0x1;
	_ =	sdelay $0x4  }
0x26d: {  	(v2sf) =	vpush v0, $0x0;
	_ =	sdelay $0xe  }
0x26e: {  	s4 =	spop (v2sf)  }
0x26f: {  	p1 =	seq.s32 s4, $0xFFFFFFFF  }
.Ltmp33:
0x270: {  	_ = 	snop;
	(pc) =	sbr.rel @p1 .LBB2_48-.Ltmp33, $1  }
0x271: {  	_ =	sdelay $0x3  }
0x272: {  	p1 =	slt.s32 s2, $0x1  }
.Ltmp34:
0x273: {  	_ = 	snop;
	(pc) =	sbr.rel @p1 .LBB2_47-.Ltmp34, $1  }
0x274: {  	_ =	sdelay $0x3  }
0x275: {  	s5 =	simm.s32 $0xF218;
	p1 =	por $0x0, $0x0  }
0x276: {  	v1 =	vld.msk @!p1 [tilespmem:s5+$0x0], $0x1;
	_ =	sdelay $0x4  }
0x277: {  	(v2sf) =	vpush @!p1 v1, $0x0;
	_ =	sdelay $0xd  }
0x278: {  	p3 =	sne.s32 s2, $0x1  }
.Ltmp35:
0x279: {  	s0 =	spop @!p1 (v2sf);
	(pc) =	sbr.rel @!p3 .LBB2_45-.Ltmp35, $4  }
0x27a: {  	p2 =	seq.s32 @!p1 s4, s0  }
0x27b: {  	s6 =	simm.s32 $0x0;
	p2 =	por !p2, p1  }
0x27c: {  	s7 =	simm.s32 $0xFFFFFFFF;
	s6 =	simm.s32 @p2 $0xFFFFFFFF  }
0x27d: {  	s0 =	simm.s32 $0x1;
	s6 =	smov.u32 @p1 s7  }
.LBB2_44:
0x27e: {  	s7 =	smov.u32 s6;
	p1 =	sne.s32 s6, $0xFFFFFFFF  }
0x27f: {  	s5 =	sadd.s32 $0x1, s5;
	s6 =	smov.u32 s0;
	s0 =	sadd.s32 $0x1, s0  }
0x280: {  	p2 =	sne.s32 s2, s0;
	v1 =	vld.msk @!p1 [tilespmem:s5+$0x0], $0x1;
	_ =	sdelay $0x4  }
0x281: {  	(v2sf) =	vpush @!p1 v1, $0x0;
	_ =	sdelay $0xe  }
.Ltmp36:
0x282: {  	s8 =	spop @!p1 (v2sf);
	(pc) =	sbr.rel @p2 .LBB2_44-.Ltmp36, $4  }
0x283: {  	p3 =	seq.s32 @!p1 s4, s8  }
0x284: {  	p3 =	por !p3, p1  }
0x285: {  	s6 =	simm.s32 @p3 $0xFFFFFFFF  }
0x286: {  	s6 =	smov.u32 @p1 s7  }
.LBB2_45:
0x287: {  	p1 =	seq.s32 s6, $0xFFFFFFFF  }
.Ltmp37:
0x288: {  	_ = 	snop;
	(pc) =	sbr.rel @p1 .LBB2_47-.Ltmp37, $1  }
0x289: {  	_ =	sdelay $0x3  }
0x28a: {  	s0 =	sshll.u32 s3, $0x7  }
0x28b: {  	s4 =	sshll.u32 s6, $0x9;
	s0 =	sand.u32 $0x3FFFFF80, s0  }
0x28c: {  	s4 =	sshra.s32 s4, $0x2;
	v0 =	vld [tilespmem:s0+$0xF238]  }
0x28d: {  	v1 =	vld [tilespmem:s4+$0xF238];
	_ =	sdelay $0x4  }
0x28e: {  	v0 =	vmax.f32 v0, v1  }
0x28f: {  	v57 =	vld [tilespmem:s4+$0xF248];
	[tilespmem:s4+$0xF238] =	vst v0  }
0x290: {  	v0 =	vld [tilespmem:s0+$0xF248];
	_ =	sdelay $0x4  }
0x291: {  	v0 =	vmax.f32 v0, v57  }
0x292: {  	v58 =	vld [tilespmem:s4+$0xF258];
	[tilespmem:s4+$0xF248] =	vst v0  }
0x293: {  	v0 =	vld [tilespmem:s0+$0xF258];
	_ =	sdelay $0x4  }
0x294: {  	v0 =	vmax.f32 v0, v58  }
0x295: {  	v59 =	vld [tilespmem:s4+$0xF268];
	[tilespmem:s4+$0xF258] =	vst v0  }
0x296: {  	v0 =	vld [tilespmem:s0+$0xF268];
	_ =	sdelay $0x4  }
0x297: {  	v0 =	vmax.f32 v0, v59  }
0x298: {  	v60 =	vld [tilespmem:s4+$0xF278];
	[tilespmem:s4+$0xF268] =	vst v0  }
0x299: {  	v0 =	vld [tilespmem:s0+$0xF278];
	_ =	sdelay $0x4  }
0x29a: {  	v0 =	vmax.f32 v0, v60  }
0x29b: {  	v61 =	vld [tilespmem:s4+$0xF288];
	[tilespmem:s4+$0xF278] =	vst v0  }
0x29c: {  	v0 =	vld [tilespmem:s0+$0xF288];
	_ =	sdelay $0x4  }
0x29d: {  	v0 =	vmax.f32 v0, v61  }
0x29e: {  	v62 =	vld [tilespmem:s4+$0xF298];
	[tilespmem:s4+$0xF288] =	vst v0  }
0x29f: {  	v0 =	vld [tilespmem:s0+$0xF298];
	_ =	sdelay $0x4  }
0x2a0: {  	v0 =	vmax.f32 v0, v62  }
0x2a1: {  	v63 =	vld [tilespmem:s4+$0xF2A8];
	[tilespmem:s4+$0xF298] =	vst v0  }
0x2a2: {  	v0 =	vld [tilespmem:s0+$0xF2A8];
	_ =	sdelay $0x1  }
.Ltmp38:
0x2a3: {  	_ = 	snop;
	(pc) =	sbr.rel .LBB2_48-.Ltmp38, $3  }
0x2a4: {  	_ =	sdelay $0x1  }
0x2a5: {  	v0 =	vmax.f32 v0, v63  }
0x2a6: {  	[tilespmem:s4+$0xF2A8] =	vst v0  }
.LBB2_49:
0x2a7: {  	p1 =	slt.s32 s2, $0x1  }
.Ltmp39:
0x2a8: {  	_ = 	snop;
	(pc) =	sbr.rel @p1 .LBB2_53-.Ltmp39, $3  }
0x2a9: {  	_ =	sdelay $0x1  }
0x2aa: {  	s0 =	simm.s32 $0x8  }
0x2ab: {  	s3 =	simm.s32 $0x0;
	[sflag:s0] =	ssyncpa.u1 $0x1  }
0x2ac: {  	s0 =	simm.s32 $0xF218  }
0x2ad: {  	v0 =	vld.msk [tilespmem:s0+$0x0], $0x1;
	_ =	sdelay $0x4  }
0x2ae: {  	(v2sf) =	vpush v0, $0x0;
	_ =	sdelay $0xe  }
0x2af: {  	s0 =	sadd.s32 $0xFFFFFFFF, s2;
	s5 =	spop (v2sf)  }
0x2b0: {  	p2 =	sne.s32 s0, $0x0;
	p1 =	sgt.u32 s5, $0x270F0  }
.Ltmp40:
0x2b1: {  	s6 =	sand.u32 @!p1 $0x3FFF8, s5;
	(pc) =	sbr.rel @!p2 .LBB2_52-.Ltmp40, $4  }
0x2b2: {  	s4 =	simm.s32 $0xF238;
	s5 =	sand.u32 @!p1 $0x7, s5;
	s2 =	sadd.s32 @!p1 s1, s6  }
0x2b3: {  	[hbm4b:s2+s5] =	stream.linear.scatter @!p1 [tilespmem:s4], [sflag:$0x7], $0x80, $0x38;
	[tilespmem:$0x1F6F8] =	vst v63  }
0x2b4: {  	s5 =	simm.s32 $0x0  }
0x2b5: {  	s2 =	simm.s32 $0xF219;
	s5 =	simm.s32 @!p1 $0x200  }
.LBB2_51:
0x2b6: {  	v0 =	vld.msk [tilespmem:s2+$0x0], $0x1;
	s0 =	sadd.s32 $0xFFFFFFFF, s0;
	s3 =	sadd.s32 s3, s5  }
0x2b7: {  	p1 =	sne.s32 s0, $0x0;
	_ =	sdelay $0x3  }
0x2b8: {  	(v2sf) =	vpush v0, $0x0;
	_ =	sdelay $0xe  }
.Ltmp41:
0x2b9: {  	s6 =	spop (v2sf);
	(pc) =	sbr.rel @p1 .LBB2_51-.Ltmp41, $4  }
0x2ba: {  	s5 =	simm.s32 $0x0;
	p2 =	sgt.u32 s6, $0x270F0  }
0x2bb: {  	s4 =	sadd.s32 $0x80, s4;
	s5 =	simm.s32 @!p2 $0x200;
	s7 =	sand.u32 @!p2 $0x3FFF8, s6  }
0x2bc: {  	s2 =	sadd.s32 $0x1, s2;
	s6 =	sand.u32 @!p2 $0x7, s6;
	s7 =	sadd.s32 @!p2 s1, s7  }
0x2bd: {  	[hbm4b:s7+s6] =	stream.linear.scatter @!p2 [tilespmem:s4], [sflag:$0x7], $0x80, $0x38;
	[tilespmem:$0x1F6F8] =	vst v63  }
.LBB2_52:
0x2be: {  	s0 =	sadd.s32 s3, s5  }
0x2bf: {  	s3 =	sshrl.u32 s0, $0x2  }
.LBB2_53:
0x2c0: {  	s0 =	simm.s32 $0x7  }
0x2c1: {  	_ =	swait.ge [sflag:s0], s3  }
0x2c2: {  	s1 =	ssub.s32 $0x0, s3;
	[sflag:s0] =	ssyncset.done $0x0  }
0x2c3: {  	[sflag:s0] =	ssyncadd.s32 s1  }
0x2c4: {  	[sflag:s0] =	ssyncpa.u1 $0x1  }
.LBB2_54:
0x2c5: {  	_ =	sfence;
	s0 =	simm.s32 $0x1  }
0x2c6: {  	[sflag:s0] =	ssyncpa.u1 $0x1  }
0x2c7: {  	_ =	strace $0x9000005C  }
0x2c8: {  	[bflag:$0x2] =	sbarrier.arrive $0xFFFF  }
0x2c9: {  	s0 =	rddreg [dreg:$0x3]  }
0x2ca: {  	s0 =	sadd.s32 @!p0 $0x100000, s0  }
0x2cb: {  	[sflag:s0] =	ssyncadd.tile.s32 @!p0 $0x1;
	_ =	shalt  }
.Lfunc_end2:
_tile_overlayer_lowered:
.L_overlay_start_2:
0x2cc: {  	(tag) =	ssettag $0x2  }
0x2cd: {  	s0 =	rddreg [dreg:$0x0];
	s2 =	stileid.u32  }
0x2ce: {  	s1 =	rddreg [dreg:$0x1];
	p0 =	sne.s32 s2, $0x0  }
0x2cf: {  	s3 =	rddreg [dreg:$0x2];
	[bflag:$0x3] =	sbarrier.arrive $0xFFFF;
	s2 =	simm.s32 @!p0 $0x1C01  }
0x2d0: {  	[timem:s3], [sflag:s2] =	dma.local @!p0 [hbm:s0], s1  }
0x2d1: {  	s0 =	simm.s32 @!p0 $0x1  }
0x2d2: {  	_ =	swait.ge @!p0 [sflag:s0], s1  }
0x2d3: {  	s1 =	ssub.s32 @!p0 $0x0, s1;
	[sflag:s0] =	ssyncset.done @!p0 $0x0  }
0x2d4: {  	[sflag:s0] =	ssyncadd.s32 @!p0 s1  }
0x2d5: {  	[bflag:$0x3] =	sbarrier.arrive $0xFFFF  }
0x2d6: {  	_ =	shalt  }

</sc_bundles>
